<compile_context>
chip_gen: v7x
topology: tpu7x:2x2x1
jax: 0.10.2.dev20260603
libtpu: 0.0.44.dev20260713+nightly
codegen_flags: <defaults>
</compile_context>

<pallas_src>
import functools

import jax
import jax.numpy as jnp
from jax import lax
from jax.experimental import pallas as pl
from jax.experimental.pallas import tpu as pltpu
from jax.experimental.pallas import tpu_sc as plsc

N = 10000
NP = 10240
E = 320000
D_IN = 128
H = 256
HD = 128
NC = 2
NS = 16
CH = 128
RPS = NP // NS
DW = 128

_mesh = plsc.VectorSubcoreMesh(
    core_axis_name="c", subcore_axis_name="s", num_cores=NC, num_subcores=NS
)

_NF_D = 80


@functools.partial(
    pl.kernel,
    out_type=jax.ShapeDtypeStruct((NC, NP, DW), jnp.float32),
    mesh=_mesh,
    scratch_types=[
        pltpu.VMEM((_NF_D, CH), jnp.int32),
        pltpu.VMEM((CH, DW), jnp.float32),
        pltpu.VMEM_SHARED((NP, DW), jnp.float32),
        pltpu.SemaphoreType.DMA,
    ],
)
def _deg_call(dst2, ones_h, zrows, out, db, ones_v, acc, sem):
    c = lax.axis_index("c")
    s = lax.axis_index("s")
    r0 = s * RPS
    pltpu.sync_copy(zrows, acc.at[pl.ds(r0, RPS)])
    pltpu.sync_copy(ones_h, ones_v)
    w = s * NC + c
    pltpu.sync_copy(dst2.at[pl.ds(w * _NF_D, _NF_D)], db)
    plsc.subcore_barrier()

    @pl.loop(0, _NF_D // 8)
    def _(j8):
        for b in range(8):
            pltpu.async_copy(ones_v, acc.at[db.at[8 * j8 + b]], sem, add=True)
        for b in range(8):
            pltpu.make_async_copy(ones_v, acc.at[db.at[8 * j8 + b]], sem).wait()

    plsc.subcore_barrier()
    pltpu.sync_copy(acc.at[pl.ds(r0, RPS)], out.at[c, pl.ds(r0, RPS)])


KPS = 160
EP = NS * KPS * CH
SG = 32
NST = KPS // SG


@functools.partial(
    pl.kernel,
    out_type=jax.ShapeDtypeStruct((NC, NP, HD), jnp.float32),
    mesh=_mesh,
    scratch_types=[
        pltpu.VMEM((SG, CH), jnp.int32),
        pltpu.VMEM((SG, CH), jnp.int32),
        pltpu.VMEM((CH, HD), jnp.float32),
        pltpu.VMEM((CH, HD), jnp.float32),
        pltpu.VMEM_SHARED((NP, HD), jnp.float32),
        pltpu.SemaphoreType.DMA,
        pltpu.SemaphoreType.DMA,
        pltpu.SemaphoreType.DMA,
        pltpu.SemaphoreType.DMA,
    ],
)
def _edge_call(gl, gr, src2, dst2, zrows, out, sb, db, rows0, rows1, acc,
               gsemA, gsemB, ssemA, ssemB):
    c = lax.axis_index("c")
    s = lax.axis_index("s")
    r0 = s * RPS
    pltpu.sync_copy(zrows, acc.at[pl.ds(r0, RPS)])
    plsc.subcore_barrier()

    def run(table):
        def gath(j, buf, sem):
            return pltpu.async_copy(table.at[sb.at[j]], buf, sem)

        def scat(j, buf, sem):
            return pltpu.async_copy(buf, acc.at[db.at[j]], sem, add=True)

        def wait_g(j, buf, sem):
            pltpu.make_async_copy(table.at[sb.at[j]], buf, sem).wait()

        def wait_s(j, buf, sem):
            pltpu.make_async_copy(buf, acc.at[db.at[j]], sem).wait()

        @pl.loop(0, NST)
        def _(t):
            base = s * KPS + t * SG
            pltpu.sync_copy(src2.at[pl.ds(base, SG)], sb)
            pltpu.sync_copy(dst2.at[pl.ds(base, SG)], db)
            gath(0, rows0, gsemA)
            gath(1, rows1, gsemB)
            wait_g(0, rows0, gsemA)
            scat(0, rows0, ssemA)
            wait_g(1, rows1, gsemB)
            scat(1, rows1, ssemB)

            @pl.loop(0, SG // 2 - 1)
            def _(j2):
                j = 2 * j2 + 2
                wait_s(j - 2, rows0, ssemA)
                gath(j, rows0, gsemA)
                wait_g(j, rows0, gsemA)
                scat(j, rows0, ssemA)
                wait_s(j - 1, rows1, ssemB)
                gath(j + 1, rows1, gsemB)
                wait_g(j + 1, rows1, gsemB)
                scat(j + 1, rows1, ssemB)

            wait_s(SG - 2, rows0, ssemA)
            wait_s(SG - 1, rows1, ssemB)

    @pl.when(c == 0)
    def _():
        run(gl)

    @pl.when(c == 1)
    def _():
        run(gr)

    plsc.subcore_barrier()
    pltpu.sync_copy(acc.at[pl.ds(r0, RPS)], out.at[c, pl.ds(r0, RPS)])


BR = 1000


def _mlp_body(x_ref, w0, b0, w1, b1, w2, b2, w3, b3, w4, b4, out_ref):
    h = x_ref[...]
    for w, b in ((w0, b0), (w1, b1), (w2, b2), (w3, b3), (w4, b4)):
        h = jnp.maximum(
            jnp.dot(h, w[...], preferred_element_type=jnp.float32) + b[...], 0.0
        )
    out_ref[...] = h


def _full(shape):
    return pl.BlockSpec(shape, lambda i: (0,) * len(shape))


def _mlp_call(x, ws_bs):
    in_specs = [pl.BlockSpec((BR, D_IN), lambda i: (i, 0))]
    for w, b in ws_bs:
        in_specs += [_full(w.shape), _full(b.shape)]
    flat = [a for wb in ws_bs for a in wb]
    return pl.pallas_call(
        _mlp_body,
        grid=(N // BR,),
        in_specs=in_specs,
        out_specs=pl.BlockSpec((BR, H), lambda i: (i, 0)),
        out_shape=jax.ShapeDtypeStruct((N, H), jnp.float32),
    )(x, *flat)


def _dinv_of(deg_ref):
    d = deg_ref[...]
    return lax.rsqrt(d[0, :, 0:1] + d[1, :, 0:1] + 1.0)


def _pre_body(h_ref, w_ref, deg_ref, gl_ref, gr_ref):
    g = _dinv_of(deg_ref) * jnp.dot(
        h_ref[...], w_ref[...], preferred_element_type=jnp.float32
    )
    gl_ref[...] = g[:, :HD]
    gr_ref[...] = g[:, HD:]


def _pre_call(h, w, deg):
    return pl.pallas_call(
        _pre_body,
        grid=(N // BR,),
        in_specs=[
            pl.BlockSpec((BR, H), lambda i: (i, 0)),
            _full((H, H)),
            pl.BlockSpec((NC, BR, 1), lambda i: (0, i, 0)),
        ],
        out_specs=[
            pl.BlockSpec((BR, HD), lambda i: (i, 0)),
            pl.BlockSpec((BR, HD), lambda i: (i, 0)),
        ],
        out_shape=[
            jax.ShapeDtypeStruct((N, HD), jnp.float32),
            jax.ShapeDtypeStruct((N, HD), jnp.float32),
        ],
    )(h, w, deg)


def _post_body(s2_ref, gl_ref, gr_ref, deg_ref, b_ref, h_ref, out_ref):
    dinv = _dinv_of(deg_ref)
    s2 = s2_ref[...]
    sg = jnp.concatenate([s2[0] + gl_ref[...], s2[1] + gr_ref[...]], axis=-1)
    out_ref[...] = (
        jnp.maximum(dinv * sg + b_ref[...], 0.0) + h_ref[...]
    )


def _post_call(s2, gl, gr, deg, b, h):
    return pl.pallas_call(
        _post_body,
        grid=(N // BR,),
        in_specs=[
            pl.BlockSpec((NC, BR, HD), lambda i: (0, i, 0)),
            pl.BlockSpec((BR, HD), lambda i: (i, 0)),
            pl.BlockSpec((BR, HD), lambda i: (i, 0)),
            pl.BlockSpec((NC, BR, 1), lambda i: (0, i, 0)),
            _full((1, H)),
            pl.BlockSpec((BR, H), lambda i: (i, 0)),
        ],
        out_specs=pl.BlockSpec((BR, H), lambda i: (i, 0)),
        out_shape=jax.ShapeDtypeStruct((N, H), jnp.float32),
    )(s2, gl, gr, deg, b, h)


def _fin_body(h_ref, w_ref, b_ref, out_ref):
    out_ref[...] = (
        jnp.dot(h_ref[...], w_ref[...], preferred_element_type=jnp.float32)
        + b_ref[...]
    )


def _fin_call(h, w, b):
    return pl.pallas_call(
        _fin_body,
        grid=(N // BR,),
        in_specs=[
            pl.BlockSpec((BR, H), lambda i: (i, 0)),
            _full((H, 1)),
            _full((1, 1)),
        ],
        out_specs=pl.BlockSpec((BR, 1), lambda i: (i, 0)),
        out_shape=jax.ShapeDtypeStruct((N, 1), jnp.float32),
    )(h, w, b)


def kernel(x, edge_index,
           mlp_W0, mlp_b0, mlp_W1, mlp_b1, mlp_W2, mlp_b2, mlp_W3, mlp_b3,
           mlp_W4, mlp_b4,
           gcn_W0, gcn_b0, gcn_W1, gcn_b1, gcn_W2, gcn_b2, gcn_W3, gcn_b3,
           gcn_W4, gcn_b4, out_W, out_b):
    src = edge_index[0]
    dst = edge_index[1]

    npad = EP - E
    pad_ar = jnp.arange(npad, dtype=jnp.int32)
    src2 = jnp.concatenate([src, pad_ar % N]).reshape(EP // CH, CH)
    dst2 = jnp.concatenate([dst, N + pad_ar % (NP - N)]).reshape(EP // CH, CH)

    ones_h = jnp.ones((CH, DW), jnp.float32)
    zrows_d = jnp.zeros((RPS, DW), jnp.float32)
    zrows_e = jnp.zeros((RPS, HD), jnp.float32)

    deg = _deg_call(dst2, ones_h, zrows_d)[:, :, :1]

    ws_bs = [
        (mlp_W0, mlp_b0.reshape(1, -1)),
        (mlp_W1, mlp_b1.reshape(1, -1)),
        (mlp_W2, mlp_b2.reshape(1, -1)),
        (mlp_W3, mlp_b3.reshape(1, -1)),
        (mlp_W4, mlp_b4.reshape(1, -1)),
    ]
    h = _mlp_call(x, ws_bs)

    gcn = [
        (gcn_W0, gcn_b0), (gcn_W1, gcn_b1), (gcn_W2, gcn_b2),
        (gcn_W3, gcn_b3), (gcn_W4, gcn_b4),
    ]
    for w, b in gcn:
        gl, gr = _pre_call(h, w, deg)
        s2 = _edge_call(gl, gr, src2, dst2, zrows_e)
        h = _post_call(s2, gl, gr, deg, b.reshape(1, -1), h)

    preds = _fin_call(h, out_W, out_b.reshape(1, 1))
    return preds[:, 0]

# --- scband reference (transcript-rebuilt; emitter-appended) ---
"""Pipeline reference for scband-node-mlp-gcn-83966610637036 (READ-ONLY COPY).

The authoritative reference and input builder live on the scoring server;
editing this copy changes nothing except your own understanding.
"""

import jax, jax.numpy as jnp
import numpy as np

N = 10000
E = 320000
D_IN = 128
H = 256

_MLP_DIMS = [(128, 64), (64, 128), (128, 128), (128, 256), (256, 256)]


def setup_inputs(seed: int = 0):
    key = jax.random.key(seed)
    ks = jax.random.split(key, 40)
    inp = {}
    inp["x"] = jax.random.normal(ks[0], (N, D_IN), dtype=jnp.float32)
    inp["edge_index"] = jax.random.randint(ks[1], (2, E), 0, N, dtype=jnp.int32)
    for i, (din, dout) in enumerate(_MLP_DIMS):
        inp[f"mlp_W{i}"] = jax.random.normal(ks[2 + 2 * i], (din, dout), dtype=jnp.float32) * (1.0 / np.sqrt(din))
        inp[f"mlp_b{i}"] = jnp.zeros((dout,), dtype=jnp.float32)
    for i in range(5):
        inp[f"gcn_W{i}"] = jax.random.normal(ks[20 + 2 * i], (H, H), dtype=jnp.float32) * (1.0 / np.sqrt(H))
        inp[f"gcn_b{i}"] = jnp.zeros((H,), dtype=jnp.float32)
    inp["out_W"] = jax.random.normal(ks[38], (H, 1), dtype=jnp.float32) * (1.0 / np.sqrt(H))
    inp["out_b"] = jnp.zeros((1,), dtype=jnp.float32)
    return inp


def _forward(x, edge_index, mlp_params, gcn_params, out_W, out_b):
    # node MLP (dropout is identity in eval)
    h = x
    for W, b in mlp_params:
        h = jnp.maximum(h @ W + b, 0.0)
    n = h.shape[0]
    # GCNConv: add self-loops, symmetric normalization D^-1/2 (A+I) D^-1/2
    loop = jnp.arange(n, dtype=edge_index.dtype)
    src = jnp.concatenate([edge_index[0], loop])
    dst = jnp.concatenate([edge_index[1], loop])
    deg = jax.ops.segment_sum(jnp.ones_like(src, dtype=h.dtype), dst, num_segments=n)
    dinv = jnp.where(deg > 0, 1.0 / jnp.sqrt(deg), 0.0)
    norm = dinv[src] * dinv[dst]
    for W, b in gcn_params:
        x_res = h
        hw = h @ W
        msg = jnp.take(hw, src, axis=0) * norm[:, None]
        h = jax.ops.segment_sum(msg, dst, num_segments=n) + b
        h = jnp.maximum(h, 0.0)  # ReLU
        h = h + x_res  # residual
    preds = (h @ out_W + out_b)[:, 0]
    return preds


def reference(x, edge_index, mlp_W0, mlp_b0, mlp_W1, mlp_b1, mlp_W2, mlp_b2, mlp_W3, mlp_b3, mlp_W4, mlp_b4, gcn_W0, gcn_b0, gcn_W1, gcn_b1, gcn_W2, gcn_b2, gcn_W3, gcn_b3, gcn_W4, gcn_b4, out_W, out_b):
    mlp_params = [(mlp_W0, mlp_b0), (mlp_W1, mlp_b1), (mlp_W2, mlp_b2), (mlp_W3, mlp_b3), (mlp_W4, mlp_b4)]
    gcn_params = [(gcn_W0, gcn_b0), (gcn_W1, gcn_b1), (gcn_W2, gcn_b2), (gcn_W3, gcn_b3), (gcn_W4, gcn_b4)]
    return _forward(x, edge_index, mlp_params, gcn_params, out_W, out_b)

if __name__ == "__main__":
    import jax
    _d = setup_inputs()
    print(jax.jit(kernel)(*tuple(_d.values())))

</pallas_src>

<mosaic_0001>
#map = affine_map<(d0, d1) -> (0, 0)>
#map1 = affine_map<(d0, d1) -> (0, 0, 0)>
module attributes {stable_mosaic.version = 14 : i64} {
  func.func @_deg_call(%arg0: i32, %arg1: i32, %arg2: memref<2560x128xi32, #tpu.memory_space<hbm>>, %arg3: memref<128x128xf32, #tpu.memory_space<hbm>>, %arg4: memref<640x128xf32, #tpu.memory_space<hbm>>, %arg5: memref<2x10240x128xf32, #tpu.memory_space<hbm>>, %arg6: memref<80x128xi32, #tpu.memory_space<vmem>>, %arg7: memref<128x128xf32, #tpu.memory_space<vmem>>, %arg8: memref<10240x128xf32, #tpu.memory_space<vmem_shared>>, %arg9: memref<!tpu.dma_semaphore, #tpu.memory_space<semaphore_mem>>) attributes {dimension_semantics = [#tpu.dimension_semantics<core_parallel>, #tpu.dimension_semantics<subcore_parallel>], iteration_bounds = array<i64: 2, 16>, scalar_prefetch = 0 : i64, scratch_operands = 4 : i64, tpu.core_type = #tpu.core_type<sc_vector_subcore>, window_params = [{transform_indices = #map}, {transform_indices = #map}, {transform_indices = #map}, {transform_indices = #map1}]} {
    %mul3A = arith.constant 640 : i32
    %mul3A_0 = arith.muli %arg1, %mul3A : i32
    "tpu.region"() ({
      %run_scoped3A = tpu.sem_alloc : memref<!tpu.dma_semaphore, #tpu.memory_space<semaphore_mem>>
      %dma_start3A = arith.constant 0 : i32
      %dma_start3A_10 = tpu.memref_slice %arg8[%mul3A_0, %dma_start3A] : memref<10240x128xf32, #tpu.memory_space<vmem_shared>> -> memref<640x128xf32, #tpu.memory_space<vmem_shared>>
      tpu.enqueue_dma source(%arg4 : memref<640x128xf32, #tpu.memory_space<hbm>>) target(%dma_start3A_10 : memref<640x128xf32, #tpu.memory_space<vmem_shared>>) target_semaphore(%run_scoped3A : memref<!tpu.dma_semaphore, #tpu.memory_space<semaphore_mem>>)
      %dma_wait3A = arith.constant 0 : i32
      %dma_wait3A_11 = tpu.memref_slice %arg8[%mul3A_0, %dma_wait3A] : memref<10240x128xf32, #tpu.memory_space<vmem_shared>> -> memref<640x128xf32, #tpu.memory_space<vmem_shared>>
      tpu.wait_dma2 semaphore(%run_scoped3A : memref<!tpu.dma_semaphore, #tpu.memory_space<semaphore_mem>>) src(%arg4 : memref<640x128xf32, #tpu.memory_space<hbm>>) dst(%dma_wait3A_11 : memref<640x128xf32, #tpu.memory_space<vmem_shared>>)
      tpu.yield
    }) : () -> ()
    "tpu.region"() ({
      %run_scoped3A = tpu.sem_alloc : memref<!tpu.dma_semaphore, #tpu.memory_space<semaphore_mem>>
      tpu.enqueue_dma source(%arg3 : memref<128x128xf32, #tpu.memory_space<hbm>>) target(%arg7 : memref<128x128xf32, #tpu.memory_space<vmem>>) target_semaphore(%run_scoped3A : memref<!tpu.dma_semaphore, #tpu.memory_space<semaphore_mem>>)
      tpu.wait_dma2 semaphore(%run_scoped3A : memref<!tpu.dma_semaphore, #tpu.memory_space<semaphore_mem>>) src(%arg3 : memref<128x128xf32, #tpu.memory_space<hbm>>) dst(%arg7 : memref<128x128xf32, #tpu.memory_space<vmem>>)
      tpu.yield
    }) : () -> ()
    %mul3A_1 = arith.constant 2 : i32
    %mul3A_2 = arith.muli %arg1, %mul3A_1 : i32
    %add3A = arith.addi %mul3A_2, %arg0 : i32
    %mul3A_3 = arith.constant 80 : i32
    %mul3A_4 = arith.muli %add3A, %mul3A_3 : i32
    "tpu.region"() ({
      %run_scoped3A = tpu.sem_alloc : memref<!tpu.dma_semaphore, #tpu.memory_space<semaphore_mem>>
      %dma_start3A = arith.constant 0 : i32
      %dma_start3A_10 = tpu.memref_slice %arg2[%mul3A_4, %dma_start3A] : memref<2560x128xi32, #tpu.memory_space<hbm>> -> memref<80x128xi32, #tpu.memory_space<hbm>>
      %dma_start3A_11 = arith.constant 0 : i32
      %dma_start3A_12 = tpu.memref_slice %arg2[%mul3A_4, %dma_start3A_11] : memref<2560x128xi32, #tpu.memory_space<hbm>> -> memref<80x128xi32, #tpu.memory_space<hbm>>
      tpu.enqueue_dma source(%dma_start3A_12 : memref<80x128xi32, #tpu.memory_space<hbm>>) target(%arg6 : memref<80x128xi32, #tpu.memory_space<vmem>>) target_semaphore(%run_scoped3A : memref<!tpu.dma_semaphore, #tpu.memory_space<semaphore_mem>>)
      %dma_wait3A = arith.constant 0 : i32
      %dma_wait3A_13 = tpu.memref_slice %arg2[%mul3A_4, %dma_wait3A] : memref<2560x128xi32, #tpu.memory_space<hbm>> -> memref<80x128xi32, #tpu.memory_space<hbm>>
      %dma_wait3A_14 = arith.constant 0 : i32
      %dma_wait3A_15 = tpu.memref_slice %arg2[%mul3A_4, %dma_wait3A_14] : memref<2560x128xi32, #tpu.memory_space<hbm>> -> memref<80x128xi32, #tpu.memory_space<hbm>>
      tpu.wait_dma2 semaphore(%run_scoped3A : memref<!tpu.dma_semaphore, #tpu.memory_space<semaphore_mem>>) src(%dma_wait3A_15 : memref<80x128xi32, #tpu.memory_space<hbm>>) dst(%arg6 : memref<80x128xi32, #tpu.memory_space<vmem>>)
      tpu.yield
    }) : () -> ()
    %barrier3A = arith.constant 0 : index
    tpu.barrier barrier_id(%barrier3A)
    %scan3A = arith.constant 0 : i32
    %scan3A_5 = arith.constant 10 : i32
    %scan3A_6 = arith.addi %scan3A, %scan3A_5 : i32
    %scan3A_7 = arith.constant 1 : i32
    scf.for %scan3A_10 = %scan3A to %scan3A_6 step %scan3A_7  : i32 {
      %mul3A_11 = arith.constant 1 : i32
      %mul3A_12 = arith.muli %scan3A_10, %mul3A_11 : i32
      %add3A_13 = arith.constant 0 : i32
      %add3A_14 = arith.addi %add3A_13, %mul3A_12 : i32
      %mul3A_15 = arith.constant 8 : i32
      %mul3A_16 = arith.muli %mul3A_15, %add3A_14 : i32
      %add3A_17 = arith.constant 0 : i32
      %add3A_18 = arith.addi %mul3A_16, %add3A_17 : i32
      %dma_start3A = arith.constant 0 : i32
      %dma_start3A_19 = tpu.memref_slice %arg6[%add3A_18, %dma_start3A] : memref<80x128xi32, #tpu.memory_space<vmem>> -> memref<1x128xi32, #tpu.memory_space<vmem>>
      %dma_start3A_20 = tpu.memref_squeeze %dma_start3A_19 : memref<1x128xi32, #tpu.memory_space<vmem>> -> memref<128xi32, #tpu.memory_space<vmem>>
      %dma_start3A_21 = arith.constant 0 : i32
      %dma_start3A_22 = arith.constant 0 : i32
      %dma_start3A_23 = tpu.memref_slice %arg8[%dma_start3A_21, %dma_start3A_22] : memref<10240x128xf32, #tpu.memory_space<vmem_shared>> -> memref<10240x128xf32, #tpu.memory_space<vmem_shared>>
      tpu.enqueue_indirect_dma source(%arg7 : memref<128x128xf32, #tpu.memory_space<vmem>>) target(%dma_start3A_23 : memref<10240x128xf32, #tpu.memory_space<vmem_shared>>) offsets(%dma_start3A_20 : memref<128xi32, #tpu.memory_space<vmem>>) semaphore(%arg9 : memref<!tpu.dma_semaphore, #tpu.memory_space<semaphore_mem>>) {add = true}
      %mul3A_24 = arith.constant 8 : i32
      %mul3A_25 = arith.muli %mul3A_24, %add3A_14 : i32
      %add3A_26 = arith.constant 1 : i32
      %add3A_27 = arith.addi %mul3A_25, %add3A_26 : i32
      %dma_start3A_28 = arith.constant 0 : i32
      %dma_start3A_29 = tpu.memref_slice %arg6[%add3A_27, %dma_start3A_28] : memref<80x128xi32, #tpu.memory_space<vmem>> -> memref<1x128xi32, #tpu.memory_space<vmem>>
      %dma_start3A_30 = tpu.memref_squeeze %dma_start3A_29 : memref<1x128xi32, #tpu.memory_space<vmem>> -> memref<128xi32, #tpu.memory_space<vmem>>
      %dma_start3A_31 = arith.constant 0 : i32
      %dma_start3A_32 = arith.constant 0 : i32
      %dma_start3A_33 = tpu.memref_slice %arg8[%dma_start3A_31, %dma_start3A_32] : memref<10240x128xf32, #tpu.memory_space<vmem_shared>> -> memref<10240x128xf32, #tpu.memory_space<vmem_shared>>
      tpu.enqueue_indirect_dma source(%arg7 : memref<128x128xf32, #tpu.memory_space<vmem>>) target(%dma_start3A_33 : memref<10240x128xf32, #tpu.memory_space<vmem_shared>>) offsets(%dma_start3A_30 : memref<128xi32, #tpu.memory_space<vmem>>) semaphore(%arg9 : memref<!tpu.dma_semaphore, #tpu.memory_space<semaphore_mem>>) {add = true}
      %mul3A_34 = arith.constant 8 : i32
      %mul3A_35 = arith.muli %mul3A_34, %add3A_14 : i32
      %add3A_36 = arith.constant 2 : i32
      %add3A_37 = arith.addi %mul3A_35, %add3A_36 : i32
      %dma_start3A_38 = arith.constant 0 : i32
      %dma_start3A_39 = tpu.memref_slice %arg6[%add3A_37, %dma_start3A_38] : memref<80x128xi32, #tpu.memory_space<vmem>> -> memref<1x128xi32, #tpu.memory_space<vmem>>
      %dma_start3A_40 = tpu.memref_squeeze %dma_start3A_39 : memref<1x128xi32, #tpu.memory_space<vmem>> -> memref<128xi32, #tpu.memory_space<vmem>>
      %dma_start3A_41 = arith.constant 0 : i32
      %dma_start3A_42 = arith.constant 0 : i32
      %dma_start3A_43 = tpu.memref_slice %arg8[%dma_start3A_41, %dma_start3A_42] : memref<10240x128xf32, #tpu.memory_space<vmem_shared>> -> memref<10240x128xf32, #tpu.memory_space<vmem_shared>>
      tpu.enqueue_indirect_dma source(%arg7 : memref<128x128xf32, #tpu.memory_space<vmem>>) target(%dma_start3A_43 : memref<10240x128xf32, #tpu.memory_space<vmem_shared>>) offsets(%dma_start3A_40 : memref<128xi32, #tpu.memory_space<vmem>>) semaphore(%arg9 : memref<!tpu.dma_semaphore, #tpu.memory_space<semaphore_mem>>) {add = true}
      %mul3A_44 = arith.constant 8 : i32
      %mul3A_45 = arith.muli %mul3A_44, %add3A_14 : i32
      %add3A_46 = arith.constant 3 : i32
      %add3A_47 = arith.addi %mul3A_45, %add3A_46 : i32
      %dma_start3A_48 = arith.constant 0 : i32
      %dma_start3A_49 = tpu.memref_slice %arg6[%add3A_47, %dma_start3A_48] : memref<80x128xi32, #tpu.memory_space<vmem>> -> memref<1x128xi32, #tpu.memory_space<vmem>>
      %dma_start3A_50 = tpu.memref_squeeze %dma_start3A_49 : memref<1x128xi32, #tpu.memory_space<vmem>> -> memref<128xi32, #tpu.memory_space<vmem>>
      %dma_start3A_51 = arith.constant 0 : i32
      %dma_start3A_52 = arith.constant 0 : i32
      %dma_start3A_53 = tpu.memref_slice %arg8[%dma_start3A_51, %dma_start3A_52] : memref<10240x128xf32, #tpu.memory_space<vmem_shared>> -> memref<10240x128xf32, #tpu.memory_space<vmem_shared>>
      tpu.enqueue_indirect_dma source(%arg7 : memref<128x128xf32, #tpu.memory_space<vmem>>) target(%dma_start3A_53 : memref<10240x128xf32, #tpu.memory_space<vmem_shared>>) offsets(%dma_start3A_50 : memref<128xi32, #tpu.memory_space<vmem>>) semaphore(%arg9 : memref<!tpu.dma_semaphore, #tpu.memory_space<semaphore_mem>>) {add = true}
      %mul3A_54 = arith.constant 8 : i32
      %mul3A_55 = arith.muli %mul3A_54, %add3A_14 : i32
      %add3A_56 = arith.constant 4 : i32
      %add3A_57 = arith.addi %mul3A_55, %add3A_56 : i32
      %dma_start3A_58 = arith.constant 0 : i32
      %dma_start3A_59 = tpu.memref_slice %arg6[%add3A_57, %dma_start3A_58] : memref<80x128xi32, #tpu.memory_space<vmem>> -> memref<1x128xi32, #tpu.memory_space<vmem>>
      %dma_start3A_60 = tpu.memref_squeeze %dma_start3A_59 : memref<1x128xi32, #tpu.memory_space<vmem>> -> memref<128xi32, #tpu.memory_space<vmem>>
      %dma_start3A_61 = arith.constant 0 : i32
      %dma_start3A_62 = arith.constant 0 : i32
      %dma_start3A_63 = tpu.memref_slice %arg8[%dma_start3A_61, %dma_start3A_62] : memref<10240x128xf32, #tpu.memory_space<vmem_shared>> -> memref<10240x128xf32, #tpu.memory_space<vmem_shared>>
      tpu.enqueue_indirect_dma source(%arg7 : memref<128x128xf32, #tpu.memory_space<vmem>>) target(%dma_start3A_63 : memref<10240x128xf32, #tpu.memory_space<vmem_shared>>) offsets(%dma_start3A_60 : memref<128xi32, #tpu.memory_space<vmem>>) semaphore(%arg9 : memref<!tpu.dma_semaphore, #tpu.memory_space<semaphore_mem>>) {add = true}
      %mul3A_64 = arith.constant 8 : i32
      %mul3A_65 = arith.muli %mul3A_64, %add3A_14 : i32
      %add3A_66 = arith.constant 5 : i32
      %add3A_67 = arith.addi %mul3A_65, %add3A_66 : i32
      %dma_start3A_68 = arith.constant 0 : i32
      %dma_start3A_69 = tpu.memref_slice %arg6[%add3A_67, %dma_start3A_68] : memref<80x128xi32, #tpu.memory_space<vmem>> -> memref<1x128xi32, #tpu.memory_space<vmem>>
      %dma_start3A_70 = tpu.memref_squeeze %dma_start3A_69 : memref<1x128xi32, #tpu.memory_space<vmem>> -> memref<128xi32, #tpu.memory_space<vmem>>
      %dma_start3A_71 = arith.constant 0 : i32
      %dma_start3A_72 = arith.constant 0 : i32
      %dma_start3A_73 = tpu.memref_slice %arg8[%dma_start3A_71, %dma_start3A_72] : memref<10240x128xf32, #tpu.memory_space<vmem_shared>> -> memref<10240x128xf32, #tpu.memory_space<vmem_shared>>
      tpu.enqueue_indirect_dma source(%arg7 : memref<128x128xf32, #tpu.memory_space<vmem>>) target(%dma_start3A_73 : memref<10240x128xf32, #tpu.memory_space<vmem_shared>>) offsets(%dma_start3A_70 : memref<128xi32, #tpu.memory_space<vmem>>) semaphore(%arg9 : memref<!tpu.dma_semaphore, #tpu.memory_space<semaphore_mem>>) {add = true}
      %mul3A_74 = arith.constant 8 : i32
      %mul3A_75 = arith.muli %mul3A_74, %add3A_14 : i32
      %add3A_76 = arith.constant 6 : i32
      %add3A_77 = arith.addi %mul3A_75, %add3A_76 : i32
      %dma_start3A_78 = arith.constant 0 : i32
      %dma_start3A_79 = tpu.memref_slice %arg6[%add3A_77, %dma_start3A_78] : memref<80x128xi32, #tpu.memory_space<vmem>> -> memref<1x128xi32, #tpu.memory_space<vmem>>
      %dma_start3A_80 = tpu.memref_squeeze %dma_start3A_79 : memref<1x128xi32, #tpu.memory_space<vmem>> -> memref<128xi32, #tpu.memory_space<vmem>>
      %dma_start3A_81 = arith.constant 0 : i32
      %dma_start3A_82 = arith.constant 0 : i32
      %dma_start3A_83 = tpu.memref_slice %arg8[%dma_start3A_81, %dma_start3A_82] : memref<10240x128xf32, #tpu.memory_space<vmem_shared>> -> memref<10240x128xf32, #tpu.memory_space<vmem_shared>>
      tpu.enqueue_indirect_dma source(%arg7 : memref<128x128xf32, #tpu.memory_space<vmem>>) target(%dma_start3A_83 : memref<10240x128xf32, #tpu.memory_space<vmem_shared>>) offsets(%dma_start3A_80 : memref<128xi32, #tpu.memory_space<vmem>>) semaphore(%arg9 : memref<!tpu.dma_semaphore, #tpu.memory_space<semaphore_mem>>) {add = true}
      %mul3A_84 = arith.constant 8 : i32
      %mul3A_85 = arith.muli %mul3A_84, %add3A_14 : i32
      %add3A_86 = arith.constant 7 : i32
      %add3A_87 = arith.addi %mul3A_85, %add3A_86 : i32
      %dma_start3A_88 = arith.constant 0 : i32
      %dma_start3A_89 = tpu.memref_slice %arg6[%add3A_87, %dma_start3A_88] : memref<80x128xi32, #tpu.memory_space<vmem>> -> memref<1x128xi32, #tpu.memory_space<vmem>>
      %dma_start3A_90 = tpu.memref_squeeze %dma_start3A_89 : memref<1x128xi32, #tpu.memory_space<vmem>> -> memref<128xi32, #tpu.memory_space<vmem>>
      %dma_start3A_91 = arith.constant 0 : i32
      %dma_start3A_92 = arith.constant 0 : i32
      %dma_start3A_93 = tpu.memref_slice %arg8[%dma_start3A_91, %dma_start3A_92] : memref<10240x128xf32, #tpu.memory_space<vmem_shared>> -> memref<10240x128xf32, #tpu.memory_space<vmem_shared>>
      tpu.enqueue_indirect_dma source(%arg7 : memref<128x128xf32, #tpu.memory_space<vmem>>) target(%dma_start3A_93 : memref<10240x128xf32, #tpu.memory_space<vmem_shared>>) offsets(%dma_start3A_90 : memref<128xi32, #tpu.memory_space<vmem>>) semaphore(%arg9 : memref<!tpu.dma_semaphore, #tpu.memory_space<semaphore_mem>>) {add = true}
      %mul3A_94 = arith.constant 8 : i32
      %mul3A_95 = arith.muli %mul3A_94, %add3A_14 : i32
      %add3A_96 = arith.constant 0 : i32
      %add3A_97 = arith.addi %mul3A_95, %add3A_96 : i32
      %dma_wait3A = arith.constant 0 : i32
      %dma_wait3A_98 = tpu.memref_slice %arg6[%add3A_97, %dma_wait3A] : memref<80x128xi32, #tpu.memory_space<vmem>> -> memref<1x128xi32, #tpu.memory_space<vmem>>
      %dma_wait3A_99 = tpu.memref_squeeze %dma_wait3A_98 : memref<1x128xi32, #tpu.memory_space<vmem>> -> memref<128xi32, #tpu.memory_space<vmem>>
      %dma_wait3A_100 = arith.constant 0 : i32
      %dma_wait3A_101 = arith.constant 0 : i32
      %dma_wait3A_102 = tpu.memref_slice %arg8[%dma_wait3A_100, %dma_wait3A_101] : memref<10240x128xf32, #tpu.memory_space<vmem_shared>> -> memref<10240x128xf32, #tpu.memory_space<vmem_shared>>
      tpu.wait_indirect_dma semaphore(%arg9 : memref<!tpu.dma_semaphore, #tpu.memory_space<semaphore_mem>>) src(%arg7 : memref<128x128xf32, #tpu.memory_space<vmem>>) dst(%dma_wait3A_102 : memref<10240x128xf32, #tpu.memory_space<vmem_shared>>)
      %mul3A_103 = arith.constant 8 : i32
      %mul3A_104 = arith.muli %mul3A_103, %add3A_14 : i32
      %add3A_105 = arith.constant 1 : i32
      %add3A_106 = arith.addi %mul3A_104, %add3A_105 : i32
      %dma_wait3A_107 = arith.constant 0 : i32
      %dma_wait3A_108 = tpu.memref_slice %arg6[%add3A_106, %dma_wait3A_107] : memref<80x128xi32, #tpu.memory_space<vmem>> -> memref<1x128xi32, #tpu.memory_space<vmem>>
      %dma_wait3A_109 = tpu.memref_squeeze %dma_wait3A_108 : memref<1x128xi32, #tpu.memory_space<vmem>> -> memref<128xi32, #tpu.memory_space<vmem>>
      %dma_wait3A_110 = arith.constant 0 : i32
      %dma_wait3A_111 = arith.constant 0 : i32
      %dma_wait3A_112 = tpu.memref_slice %arg8[%dma_wait3A_110, %dma_wait3A_111] : memref<10240x128xf32, #tpu.memory_space<vmem_shared>> -> memref<10240x128xf32, #tpu.memory_space<vmem_shared>>
      tpu.wait_indirect_dma semaphore(%arg9 : memref<!tpu.dma_semaphore, #tpu.memory_space<semaphore_mem>>) src(%arg7 : memref<128x128xf32, #tpu.memory_space<vmem>>) dst(%dma_wait3A_112 : memref<10240x128xf32, #tpu.memory_space<vmem_shared>>)
      %mul3A_113 = arith.constant 8 : i32
      %mul3A_114 = arith.muli %mul3A_113, %add3A_14 : i32
      %add3A_115 = arith.constant 2 : i32
      %add3A_116 = arith.addi %mul3A_114, %add3A_115 : i32
      %dma_wait3A_117 = arith.constant 0 : i32
      %dma_wait3A_118 = tpu.memref_slice %arg6[%add3A_116, %dma_wait3A_117] : memref<80x128xi32, #tpu.memory_space<vmem>> -> memref<1x128xi32, #tpu.memory_space<vmem>>
      %dma_wait3A_119 = tpu.memref_squeeze %dma_wait3A_118 : memref<1x128xi32, #tpu.memory_space<vmem>> -> memref<128xi32, #tpu.memory_space<vmem>>
      %dma_wait3A_120 = arith.constant 0 : i32
      %dma_wait3A_121 = arith.constant 0 : i32
      %dma_wait3A_122 = tpu.memref_slice %arg8[%dma_wait3A_120, %dma_wait3A_121] : memref<10240x128xf32, #tpu.memory_space<vmem_shared>> -> memref<10240x128xf32, #tpu.memory_space<vmem_shared>>
      tpu.wait_indirect_dma semaphore(%arg9 : memref<!tpu.dma_semaphore, #tpu.memory_space<semaphore_mem>>) src(%arg7 : memref<128x128xf32, #tpu.memory_space<vmem>>) dst(%dma_wait3A_122 : memref<10240x128xf32, #tpu.memory_space<vmem_shared>>)
      %mul3A_123 = arith.constant 8 : i32
      %mul3A_124 = arith.muli %mul3A_123, %add3A_14 : i32
      %add3A_125 = arith.constant 3 : i32
      %add3A_126 = arith.addi %mul3A_124, %add3A_125 : i32
      %dma_wait3A_127 = arith.constant 0 : i32
      %dma_wait3A_128 = tpu.memref_slice %arg6[%add3A_126, %dma_wait3A_127] : memref<80x128xi32, #tpu.memory_space<vmem>> -> memref<1x128xi32, #tpu.memory_space<vmem>>
      %dma_wait3A_129 = tpu.memref_squeeze %dma_wait3A_128 : memref<1x128xi32, #tpu.memory_space<vmem>> -> memref<128xi32, #tpu.memory_space<vmem>>
      %dma_wait3A_130 = arith.constant 0 : i32
      %dma_wait3A_131 = arith.constant 0 : i32
      %dma_wait3A_132 = tpu.memref_slice %arg8[%dma_wait3A_130, %dma_wait3A_131] : memref<10240x128xf32, #tpu.memory_space<vmem_shared>> -> memref<10240x128xf32, #tpu.memory_space<vmem_shared>>
      tpu.wait_indirect_dma semaphore(%arg9 : memref<!tpu.dma_semaphore, #tpu.memory_space<semaphore_mem>>) src(%arg7 : memref<128x128xf32, #tpu.memory_space<vmem>>) dst(%dma_wait3A_132 : memref<10240x128xf32, #tpu.memory_space<vmem_shared>>)
      %mul3A_133 = arith.constant 8 : i32
      %mul3A_134 = arith.muli %mul3A_133, %add3A_14 : i32
      %add3A_135 = arith.constant 4 : i32
      %add3A_136 = arith.addi %mul3A_134, %add3A_135 : i32
      %dma_wait3A_137 = arith.constant 0 : i32
      %dma_wait3A_138 = tpu.memref_slice %arg6[%add3A_136, %dma_wait3A_137] : memref<80x128xi32, #tpu.memory_space<vmem>> -> memref<1x128xi32, #tpu.memory_space<vmem>>
      %dma_wait3A_139 = tpu.memref_squeeze %dma_wait3A_138 : memref<1x128xi32, #tpu.memory_space<vmem>> -> memref<128xi32, #tpu.memory_space<vmem>>
      %dma_wait3A_140 = arith.constant 0 : i32
      %dma_wait3A_141 = arith.constant 0 : i32
      %dma_wait3A_142 = tpu.memref_slice %arg8[%dma_wait3A_140, %dma_wait3A_141] : memref<10240x128xf32, #tpu.memory_space<vmem_shared>> -> memref<10240x128xf32, #tpu.memory_space<vmem_shared>>
      tpu.wait_indirect_dma semaphore(%arg9 : memref<!tpu.dma_semaphore, #tpu.memory_space<semaphore_mem>>) src(%arg7 : memref<128x128xf32, #tpu.memory_space<vmem>>) dst(%dma_wait3A_142 : memref<10240x128xf32, #tpu.memory_space<vmem_shared>>)
      %mul3A_143 = arith.constant 8 : i32
      %mul3A_144 = arith.muli %mul3A_143, %add3A_14 : i32
      %add3A_145 = arith.constant 5 : i32
      %add3A_146 = arith.addi %mul3A_144, %add3A_145 : i32
      %dma_wait3A_147 = arith.constant 0 : i32
      %dma_wait3A_148 = tpu.memref_slice %arg6[%add3A_146, %dma_wait3A_147] : memref<80x128xi32, #tpu.memory_space<vmem>> -> memref<1x128xi32, #tpu.memory_space<vmem>>
      %dma_wait3A_149 = tpu.memref_squeeze %dma_wait3A_148 : memref<1x128xi32, #tpu.memory_space<vmem>> -> memref<128xi32, #tpu.memory_space<vmem>>
      %dma_wait3A_150 = arith.constant 0 : i32
      %dma_wait3A_151 = arith.constant 0 : i32
      %dma_wait3A_152 = tpu.memref_slice %arg8[%dma_wait3A_150, %dma_wait3A_151] : memref<10240x128xf32, #tpu.memory_space<vmem_shared>> -> memref<10240x128xf32, #tpu.memory_space<vmem_shared>>
      tpu.wait_indirect_dma semaphore(%arg9 : memref<!tpu.dma_semaphore, #tpu.memory_space<semaphore_mem>>) src(%arg7 : memref<128x128xf32, #tpu.memory_space<vmem>>) dst(%dma_wait3A_152 : memref<10240x128xf32, #tpu.memory_space<vmem_shared>>)
      %mul3A_153 = arith.constant 8 : i32
      %mul3A_154 = arith.muli %mul3A_153, %add3A_14 : i32
      %add3A_155 = arith.constant 6 : i32
      %add3A_156 = arith.addi %mul3A_154, %add3A_155 : i32
      %dma_wait3A_157 = arith.constant 0 : i32
      %dma_wait3A_158 = tpu.memref_slice %arg6[%add3A_156, %dma_wait3A_157] : memref<80x128xi32, #tpu.memory_space<vmem>> -> memref<1x128xi32, #tpu.memory_space<vmem>>
      %dma_wait3A_159 = tpu.memref_squeeze %dma_wait3A_158 : memref<1x128xi32, #tpu.memory_space<vmem>> -> memref<128xi32, #tpu.memory_space<vmem>>
      %dma_wait3A_160 = arith.constant 0 : i32
      %dma_wait3A_161 = arith.constant 0 : i32
      %dma_wait3A_162 = tpu.memref_slice %arg8[%dma_wait3A_160, %dma_wait3A_161] : memref<10240x128xf32, #tpu.memory_space<vmem_shared>> -> memref<10240x128xf32, #tpu.memory_space<vmem_shared>>
      tpu.wait_indirect_dma semaphore(%arg9 : memref<!tpu.dma_semaphore, #tpu.memory_space<semaphore_mem>>) src(%arg7 : memref<128x128xf32, #tpu.memory_space<vmem>>) dst(%dma_wait3A_162 : memref<10240x128xf32, #tpu.memory_space<vmem_shared>>)
      %mul3A_163 = arith.constant 8 : i32
      %mul3A_164 = arith.muli %mul3A_163, %add3A_14 : i32
      %add3A_165 = arith.constant 7 : i32
      %add3A_166 = arith.addi %mul3A_164, %add3A_165 : i32
      %dma_wait3A_167 = arith.constant 0 : i32
      %dma_wait3A_168 = tpu.memref_slice %arg6[%add3A_166, %dma_wait3A_167] : memref<80x128xi32, #tpu.memory_space<vmem>> -> memref<1x128xi32, #tpu.memory_space<vmem>>
      %dma_wait3A_169 = tpu.memref_squeeze %dma_wait3A_168 : memref<1x128xi32, #tpu.memory_space<vmem>> -> memref<128xi32, #tpu.memory_space<vmem>>
      %dma_wait3A_170 = arith.constant 0 : i32
      %dma_wait3A_171 = arith.constant 0 : i32
      %dma_wait3A_172 = tpu.memref_slice %arg8[%dma_wait3A_170, %dma_wait3A_171] : memref<10240x128xf32, #tpu.memory_space<vmem_shared>> -> memref<10240x128xf32, #tpu.memory_space<vmem_shared>>
      tpu.wait_indirect_dma semaphore(%arg9 : memref<!tpu.dma_semaphore, #tpu.memory_space<semaphore_mem>>) src(%arg7 : memref<128x128xf32, #tpu.memory_space<vmem>>) dst(%dma_wait3A_172 : memref<10240x128xf32, #tpu.memory_space<vmem_shared>>)
    }
    %scan3A_8 = arith.constant 10 : i32
    %barrier3A_9 = arith.constant 0 : index
    tpu.barrier barrier_id(%barrier3A_9)
    "tpu.region"() ({
      %run_scoped3A = tpu.sem_alloc : memref<!tpu.dma_semaphore, #tpu.memory_space<semaphore_mem>>
      %dma_start3A = arith.constant 0 : i32
      %dma_start3A_10 = tpu.memref_slice %arg5[%arg0, %mul3A_0, %dma_start3A] : memref<2x10240x128xf32, #tpu.memory_space<hbm>> -> memref<1x640x128xf32, #tpu.memory_space<hbm>>
      %dma_start3A_11 = tpu.memref_squeeze %dma_start3A_10 : memref<1x640x128xf32, #tpu.memory_space<hbm>> -> memref<640x128xf32, #tpu.memory_space<hbm>>
      %dma_start3A_12 = arith.constant 0 : i32
      %dma_start3A_13 = tpu.memref_slice %arg8[%mul3A_0, %dma_start3A_12] : memref<10240x128xf32, #tpu.memory_space<vmem_shared>> -> memref<640x128xf32, #tpu.memory_space<vmem_shared>>
      tpu.enqueue_dma source(%dma_start3A_13 : memref<640x128xf32, #tpu.memory_space<vmem_shared>>) target(%dma_start3A_11 : memref<640x128xf32, #tpu.memory_space<hbm>>) target_semaphore(%run_scoped3A : memref<!tpu.dma_semaphore, #tpu.memory_space<semaphore_mem>>)
      %dma_wait3A = arith.constant 0 : i32
      %dma_wait3A_14 = tpu.memref_slice %arg5[%arg0, %mul3A_0, %dma_wait3A] : memref<2x10240x128xf32, #tpu.memory_space<hbm>> -> memref<1x640x128xf32, #tpu.memory_space<hbm>>
      %dma_wait3A_15 = tpu.memref_squeeze %dma_wait3A_14 : memref<1x640x128xf32, #tpu.memory_space<hbm>> -> memref<640x128xf32, #tpu.memory_space<hbm>>
      %dma_wait3A_16 = arith.constant 0 : i32
      %dma_wait3A_17 = tpu.memref_slice %arg8[%mul3A_0, %dma_wait3A_16] : memref<10240x128xf32, #tpu.memory_space<vmem_shared>> -> memref<640x128xf32, #tpu.memory_space<vmem_shared>>
      tpu.wait_dma2 semaphore(%run_scoped3A : memref<!tpu.dma_semaphore, #tpu.memory_space<semaphore_mem>>) src(%dma_wait3A_17 : memref<640x128xf32, #tpu.memory_space<vmem_shared>>) dst(%dma_wait3A_15 : memref<640x128xf32, #tpu.memory_space<hbm>>)
      tpu.yield
    }) : () -> ()
    return
  }
}

#map = affine_map<(d0, d1) -> (0, 0)>
#map1 = affine_map<(d0, d1) -> (0, 0, 0)>
module attributes {stable_mosaic.version = 14 : i64} {
  func.func @_edge_call(%arg0: i32, %arg1: i32, %arg2: memref<10000x128xf32, #tpu.memory_space<hbm>>, %arg3: memref<10000x128xf32, #tpu.memory_space<hbm>>, %arg4: memref<2560x128xi32, #tpu.memory_space<hbm>>, %arg5: memref<2560x128xi32, #tpu.memory_space<hbm>>, %arg6: memref<640x128xf32, #tpu.memory_space<hbm>>, %arg7: memref<2x10240x128xf32, #tpu.memory_space<hbm>>, %arg8: memref<32x128xi32, #tpu.memory_space<vmem>>, %arg9: memref<32x128xi32, #tpu.memory_space<vmem>>, %arg10: memref<128x128xf32, #tpu.memory_space<vmem>>, %arg11: memref<128x128xf32, #tpu.memory_space<vmem>>, %arg12: memref<10240x128xf32, #tpu.memory_space<vmem_shared>>, %arg13: memref<!tpu.dma_semaphore, #tpu.memory_space<semaphore_mem>>, %arg14: memref<!tpu.dma_semaphore, #tpu.memory_space<semaphore_mem>>, %arg15: memref<!tpu.dma_semaphore, #tpu.memory_space<semaphore_mem>>, %arg16: memref<!tpu.dma_semaphore, #tpu.memory_space<semaphore_mem>>) attributes {dimension_semantics = [#tpu.dimension_semantics<core_parallel>, #tpu.dimension_semantics<subcore_parallel>], iteration_bounds = array<i64: 2, 16>, scalar_prefetch = 0 : i64, scratch_operands = 9 : i64, tpu.core_type = #tpu.core_type<sc_vector_subcore>, window_params = [{transform_indices = #map}, {transform_indices = #map}, {transform_indices = #map}, {transform_indices = #map}, {transform_indices = #map}, {transform_indices = #map1}]} {
    %mul3A = arith.constant 640 : i32
    %mul3A_0 = arith.muli %arg1, %mul3A : i32
    "tpu.region"() ({
      %run_scoped3A = tpu.sem_alloc : memref<!tpu.dma_semaphore, #tpu.memory_space<semaphore_mem>>
      %dma_start3A = arith.constant 0 : i32
      %dma_start3A_9 = tpu.memref_slice %arg12[%mul3A_0, %dma_start3A] : memref<10240x128xf32, #tpu.memory_space<vmem_shared>> -> memref<640x128xf32, #tpu.memory_space<vmem_shared>>
      tpu.enqueue_dma source(%arg6 : memref<640x128xf32, #tpu.memory_space<hbm>>) target(%dma_start3A_9 : memref<640x128xf32, #tpu.memory_space<vmem_shared>>) target_semaphore(%run_scoped3A : memref<!tpu.dma_semaphore, #tpu.memory_space<semaphore_mem>>)
      %dma_wait3A = arith.constant 0 : i32
      %dma_wait3A_10 = tpu.memref_slice %arg12[%mul3A_0, %dma_wait3A] : memref<10240x128xf32, #tpu.memory_space<vmem_shared>> -> memref<640x128xf32, #tpu.memory_space<vmem_shared>>
      tpu.wait_dma2 semaphore(%run_scoped3A : memref<!tpu.dma_semaphore, #tpu.memory_space<semaphore_mem>>) src(%arg6 : memref<640x128xf32, #tpu.memory_space<hbm>>) dst(%dma_wait3A_10 : memref<640x128xf32, #tpu.memory_space<vmem_shared>>)
      tpu.yield
    }) : () -> ()
    %barrier3A = arith.constant 0 : index
    tpu.barrier barrier_id(%barrier3A)
    %eq3A = arith.constant 0 : i32
    %eq3A_1 = arith.cmpi eq, %arg0, %eq3A : i32
    %convert_element_type3A = arith.extui %eq3A_1 : i1 to i32
    %cond3A = arith.constant 0 : i32
    %cond3A_2 = arith.cmpi ne, %convert_element_type3A, %cond3A : i32
    scf.if %cond3A_2 {
      %scan3A = arith.constant 0 : i32
      %scan3A_9 = arith.constant 5 : i32
      %scan3A_10 = arith.addi %scan3A, %scan3A_9 : i32
      %scan3A_11 = arith.constant 1 : i32
      scf.for %scan3A_13 = %scan3A to %scan3A_10 step %scan3A_11  : i32 {
        %mul3A_14 = arith.constant 1 : i32
        %mul3A_15 = arith.muli %scan3A_13, %mul3A_14 : i32
        %add3A = arith.constant 0 : i32
        %add3A_16 = arith.addi %add3A, %mul3A_15 : i32
        %mul3A_17 = arith.constant 160 : i32
        %mul3A_18 = arith.muli %arg1, %mul3A_17 : i32
        %mul3A_19 = arith.constant 32 : i32
        %mul3A_20 = arith.muli %add3A_16, %mul3A_19 : i32
        %add3A_21 = arith.addi %mul3A_18, %mul3A_20 : i32
        "tpu.region"() ({
          %run_scoped3A = tpu.sem_alloc : memref<!tpu.dma_semaphore, #tpu.memory_space<semaphore_mem>>
          %dma_start3A_81 = arith.constant 0 : i32
          %dma_start3A_82 = tpu.memref_slice %arg4[%add3A_21, %dma_start3A_81] : memref<2560x128xi32, #tpu.memory_space<hbm>> -> memref<32x128xi32, #tpu.memory_space<hbm>>
          %dma_start3A_83 = arith.constant 0 : i32
          %dma_start3A_84 = tpu.memref_slice %arg4[%add3A_21, %dma_start3A_83] : memref<2560x128xi32, #tpu.memory_space<hbm>> -> memref<32x128xi32, #tpu.memory_space<hbm>>
          tpu.enqueue_dma source(%dma_start3A_84 : memref<32x128xi32, #tpu.memory_space<hbm>>) target(%arg8 : memref<32x128xi32, #tpu.memory_space<vmem>>) target_semaphore(%run_scoped3A : memref<!tpu.dma_semaphore, #tpu.memory_space<semaphore_mem>>)
          %dma_wait3A_85 = arith.constant 0 : i32
          %dma_wait3A_86 = tpu.memref_slice %arg4[%add3A_21, %dma_wait3A_85] : memref<2560x128xi32, #tpu.memory_space<hbm>> -> memref<32x128xi32, #tpu.memory_space<hbm>>
          %dma_wait3A_87 = arith.constant 0 : i32
          %dma_wait3A_88 = tpu.memref_slice %arg4[%add3A_21, %dma_wait3A_87] : memref<2560x128xi32, #tpu.memory_space<hbm>> -> memref<32x128xi32, #tpu.memory_space<hbm>>
          tpu.wait_dma2 semaphore(%run_scoped3A : memref<!tpu.dma_semaphore, #tpu.memory_space<semaphore_mem>>) src(%dma_wait3A_88 : memref<32x128xi32, #tpu.memory_space<hbm>>) dst(%arg8 : memref<32x128xi32, #tpu.memory_space<vmem>>)
          tpu.yield
        }) : () -> ()
        "tpu.region"() ({
          %run_scoped3A = tpu.sem_alloc : memref<!tpu.dma_semaphore, #tpu.memory_space<semaphore_mem>>
          %dma_start3A_81 = arith.constant 0 : i32
          %dma_start3A_82 = tpu.memref_slice %arg5[%add3A_21, %dma_start3A_81] : memref<2560x128xi32, #tpu.memory_space<hbm>> -> memref<32x128xi32, #tpu.memory_space<hbm>>
          %dma_start3A_83 = arith.constant 0 : i32
          %dma_start3A_84 = tpu.memref_slice %arg5[%add3A_21, %dma_start3A_83] : memref<2560x128xi32, #tpu.memory_space<hbm>> -> memref<32x128xi32, #tpu.memory_space<hbm>>
          tpu.enqueue_dma source(%dma_start3A_84 : memref<32x128xi32, #tpu.memory_space<hbm>>) target(%arg9 : memref<32x128xi32, #tpu.memory_space<vmem>>) target_semaphore(%run_scoped3A : memref<!tpu.dma_semaphore, #tpu.memory_space<semaphore_mem>>)
          %dma_wait3A_85 = arith.constant 0 : i32
          %dma_wait3A_86 = tpu.memref_slice %arg5[%add3A_21, %dma_wait3A_85] : memref<2560x128xi32, #tpu.memory_space<hbm>> -> memref<32x128xi32, #tpu.memory_space<hbm>>
          %dma_wait3A_87 = arith.constant 0 : i32
          %dma_wait3A_88 = tpu.memref_slice %arg5[%add3A_21, %dma_wait3A_87] : memref<2560x128xi32, #tpu.memory_space<hbm>> -> memref<32x128xi32, #tpu.memory_space<hbm>>
          tpu.wait_dma2 semaphore(%run_scoped3A : memref<!tpu.dma_semaphore, #tpu.memory_space<semaphore_mem>>) src(%dma_wait3A_88 : memref<32x128xi32, #tpu.memory_space<hbm>>) dst(%arg9 : memref<32x128xi32, #tpu.memory_space<vmem>>)
          tpu.yield
        }) : () -> ()
        %dma_start3A = arith.constant 0 : i32
        %dma_start3A_22 = arith.constant 0 : i32
        %dma_start3A_23 = tpu.memref_slice %arg8[%dma_start3A, %dma_start3A_22] : memref<32x128xi32, #tpu.memory_space<vmem>> -> memref<1x128xi32, #tpu.memory_space<vmem>>
        %dma_start3A_24 = tpu.memref_squeeze %dma_start3A_23 : memref<1x128xi32, #tpu.memory_space<vmem>> -> memref<128xi32, #tpu.memory_space<vmem>>
        %dma_start3A_25 = arith.constant 0 : i32
        %dma_start3A_26 = arith.constant 0 : i32
        %dma_start3A_27 = tpu.memref_slice %arg2[%dma_start3A_25, %dma_start3A_26] : memref<10000x128xf32, #tpu.memory_space<hbm>> -> memref<10000x128xf32, #tpu.memory_space<hbm>>
        tpu.enqueue_indirect_dma source(%dma_start3A_27 : memref<10000x128xf32, #tpu.memory_space<hbm>>) target(%arg10 : memref<128x128xf32, #tpu.memory_space<vmem>>) offsets(%dma_start3A_24 : memref<128xi32, #tpu.memory_space<vmem>>) semaphore(%arg13 : memref<!tpu.dma_semaphore, #tpu.memory_space<semaphore_mem>>)
        %dma_start3A_28 = arith.constant 1 : i32
        %dma_start3A_29 = arith.constant 0 : i32
        %dma_start3A_30 = tpu.memref_slice %arg8[%dma_start3A_28, %dma_start3A_29] : memref<32x128xi32, #tpu.memory_space<vmem>> -> memref<1x128xi32, #tpu.memory_space<vmem>>
        %dma_start3A_31 = tpu.memref_squeeze %dma_start3A_30 : memref<1x128xi32, #tpu.memory_space<vmem>> -> memref<128xi32, #tpu.memory_space<vmem>>
        %dma_start3A_32 = arith.constant 0 : i32
        %dma_start3A_33 = arith.constant 0 : i32
        %dma_start3A_34 = tpu.memref_slice %arg2[%dma_start3A_32, %dma_start3A_33] : memref<10000x128xf32, #tpu.memory_space<hbm>> -> memref<10000x128xf32, #tpu.memory_space<hbm>>
        tpu.enqueue_indirect_dma source(%dma_start3A_34 : memref<10000x128xf32, #tpu.memory_space<hbm>>) target(%arg11 : memref<128x128xf32, #tpu.memory_space<vmem>>) offsets(%dma_start3A_31 : memref<128xi32, #tpu.memory_space<vmem>>) semaphore(%arg14 : memref<!tpu.dma_semaphore, #tpu.memory_space<semaphore_mem>>)
        %dma_wait3A = arith.constant 0 : i32
        %dma_wait3A_35 = arith.constant 0 : i32
        %dma_wait3A_36 = tpu.memref_slice %arg8[%dma_wait3A, %dma_wait3A_35] : memref<32x128xi32, #tpu.memory_space<vmem>> -> memref<1x128xi32, #tpu.memory_space<vmem>>
        %dma_wait3A_37 = tpu.memref_squeeze %dma_wait3A_36 : memref<1x128xi32, #tpu.memory_space<vmem>> -> memref<128xi32, #tpu.memory_space<vmem>>
        %dma_wait3A_38 = arith.constant 0 : i32
        %dma_wait3A_39 = arith.constant 0 : i32
        %dma_wait3A_40 = tpu.memref_slice %arg2[%dma_wait3A_38, %dma_wait3A_39] : memref<10000x128xf32, #tpu.memory_space<hbm>> -> memref<10000x128xf32, #tpu.memory_space<hbm>>
        tpu.wait_indirect_dma semaphore(%arg13 : memref<!tpu.dma_semaphore, #tpu.memory_space<semaphore_mem>>) src(%dma_wait3A_40 : memref<10000x128xf32, #tpu.memory_space<hbm>>) dst(%arg10 : memref<128x128xf32, #tpu.memory_space<vmem>>)
        %dma_start3A_41 = arith.constant 0 : i32
        %dma_start3A_42 = arith.constant 0 : i32
        %dma_start3A_43 = tpu.memref_slice %arg9[%dma_start3A_41, %dma_start3A_42] : memref<32x128xi32, #tpu.memory_space<vmem>> -> memref<1x128xi32, #tpu.memory_space<vmem>>
        %dma_start3A_44 = tpu.memref_squeeze %dma_start3A_43 : memref<1x128xi32, #tpu.memory_space<vmem>> -> memref<128xi32, #tpu.memory_space<vmem>>
        %dma_start3A_45 = arith.constant 0 : i32
        %dma_start3A_46 = arith.constant 0 : i32
        %dma_start3A_47 = tpu.memref_slice %arg12[%dma_start3A_45, %dma_start3A_46] : memref<10240x128xf32, #tpu.memory_space<vmem_shared>> -> memref<10240x128xf32, #tpu.memory_space<vmem_shared>>
        tpu.enqueue_indirect_dma source(%arg10 : memref<128x128xf32, #tpu.memory_space<vmem>>) target(%dma_start3A_47 : memref<10240x128xf32, #tpu.memory_space<vmem_shared>>) offsets(%dma_start3A_44 : memref<128xi32, #tpu.memory_space<vmem>>) semaphore(%arg15 : memref<!tpu.dma_semaphore, #tpu.memory_space<semaphore_mem>>) {add = true}
        %dma_wait3A_48 = arith.constant 1 : i32
        %dma_wait3A_49 = arith.constant 0 : i32
        %dma_wait3A_50 = tpu.memref_slice %arg8[%dma_wait3A_48, %dma_wait3A_49] : memref<32x128xi32, #tpu.memory_space<vmem>> -> memref<1x128xi32, #tpu.memory_space<vmem>>
        %dma_wait3A_51 = tpu.memref_squeeze %dma_wait3A_50 : memref<1x128xi32, #tpu.memory_space<vmem>> -> memref<128xi32, #tpu.memory_space<vmem>>
        %dma_wait3A_52 = arith.constant 0 : i32
        %dma_wait3A_53 = arith.constant 0 : i32
        %dma_wait3A_54 = tpu.memref_slice %arg2[%dma_wait3A_52, %dma_wait3A_53] : memref<10000x128xf32, #tpu.memory_space<hbm>> -> memref<10000x128xf32, #tpu.memory_space<hbm>>
        tpu.wait_indirect_dma semaphore(%arg14 : memref<!tpu.dma_semaphore, #tpu.memory_space<semaphore_mem>>) src(%dma_wait3A_54 : memref<10000x128xf32, #tpu.memory_space<hbm>>) dst(%arg11 : memref<128x128xf32, #tpu.memory_space<vmem>>)
        %dma_start3A_55 = arith.constant 1 : i32
        %dma_start3A_56 = arith.constant 0 : i32
        %dma_start3A_57 = tpu.memref_slice %arg9[%dma_start3A_55, %dma_start3A_56] : memref<32x128xi32, #tpu.memory_space<vmem>> -> memref<1x128xi32, #tpu.memory_space<vmem>>
        %dma_start3A_58 = tpu.memref_squeeze %dma_start3A_57 : memref<1x128xi32, #tpu.memory_space<vmem>> -> memref<128xi32, #tpu.memory_space<vmem>>
        %dma_start3A_59 = arith.constant 0 : i32
        %dma_start3A_60 = arith.constant 0 : i32
        %dma_start3A_61 = tpu.memref_slice %arg12[%dma_start3A_59, %dma_start3A_60] : memref<10240x128xf32, #tpu.memory_space<vmem_shared>> -> memref<10240x128xf32, #tpu.memory_space<vmem_shared>>
        tpu.enqueue_indirect_dma source(%arg11 : memref<128x128xf32, #tpu.memory_space<vmem>>) target(%dma_start3A_61 : memref<10240x128xf32, #tpu.memory_space<vmem_shared>>) offsets(%dma_start3A_58 : memref<128xi32, #tpu.memory_space<vmem>>) semaphore(%arg16 : memref<!tpu.dma_semaphore, #tpu.memory_space<semaphore_mem>>) {add = true}
        %scan3A_62 = arith.constant 0 : i32
        %scan3A_63 = arith.constant 15 : i32
        %scan3A_64 = arith.addi %scan3A_62, %scan3A_63 : i32
        %scan3A_65 = arith.constant 1 : i32
        scf.for %scan3A_81 = %scan3A_62 to %scan3A_64 step %scan3A_65  : i32 {
          %mul3A_82 = arith.constant 1 : i32
          %mul3A_83 = arith.muli %scan3A_81, %mul3A_82 : i32
          %add3A_84 = arith.constant 0 : i32
          %add3A_85 = arith.addi %add3A_84, %mul3A_83 : i32
          %mul3A_86 = arith.constant 2 : i32
          %mul3A_87 = arith.muli %mul3A_86, %add3A_85 : i32
          %add3A_88 = arith.constant 2 : i32
          %add3A_89 = arith.addi %mul3A_87, %add3A_88 : i32
          %sub3A = arith.constant 2 : i32
          %sub3A_90 = arith.subi %add3A_89, %sub3A : i32
          %dma_wait3A_91 = arith.constant 0 : i32
          %dma_wait3A_92 = tpu.memref_slice %arg9[%sub3A_90, %dma_wait3A_91] : memref<32x128xi32, #tpu.memory_space<vmem>> -> memref<1x128xi32, #tpu.memory_space<vmem>>
          %dma_wait3A_93 = tpu.memref_squeeze %dma_wait3A_92 : memref<1x128xi32, #tpu.memory_space<vmem>> -> memref<128xi32, #tpu.memory_space<vmem>>
          %dma_wait3A_94 = arith.constant 0 : i32
          %dma_wait3A_95 = arith.constant 0 : i32
          %dma_wait3A_96 = tpu.memref_slice %arg12[%dma_wait3A_94, %dma_wait3A_95] : memref<10240x128xf32, #tpu.memory_space<vmem_shared>> -> memref<10240x128xf32, #tpu.memory_space<vmem_shared>>
          tpu.wait_indirect_dma semaphore(%arg15 : memref<!tpu.dma_semaphore, #tpu.memory_space<semaphore_mem>>) src(%arg10 : memref<128x128xf32, #tpu.memory_space<vmem>>) dst(%dma_wait3A_96 : memref<10240x128xf32, #tpu.memory_space<vmem_shared>>)
          %dma_start3A_97 = arith.constant 0 : i32
          %dma_start3A_98 = tpu.memref_slice %arg8[%add3A_89, %dma_start3A_97] : memref<32x128xi32, #tpu.memory_space<vmem>> -> memref<1x128xi32, #tpu.memory_space<vmem>>
          %dma_start3A_99 = tpu.memref_squeeze %dma_start3A_98 : memref<1x128xi32, #tpu.memory_space<vmem>> -> memref<128xi32, #tpu.memory_space<vmem>>
          %dma_start3A_100 = arith.constant 0 : i32
          %dma_start3A_101 = arith.constant 0 : i32
          %dma_start3A_102 = tpu.memref_slice %arg2[%dma_start3A_100, %dma_start3A_101] : memref<10000x128xf32, #tpu.memory_space<hbm>> -> memref<10000x128xf32, #tpu.memory_space<hbm>>
          tpu.enqueue_indirect_dma source(%dma_start3A_102 : memref<10000x128xf32, #tpu.memory_space<hbm>>) target(%arg10 : memref<128x128xf32, #tpu.memory_space<vmem>>) offsets(%dma_start3A_99 : memref<128xi32, #tpu.memory_space<vmem>>) semaphore(%arg13 : memref<!tpu.dma_semaphore, #tpu.memory_space<semaphore_mem>>)
          %dma_wait3A_103 = arith.constant 0 : i32
          %dma_wait3A_104 = tpu.memref_slice %arg8[%add3A_89, %dma_wait3A_103] : memref<32x128xi32, #tpu.memory_space<vmem>> -> memref<1x128xi32, #tpu.memory_space<vmem>>
          %dma_wait3A_105 = tpu.memref_squeeze %dma_wait3A_104 : memref<1x128xi32, #tpu.memory_space<vmem>> -> memref<128xi32, #tpu.memory_space<vmem>>
          %dma_wait3A_106 = arith.constant 0 : i32
          %dma_wait3A_107 = arith.constant 0 : i32
          %dma_wait3A_108 = tpu.memref_slice %arg2[%dma_wait3A_106, %dma_wait3A_107] : memref<10000x128xf32, #tpu.memory_space<hbm>> -> memref<10000x128xf32, #tpu.memory_space<hbm>>
          tpu.wait_indirect_dma semaphore(%arg13 : memref<!tpu.dma_semaphore, #tpu.memory_space<semaphore_mem>>) src(%dma_wait3A_108 : memref<10000x128xf32, #tpu.memory_space<hbm>>) dst(%arg10 : memref<128x128xf32, #tpu.memory_space<vmem>>)
          %dma_start3A_109 = arith.constant 0 : i32
          %dma_start3A_110 = tpu.memref_slice %arg9[%add3A_89, %dma_start3A_109] : memref<32x128xi32, #tpu.memory_space<vmem>> -> memref<1x128xi32, #tpu.memory_space<vmem>>
          %dma_start3A_111 = tpu.memref_squeeze %dma_start3A_110 : memref<1x128xi32, #tpu.memory_space<vmem>> -> memref<128xi32, #tpu.memory_space<vmem>>
          %dma_start3A_112 = arith.constant 0 : i32
          %dma_start3A_113 = arith.constant 0 : i32
          %dma_start3A_114 = tpu.memref_slice %arg12[%dma_start3A_112, %dma_start3A_113] : memref<10240x128xf32, #tpu.memory_space<vmem_shared>> -> memref<10240x128xf32, #tpu.memory_space<vmem_shared>>
          tpu.enqueue_indirect_dma source(%arg10 : memref<128x128xf32, #tpu.memory_space<vmem>>) target(%dma_start3A_114 : memref<10240x128xf32, #tpu.memory_space<vmem_shared>>) offsets(%dma_start3A_111 : memref<128xi32, #tpu.memory_space<vmem>>) semaphore(%arg15 : memref<!tpu.dma_semaphore, #tpu.memory_space<semaphore_mem>>) {add = true}
          %sub3A_115 = arith.constant 1 : i32
          %sub3A_116 = arith.subi %add3A_89, %sub3A_115 : i32
          %dma_wait3A_117 = arith.constant 0 : i32
          %dma_wait3A_118 = tpu.memref_slice %arg9[%sub3A_116, %dma_wait3A_117] : memref<32x128xi32, #tpu.memory_space<vmem>> -> memref<1x128xi32, #tpu.memory_space<vmem>>
          %dma_wait3A_119 = tpu.memref_squeeze %dma_wait3A_118 : memref<1x128xi32, #tpu.memory_space<vmem>> -> memref<128xi32, #tpu.memory_space<vmem>>
          %dma_wait3A_120 = arith.constant 0 : i32
          %dma_wait3A_121 = arith.constant 0 : i32
          %dma_wait3A_122 = tpu.memref_slice %arg12[%dma_wait3A_120, %dma_wait3A_121] : memref<10240x128xf32, #tpu.memory_space<vmem_shared>> -> memref<10240x128xf32, #tpu.memory_space<vmem_shared>>
          tpu.wait_indirect_dma semaphore(%arg16 : memref<!tpu.dma_semaphore, #tpu.memory_space<semaphore_mem>>) src(%arg11 : memref<128x128xf32, #tpu.memory_space<vmem>>) dst(%dma_wait3A_122 : memref<10240x128xf32, #tpu.memory_space<vmem_shared>>)
          %add3A_123 = arith.constant 1 : i32
          %add3A_124 = arith.addi %add3A_89, %add3A_123 : i32
          %dma_start3A_125 = arith.constant 0 : i32
          %dma_start3A_126 = tpu.memref_slice %arg8[%add3A_124, %dma_start3A_125] : memref<32x128xi32, #tpu.memory_space<vmem>> -> memref<1x128xi32, #tpu.memory_space<vmem>>
          %dma_start3A_127 = tpu.memref_squeeze %dma_start3A_126 : memref<1x128xi32, #tpu.memory_space<vmem>> -> memref<128xi32, #tpu.memory_space<vmem>>
          %dma_start3A_128 = arith.constant 0 : i32
          %dma_start3A_129 = arith.constant 0 : i32
          %dma_start3A_130 = tpu.memref_slice %arg2[%dma_start3A_128, %dma_start3A_129] : memref<10000x128xf32, #tpu.memory_space<hbm>> -> memref<10000x128xf32, #tpu.memory_space<hbm>>
          tpu.enqueue_indirect_dma source(%dma_start3A_130 : memref<10000x128xf32, #tpu.memory_space<hbm>>) target(%arg11 : memref<128x128xf32, #tpu.memory_space<vmem>>) offsets(%dma_start3A_127 : memref<128xi32, #tpu.memory_space<vmem>>) semaphore(%arg14 : memref<!tpu.dma_semaphore, #tpu.memory_space<semaphore_mem>>)
          %add3A_131 = arith.constant 1 : i32
          %add3A_132 = arith.addi %add3A_89, %add3A_131 : i32
          %dma_wait3A_133 = arith.constant 0 : i32
          %dma_wait3A_134 = tpu.memref_slice %arg8[%add3A_132, %dma_wait3A_133] : memref<32x128xi32, #tpu.memory_space<vmem>> -> memref<1x128xi32, #tpu.memory_space<vmem>>
          %dma_wait3A_135 = tpu.memref_squeeze %dma_wait3A_134 : memref<1x128xi32, #tpu.memory_space<vmem>> -> memref<128xi32, #tpu.memory_space<vmem>>
          %dma_wait3A_136 = arith.constant 0 : i32
          %dma_wait3A_137 = arith.constant 0 : i32
          %dma_wait3A_138 = tpu.memref_slice %arg2[%dma_wait3A_136, %dma_wait3A_137] : memref<10000x128xf32, #tpu.memory_space<hbm>> -> memref<10000x128xf32, #tpu.memory_space<hbm>>
          tpu.wait_indirect_dma semaphore(%arg14 : memref<!tpu.dma_semaphore, #tpu.memory_space<semaphore_mem>>) src(%dma_wait3A_138 : memref<10000x128xf32, #tpu.memory_space<hbm>>) dst(%arg11 : memref<128x128xf32, #tpu.memory_space<vmem>>)
          %add3A_139 = arith.constant 1 : i32
          %add3A_140 = arith.addi %add3A_89, %add3A_139 : i32
          %dma_start3A_141 = arith.constant 0 : i32
          %dma_start3A_142 = tpu.memref_slice %arg9[%add3A_140, %dma_start3A_141] : memref<32x128xi32, #tpu.memory_space<vmem>> -> memref<1x128xi32, #tpu.memory_space<vmem>>
          %dma_start3A_143 = tpu.memref_squeeze %dma_start3A_142 : memref<1x128xi32, #tpu.memory_space<vmem>> -> memref<128xi32, #tpu.memory_space<vmem>>
          %dma_start3A_144 = arith.constant 0 : i32
          %dma_start3A_145 = arith.constant 0 : i32
          %dma_start3A_146 = tpu.memref_slice %arg12[%dma_start3A_144, %dma_start3A_145] : memref<10240x128xf32, #tpu.memory_space<vmem_shared>> -> memref<10240x128xf32, #tpu.memory_space<vmem_shared>>
          tpu.enqueue_indirect_dma source(%arg11 : memref<128x128xf32, #tpu.memory_space<vmem>>) target(%dma_start3A_146 : memref<10240x128xf32, #tpu.memory_space<vmem_shared>>) offsets(%dma_start3A_143 : memref<128xi32, #tpu.memory_space<vmem>>) semaphore(%arg16 : memref<!tpu.dma_semaphore, #tpu.memory_space<semaphore_mem>>) {add = true}
        }
        %scan3A_66 = arith.constant 15 : i32
        %dma_wait3A_67 = arith.constant 30 : i32
        %dma_wait3A_68 = arith.constant 0 : i32
        %dma_wait3A_69 = tpu.memref_slice %arg9[%dma_wait3A_67, %dma_wait3A_68] : memref<32x128xi32, #tpu.memory_space<vmem>> -> memref<1x128xi32, #tpu.memory_space<vmem>>
        %dma_wait3A_70 = tpu.memref_squeeze %dma_wait3A_69 : memref<1x128xi32, #tpu.memory_space<vmem>> -> memref<128xi32, #tpu.memory_space<vmem>>
        %dma_wait3A_71 = arith.constant 0 : i32
        %dma_wait3A_72 = arith.constant 0 : i32
        %dma_wait3A_73 = tpu.memref_slice %arg12[%dma_wait3A_71, %dma_wait3A_72] : memref<10240x128xf32, #tpu.memory_space<vmem_shared>> -> memref<10240x128xf32, #tpu.memory_space<vmem_shared>>
        tpu.wait_indirect_dma semaphore(%arg15 : memref<!tpu.dma_semaphore, #tpu.memory_space<semaphore_mem>>) src(%arg10 : memref<128x128xf32, #tpu.memory_space<vmem>>) dst(%dma_wait3A_73 : memref<10240x128xf32, #tpu.memory_space<vmem_shared>>)
        %dma_wait3A_74 = arith.constant 31 : i32
        %dma_wait3A_75 = arith.constant 0 : i32
        %dma_wait3A_76 = tpu.memref_slice %arg9[%dma_wait3A_74, %dma_wait3A_75] : memref<32x128xi32, #tpu.memory_space<vmem>> -> memref<1x128xi32, #tpu.memory_space<vmem>>
        %dma_wait3A_77 = tpu.memref_squeeze %dma_wait3A_76 : memref<1x128xi32, #tpu.memory_space<vmem>> -> memref<128xi32, #tpu.memory_space<vmem>>
        %dma_wait3A_78 = arith.constant 0 : i32
        %dma_wait3A_79 = arith.constant 0 : i32
        %dma_wait3A_80 = tpu.memref_slice %arg12[%dma_wait3A_78, %dma_wait3A_79] : memref<10240x128xf32, #tpu.memory_space<vmem_shared>> -> memref<10240x128xf32, #tpu.memory_space<vmem_shared>>
        tpu.wait_indirect_dma semaphore(%arg16 : memref<!tpu.dma_semaphore, #tpu.memory_space<semaphore_mem>>) src(%arg11 : memref<128x128xf32, #tpu.memory_space<vmem>>) dst(%dma_wait3A_80 : memref<10240x128xf32, #tpu.memory_space<vmem_shared>>)
      }
      %scan3A_12 = arith.constant 5 : i32
    } else {
    }
    %eq3A_3 = arith.constant 1 : i32
    %eq3A_4 = arith.cmpi eq, %arg0, %eq3A_3 : i32
    %convert_element_type3A_5 = arith.extui %eq3A_4 : i1 to i32
    %cond3A_6 = arith.constant 0 : i32
    %cond3A_7 = arith.cmpi ne, %convert_element_type3A_5, %cond3A_6 : i32
    scf.if %cond3A_7 {
      %scan3A = arith.constant 0 : i32
      %scan3A_9 = arith.constant 5 : i32
      %scan3A_10 = arith.addi %scan3A, %scan3A_9 : i32
      %scan3A_11 = arith.constant 1 : i32
      scf.for %scan3A_13 = %scan3A to %scan3A_10 step %scan3A_11  : i32 {
        %mul3A_14 = arith.constant 1 : i32
        %mul3A_15 = arith.muli %scan3A_13, %mul3A_14 : i32
        %add3A = arith.constant 0 : i32
        %add3A_16 = arith.addi %add3A, %mul3A_15 : i32
        %mul3A_17 = arith.constant 160 : i32
        %mul3A_18 = arith.muli %arg1, %mul3A_17 : i32
        %mul3A_19 = arith.constant 32 : i32
        %mul3A_20 = arith.muli %add3A_16, %mul3A_19 : i32
        %add3A_21 = arith.addi %mul3A_18, %mul3A_20 : i32
        "tpu.region"() ({
          %run_scoped3A = tpu.sem_alloc : memref<!tpu.dma_semaphore, #tpu.memory_space<semaphore_mem>>
          %dma_start3A_81 = arith.constant 0 : i32
          %dma_start3A_82 = tpu.memref_slice %arg4[%add3A_21, %dma_start3A_81] : memref<2560x128xi32, #tpu.memory_space<hbm>> -> memref<32x128xi32, #tpu.memory_space<hbm>>
          %dma_start3A_83 = arith.constant 0 : i32
          %dma_start3A_84 = tpu.memref_slice %arg4[%add3A_21, %dma_start3A_83] : memref<2560x128xi32, #tpu.memory_space<hbm>> -> memref<32x128xi32, #tpu.memory_space<hbm>>
          tpu.enqueue_dma source(%dma_start3A_84 : memref<32x128xi32, #tpu.memory_space<hbm>>) target(%arg8 : memref<32x128xi32, #tpu.memory_space<vmem>>) target_semaphore(%run_scoped3A : memref<!tpu.dma_semaphore, #tpu.memory_space<semaphore_mem>>)
          %dma_wait3A_85 = arith.constant 0 : i32
          %dma_wait3A_86 = tpu.memref_slice %arg4[%add3A_21, %dma_wait3A_85] : memref<2560x128xi32, #tpu.memory_space<hbm>> -> memref<32x128xi32, #tpu.memory_space<hbm>>
          %dma_wait3A_87 = arith.constant 0 : i32
          %dma_wait3A_88 = tpu.memref_slice %arg4[%add3A_21, %dma_wait3A_87] : memref<2560x128xi32, #tpu.memory_space<hbm>> -> memref<32x128xi32, #tpu.memory_space<hbm>>
          tpu.wait_dma2 semaphore(%run_scoped3A : memref<!tpu.dma_semaphore, #tpu.memory_space<semaphore_mem>>) src(%dma_wait3A_88 : memref<32x128xi32, #tpu.memory_space<hbm>>) dst(%arg8 : memref<32x128xi32, #tpu.memory_space<vmem>>)
          tpu.yield
        }) : () -> ()
        "tpu.region"() ({
          %run_scoped3A = tpu.sem_alloc : memref<!tpu.dma_semaphore, #tpu.memory_space<semaphore_mem>>
          %dma_start3A_81 = arith.constant 0 : i32
          %dma_start3A_82 = tpu.memref_slice %arg5[%add3A_21, %dma_start3A_81] : memref<2560x128xi32, #tpu.memory_space<hbm>> -> memref<32x128xi32, #tpu.memory_space<hbm>>
          %dma_start3A_83 = arith.constant 0 : i32
          %dma_start3A_84 = tpu.memref_slice %arg5[%add3A_21, %dma_start3A_83] : memref<2560x128xi32, #tpu.memory_space<hbm>> -> memref<32x128xi32, #tpu.memory_space<hbm>>
          tpu.enqueue_dma source(%dma_start3A_84 : memref<32x128xi32, #tpu.memory_space<hbm>>) target(%arg9 : memref<32x128xi32, #tpu.memory_space<vmem>>) target_semaphore(%run_scoped3A : memref<!tpu.dma_semaphore, #tpu.memory_space<semaphore_mem>>)
          %dma_wait3A_85 = arith.constant 0 : i32
          %dma_wait3A_86 = tpu.memref_slice %arg5[%add3A_21, %dma_wait3A_85] : memref<2560x128xi32, #tpu.memory_space<hbm>> -> memref<32x128xi32, #tpu.memory_space<hbm>>
          %dma_wait3A_87 = arith.constant 0 : i32
          %dma_wait3A_88 = tpu.memref_slice %arg5[%add3A_21, %dma_wait3A_87] : memref<2560x128xi32, #tpu.memory_space<hbm>> -> memref<32x128xi32, #tpu.memory_space<hbm>>
          tpu.wait_dma2 semaphore(%run_scoped3A : memref<!tpu.dma_semaphore, #tpu.memory_space<semaphore_mem>>) src(%dma_wait3A_88 : memref<32x128xi32, #tpu.memory_space<hbm>>) dst(%arg9 : memref<32x128xi32, #tpu.memory_space<vmem>>)
          tpu.yield
        }) : () -> ()
        %dma_start3A = arith.constant 0 : i32
        %dma_start3A_22 = arith.constant 0 : i32
        %dma_start3A_23 = tpu.memref_slice %arg8[%dma_start3A, %dma_start3A_22] : memref<32x128xi32, #tpu.memory_space<vmem>> -> memref<1x128xi32, #tpu.memory_space<vmem>>
        %dma_start3A_24 = tpu.memref_squeeze %dma_start3A_23 : memref<1x128xi32, #tpu.memory_space<vmem>> -> memref<128xi32, #tpu.memory_space<vmem>>
        %dma_start3A_25 = arith.constant 0 : i32
        %dma_start3A_26 = arith.constant 0 : i32
        %dma_start3A_27 = tpu.memref_slice %arg3[%dma_start3A_25, %dma_start3A_26] : memref<10000x128xf32, #tpu.memory_space<hbm>> -> memref<10000x128xf32, #tpu.memory_space<hbm>>
        tpu.enqueue_indirect_dma source(%dma_start3A_27 : memref<10000x128xf32, #tpu.memory_space<hbm>>) target(%arg10 : memref<128x128xf32, #tpu.memory_space<vmem>>) offsets(%dma_start3A_24 : memref<128xi32, #tpu.memory_space<vmem>>) semaphore(%arg13 : memref<!tpu.dma_semaphore, #tpu.memory_space<semaphore_mem>>)
        %dma_start3A_28 = arith.constant 1 : i32
        %dma_start3A_29 = arith.constant 0 : i32
        %dma_start3A_30 = tpu.memref_slice %arg8[%dma_start3A_28, %dma_start3A_29] : memref<32x128xi32, #tpu.memory_space<vmem>> -> memref<1x128xi32, #tpu.memory_space<vmem>>
        %dma_start3A_31 = tpu.memref_squeeze %dma_start3A_30 : memref<1x128xi32, #tpu.memory_space<vmem>> -> memref<128xi32, #tpu.memory_space<vmem>>
        %dma_start3A_32 = arith.constant 0 : i32
        %dma_start3A_33 = arith.constant 0 : i32
        %dma_start3A_34 = tpu.memref_slice %arg3[%dma_start3A_32, %dma_start3A_33] : memref<10000x128xf32, #tpu.memory_space<hbm>> -> memref<10000x128xf32, #tpu.memory_space<hbm>>
        tpu.enqueue_indirect_dma source(%dma_start3A_34 : memref<10000x128xf32, #tpu.memory_space<hbm>>) target(%arg11 : memref<128x128xf32, #tpu.memory_space<vmem>>) offsets(%dma_start3A_31 : memref<128xi32, #tpu.memory_space<vmem>>) semaphore(%arg14 : memref<!tpu.dma_semaphore, #tpu.memory_space<semaphore_mem>>)
        %dma_wait3A = arith.constant 0 : i32
        %dma_wait3A_35 = arith.constant 0 : i32
        %dma_wait3A_36 = tpu.memref_slice %arg8[%dma_wait3A, %dma_wait3A_35] : memref<32x128xi32, #tpu.memory_space<vmem>> -> memref<1x128xi32, #tpu.memory_space<vmem>>
        %dma_wait3A_37 = tpu.memref_squeeze %dma_wait3A_36 : memref<1x128xi32, #tpu.memory_space<vmem>> -> memref<128xi32, #tpu.memory_space<vmem>>
        %dma_wait3A_38 = arith.constant 0 : i32
        %dma_wait3A_39 = arith.constant 0 : i32
        %dma_wait3A_40 = tpu.memref_slice %arg3[%dma_wait3A_38, %dma_wait3A_39] : memref<10000x128xf32, #tpu.memory_space<hbm>> -> memref<10000x128xf32, #tpu.memory_space<hbm>>
        tpu.wait_indirect_dma semaphore(%arg13 : memref<!tpu.dma_semaphore, #tpu.memory_space<semaphore_mem>>) src(%dma_wait3A_40 : memref<10000x128xf32, #tpu.memory_space<hbm>>) dst(%arg10 : memref<128x128xf32, #tpu.memory_space<vmem>>)
        %dma_start3A_41 = arith.constant 0 : i32
        %dma_start3A_42 = arith.constant 0 : i32
        %dma_start3A_43 = tpu.memref_slice %arg9[%dma_start3A_41, %dma_start3A_42] : memref<32x128xi32, #tpu.memory_space<vmem>> -> memref<1x128xi32, #tpu.memory_space<vmem>>
        %dma_start3A_44 = tpu.memref_squeeze %dma_start3A_43 : memref<1x128xi32, #tpu.memory_space<vmem>> -> memref<128xi32, #tpu.memory_space<vmem>>
        %dma_start3A_45 = arith.constant 0 : i32
        %dma_start3A_46 = arith.constant 0 : i32
        %dma_start3A_47 = tpu.memref_slice %arg12[%dma_start3A_45, %dma_start3A_46] : memref<10240x128xf32, #tpu.memory_space<vmem_shared>> -> memref<10240x128xf32, #tpu.memory_space<vmem_shared>>
        tpu.enqueue_indirect_dma source(%arg10 : memref<128x128xf32, #tpu.memory_space<vmem>>) target(%dma_start3A_47 : memref<10240x128xf32, #tpu.memory_space<vmem_shared>>) offsets(%dma_start3A_44 : memref<128xi32, #tpu.memory_space<vmem>>) semaphore(%arg15 : memref<!tpu.dma_semaphore, #tpu.memory_space<semaphore_mem>>) {add = true}
        %dma_wait3A_48 = arith.constant 1 : i32
        %dma_wait3A_49 = arith.constant 0 : i32
        %dma_wait3A_50 = tpu.memref_slice %arg8[%dma_wait3A_48, %dma_wait3A_49] : memref<32x128xi32, #tpu.memory_space<vmem>> -> memref<1x128xi32, #tpu.memory_space<vmem>>
        %dma_wait3A_51 = tpu.memref_squeeze %dma_wait3A_50 : memref<1x128xi32, #tpu.memory_space<vmem>> -> memref<128xi32, #tpu.memory_space<vmem>>
        %dma_wait3A_52 = arith.constant 0 : i32
        %dma_wait3A_53 = arith.constant 0 : i32
        %dma_wait3A_54 = tpu.memref_slice %arg3[%dma_wait3A_52, %dma_wait3A_53] : memref<10000x128xf32, #tpu.memory_space<hbm>> -> memref<10000x128xf32, #tpu.memory_space<hbm>>
        tpu.wait_indirect_dma semaphore(%arg14 : memref<!tpu.dma_semaphore, #tpu.memory_space<semaphore_mem>>) src(%dma_wait3A_54 : memref<10000x128xf32, #tpu.memory_space<hbm>>) dst(%arg11 : memref<128x128xf32, #tpu.memory_space<vmem>>)
        %dma_start3A_55 = arith.constant 1 : i32
        %dma_start3A_56 = arith.constant 0 : i32
        %dma_start3A_57 = tpu.memref_slice %arg9[%dma_start3A_55, %dma_start3A_56] : memref<32x128xi32, #tpu.memory_space<vmem>> -> memref<1x128xi32, #tpu.memory_space<vmem>>
        %dma_start3A_58 = tpu.memref_squeeze %dma_start3A_57 : memref<1x128xi32, #tpu.memory_space<vmem>> -> memref<128xi32, #tpu.memory_space<vmem>>
        %dma_start3A_59 = arith.constant 0 : i32
        %dma_start3A_60 = arith.constant 0 : i32
        %dma_start3A_61 = tpu.memref_slice %arg12[%dma_start3A_59, %dma_start3A_60] : memref<10240x128xf32, #tpu.memory_space<vmem_shared>> -> memref<10240x128xf32, #tpu.memory_space<vmem_shared>>
        tpu.enqueue_indirect_dma source(%arg11 : memref<128x128xf32, #tpu.memory_space<vmem>>) target(%dma_start3A_61 : memref<10240x128xf32, #tpu.memory_space<vmem_shared>>) offsets(%dma_start3A_58 : memref<128xi32, #tpu.memory_space<vmem>>) semaphore(%arg16 : memref<!tpu.dma_semaphore, #tpu.memory_space<semaphore_mem>>) {add = true}
        %scan3A_62 = arith.constant 0 : i32
        %scan3A_63 = arith.constant 15 : i32
        %scan3A_64 = arith.addi %scan3A_62, %scan3A_63 : i32
        %scan3A_65 = arith.constant 1 : i32
        scf.for %scan3A_81 = %scan3A_62 to %scan3A_64 step %scan3A_65  : i32 {
          %mul3A_82 = arith.constant 1 : i32
          %mul3A_83 = arith.muli %scan3A_81, %mul3A_82 : i32
          %add3A_84 = arith.constant 0 : i32
          %add3A_85 = arith.addi %add3A_84, %mul3A_83 : i32
          %mul3A_86 = arith.constant 2 : i32
          %mul3A_87 = arith.muli %mul3A_86, %add3A_85 : i32
          %add3A_88 = arith.constant 2 : i32
          %add3A_89 = arith.addi %mul3A_87, %add3A_88 : i32
          %sub3A = arith.constant 2 : i32
          %sub3A_90 = arith.subi %add3A_89, %sub3A : i32
          %dma_wait3A_91 = arith.constant 0 : i32
          %dma_wait3A_92 = tpu.memref_slice %arg9[%sub3A_90, %dma_wait3A_91] : memref<32x128xi32, #tpu.memory_space<vmem>> -> memref<1x128xi32, #tpu.memory_space<vmem>>
          %dma_wait3A_93 = tpu.memref_squeeze %dma_wait3A_92 : memref<1x128xi32, #tpu.memory_space<vmem>> -> memref<128xi32, #tpu.memory_space<vmem>>
          %dma_wait3A_94 = arith.constant 0 : i32
          %dma_wait3A_95 = arith.constant 0 : i32
          %dma_wait3A_96 = tpu.memref_slice %arg12[%dma_wait3A_94, %dma_wait3A_95] : memref<10240x128xf32, #tpu.memory_space<vmem_shared>> -> memref<10240x128xf32, #tpu.memory_space<vmem_shared>>
          tpu.wait_indirect_dma semaphore(%arg15 : memref<!tpu.dma_semaphore, #tpu.memory_space<semaphore_mem>>) src(%arg10 : memref<128x128xf32, #tpu.memory_space<vmem>>) dst(%dma_wait3A_96 : memref<10240x128xf32, #tpu.memory_space<vmem_shared>>)
          %dma_start3A_97 = arith.constant 0 : i32
          %dma_start3A_98 = tpu.memref_slice %arg8[%add3A_89, %dma_start3A_97] : memref<32x128xi32, #tpu.memory_space<vmem>> -> memref<1x128xi32, #tpu.memory_space<vmem>>
          %dma_start3A_99 = tpu.memref_squeeze %dma_start3A_98 : memref<1x128xi32, #tpu.memory_space<vmem>> -> memref<128xi32, #tpu.memory_space<vmem>>
          %dma_start3A_100 = arith.constant 0 : i32
          %dma_start3A_101 = arith.constant 0 : i32
          %dma_start3A_102 = tpu.memref_slice %arg3[%dma_start3A_100, %dma_start3A_101] : memref<10000x128xf32, #tpu.memory_space<hbm>> -> memref<10000x128xf32, #tpu.memory_space<hbm>>
          tpu.enqueue_indirect_dma source(%dma_start3A_102 : memref<10000x128xf32, #tpu.memory_space<hbm>>) target(%arg10 : memref<128x128xf32, #tpu.memory_space<vmem>>) offsets(%dma_start3A_99 : memref<128xi32, #tpu.memory_space<vmem>>) semaphore(%arg13 : memref<!tpu.dma_semaphore, #tpu.memory_space<semaphore_mem>>)
          %dma_wait3A_103 = arith.constant 0 : i32
          %dma_wait3A_104 = tpu.memref_slice %arg8[%add3A_89, %dma_wait3A_103] : memref<32x128xi32, #tpu.memory_space<vmem>> -> memref<1x128xi32, #tpu.memory_space<vmem>>
          %dma_wait3A_105 = tpu.memref_squeeze %dma_wait3A_104 : memref<1x128xi32, #tpu.memory_space<vmem>> -> memref<128xi32, #tpu.memory_space<vmem>>
          %dma_wait3A_106 = arith.constant 0 : i32
          %dma_wait3A_107 = arith.constant 0 : i32
          %dma_wait3A_108 = tpu.memref_slice %arg3[%dma_wait3A_106, %dma_wait3A_107] : memref<10000x128xf32, #tpu.memory_space<hbm>> -> memref<10000x128xf32, #tpu.memory_space<hbm>>
          tpu.wait_indirect_dma semaphore(%arg13 : memref<!tpu.dma_semaphore, #tpu.memory_space<semaphore_mem>>) src(%dma_wait3A_108 : memref<10000x128xf32, #tpu.memory_space<hbm>>) dst(%arg10 : memref<128x128xf32, #tpu.memory_space<vmem>>)
          %dma_start3A_109 = arith.constant 0 : i32
          %dma_start3A_110 = tpu.memref_slice %arg9[%add3A_89, %dma_start3A_109] : memref<32x128xi32, #tpu.memory_space<vmem>> -> memref<1x128xi32, #tpu.memory_space<vmem>>
          %dma_start3A_111 = tpu.memref_squeeze %dma_start3A_110 : memref<1x128xi32, #tpu.memory_space<vmem>> -> memref<128xi32, #tpu.memory_space<vmem>>
          %dma_start3A_112 = arith.constant 0 : i32
          %dma_start3A_113 = arith.constant 0 : i32
          %dma_start3A_114 = tpu.memref_slice %arg12[%dma_start3A_112, %dma_start3A_113] : memref<10240x128xf32, #tpu.memory_space<vmem_shared>> -> memref<10240x128xf32, #tpu.memory_space<vmem_shared>>
          tpu.enqueue_indirect_dma source(%arg10 : memref<128x128xf32, #tpu.memory_space<vmem>>) target(%dma_start3A_114 : memref<10240x128xf32, #tpu.memory_space<vmem_shared>>) offsets(%dma_start3A_111 : memref<128xi32, #tpu.memory_space<vmem>>) semaphore(%arg15 : memref<!tpu.dma_semaphore, #tpu.memory_space<semaphore_mem>>) {add = true}
          %sub3A_115 = arith.constant 1 : i32
          %sub3A_116 = arith.subi %add3A_89, %sub3A_115 : i32
          %dma_wait3A_117 = arith.constant 0 : i32
          %dma_wait3A_118 = tpu.memref_slice %arg9[%sub3A_116, %dma_wait3A_117] : memref<32x128xi32, #tpu.memory_space<vmem>> -> memref<1x128xi32, #tpu.memory_space<vmem>>
          %dma_wait3A_119 = tpu.memref_squeeze %dma_wait3A_118 : memref<1x128xi32, #tpu.memory_space<vmem>> -> memref<128xi32, #tpu.memory_space<vmem>>
          %dma_wait3A_120 = arith.constant 0 : i32
          %dma_wait3A_121 = arith.constant 0 : i32
          %dma_wait3A_122 = tpu.memref_slice %arg12[%dma_wait3A_120, %dma_wait3A_121] : memref<10240x128xf32, #tpu.memory_space<vmem_shared>> -> memref<10240x128xf32, #tpu.memory_space<vmem_shared>>
          tpu.wait_indirect_dma semaphore(%arg16 : memref<!tpu.dma_semaphore, #tpu.memory_space<semaphore_mem>>) src(%arg11 : memref<128x128xf32, #tpu.memory_space<vmem>>) dst(%dma_wait3A_122 : memref<10240x128xf32, #tpu.memory_space<vmem_shared>>)
          %add3A_123 = arith.constant 1 : i32
          %add3A_124 = arith.addi %add3A_89, %add3A_123 : i32
          %dma_start3A_125 = arith.constant 0 : i32
          %dma_start3A_126 = tpu.memref_slice %arg8[%add3A_124, %dma_start3A_125] : memref<32x128xi32, #tpu.memory_space<vmem>> -> memref<1x128xi32, #tpu.memory_space<vmem>>
          %dma_start3A_127 = tpu.memref_squeeze %dma_start3A_126 : memref<1x128xi32, #tpu.memory_space<vmem>> -> memref<128xi32, #tpu.memory_space<vmem>>
          %dma_start3A_128 = arith.constant 0 : i32
          %dma_start3A_129 = arith.constant 0 : i32
          %dma_start3A_130 = tpu.memref_slice %arg3[%dma_start3A_128, %dma_start3A_129] : memref<10000x128xf32, #tpu.memory_space<hbm>> -> memref<10000x128xf32, #tpu.memory_space<hbm>>
          tpu.enqueue_indirect_dma source(%dma_start3A_130 : memref<10000x128xf32, #tpu.memory_space<hbm>>) target(%arg11 : memref<128x128xf32, #tpu.memory_space<vmem>>) offsets(%dma_start3A_127 : memref<128xi32, #tpu.memory_space<vmem>>) semaphore(%arg14 : memref<!tpu.dma_semaphore, #tpu.memory_space<semaphore_mem>>)
          %add3A_131 = arith.constant 1 : i32
          %add3A_132 = arith.addi %add3A_89, %add3A_131 : i32
          %dma_wait3A_133 = arith.constant 0 : i32
          %dma_wait3A_134 = tpu.memref_slice %arg8[%add3A_132, %dma_wait3A_133] : memref<32x128xi32, #tpu.memory_space<vmem>> -> memref<1x128xi32, #tpu.memory_space<vmem>>
          %dma_wait3A_135 = tpu.memref_squeeze %dma_wait3A_134 : memref<1x128xi32, #tpu.memory_space<vmem>> -> memref<128xi32, #tpu.memory_space<vmem>>
          %dma_wait3A_136 = arith.constant 0 : i32
          %dma_wait3A_137 = arith.constant 0 : i32
          %dma_wait3A_138 = tpu.memref_slice %arg3[%dma_wait3A_136, %dma_wait3A_137] : memref<10000x128xf32, #tpu.memory_space<hbm>> -> memref<10000x128xf32, #tpu.memory_space<hbm>>
          tpu.wait_indirect_dma semaphore(%arg14 : memref<!tpu.dma_semaphore, #tpu.memory_space<semaphore_mem>>) src(%dma_wait3A_138 : memref<10000x128xf32, #tpu.memory_space<hbm>>) dst(%arg11 : memref<128x128xf32, #tpu.memory_space<vmem>>)
          %add3A_139 = arith.constant 1 : i32
          %add3A_140 = arith.addi %add3A_89, %add3A_139 : i32
          %dma_start3A_141 = arith.constant 0 : i32
          %dma_start3A_142 = tpu.memref_slice %arg9[%add3A_140, %dma_start3A_141] : memref<32x128xi32, #tpu.memory_space<vmem>> -> memref<1x128xi32, #tpu.memory_space<vmem>>
          %dma_start3A_143 = tpu.memref_squeeze %dma_start3A_142 : memref<1x128xi32, #tpu.memory_space<vmem>> -> memref<128xi32, #tpu.memory_space<vmem>>
          %dma_start3A_144 = arith.constant 0 : i32
          %dma_start3A_145 = arith.constant 0 : i32
          %dma_start3A_146 = tpu.memref_slice %arg12[%dma_start3A_144, %dma_start3A_145] : memref<10240x128xf32, #tpu.memory_space<vmem_shared>> -> memref<10240x128xf32, #tpu.memory_space<vmem_shared>>
          tpu.enqueue_indirect_dma source(%arg11 : memref<128x128xf32, #tpu.memory_space<vmem>>) target(%dma_start3A_146 : memref<10240x128xf32, #tpu.memory_space<vmem_shared>>) offsets(%dma_start3A_143 : memref<128xi32, #tpu.memory_space<vmem>>) semaphore(%arg16 : memref<!tpu.dma_semaphore, #tpu.memory_space<semaphore_mem>>) {add = true}
        }
        %scan3A_66 = arith.constant 15 : i32
        %dma_wait3A_67 = arith.constant 30 : i32
        %dma_wait3A_68 = arith.constant 0 : i32
        %dma_wait3A_69 = tpu.memref_slice %arg9[%dma_wait3A_67, %dma_wait3A_68] : memref<32x128xi32, #tpu.memory_space<vmem>> -> memref<1x128xi32, #tpu.memory_space<vmem>>
        %dma_wait3A_70 = tpu.memref_squeeze %dma_wait3A_69 : memref<1x128xi32, #tpu.memory_space<vmem>> -> memref<128xi32, #tpu.memory_space<vmem>>
        %dma_wait3A_71 = arith.constant 0 : i32
        %dma_wait3A_72 = arith.constant 0 : i32
        %dma_wait3A_73 = tpu.memref_slice %arg12[%dma_wait3A_71, %dma_wait3A_72] : memref<10240x128xf32, #tpu.memory_space<vmem_shared>> -> memref<10240x128xf32, #tpu.memory_space<vmem_shared>>
        tpu.wait_indirect_dma semaphore(%arg15 : memref<!tpu.dma_semaphore, #tpu.memory_space<semaphore_mem>>) src(%arg10 : memref<128x128xf32, #tpu.memory_space<vmem>>) dst(%dma_wait3A_73 : memref<10240x128xf32, #tpu.memory_space<vmem_shared>>)
        %dma_wait3A_74 = arith.constant 31 : i32
        %dma_wait3A_75 = arith.constant 0 : i32
        %dma_wait3A_76 = tpu.memref_slice %arg9[%dma_wait3A_74, %dma_wait3A_75] : memref<32x128xi32, #tpu.memory_space<vmem>> -> memref<1x128xi32, #tpu.memory_space<vmem>>
        %dma_wait3A_77 = tpu.memref_squeeze %dma_wait3A_76 : memref<1x128xi32, #tpu.memory_space<vmem>> -> memref<128xi32, #tpu.memory_space<vmem>>
        %dma_wait3A_78 = arith.constant 0 : i32
        %dma_wait3A_79 = arith.constant 0 : i32
        %dma_wait3A_80 = tpu.memref_slice %arg12[%dma_wait3A_78, %dma_wait3A_79] : memref<10240x128xf32, #tpu.memory_space<vmem_shared>> -> memref<10240x128xf32, #tpu.memory_space<vmem_shared>>
        tpu.wait_indirect_dma semaphore(%arg16 : memref<!tpu.dma_semaphore, #tpu.memory_space<semaphore_mem>>) src(%arg11 : memref<128x128xf32, #tpu.memory_space<vmem>>) dst(%dma_wait3A_80 : memref<10240x128xf32, #tpu.memory_space<vmem_shared>>)
      }
      %scan3A_12 = arith.constant 5 : i32
    } else {
    }
    %barrier3A_8 = arith.constant 0 : index
    tpu.barrier barrier_id(%barrier3A_8)
    "tpu.region"() ({
      %run_scoped3A = tpu.sem_alloc : memref<!tpu.dma_semaphore, #tpu.memory_space<semaphore_mem>>
      %dma_start3A = arith.constant 0 : i32
      %dma_start3A_9 = tpu.memref_slice %arg7[%arg0, %mul3A_0, %dma_start3A] : memref<2x10240x128xf32, #tpu.memory_space<hbm>> -> memref<1x640x128xf32, #tpu.memory_space<hbm>>
      %dma_start3A_10 = tpu.memref_squeeze %dma_start3A_9 : memref<1x640x128xf32, #tpu.memory_space<hbm>> -> memref<640x128xf32, #tpu.memory_space<hbm>>
      %dma_start3A_11 = arith.constant 0 : i32
      %dma_start3A_12 = tpu.memref_slice %arg12[%mul3A_0, %dma_start3A_11] : memref<10240x128xf32, #tpu.memory_space<vmem_shared>> -> memref<640x128xf32, #tpu.memory_space<vmem_shared>>
      tpu.enqueue_dma source(%dma_start3A_12 : memref<640x128xf32, #tpu.memory_space<vmem_shared>>) target(%dma_start3A_10 : memref<640x128xf32, #tpu.memory_space<hbm>>) target_semaphore(%run_scoped3A : memref<!tpu.dma_semaphore, #tpu.memory_space<semaphore_mem>>)
      %dma_wait3A = arith.constant 0 : i32
      %dma_wait3A_13 = tpu.memref_slice %arg7[%arg0, %mul3A_0, %dma_wait3A] : memref<2x10240x128xf32, #tpu.memory_space<hbm>> -> memref<1x640x128xf32, #tpu.memory_space<hbm>>
      %dma_wait3A_14 = tpu.memref_squeeze %dma_wait3A_13 : memref<1x640x128xf32, #tpu.memory_space<hbm>> -> memref<640x128xf32, #tpu.memory_space<hbm>>
      %dma_wait3A_15 = arith.constant 0 : i32
      %dma_wait3A_16 = tpu.memref_slice %arg12[%mul3A_0, %dma_wait3A_15] : memref<10240x128xf32, #tpu.memory_space<vmem_shared>> -> memref<640x128xf32, #tpu.memory_space<vmem_shared>>
      tpu.wait_dma2 semaphore(%run_scoped3A : memref<!tpu.dma_semaphore, #tpu.memory_space<semaphore_mem>>) src(%dma_wait3A_16 : memref<640x128xf32, #tpu.memory_space<vmem_shared>>) dst(%dma_wait3A_14 : memref<640x128xf32, #tpu.memory_space<hbm>>)
      tpu.yield
    }) : () -> ()
    return
  }
}

#map = affine_map<(d0, d1) -> (0, 0)>
#map1 = affine_map<(d0, d1) -> (0, 0, 0)>
module attributes {stable_mosaic.version = 14 : i64} {
  func.func @_edge_call(%arg0: i32, %arg1: i32, %arg2: memref<10000x128xf32, #tpu.memory_space<hbm>>, %arg3: memref<10000x128xf32, #tpu.memory_space<hbm>>, %arg4: memref<2560x128xi32, #tpu.memory_space<hbm>>, %arg5: memref<2560x128xi32, #tpu.memory_space<hbm>>, %arg6: memref<640x128xf32, #tpu.memory_space<hbm>>, %arg7: memref<2x10240x128xf32, #tpu.memory_space<hbm>>, %arg8: memref<32x128xi32, #tpu.memory_space<vmem>>, %arg9: memref<32x128xi32, #tpu.memory_space<vmem>>, %arg10: memref<128x128xf32, #tpu.memory_space<vmem>>, %arg11: memref<128x128xf32, #tpu.memory_space<vmem>>, %arg12: memref<10240x128xf32, #tpu.memory_space<vmem_shared>>, %arg13: memref<!tpu.dma_semaphore, #tpu.memory_space<semaphore_mem>>, %arg14: memref<!tpu.dma_semaphore, #tpu.memory_space<semaphore_mem>>, %arg15: memref<!tpu.dma_semaphore, #tpu.memory_space<semaphore_mem>>, %arg16: memref<!tpu.dma_semaphore, #tpu.memory_space<semaphore_mem>>) attributes {dimension_semantics = [#tpu.dimension_semantics<core_parallel>, #tpu.dimension_semantics<subcore_parallel>], iteration_bounds = array<i64: 2, 16>, scalar_prefetch = 0 : i64, scratch_operands = 9 : i64, tpu.core_type = #tpu.core_type<sc_vector_subcore>, window_params = [{transform_indices = #map}, {transform_indices = #map}, {transform_indices = #map}, {transform_indices = #map}, {transform_indices = #map}, {transform_indices = #map1}]} {
    %mul3A = arith.constant 640 : i32
    %mul3A_0 = arith.muli %arg1, %mul3A : i32
    "tpu.region"() ({
      %run_scoped3A = tpu.sem_alloc : memref<!tpu.dma_semaphore, #tpu.memory_space<semaphore_mem>>
      %dma_start3A = arith.constant 0 : i32
      %dma_start3A_9 = tpu.memref_slice %arg12[%mul3A_0, %dma_start3A] : memref<10240x128xf32, #tpu.memory_space<vmem_shared>> -> memref<640x128xf32, #tpu.memory_space<vmem_shared>>
      tpu.enqueue_dma source(%arg6 : memref<640x128xf32, #tpu.memory_space<hbm>>) target(%dma_start3A_9 : memref<640x128xf32, #tpu.memory_space<vmem_shared>>) target_semaphore(%run_scoped3A : memref<!tpu.dma_semaphore, #tpu.memory_space<semaphore_mem>>)
      %dma_wait3A = arith.constant 0 : i32
      %dma_wait3A_10 = tpu.memref_slice %arg12[%mul3A_0, %dma_wait3A] : memref<10240x128xf32, #tpu.memory_space<vmem_shared>> -> memref<640x128xf32, #tpu.memory_space<vmem_shared>>
      tpu.wait_dma2 semaphore(%run_scoped3A : memref<!tpu.dma_semaphore, #tpu.memory_space<semaphore_mem>>) src(%arg6 : memref<640x128xf32, #tpu.memory_space<hbm>>) dst(%dma_wait3A_10 : memref<640x128xf32, #tpu.memory_space<vmem_shared>>)
      tpu.yield
    }) : () -> ()
    %barrier3A = arith.constant 0 : index
    tpu.barrier barrier_id(%barrier3A)
    %eq3A = arith.constant 0 : i32
    %eq3A_1 = arith.cmpi eq, %arg0, %eq3A : i32
    %convert_element_type3A = arith.extui %eq3A_1 : i1 to i32
    %cond3A = arith.constant 0 : i32
    %cond3A_2 = arith.cmpi ne, %convert_element_type3A, %cond3A : i32
    scf.if %cond3A_2 {
      %scan3A = arith.constant 0 : i32
      %scan3A_9 = arith.constant 5 : i32
      %scan3A_10 = arith.addi %scan3A, %scan3A_9 : i32
      %scan3A_11 = arith.constant 1 : i32
      scf.for %scan3A_13 = %scan3A to %scan3A_10 step %scan3A_11  : i32 {
        %mul3A_14 = arith.constant 1 : i32
        %mul3A_15 = arith.muli %scan3A_13, %mul3A_14 : i32
        %add3A = arith.constant 0 : i32
        %add3A_16 = arith.addi %add3A, %mul3A_15 : i32
        %mul3A_17 = arith.constant 160 : i32
        %mul3A_18 = arith.muli %arg1, %mul3A_17 : i32
        %mul3A_19 = arith.constant 32 : i32
        %mul3A_20 = arith.muli %add3A_16, %mul3A_19 : i32
        %add3A_21 = arith.addi %mul3A_18, %mul3A_20 : i32
        "tpu.region"() ({
          %run_scoped3A = tpu.sem_alloc : memref<!tpu.dma_semaphore, #tpu.memory_space<semaphore_mem>>
          %dma_start3A_81 = arith.constant 0 : i32
          %dma_start3A_82 = tpu.memref_slice %arg4[%add3A_21, %dma_start3A_81] : memref<2560x128xi32, #tpu.memory_space<hbm>> -> memref<32x128xi32, #tpu.memory_space<hbm>>
          %dma_start3A_83 = arith.constant 0 : i32
          %dma_start3A_84 = tpu.memref_slice %arg4[%add3A_21, %dma_start3A_83] : memref<2560x128xi32, #tpu.memory_space<hbm>> -> memref<32x128xi32, #tpu.memory_space<hbm>>
          tpu.enqueue_dma source(%dma_start3A_84 : memref<32x128xi32, #tpu.memory_space<hbm>>) target(%arg8 : memref<32x128xi32, #tpu.memory_space<vmem>>) target_semaphore(%run_scoped3A : memref<!tpu.dma_semaphore, #tpu.memory_space<semaphore_mem>>)
          %dma_wait3A_85 = arith.constant 0 : i32
          %dma_wait3A_86 = tpu.memref_slice %arg4[%add3A_21, %dma_wait3A_85] : memref<2560x128xi32, #tpu.memory_space<hbm>> -> memref<32x128xi32, #tpu.memory_space<hbm>>
          %dma_wait3A_87 = arith.constant 0 : i32
          %dma_wait3A_88 = tpu.memref_slice %arg4[%add3A_21, %dma_wait3A_87] : memref<2560x128xi32, #tpu.memory_space<hbm>> -> memref<32x128xi32, #tpu.memory_space<hbm>>
          tpu.wait_dma2 semaphore(%run_scoped3A : memref<!tpu.dma_semaphore, #tpu.memory_space<semaphore_mem>>) src(%dma_wait3A_88 : memref<32x128xi32, #tpu.memory_space<hbm>>) dst(%arg8 : memref<32x128xi32, #tpu.memory_space<vmem>>)
          tpu.yield
        }) : () -> ()
        "tpu.region"() ({
          %run_scoped3A = tpu.sem_alloc : memref<!tpu.dma_semaphore, #tpu.memory_space<semaphore_mem>>
          %dma_start3A_81 = arith.constant 0 : i32
          %dma_start3A_82 = tpu.memref_slice %arg5[%add3A_21, %dma_start3A_81] : memref<2560x128xi32, #tpu.memory_space<hbm>> -> memref<32x128xi32, #tpu.memory_space<hbm>>
          %dma_start3A_83 = arith.constant 0 : i32
          %dma_start3A_84 = tpu.memref_slice %arg5[%add3A_21, %dma_start3A_83] : memref<2560x128xi32, #tpu.memory_space<hbm>> -> memref<32x128xi32, #tpu.memory_space<hbm>>
          tpu.enqueue_dma source(%dma_start3A_84 : memref<32x128xi32, #tpu.memory_space<hbm>>) target(%arg9 : memref<32x128xi32, #tpu.memory_space<vmem>>) target_semaphore(%run_scoped3A : memref<!tpu.dma_semaphore, #tpu.memory_space<semaphore_mem>>)
          %dma_wait3A_85 = arith.constant 0 : i32
          %dma_wait3A_86 = tpu.memref_slice %arg5[%add3A_21, %dma_wait3A_85] : memref<2560x128xi32, #tpu.memory_space<hbm>> -> memref<32x128xi32, #tpu.memory_space<hbm>>
          %dma_wait3A_87 = arith.constant 0 : i32
          %dma_wait3A_88 = tpu.memref_slice %arg5[%add3A_21, %dma_wait3A_87] : memref<2560x128xi32, #tpu.memory_space<hbm>> -> memref<32x128xi32, #tpu.memory_space<hbm>>
          tpu.wait_dma2 semaphore(%run_scoped3A : memref<!tpu.dma_semaphore, #tpu.memory_space<semaphore_mem>>) src(%dma_wait3A_88 : memref<32x128xi32, #tpu.memory_space<hbm>>) dst(%arg9 : memref<32x128xi32, #tpu.memory_space<vmem>>)
          tpu.yield
        }) : () -> ()
        %dma_start3A = arith.constant 0 : i32
        %dma_start3A_22 = arith.constant 0 : i32
        %dma_start3A_23 = tpu.memref_slice %arg8[%dma_start3A, %dma_start3A_22] : memref<32x128xi32, #tpu.memory_space<vmem>> -> memref<1x128xi32, #tpu.memory_space<vmem>>
        %dma_start3A_24 = tpu.memref_squeeze %dma_start3A_23 : memref<1x128xi32, #tpu.memory_space<vmem>> -> memref<128xi32, #tpu.memory_space<vmem>>
        %dma_start3A_25 = arith.constant 0 : i32
        %dma_start3A_26 = arith.constant 0 : i32
        %dma_start3A_27 = tpu.memref_slice %arg2[%dma_start3A_25, %dma_start3A_26] : memref<10000x128xf32, #tpu.memory_space<hbm>> -> memref<10000x128xf32, #tpu.memory_space<hbm>>
        tpu.enqueue_indirect_dma source(%dma_start3A_27 : memref<10000x128xf32, #tpu.memory_space<hbm>>) target(%arg10 : memref<128x128xf32, #tpu.memory_space<vmem>>) offsets(%dma_start3A_24 : memref<128xi32, #tpu.memory_space<vmem>>) semaphore(%arg13 : memref<!tpu.dma_semaphore, #tpu.memory_space<semaphore_mem>>)
        %dma_start3A_28 = arith.constant 1 : i32
        %dma_start3A_29 = arith.constant 0 : i32
        %dma_start3A_30 = tpu.memref_slice %arg8[%dma_start3A_28, %dma_start3A_29] : memref<32x128xi32, #tpu.memory_space<vmem>> -> memref<1x128xi32, #tpu.memory_space<vmem>>
        %dma_start3A_31 = tpu.memref_squeeze %dma_start3A_30 : memref<1x128xi32, #tpu.memory_space<vmem>> -> memref<128xi32, #tpu.memory_space<vmem>>
        %dma_start3A_32 = arith.constant 0 : i32
        %dma_start3A_33 = arith.constant 0 : i32
        %dma_start3A_34 = tpu.memref_slice %arg2[%dma_start3A_32, %dma_start3A_33] : memref<10000x128xf32, #tpu.memory_space<hbm>> -> memref<10000x128xf32, #tpu.memory_space<hbm>>
        tpu.enqueue_indirect_dma source(%dma_start3A_34 : memref<10000x128xf32, #tpu.memory_space<hbm>>) target(%arg11 : memref<128x128xf32, #tpu.memory_space<vmem>>) offsets(%dma_start3A_31 : memref<128xi32, #tpu.memory_space<vmem>>) semaphore(%arg14 : memref<!tpu.dma_semaphore, #tpu.memory_space<semaphore_mem>>)
        %dma_wait3A = arith.constant 0 : i32
        %dma_wait3A_35 = arith.constant 0 : i32
        %dma_wait3A_36 = tpu.memref_slice %arg8[%dma_wait3A, %dma_wait3A_35] : memref<32x128xi32, #tpu.memory_space<vmem>> -> memref<1x128xi32, #tpu.memory_space<vmem>>
        %dma_wait3A_37 = tpu.memref_squeeze %dma_wait3A_36 : memref<1x128xi32, #tpu.memory_space<vmem>> -> memref<128xi32, #tpu.memory_space<vmem>>
        %dma_wait3A_38 = arith.constant 0 : i32
        %dma_wait3A_39 = arith.constant 0 : i32
        %dma_wait3A_40 = tpu.memref_slice %arg2[%dma_wait3A_38, %dma_wait3A_39] : memref<10000x128xf32, #tpu.memory_space<hbm>> -> memref<10000x128xf32, #tpu.memory_space<hbm>>
        tpu.wait_indirect_dma semaphore(%arg13 : memref<!tpu.dma_semaphore, #tpu.memory_space<semaphore_mem>>) src(%dma_wait3A_40 : memref<10000x128xf32, #tpu.memory_space<hbm>>) dst(%arg10 : memref<128x128xf32, #tpu.memory_space<vmem>>)
        %dma_start3A_41 = arith.constant 0 : i32
        %dma_start3A_42 = arith.constant 0 : i32
        %dma_start3A_43 = tpu.memref_slice %arg9[%dma_start3A_41, %dma_start3A_42] : memref<32x128xi32, #tpu.memory_space<vmem>> -> memref<1x128xi32, #tpu.memory_space<vmem>>
        %dma_start3A_44 = tpu.memref_squeeze %dma_start3A_43 : memref<1x128xi32, #tpu.memory_space<vmem>> -> memref<128xi32, #tpu.memory_space<vmem>>
        %dma_start3A_45 = arith.constant 0 : i32
        %dma_start3A_46 = arith.constant 0 : i32
        %dma_start3A_47 = tpu.memref_slice %arg12[%dma_start3A_45, %dma_start3A_46] : memref<10240x128xf32, #tpu.memory_space<vmem_shared>> -> memref<10240x128xf32, #tpu.memory_space<vmem_shared>>
        tpu.enqueue_indirect_dma source(%arg10 : memref<128x128xf32, #tpu.memory_space<vmem>>) target(%dma_start3A_47 : memref<10240x128xf32, #tpu.memory_space<vmem_shared>>) offsets(%dma_start3A_44 : memref<128xi32, #tpu.memory_space<vmem>>) semaphore(%arg15 : memref<!tpu.dma_semaphore, #tpu.memory_space<semaphore_mem>>) {add = true}
        %dma_wait3A_48 = arith.constant 1 : i32
        %dma_wait3A_49 = arith.constant 0 : i32
        %dma_wait3A_50 = tpu.memref_slice %arg8[%dma_wait3A_48, %dma_wait3A_49] : memref<32x128xi32, #tpu.memory_space<vmem>> -> memref<1x128xi32, #tpu.memory_space<vmem>>
        %dma_wait3A_51 = tpu.memref_squeeze %dma_wait3A_50 : memref<1x128xi32, #tpu.memory_space<vmem>> -> memref<128xi32, #tpu.memory_space<vmem>>
        %dma_wait3A_52 = arith.constant 0 : i32
        %dma_wait3A_53 = arith.constant 0 : i32
        %dma_wait3A_54 = tpu.memref_slice %arg2[%dma_wait3A_52, %dma_wait3A_53] : memref<10000x128xf32, #tpu.memory_space<hbm>> -> memref<10000x128xf32, #tpu.memory_space<hbm>>
        tpu.wait_indirect_dma semaphore(%arg14 : memref<!tpu.dma_semaphore, #tpu.memory_space<semaphore_mem>>) src(%dma_wait3A_54 : memref<10000x128xf32, #tpu.memory_space<hbm>>) dst(%arg11 : memref<128x128xf32, #tpu.memory_space<vmem>>)
        %dma_start3A_55 = arith.constant 1 : i32
        %dma_start3A_56 = arith.constant 0 : i32
        %dma_start3A_57 = tpu.memref_slice %arg9[%dma_start3A_55, %dma_start3A_56] : memref<32x128xi32, #tpu.memory_space<vmem>> -> memref<1x128xi32, #tpu.memory_space<vmem>>
        %dma_start3A_58 = tpu.memref_squeeze %dma_start3A_57 : memref<1x128xi32, #tpu.memory_space<vmem>> -> memref<128xi32, #tpu.memory_space<vmem>>
        %dma_start3A_59 = arith.constant 0 : i32
        %dma_start3A_60 = arith.constant 0 : i32
        %dma_start3A_61 = tpu.memref_slice %arg12[%dma_start3A_59, %dma_start3A_60] : memref<10240x128xf32, #tpu.memory_space<vmem_shared>> -> memref<10240x128xf32, #tpu.memory_space<vmem_shared>>
        tpu.enqueue_indirect_dma source(%arg11 : memref<128x128xf32, #tpu.memory_space<vmem>>) target(%dma_start3A_61 : memref<10240x128xf32, #tpu.memory_space<vmem_shared>>) offsets(%dma_start3A_58 : memref<128xi32, #tpu.memory_space<vmem>>) semaphore(%arg16 : memref<!tpu.dma_semaphore, #tpu.memory_space<semaphore_mem>>) {add = true}
        %scan3A_62 = arith.constant 0 : i32
        %scan3A_63 = arith.constant 15 : i32
        %scan3A_64 = arith.addi %scan3A_62, %scan3A_63 : i32
        %scan3A_65 = arith.constant 1 : i32
        scf.for %scan3A_81 = %scan3A_62 to %scan3A_64 step %scan3A_65  : i32 {
          %mul3A_82 = arith.constant 1 : i32
          %mul3A_83 = arith.muli %scan3A_81, %mul3A_82 : i32
          %add3A_84 = arith.constant 0 : i32
          %add3A_85 = arith.addi %add3A_84, %mul3A_83 : i32
          %mul3A_86 = arith.constant 2 : i32
          %mul3A_87 = arith.muli %mul3A_86, %add3A_85 : i32
          %add3A_88 = arith.constant 2 : i32
          %add3A_89 = arith.addi %mul3A_87, %add3A_88 : i32
          %sub3A = arith.constant 2 : i32
          %sub3A_90 = arith.subi %add3A_89, %sub3A : i32
          %dma_wait3A_91 = arith.constant 0 : i32
          %dma_wait3A_92 = tpu.memref_slice %arg9[%sub3A_90, %dma_wait3A_91] : memref<32x128xi32, #tpu.memory_space<vmem>> -> memref<1x128xi32, #tpu.memory_space<vmem>>
          %dma_wait3A_93 = tpu.memref_squeeze %dma_wait3A_92 : memref<1x128xi32, #tpu.memory_space<vmem>> -> memref<128xi32, #tpu.memory_space<vmem>>
          %dma_wait3A_94 = arith.constant 0 : i32
          %dma_wait3A_95 = arith.constant 0 : i32
          %dma_wait3A_96 = tpu.memref_slice %arg12[%dma_wait3A_94, %dma_wait3A_95] : memref<10240x128xf32, #tpu.memory_space<vmem_shared>> -> memref<10240x128xf32, #tpu.memory_space<vmem_shared>>
          tpu.wait_indirect_dma semaphore(%arg15 : memref<!tpu.dma_semaphore, #tpu.memory_space<semaphore_mem>>) src(%arg10 : memref<128x128xf32, #tpu.memory_space<vmem>>) dst(%dma_wait3A_96 : memref<10240x128xf32, #tpu.memory_space<vmem_shared>>)
          %dma_start3A_97 = arith.constant 0 : i32
          %dma_start3A_98 = tpu.memref_slice %arg8[%add3A_89, %dma_start3A_97] : memref<32x128xi32, #tpu.memory_space<vmem>> -> memref<1x128xi32, #tpu.memory_space<vmem>>
          %dma_start3A_99 = tpu.memref_squeeze %dma_start3A_98 : memref<1x128xi32, #tpu.memory_space<vmem>> -> memref<128xi32, #tpu.memory_space<vmem>>
          %dma_start3A_100 = arith.constant 0 : i32
          %dma_start3A_101 = arith.constant 0 : i32
          %dma_start3A_102 = tpu.memref_slice %arg2[%dma_start3A_100, %dma_start3A_101] : memref<10000x128xf32, #tpu.memory_space<hbm>> -> memref<10000x128xf32, #tpu.memory_space<hbm>>
          tpu.enqueue_indirect_dma source(%dma_start3A_102 : memref<10000x128xf32, #tpu.memory_space<hbm>>) target(%arg10 : memref<128x128xf32, #tpu.memory_space<vmem>>) offsets(%dma_start3A_99 : memref<128xi32, #tpu.memory_space<vmem>>) semaphore(%arg13 : memref<!tpu.dma_semaphore, #tpu.memory_space<semaphore_mem>>)
          %dma_wait3A_103 = arith.constant 0 : i32
          %dma_wait3A_104 = tpu.memref_slice %arg8[%add3A_89, %dma_wait3A_103] : memref<32x128xi32, #tpu.memory_space<vmem>> -> memref<1x128xi32, #tpu.memory_space<vmem>>
          %dma_wait3A_105 = tpu.memref_squeeze %dma_wait3A_104 : memref<1x128xi32, #tpu.memory_space<vmem>> -> memref<128xi32, #tpu.memory_space<vmem>>
          %dma_wait3A_106 = arith.constant 0 : i32
          %dma_wait3A_107 = arith.constant 0 : i32
          %dma_wait3A_108 = tpu.memref_slice %arg2[%dma_wait3A_106, %dma_wait3A_107] : memref<10000x128xf32, #tpu.memory_space<hbm>> -> memref<10000x128xf32, #tpu.memory_space<hbm>>
          tpu.wait_indirect_dma semaphore(%arg13 : memref<!tpu.dma_semaphore, #tpu.memory_space<semaphore_mem>>) src(%dma_wait3A_108 : memref<10000x128xf32, #tpu.memory_space<hbm>>) dst(%arg10 : memref<128x128xf32, #tpu.memory_space<vmem>>)
          %dma_start3A_109 = arith.constant 0 : i32
          %dma_start3A_110 = tpu.memref_slice %arg9[%add3A_89, %dma_start3A_109] : memref<32x128xi32, #tpu.memory_space<vmem>> -> memref<1x128xi32, #tpu.memory_space<vmem>>
          %dma_start3A_111 = tpu.memref_squeeze %dma_start3A_110 : memref<1x128xi32, #tpu.memory_space<vmem>> -> memref<128xi32, #tpu.memory_space<vmem>>
          %dma_start3A_112 = arith.constant 0 : i32
          %dma_start3A_113 = arith.constant 0 : i32
          %dma_start3A_114 = tpu.memref_slice %arg12[%dma_start3A_112, %dma_start3A_113] : memref<10240x128xf32, #tpu.memory_space<vmem_shared>> -> memref<10240x128xf32, #tpu.memory_space<vmem_shared>>
          tpu.enqueue_indirect_dma source(%arg10 : memref<128x128xf32, #tpu.memory_space<vmem>>) target(%dma_start3A_114 : memref<10240x128xf32, #tpu.memory_space<vmem_shared>>) offsets(%dma_start3A_111 : memref<128xi32, #tpu.memory_space<vmem>>) semaphore(%arg15 : memref<!tpu.dma_semaphore, #tpu.memory_space<semaphore_mem>>) {add = true}
          %sub3A_115 = arith.constant 1 : i32
          %sub3A_116 = arith.subi %add3A_89, %sub3A_115 : i32
          %dma_wait3A_117 = arith.constant 0 : i32
          %dma_wait3A_118 = tpu.memref_slice %arg9[%sub3A_116, %dma_wait3A_117] : memref<32x128xi32, #tpu.memory_space<vmem>> -> memref<1x128xi32, #tpu.memory_space<vmem>>
          %dma_wait3A_119 = tpu.memref_squeeze %dma_wait3A_118 : memref<1x128xi32, #tpu.memory_space<vmem>> -> memref<128xi32, #tpu.memory_space<vmem>>
          %dma_wait3A_120 = arith.constant 0 : i32
          %dma_wait3A_121 = arith.constant 0 : i32
          %dma_wait3A_122 = tpu.memref_slice %arg12[%dma_wait3A_120, %dma_wait3A_121] : memref<10240x128xf32, #tpu.memory_space<vmem_shared>> -> memref<10240x128xf32, #tpu.memory_space<vmem_shared>>
          tpu.wait_indirect_dma semaphore(%arg16 : memref<!tpu.dma_semaphore, #tpu.memory_space<semaphore_mem>>) src(%arg11 : memref<128x128xf32, #tpu.memory_space<vmem>>) dst(%dma_wait3A_122 : memref<10240x128xf32, #tpu.memory_space<vmem_shared>>)
          %add3A_123 = arith.constant 1 : i32
          %add3A_124 = arith.addi %add3A_89, %add3A_123 : i32
          %dma_start3A_125 = arith.constant 0 : i32
          %dma_start3A_126 = tpu.memref_slice %arg8[%add3A_124, %dma_start3A_125] : memref<32x128xi32, #tpu.memory_space<vmem>> -> memref<1x128xi32, #tpu.memory_space<vmem>>
          %dma_start3A_127 = tpu.memref_squeeze %dma_start3A_126 : memref<1x128xi32, #tpu.memory_space<vmem>> -> memref<128xi32, #tpu.memory_space<vmem>>
          %dma_start3A_128 = arith.constant 0 : i32
          %dma_start3A_129 = arith.constant 0 : i32
          %dma_start3A_130 = tpu.memref_slice %arg2[%dma_start3A_128, %dma_start3A_129] : memref<10000x128xf32, #tpu.memory_space<hbm>> -> memref<10000x128xf32, #tpu.memory_space<hbm>>
          tpu.enqueue_indirect_dma source(%dma_start3A_130 : memref<10000x128xf32, #tpu.memory_space<hbm>>) target(%arg11 : memref<128x128xf32, #tpu.memory_space<vmem>>) offsets(%dma_start3A_127 : memref<128xi32, #tpu.memory_space<vmem>>) semaphore(%arg14 : memref<!tpu.dma_semaphore, #tpu.memory_space<semaphore_mem>>)
          %add3A_131 = arith.constant 1 : i32
          %add3A_132 = arith.addi %add3A_89, %add3A_131 : i32
          %dma_wait3A_133 = arith.constant 0 : i32
          %dma_wait3A_134 = tpu.memref_slice %arg8[%add3A_132, %dma_wait3A_133] : memref<32x128xi32, #tpu.memory_space<vmem>> -> memref<1x128xi32, #tpu.memory_space<vmem>>
          %dma_wait3A_135 = tpu.memref_squeeze %dma_wait3A_134 : memref<1x128xi32, #tpu.memory_space<vmem>> -> memref<128xi32, #tpu.memory_space<vmem>>
          %dma_wait3A_136 = arith.constant 0 : i32
          %dma_wait3A_137 = arith.constant 0 : i32
          %dma_wait3A_138 = tpu.memref_slice %arg2[%dma_wait3A_136, %dma_wait3A_137] : memref<10000x128xf32, #tpu.memory_space<hbm>> -> memref<10000x128xf32, #tpu.memory_space<hbm>>
          tpu.wait_indirect_dma semaphore(%arg14 : memref<!tpu.dma_semaphore, #tpu.memory_space<semaphore_mem>>) src(%dma_wait3A_138 : memref<10000x128xf32, #tpu.memory_space<hbm>>) dst(%arg11 : memref<128x128xf32, #tpu.memory_space<vmem>>)
          %add3A_139 = arith.constant 1 : i32
          %add3A_140 = arith.addi %add3A_89, %add3A_139 : i32
          %dma_start3A_141 = arith.constant 0 : i32
          %dma_start3A_142 = tpu.memref_slice %arg9[%add3A_140, %dma_start3A_141] : memref<32x128xi32, #tpu.memory_space<vmem>> -> memref<1x128xi32, #tpu.memory_space<vmem>>
          %dma_start3A_143 = tpu.memref_squeeze %dma_start3A_142 : memref<1x128xi32, #tpu.memory_space<vmem>> -> memref<128xi32, #tpu.memory_space<vmem>>
          %dma_start3A_144 = arith.constant 0 : i32
          %dma_start3A_145 = arith.constant 0 : i32
          %dma_start3A_146 = tpu.memref_slice %arg12[%dma_start3A_144, %dma_start3A_145] : memref<10240x128xf32, #tpu.memory_space<vmem_shared>> -> memref<10240x128xf32, #tpu.memory_space<vmem_shared>>
          tpu.enqueue_indirect_dma source(%arg11 : memref<128x128xf32, #tpu.memory_space<vmem>>) target(%dma_start3A_146 : memref<10240x128xf32, #tpu.memory_space<vmem_shared>>) offsets(%dma_start3A_143 : memref<128xi32, #tpu.memory_space<vmem>>) semaphore(%arg16 : memref<!tpu.dma_semaphore, #tpu.memory_space<semaphore_mem>>) {add = true}
        }
        %scan3A_66 = arith.constant 15 : i32
        %dma_wait3A_67 = arith.constant 30 : i32
        %dma_wait3A_68 = arith.constant 0 : i32
        %dma_wait3A_69 = tpu.memref_slice %arg9[%dma_wait3A_67, %dma_wait3A_68] : memref<32x128xi32, #tpu.memory_space<vmem>> -> memref<1x128xi32, #tpu.memory_space<vmem>>
        %dma_wait3A_70 = tpu.memref_squeeze %dma_wait3A_69 : memref<1x128xi32, #tpu.memory_space<vmem>> -> memref<128xi32, #tpu.memory_space<vmem>>
        %dma_wait3A_71 = arith.constant 0 : i32
        %dma_wait3A_72 = arith.constant 0 : i32
        %dma_wait3A_73 = tpu.memref_slice %arg12[%dma_wait3A_71, %dma_wait3A_72] : memref<10240x128xf32, #tpu.memory_space<vmem_shared>> -> memref<10240x128xf32, #tpu.memory_space<vmem_shared>>
        tpu.wait_indirect_dma semaphore(%arg15 : memref<!tpu.dma_semaphore, #tpu.memory_space<semaphore_mem>>) src(%arg10 : memref<128x128xf32, #tpu.memory_space<vmem>>) dst(%dma_wait3A_73 : memref<10240x128xf32, #tpu.memory_space<vmem_shared>>)
        %dma_wait3A_74 = arith.constant 31 : i32
        %dma_wait3A_75 = arith.constant 0 : i32
        %dma_wait3A_76 = tpu.memref_slice %arg9[%dma_wait3A_74, %dma_wait3A_75] : memref<32x128xi32, #tpu.memory_space<vmem>> -> memref<1x128xi32, #tpu.memory_space<vmem>>
        %dma_wait3A_77 = tpu.memref_squeeze %dma_wait3A_76 : memref<1x128xi32, #tpu.memory_space<vmem>> -> memref<128xi32, #tpu.memory_space<vmem>>
        %dma_wait3A_78 = arith.constant 0 : i32
        %dma_wait3A_79 = arith.constant 0 : i32
        %dma_wait3A_80 = tpu.memref_slice %arg12[%dma_wait3A_78, %dma_wait3A_79] : memref<10240x128xf32, #tpu.memory_space<vmem_shared>> -> memref<10240x128xf32, #tpu.memory_space<vmem_shared>>
        tpu.wait_indirect_dma semaphore(%arg16 : memref<!tpu.dma_semaphore, #tpu.memory_space<semaphore_mem>>) src(%arg11 : memref<128x128xf32, #tpu.memory_space<vmem>>) dst(%dma_wait3A_80 : memref<10240x128xf32, #tpu.memory_space<vmem_shared>>)
      }
      %scan3A_12 = arith.constant 5 : i32
    } else {
    }
    %eq3A_3 = arith.constant 1 : i32
    %eq3A_4 = arith.cmpi eq, %arg0, %eq3A_3 : i32
    %convert_element_type3A_5 = arith.extui %eq3A_4 : i1 to i32
    %cond3A_6 = arith.constant 0 : i32
    %cond3A_7 = arith.cmpi ne, %convert_element_type3A_5, %cond3A_6 : i32
    scf.if %cond3A_7 {
      %scan3A = arith.constant 0 : i32
      %scan3A_9 = arith.constant 5 : i32
      %scan3A_10 = arith.addi %scan3A, %scan3A_9 : i32
      %scan3A_11 = arith.constant 1 : i32
      scf.for %scan3A_13 = %scan3A to %scan3A_10 step %scan3A_11  : i32 {
        %mul3A_14 = arith.constant 1 : i32
        %mul3A_15 = arith.muli %scan3A_13, %mul3A_14 : i32
        %add3A = arith.constant 0 : i32
        %add3A_16 = arith.addi %add3A, %mul3A_15 : i32
        %mul3A_17 = arith.constant 160 : i32
        %mul3A_18 = arith.muli %arg1, %mul3A_17 : i32
        %mul3A_19 = arith.constant 32 : i32
        %mul3A_20 = arith.muli %add3A_16, %mul3A_19 : i32
        %add3A_21 = arith.addi %mul3A_18, %mul3A_20 : i32
        "tpu.region"() ({
          %run_scoped3A = tpu.sem_alloc : memref<!tpu.dma_semaphore, #tpu.memory_space<semaphore_mem>>
          %dma_start3A_81 = arith.constant 0 : i32
          %dma_start3A_82 = tpu.memref_slice %arg4[%add3A_21, %dma_start3A_81] : memref<2560x128xi32, #tpu.memory_space<hbm>> -> memref<32x128xi32, #tpu.memory_space<hbm>>
          %dma_start3A_83 = arith.constant 0 : i32
          %dma_start3A_84 = tpu.memref_slice %arg4[%add3A_21, %dma_start3A_83] : memref<2560x128xi32, #tpu.memory_space<hbm>> -> memref<32x128xi32, #tpu.memory_space<hbm>>
          tpu.enqueue_dma source(%dma_start3A_84 : memref<32x128xi32, #tpu.memory_space<hbm>>) target(%arg8 : memref<32x128xi32, #tpu.memory_space<vmem>>) target_semaphore(%run_scoped3A : memref<!tpu.dma_semaphore, #tpu.memory_space<semaphore_mem>>)
          %dma_wait3A_85 = arith.constant 0 : i32
          %dma_wait3A_86 = tpu.memref_slice %arg4[%add3A_21, %dma_wait3A_85] : memref<2560x128xi32, #tpu.memory_space<hbm>> -> memref<32x128xi32, #tpu.memory_space<hbm>>
          %dma_wait3A_87 = arith.constant 0 : i32
          %dma_wait3A_88 = tpu.memref_slice %arg4[%add3A_21, %dma_wait3A_87] : memref<2560x128xi32, #tpu.memory_space<hbm>> -> memref<32x128xi32, #tpu.memory_space<hbm>>
          tpu.wait_dma2 semaphore(%run_scoped3A : memref<!tpu.dma_semaphore, #tpu.memory_space<semaphore_mem>>) src(%dma_wait3A_88 : memref<32x128xi32, #tpu.memory_space<hbm>>) dst(%arg8 : memref<32x128xi32, #tpu.memory_space<vmem>>)
          tpu.yield
        }) : () -> ()
        "tpu.region"() ({
          %run_scoped3A = tpu.sem_alloc : memref<!tpu.dma_semaphore, #tpu.memory_space<semaphore_mem>>
          %dma_start3A_81 = arith.constant 0 : i32
          %dma_start3A_82 = tpu.memref_slice %arg5[%add3A_21, %dma_start3A_81] : memref<2560x128xi32, #tpu.memory_space<hbm>> -> memref<32x128xi32, #tpu.memory_space<hbm>>
          %dma_start3A_83 = arith.constant 0 : i32
          %dma_start3A_84 = tpu.memref_slice %arg5[%add3A_21, %dma_start3A_83] : memref<2560x128xi32, #tpu.memory_space<hbm>> -> memref<32x128xi32, #tpu.memory_space<hbm>>
          tpu.enqueue_dma source(%dma_start3A_84 : memref<32x128xi32, #tpu.memory_space<hbm>>) target(%arg9 : memref<32x128xi32, #tpu.memory_space<vmem>>) target_semaphore(%run_scoped3A : memref<!tpu.dma_semaphore, #tpu.memory_space<semaphore_mem>>)
          %dma_wait3A_85 = arith.constant 0 : i32
          %dma_wait3A_86 = tpu.memref_slice %arg5[%add3A_21, %dma_wait3A_85] : memref<2560x128xi32, #tpu.memory_space<hbm>> -> memref<32x128xi32, #tpu.memory_space<hbm>>
          %dma_wait3A_87 = arith.constant 0 : i32
          %dma_wait3A_88 = tpu.memref_slice %arg5[%add3A_21, %dma_wait3A_87] : memref<2560x128xi32, #tpu.memory_space<hbm>> -> memref<32x128xi32, #tpu.memory_space<hbm>>
          tpu.wait_dma2 semaphore(%run_scoped3A : memref<!tpu.dma_semaphore, #tpu.memory_space<semaphore_mem>>) src(%dma_wait3A_88 : memref<32x128xi32, #tpu.memory_space<hbm>>) dst(%arg9 : memref<32x128xi32, #tpu.memory_space<vmem>>)
          tpu.yield
        }) : () -> ()
        %dma_start3A = arith.constant 0 : i32
        %dma_start3A_22 = arith.constant 0 : i32
        %dma_start3A_23 = tpu.memref_slice %arg8[%dma_start3A, %dma_start3A_22] : memref<32x128xi32, #tpu.memory_space<vmem>> -> memref<1x128xi32, #tpu.memory_space<vmem>>
        %dma_start3A_24 = tpu.memref_squeeze %dma_start3A_23 : memref<1x128xi32, #tpu.memory_space<vmem>> -> memref<128xi32, #tpu.memory_space<vmem>>
        %dma_start3A_25 = arith.constant 0 : i32
        %dma_start3A_26 = arith.constant 0 : i32
        %dma_start3A_27 = tpu.memref_slice %arg3[%dma_start3A_25, %dma_start3A_26] : memref<10000x128xf32, #tpu.memory_space<hbm>> -> memref<10000x128xf32, #tpu.memory_space<hbm>>
        tpu.enqueue_indirect_dma source(%dma_start3A_27 : memref<10000x128xf32, #tpu.memory_space<hbm>>) target(%arg10 : memref<128x128xf32, #tpu.memory_space<vmem>>) offsets(%dma_start3A_24 : memref<128xi32, #tpu.memory_space<vmem>>) semaphore(%arg13 : memref<!tpu.dma_semaphore, #tpu.memory_space<semaphore_mem>>)
        %dma_start3A_28 = arith.constant 1 : i32
        %dma_start3A_29 = arith.constant 0 : i32
        %dma_start3A_30 = tpu.memref_slice %arg8[%dma_start3A_28, %dma_start3A_29] : memref<32x128xi32, #tpu.memory_space<vmem>> -> memref<1x128xi32, #tpu.memory_space<vmem>>
        %dma_start3A_31 = tpu.memref_squeeze %dma_start3A_30 : memref<1x128xi32, #tpu.memory_space<vmem>> -> memref<128xi32, #tpu.memory_space<vmem>>
        %dma_start3A_32 = arith.constant 0 : i32
        %dma_start3A_33 = arith.constant 0 : i32
        %dma_start3A_34 = tpu.memref_slice %arg3[%dma_start3A_32, %dma_start3A_33] : memref<10000x128xf32, #tpu.memory_space<hbm>> -> memref<10000x128xf32, #tpu.memory_space<hbm>>
        tpu.enqueue_indirect_dma source(%dma_start3A_34 : memref<10000x128xf32, #tpu.memory_space<hbm>>) target(%arg11 : memref<128x128xf32, #tpu.memory_space<vmem>>) offsets(%dma_start3A_31 : memref<128xi32, #tpu.memory_space<vmem>>) semaphore(%arg14 : memref<!tpu.dma_semaphore, #tpu.memory_space<semaphore_mem>>)
        %dma_wait3A = arith.constant 0 : i32
        %dma_wait3A_35 = arith.constant 0 : i32
        %dma_wait3A_36 = tpu.memref_slice %arg8[%dma_wait3A, %dma_wait3A_35] : memref<32x128xi32, #tpu.memory_space<vmem>> -> memref<1x128xi32, #tpu.memory_space<vmem>>
        %dma_wait3A_37 = tpu.memref_squeeze %dma_wait3A_36 : memref<1x128xi32, #tpu.memory_space<vmem>> -> memref<128xi32, #tpu.memory_space<vmem>>
        %dma_wait3A_38 = arith.constant 0 : i32
        %dma_wait3A_39 = arith.constant 0 : i32
        %dma_wait3A_40 = tpu.memref_slice %arg3[%dma_wait3A_38, %dma_wait3A_39] : memref<10000x128xf32, #tpu.memory_space<hbm>> -> memref<10000x128xf32, #tpu.memory_space<hbm>>
        tpu.wait_indirect_dma semaphore(%arg13 : memref<!tpu.dma_semaphore, #tpu.memory_space<semaphore_mem>>) src(%dma_wait3A_40 : memref<10000x128xf32, #tpu.memory_space<hbm>>) dst(%arg10 : memref<128x128xf32, #tpu.memory_space<vmem>>)
        %dma_start3A_41 = arith.constant 0 : i32
        %dma_start3A_42 = arith.constant 0 : i32
        %dma_start3A_43 = tpu.memref_slice %arg9[%dma_start3A_41, %dma_start3A_42] : memref<32x128xi32, #tpu.memory_space<vmem>> -> memref<1x128xi32, #tpu.memory_space<vmem>>
        %dma_start3A_44 = tpu.memref_squeeze %dma_start3A_43 : memref<1x128xi32, #tpu.memory_space<vmem>> -> memref<128xi32, #tpu.memory_space<vmem>>
        %dma_start3A_45 = arith.constant 0 : i32
        %dma_start3A_46 = arith.constant 0 : i32
        %dma_start3A_47 = tpu.memref_slice %arg12[%dma_start3A_45, %dma_start3A_46] : memref<10240x128xf32, #tpu.memory_space<vmem_shared>> -> memref<10240x128xf32, #tpu.memory_space<vmem_shared>>
        tpu.enqueue_indirect_dma source(%arg10 : memref<128x128xf32, #tpu.memory_space<vmem>>) target(%dma_start3A_47 : memref<10240x128xf32, #tpu.memory_space<vmem_shared>>) offsets(%dma_start3A_44 : memref<128xi32, #tpu.memory_space<vmem>>) semaphore(%arg15 : memref<!tpu.dma_semaphore, #tpu.memory_space<semaphore_mem>>) {add = true}
        %dma_wait3A_48 = arith.constant 1 : i32
        %dma_wait3A_49 = arith.constant 0 : i32
        %dma_wait3A_50 = tpu.memref_slice %arg8[%dma_wait3A_48, %dma_wait3A_49] : memref<32x128xi32, #tpu.memory_space<vmem>> -> memref<1x128xi32, #tpu.memory_space<vmem>>
        %dma_wait3A_51 = tpu.memref_squeeze %dma_wait3A_50 : memref<1x128xi32, #tpu.memory_space<vmem>> -> memref<128xi32, #tpu.memory_space<vmem>>
        %dma_wait3A_52 = arith.constant 0 : i32
        %dma_wait3A_53 = arith.constant 0 : i32
        %dma_wait3A_54 = tpu.memref_slice %arg3[%dma_wait3A_52, %dma_wait3A_53] : memref<10000x128xf32, #tpu.memory_space<hbm>> -> memref<10000x128xf32, #tpu.memory_space<hbm>>
        tpu.wait_indirect_dma semaphore(%arg14 : memref<!tpu.dma_semaphore, #tpu.memory_space<semaphore_mem>>) src(%dma_wait3A_54 : memref<10000x128xf32, #tpu.memory_space<hbm>>) dst(%arg11 : memref<128x128xf32, #tpu.memory_space<vmem>>)
        %dma_start3A_55 = arith.constant 1 : i32
        %dma_start3A_56 = arith.constant 0 : i32
        %dma_start3A_57 = tpu.memref_slice %arg9[%dma_start3A_55, %dma_start3A_56] : memref<32x128xi32, #tpu.memory_space<vmem>> -> memref<1x128xi32, #tpu.memory_space<vmem>>
        %dma_start3A_58 = tpu.memref_squeeze %dma_start3A_57 : memref<1x128xi32, #tpu.memory_space<vmem>> -> memref<128xi32, #tpu.memory_space<vmem>>
        %dma_start3A_59 = arith.constant 0 : i32
        %dma_start3A_60 = arith.constant 0 : i32
        %dma_start3A_61 = tpu.memref_slice %arg12[%dma_start3A_59, %dma_start3A_60] : memref<10240x128xf32, #tpu.memory_space<vmem_shared>> -> memref<10240x128xf32, #tpu.memory_space<vmem_shared>>
        tpu.enqueue_indirect_dma source(%arg11 : memref<128x128xf32, #tpu.memory_space<vmem>>) target(%dma_start3A_61 : memref<10240x128xf32, #tpu.memory_space<vmem_shared>>) offsets(%dma_start3A_58 : memref<128xi32, #tpu.memory_space<vmem>>) semaphore(%arg16 : memref<!tpu.dma_semaphore, #tpu.memory_space<semaphore_mem>>) {add = true}
        %scan3A_62 = arith.constant 0 : i32
        %scan3A_63 = arith.constant 15 : i32
        %scan3A_64 = arith.addi %scan3A_62, %scan3A_63 : i32
        %scan3A_65 = arith.constant 1 : i32
        scf.for %scan3A_81 = %scan3A_62 to %scan3A_64 step %scan3A_65  : i32 {
          %mul3A_82 = arith.constant 1 : i32
          %mul3A_83 = arith.muli %scan3A_81, %mul3A_82 : i32
          %add3A_84 = arith.constant 0 : i32
          %add3A_85 = arith.addi %add3A_84, %mul3A_83 : i32
          %mul3A_86 = arith.constant 2 : i32
          %mul3A_87 = arith.muli %mul3A_86, %add3A_85 : i32
          %add3A_88 = arith.constant 2 : i32
          %add3A_89 = arith.addi %mul3A_87, %add3A_88 : i32
          %sub3A = arith.constant 2 : i32
          %sub3A_90 = arith.subi %add3A_89, %sub3A : i32
          %dma_wait3A_91 = arith.constant 0 : i32
          %dma_wait3A_92 = tpu.memref_slice %arg9[%sub3A_90, %dma_wait3A_91] : memref<32x128xi32, #tpu.memory_space<vmem>> -> memref<1x128xi32, #tpu.memory_space<vmem>>
          %dma_wait3A_93 = tpu.memref_squeeze %dma_wait3A_92 : memref<1x128xi32, #tpu.memory_space<vmem>> -> memref<128xi32, #tpu.memory_space<vmem>>
          %dma_wait3A_94 = arith.constant 0 : i32
          %dma_wait3A_95 = arith.constant 0 : i32
          %dma_wait3A_96 = tpu.memref_slice %arg12[%dma_wait3A_94, %dma_wait3A_95] : memref<10240x128xf32, #tpu.memory_space<vmem_shared>> -> memref<10240x128xf32, #tpu.memory_space<vmem_shared>>
          tpu.wait_indirect_dma semaphore(%arg15 : memref<!tpu.dma_semaphore, #tpu.memory_space<semaphore_mem>>) src(%arg10 : memref<128x128xf32, #tpu.memory_space<vmem>>) dst(%dma_wait3A_96 : memref<10240x128xf32, #tpu.memory_space<vmem_shared>>)
          %dma_start3A_97 = arith.constant 0 : i32
          %dma_start3A_98 = tpu.memref_slice %arg8[%add3A_89, %dma_start3A_97] : memref<32x128xi32, #tpu.memory_space<vmem>> -> memref<1x128xi32, #tpu.memory_space<vmem>>
          %dma_start3A_99 = tpu.memref_squeeze %dma_start3A_98 : memref<1x128xi32, #tpu.memory_space<vmem>> -> memref<128xi32, #tpu.memory_space<vmem>>
          %dma_start3A_100 = arith.constant 0 : i32
          %dma_start3A_101 = arith.constant 0 : i32
          %dma_start3A_102 = tpu.memref_slice %arg3[%dma_start3A_100, %dma_start3A_101] : memref<10000x128xf32, #tpu.memory_space<hbm>> -> memref<10000x128xf32, #tpu.memory_space<hbm>>
          tpu.enqueue_indirect_dma source(%dma_start3A_102 : memref<10000x128xf32, #tpu.memory_space<hbm>>) target(%arg10 : memref<128x128xf32, #tpu.memory_space<vmem>>) offsets(%dma_start3A_99 : memref<128xi32, #tpu.memory_space<vmem>>) semaphore(%arg13 : memref<!tpu.dma_semaphore, #tpu.memory_space<semaphore_mem>>)
          %dma_wait3A_103 = arith.constant 0 : i32
          %dma_wait3A_104 = tpu.memref_slice %arg8[%add3A_89, %dma_wait3A_103] : memref<32x128xi32, #tpu.memory_space<vmem>> -> memref<1x128xi32, #tpu.memory_space<vmem>>
          %dma_wait3A_105 = tpu.memref_squeeze %dma_wait3A_104 : memref<1x128xi32, #tpu.memory_space<vmem>> -> memref<128xi32, #tpu.memory_space<vmem>>
          %dma_wait3A_106 = arith.constant 0 : i32
          %dma_wait3A_107 = arith.constant 0 : i32
          %dma_wait3A_108 = tpu.memref_slice %arg3[%dma_wait3A_106, %dma_wait3A_107] : memref<10000x128xf32, #tpu.memory_space<hbm>> -> memref<10000x128xf32, #tpu.memory_space<hbm>>
          tpu.wait_indirect_dma semaphore(%arg13 : memref<!tpu.dma_semaphore, #tpu.memory_space<semaphore_mem>>) src(%dma_wait3A_108 : memref<10000x128xf32, #tpu.memory_space<hbm>>) dst(%arg10 : memref<128x128xf32, #tpu.memory_space<vmem>>)
          %dma_start3A_109 = arith.constant 0 : i32
          %dma_start3A_110 = tpu.memref_slice %arg9[%add3A_89, %dma_start3A_109] : memref<32x128xi32, #tpu.memory_space<vmem>> -> memref<1x128xi32, #tpu.memory_space<vmem>>
          %dma_start3A_111 = tpu.memref_squeeze %dma_start3A_110 : memref<1x128xi32, #tpu.memory_space<vmem>> -> memref<128xi32, #tpu.memory_space<vmem>>
          %dma_start3A_112 = arith.constant 0 : i32
          %dma_start3A_113 = arith.constant 0 : i32
          %dma_start3A_114 = tpu.memref_slice %arg12[%dma_start3A_112, %dma_start3A_113] : memref<10240x128xf32, #tpu.memory_space<vmem_shared>> -> memref<10240x128xf32, #tpu.memory_space<vmem_shared>>
          tpu.enqueue_indirect_dma source(%arg10 : memref<128x128xf32, #tpu.memory_space<vmem>>) target(%dma_start3A_114 : memref<10240x128xf32, #tpu.memory_space<vmem_shared>>) offsets(%dma_start3A_111 : memref<128xi32, #tpu.memory_space<vmem>>) semaphore(%arg15 : memref<!tpu.dma_semaphore, #tpu.memory_space<semaphore_mem>>) {add = true}
          %sub3A_115 = arith.constant 1 : i32
          %sub3A_116 = arith.subi %add3A_89, %sub3A_115 : i32
          %dma_wait3A_117 = arith.constant 0 : i32
          %dma_wait3A_118 = tpu.memref_slice %arg9[%sub3A_116, %dma_wait3A_117] : memref<32x128xi32, #tpu.memory_space<vmem>> -> memref<1x128xi32, #tpu.memory_space<vmem>>
          %dma_wait3A_119 = tpu.memref_squeeze %dma_wait3A_118 : memref<1x128xi32, #tpu.memory_space<vmem>> -> memref<128xi32, #tpu.memory_space<vmem>>
          %dma_wait3A_120 = arith.constant 0 : i32
          %dma_wait3A_121 = arith.constant 0 : i32
          %dma_wait3A_122 = tpu.memref_slice %arg12[%dma_wait3A_120, %dma_wait3A_121] : memref<10240x128xf32, #tpu.memory_space<vmem_shared>> -> memref<10240x128xf32, #tpu.memory_space<vmem_shared>>
          tpu.wait_indirect_dma semaphore(%arg16 : memref<!tpu.dma_semaphore, #tpu.memory_space<semaphore_mem>>) src(%arg11 : memref<128x128xf32, #tpu.memory_space<vmem>>) dst(%dma_wait3A_122 : memref<10240x128xf32, #tpu.memory_space<vmem_shared>>)
          %add3A_123 = arith.constant 1 : i32
          %add3A_124 = arith.addi %add3A_89, %add3A_123 : i32
          %dma_start3A_125 = arith.constant 0 : i32
          %dma_start3A_126 = tpu.memref_slice %arg8[%add3A_124, %dma_start3A_125] : memref<32x128xi32, #tpu.memory_space<vmem>> -> memref<1x128xi32, #tpu.memory_space<vmem>>
          %dma_start3A_127 = tpu.memref_squeeze %dma_start3A_126 : memref<1x128xi32, #tpu.memory_space<vmem>> -> memref<128xi32, #tpu.memory_space<vmem>>
          %dma_start3A_128 = arith.constant 0 : i32
          %dma_start3A_129 = arith.constant 0 : i32
          %dma_start3A_130 = tpu.memref_slice %arg3[%dma_start3A_128, %dma_start3A_129] : memref<10000x128xf32, #tpu.memory_space<hbm>> -> memref<10000x128xf32, #tpu.memory_space<hbm>>
          tpu.enqueue_indirect_dma source(%dma_start3A_130 : memref<10000x128xf32, #tpu.memory_space<hbm>>) target(%arg11 : memref<128x128xf32, #tpu.memory_space<vmem>>) offsets(%dma_start3A_127 : memref<128xi32, #tpu.memory_space<vmem>>) semaphore(%arg14 : memref<!tpu.dma_semaphore, #tpu.memory_space<semaphore_mem>>)
          %add3A_131 = arith.constant 1 : i32
          %add3A_132 = arith.addi %add3A_89, %add3A_131 : i32
          %dma_wait3A_133 = arith.constant 0 : i32
          %dma_wait3A_134 = tpu.memref_slice %arg8[%add3A_132, %dma_wait3A_133] : memref<32x128xi32, #tpu.memory_space<vmem>> -> memref<1x128xi32, #tpu.memory_space<vmem>>
          %dma_wait3A_135 = tpu.memref_squeeze %dma_wait3A_134 : memref<1x128xi32, #tpu.memory_space<vmem>> -> memref<128xi32, #tpu.memory_space<vmem>>
          %dma_wait3A_136 = arith.constant 0 : i32
          %dma_wait3A_137 = arith.constant 0 : i32
          %dma_wait3A_138 = tpu.memref_slice %arg3[%dma_wait3A_136, %dma_wait3A_137] : memref<10000x128xf32, #tpu.memory_space<hbm>> -> memref<10000x128xf32, #tpu.memory_space<hbm>>
          tpu.wait_indirect_dma semaphore(%arg14 : memref<!tpu.dma_semaphore, #tpu.memory_space<semaphore_mem>>) src(%dma_wait3A_138 : memref<10000x128xf32, #tpu.memory_space<hbm>>) dst(%arg11 : memref<128x128xf32, #tpu.memory_space<vmem>>)
          %add3A_139 = arith.constant 1 : i32
          %add3A_140 = arith.addi %add3A_89, %add3A_139 : i32
          %dma_start3A_141 = arith.constant 0 : i32
          %dma_start3A_142 = tpu.memref_slice %arg9[%add3A_140, %dma_start3A_141] : memref<32x128xi32, #tpu.memory_space<vmem>> -> memref<1x128xi32, #tpu.memory_space<vmem>>
          %dma_start3A_143 = tpu.memref_squeeze %dma_start3A_142 : memref<1x128xi32, #tpu.memory_space<vmem>> -> memref<128xi32, #tpu.memory_space<vmem>>
          %dma_start3A_144 = arith.constant 0 : i32
          %dma_start3A_145 = arith.constant 0 : i32
          %dma_start3A_146 = tpu.memref_slice %arg12[%dma_start3A_144, %dma_start3A_145] : memref<10240x128xf32, #tpu.memory_space<vmem_shared>> -> memref<10240x128xf32, #tpu.memory_space<vmem_shared>>
          tpu.enqueue_indirect_dma source(%arg11 : memref<128x128xf32, #tpu.memory_space<vmem>>) target(%dma_start3A_146 : memref<10240x128xf32, #tpu.memory_space<vmem_shared>>) offsets(%dma_start3A_143 : memref<128xi32, #tpu.memory_space<vmem>>) semaphore(%arg16 : memref<!tpu.dma_semaphore, #tpu.memory_space<semaphore_mem>>) {add = true}
        }
        %scan3A_66 = arith.constant 15 : i32
        %dma_wait3A_67 = arith.constant 30 : i32
        %dma_wait3A_68 = arith.constant 0 : i32
        %dma_wait3A_69 = tpu.memref_slice %arg9[%dma_wait3A_67, %dma_wait3A_68] : memref<32x128xi32, #tpu.memory_space<vmem>> -> memref<1x128xi32, #tpu.memory_space<vmem>>
        %dma_wait3A_70 = tpu.memref_squeeze %dma_wait3A_69 : memref<1x128xi32, #tpu.memory_space<vmem>> -> memref<128xi32, #tpu.memory_space<vmem>>
        %dma_wait3A_71 = arith.constant 0 : i32
        %dma_wait3A_72 = arith.constant 0 : i32
        %dma_wait3A_73 = tpu.memref_slice %arg12[%dma_wait3A_71, %dma_wait3A_72] : memref<10240x128xf32, #tpu.memory_space<vmem_shared>> -> memref<10240x128xf32, #tpu.memory_space<vmem_shared>>
        tpu.wait_indirect_dma semaphore(%arg15 : memref<!tpu.dma_semaphore, #tpu.memory_space<semaphore_mem>>) src(%arg10 : memref<128x128xf32, #tpu.memory_space<vmem>>) dst(%dma_wait3A_73 : memref<10240x128xf32, #tpu.memory_space<vmem_shared>>)
        %dma_wait3A_74 = arith.constant 31 : i32
        %dma_wait3A_75 = arith.constant 0 : i32
        %dma_wait3A_76 = tpu.memref_slice %arg9[%dma_wait3A_74, %dma_wait3A_75] : memref<32x128xi32, #tpu.memory_space<vmem>> -> memref<1x128xi32, #tpu.memory_space<vmem>>
        %dma_wait3A_77 = tpu.memref_squeeze %dma_wait3A_76 : memref<1x128xi32, #tpu.memory_space<vmem>> -> memref<128xi32, #tpu.memory_space<vmem>>
        %dma_wait3A_78 = arith.constant 0 : i32
        %dma_wait3A_79 = arith.constant 0 : i32
        %dma_wait3A_80 = tpu.memref_slice %arg12[%dma_wait3A_78, %dma_wait3A_79] : memref<10240x128xf32, #tpu.memory_space<vmem_shared>> -> memref<10240x128xf32, #tpu.memory_space<vmem_shared>>
        tpu.wait_indirect_dma semaphore(%arg16 : memref<!tpu.dma_semaphore, #tpu.memory_space<semaphore_mem>>) src(%arg11 : memref<128x128xf32, #tpu.memory_space<vmem>>) dst(%dma_wait3A_80 : memref<10240x128xf32, #tpu.memory_space<vmem_shared>>)
      }
      %scan3A_12 = arith.constant 5 : i32
    } else {
    }
    %barrier3A_8 = arith.constant 0 : index
    tpu.barrier barrier_id(%barrier3A_8)
    "tpu.region"() ({
      %run_scoped3A = tpu.sem_alloc : memref<!tpu.dma_semaphore, #tpu.memory_space<semaphore_mem>>
      %dma_start3A = arith.constant 0 : i32
      %dma_start3A_9 = tpu.memref_slice %arg7[%arg0, %mul3A_0, %dma_start3A] : memref<2x10240x128xf32, #tpu.memory_space<hbm>> -> memref<1x640x128xf32, #tpu.memory_space<hbm>>
      %dma_start3A_10 = tpu.memref_squeeze %dma_start3A_9 : memref<1x640x128xf32, #tpu.memory_space<hbm>> -> memref<640x128xf32, #tpu.memory_space<hbm>>
      %dma_start3A_11 = arith.constant 0 : i32
      %dma_start3A_12 = tpu.memref_slice %arg12[%mul3A_0, %dma_start3A_11] : memref<10240x128xf32, #tpu.memory_space<vmem_shared>> -> memref<640x128xf32, #tpu.memory_space<vmem_shared>>
      tpu.enqueue_dma source(%dma_start3A_12 : memref<640x128xf32, #tpu.memory_space<vmem_shared>>) target(%dma_start3A_10 : memref<640x128xf32, #tpu.memory_space<hbm>>) target_semaphore(%run_scoped3A : memref<!tpu.dma_semaphore, #tpu.memory_space<semaphore_mem>>)
      %dma_wait3A = arith.constant 0 : i32
      %dma_wait3A_13 = tpu.memref_slice %arg7[%arg0, %mul3A_0, %dma_wait3A] : memref<2x10240x128xf32, #tpu.memory_space<hbm>> -> memref<1x640x128xf32, #tpu.memory_space<hbm>>
      %dma_wait3A_14 = tpu.memref_squeeze %dma_wait3A_13 : memref<1x640x128xf32, #tpu.memory_space<hbm>> -> memref<640x128xf32, #tpu.memory_space<hbm>>
      %dma_wait3A_15 = arith.constant 0 : i32
      %dma_wait3A_16 = tpu.memref_slice %arg12[%mul3A_0, %dma_wait3A_15] : memref<10240x128xf32, #tpu.memory_space<vmem_shared>> -> memref<640x128xf32, #tpu.memory_space<vmem_shared>>
      tpu.wait_dma2 semaphore(%run_scoped3A : memref<!tpu.dma_semaphore, #tpu.memory_space<semaphore_mem>>) src(%dma_wait3A_16 : memref<640x128xf32, #tpu.memory_space<vmem_shared>>) dst(%dma_wait3A_14 : memref<640x128xf32, #tpu.memory_space<hbm>>)
      tpu.yield
    }) : () -> ()
    return
  }
}

#map = affine_map<(d0, d1) -> (0, 0)>
#map1 = affine_map<(d0, d1) -> (0, 0, 0)>
module attributes {stable_mosaic.version = 14 : i64} {
  func.func @_edge_call(%arg0: i32, %arg1: i32, %arg2: memref<10000x128xf32, #tpu.memory_space<hbm>>, %arg3: memref<10000x128xf32, #tpu.memory_space<hbm>>, %arg4: memref<2560x128xi32, #tpu.memory_space<hbm>>, %arg5: memref<2560x128xi32, #tpu.memory_space<hbm>>, %arg6: memref<640x128xf32, #tpu.memory_space<hbm>>, %arg7: memref<2x10240x128xf32, #tpu.memory_space<hbm>>, %arg8: memref<32x128xi32, #tpu.memory_space<vmem>>, %arg9: memref<32x128xi32, #tpu.memory_space<vmem>>, %arg10: memref<128x128xf32, #tpu.memory_space<vmem>>, %arg11: memref<128x128xf32, #tpu.memory_space<vmem>>, %arg12: memref<10240x128xf32, #tpu.memory_space<vmem_shared>>, %arg13: memref<!tpu.dma_semaphore, #tpu.memory_space<semaphore_mem>>, %arg14: memref<!tpu.dma_semaphore, #tpu.memory_space<semaphore_mem>>, %arg15: memref<!tpu.dma_semaphore, #tpu.memory_space<semaphore_mem>>, %arg16: memref<!tpu.dma_semaphore, #tpu.memory_space<semaphore_mem>>) attributes {dimension_semantics = [#tpu.dimension_semantics<core_parallel>, #tpu.dimension_semantics<subcore_parallel>], iteration_bounds = array<i64: 2, 16>, scalar_prefetch = 0 : i64, scratch_operands = 9 : i64, tpu.core_type = #tpu.core_type<sc_vector_subcore>, window_params = [{transform_indices = #map}, {transform_indices = #map}, {transform_indices = #map}, {transform_indices = #map}, {transform_indices = #map}, {transform_indices = #map1}]} {
    %mul3A = arith.constant 640 : i32
    %mul3A_0 = arith.muli %arg1, %mul3A : i32
    "tpu.region"() ({
      %run_scoped3A = tpu.sem_alloc : memref<!tpu.dma_semaphore, #tpu.memory_space<semaphore_mem>>
      %dma_start3A = arith.constant 0 : i32
      %dma_start3A_9 = tpu.memref_slice %arg12[%mul3A_0, %dma_start3A] : memref<10240x128xf32, #tpu.memory_space<vmem_shared>> -> memref<640x128xf32, #tpu.memory_space<vmem_shared>>
      tpu.enqueue_dma source(%arg6 : memref<640x128xf32, #tpu.memory_space<hbm>>) target(%dma_start3A_9 : memref<640x128xf32, #tpu.memory_space<vmem_shared>>) target_semaphore(%run_scoped3A : memref<!tpu.dma_semaphore, #tpu.memory_space<semaphore_mem>>)
      %dma_wait3A = arith.constant 0 : i32
      %dma_wait3A_10 = tpu.memref_slice %arg12[%mul3A_0, %dma_wait3A] : memref<10240x128xf32, #tpu.memory_space<vmem_shared>> -> memref<640x128xf32, #tpu.memory_space<vmem_shared>>
      tpu.wait_dma2 semaphore(%run_scoped3A : memref<!tpu.dma_semaphore, #tpu.memory_space<semaphore_mem>>) src(%arg6 : memref<640x128xf32, #tpu.memory_space<hbm>>) dst(%dma_wait3A_10 : memref<640x128xf32, #tpu.memory_space<vmem_shared>>)
      tpu.yield
    }) : () -> ()
    %barrier3A = arith.constant 0 : index
    tpu.barrier barrier_id(%barrier3A)
    %eq3A = arith.constant 0 : i32
    %eq3A_1 = arith.cmpi eq, %arg0, %eq3A : i32
    %convert_element_type3A = arith.extui %eq3A_1 : i1 to i32
    %cond3A = arith.constant 0 : i32
    %cond3A_2 = arith.cmpi ne, %convert_element_type3A, %cond3A : i32
    scf.if %cond3A_2 {
      %scan3A = arith.constant 0 : i32
      %scan3A_9 = arith.constant 5 : i32
      %scan3A_10 = arith.addi %scan3A, %scan3A_9 : i32
      %scan3A_11 = arith.constant 1 : i32
      scf.for %scan3A_13 = %scan3A to %scan3A_10 step %scan3A_11  : i32 {
        %mul3A_14 = arith.constant 1 : i32
        %mul3A_15 = arith.muli %scan3A_13, %mul3A_14 : i32
        %add3A = arith.constant 0 : i32
        %add3A_16 = arith.addi %add3A, %mul3A_15 : i32
        %mul3A_17 = arith.constant 160 : i32
        %mul3A_18 = arith.muli %arg1, %mul3A_17 : i32
        %mul3A_19 = arith.constant 32 : i32
        %mul3A_20 = arith.muli %add3A_16, %mul3A_19 : i32
        %add3A_21 = arith.addi %mul3A_18, %mul3A_20 : i32
        "tpu.region"() ({
          %run_scoped3A = tpu.sem_alloc : memref<!tpu.dma_semaphore, #tpu.memory_space<semaphore_mem>>
          %dma_start3A_81 = arith.constant 0 : i32
          %dma_start3A_82 = tpu.memref_slice %arg4[%add3A_21, %dma_start3A_81] : memref<2560x128xi32, #tpu.memory_space<hbm>> -> memref<32x128xi32, #tpu.memory_space<hbm>>
          %dma_start3A_83 = arith.constant 0 : i32
          %dma_start3A_84 = tpu.memref_slice %arg4[%add3A_21, %dma_start3A_83] : memref<2560x128xi32, #tpu.memory_space<hbm>> -> memref<32x128xi32, #tpu.memory_space<hbm>>
          tpu.enqueue_dma source(%dma_start3A_84 : memref<32x128xi32, #tpu.memory_space<hbm>>) target(%arg8 : memref<32x128xi32, #tpu.memory_space<vmem>>) target_semaphore(%run_scoped3A : memref<!tpu.dma_semaphore, #tpu.memory_space<semaphore_mem>>)
          %dma_wait3A_85 = arith.constant 0 : i32
          %dma_wait3A_86 = tpu.memref_slice %arg4[%add3A_21, %dma_wait3A_85] : memref<2560x128xi32, #tpu.memory_space<hbm>> -> memref<32x128xi32, #tpu.memory_space<hbm>>
          %dma_wait3A_87 = arith.constant 0 : i32
          %dma_wait3A_88 = tpu.memref_slice %arg4[%add3A_21, %dma_wait3A_87] : memref<2560x128xi32, #tpu.memory_space<hbm>> -> memref<32x128xi32, #tpu.memory_space<hbm>>
          tpu.wait_dma2 semaphore(%run_scoped3A : memref<!tpu.dma_semaphore, #tpu.memory_space<semaphore_mem>>) src(%dma_wait3A_88 : memref<32x128xi32, #tpu.memory_space<hbm>>) dst(%arg8 : memref<32x128xi32, #tpu.memory_space<vmem>>)
          tpu.yield
        }) : () -> ()
        "tpu.region"() ({
          %run_scoped3A = tpu.sem_alloc : memref<!tpu.dma_semaphore, #tpu.memory_space<semaphore_mem>>
          %dma_start3A_81 = arith.constant 0 : i32
          %dma_start3A_82 = tpu.memref_slice %arg5[%add3A_21, %dma_start3A_81] : memref<2560x128xi32, #tpu.memory_space<hbm>> -> memref<32x128xi32, #tpu.memory_space<hbm>>
          %dma_start3A_83 = arith.constant 0 : i32
          %dma_start3A_84 = tpu.memref_slice %arg5[%add3A_21, %dma_start3A_83] : memref<2560x128xi32, #tpu.memory_space<hbm>> -> memref<32x128xi32, #tpu.memory_space<hbm>>
          tpu.enqueue_dma source(%dma_start3A_84 : memref<32x128xi32, #tpu.memory_space<hbm>>) target(%arg9 : memref<32x128xi32, #tpu.memory_space<vmem>>) target_semaphore(%run_scoped3A : memref<!tpu.dma_semaphore, #tpu.memory_space<semaphore_mem>>)
          %dma_wait3A_85 = arith.constant 0 : i32
          %dma_wait3A_86 = tpu.memref_slice %arg5[%add3A_21, %dma_wait3A_85] : memref<2560x128xi32, #tpu.memory_space<hbm>> -> memref<32x128xi32, #tpu.memory_space<hbm>>
          %dma_wait3A_87 = arith.constant 0 : i32
          %dma_wait3A_88 = tpu.memref_slice %arg5[%add3A_21, %dma_wait3A_87] : memref<2560x128xi32, #tpu.memory_space<hbm>> -> memref<32x128xi32, #tpu.memory_space<hbm>>
          tpu.wait_dma2 semaphore(%run_scoped3A : memref<!tpu.dma_semaphore, #tpu.memory_space<semaphore_mem>>) src(%dma_wait3A_88 : memref<32x128xi32, #tpu.memory_space<hbm>>) dst(%arg9 : memref<32x128xi32, #tpu.memory_space<vmem>>)
          tpu.yield
        }) : () -> ()
        %dma_start3A = arith.constant 0 : i32
        %dma_start3A_22 = arith.constant 0 : i32
        %dma_start3A_23 = tpu.memref_slice %arg8[%dma_start3A, %dma_start3A_22] : memref<32x128xi32, #tpu.memory_space<vmem>> -> memref<1x128xi32, #tpu.memory_space<vmem>>
        %dma_start3A_24 = tpu.memref_squeeze %dma_start3A_23 : memref<1x128xi32, #tpu.memory_space<vmem>> -> memref<128xi32, #tpu.memory_space<vmem>>
        %dma_start3A_25 = arith.constant 0 : i32
        %dma_start3A_26 = arith.constant 0 : i32
        %dma_start3A_27 = tpu.memref_slice %arg2[%dma_start3A_25, %dma_start3A_26] : memref<10000x128xf32, #tpu.memory_space<hbm>> -> memref<10000x128xf32, #tpu.memory_space<hbm>>
        tpu.enqueue_indirect_dma source(%dma_start3A_27 : memref<10000x128xf32, #tpu.memory_space<hbm>>) target(%arg10 : memref<128x128xf32, #tpu.memory_space<vmem>>) offsets(%dma_start3A_24 : memref<128xi32, #tpu.memory_space<vmem>>) semaphore(%arg13 : memref<!tpu.dma_semaphore, #tpu.memory_space<semaphore_mem>>)
        %dma_start3A_28 = arith.constant 1 : i32
        %dma_start3A_29 = arith.constant 0 : i32
        %dma_start3A_30 = tpu.memref_slice %arg8[%dma_start3A_28, %dma_start3A_29] : memref<32x128xi32, #tpu.memory_space<vmem>> -> memref<1x128xi32, #tpu.memory_space<vmem>>
        %dma_start3A_31 = tpu.memref_squeeze %dma_start3A_30 : memref<1x128xi32, #tpu.memory_space<vmem>> -> memref<128xi32, #tpu.memory_space<vmem>>
        %dma_start3A_32 = arith.constant 0 : i32
        %dma_start3A_33 = arith.constant 0 : i32
        %dma_start3A_34 = tpu.memref_slice %arg2[%dma_start3A_32, %dma_start3A_33] : memref<10000x128xf32, #tpu.memory_space<hbm>> -> memref<10000x128xf32, #tpu.memory_space<hbm>>
        tpu.enqueue_indirect_dma source(%dma_start3A_34 : memref<10000x128xf32, #tpu.memory_space<hbm>>) target(%arg11 : memref<128x128xf32, #tpu.memory_space<vmem>>) offsets(%dma_start3A_31 : memref<128xi32, #tpu.memory_space<vmem>>) semaphore(%arg14 : memref<!tpu.dma_semaphore, #tpu.memory_space<semaphore_mem>>)
        %dma_wait3A = arith.constant 0 : i32
        %dma_wait3A_35 = arith.constant 0 : i32
        %dma_wait3A_36 = tpu.memref_slice %arg8[%dma_wait3A, %dma_wait3A_35] : memref<32x128xi32, #tpu.memory_space<vmem>> -> memref<1x128xi32, #tpu.memory_space<vmem>>
        %dma_wait3A_37 = tpu.memref_squeeze %dma_wait3A_36 : memref<1x128xi32, #tpu.memory_space<vmem>> -> memref<128xi32, #tpu.memory_space<vmem>>
        %dma_wait3A_38 = arith.constant 0 : i32
        %dma_wait3A_39 = arith.constant 0 : i32
        %dma_wait3A_40 = tpu.memref_slice %arg2[%dma_wait3A_38, %dma_wait3A_39] : memref<10000x128xf32, #tpu.memory_space<hbm>> -> memref<10000x128xf32, #tpu.memory_space<hbm>>
        tpu.wait_indirect_dma semaphore(%arg13 : memref<!tpu.dma_semaphore, #tpu.memory_space<semaphore_mem>>) src(%dma_wait3A_40 : memref<10000x128xf32, #tpu.memory_space<hbm>>) dst(%arg10 : memref<128x128xf32, #tpu.memory_space<vmem>>)
        %dma_start3A_41 = arith.constant 0 : i32
        %dma_start3A_42 = arith.constant 0 : i32
        %dma_start3A_43 = tpu.memref_slice %arg9[%dma_start3A_41, %dma_start3A_42] : memref<32x128xi32, #tpu.memory_space<vmem>> -> memref<1x128xi32, #tpu.memory_space<vmem>>
        %dma_start3A_44 = tpu.memref_squeeze %dma_start3A_43 : memref<1x128xi32, #tpu.memory_space<vmem>> -> memref<128xi32, #tpu.memory_space<vmem>>
        %dma_start3A_45 = arith.constant 0 : i32
        %dma_start3A_46 = arith.constant 0 : i32
        %dma_start3A_47 = tpu.memref_slice %arg12[%dma_start3A_45, %dma_start3A_46] : memref<10240x128xf32, #tpu.memory_space<vmem_shared>> -> memref<10240x128xf32, #tpu.memory_space<vmem_shared>>
        tpu.enqueue_indirect_dma source(%arg10 : memref<128x128xf32, #tpu.memory_space<vmem>>) target(%dma_start3A_47 : memref<10240x128xf32, #tpu.memory_space<vmem_shared>>) offsets(%dma_start3A_44 : memref<128xi32, #tpu.memory_space<vmem>>) semaphore(%arg15 : memref<!tpu.dma_semaphore, #tpu.memory_space<semaphore_mem>>) {add = true}
        %dma_wait3A_48 = arith.constant 1 : i32
        %dma_wait3A_49 = arith.constant 0 : i32
        %dma_wait3A_50 = tpu.memref_slice %arg8[%dma_wait3A_48, %dma_wait3A_49] : memref<32x128xi32, #tpu.memory_space<vmem>> -> memref<1x128xi32, #tpu.memory_space<vmem>>
        %dma_wait3A_51 = tpu.memref_squeeze %dma_wait3A_50 : memref<1x128xi32, #tpu.memory_space<vmem>> -> memref<128xi32, #tpu.memory_space<vmem>>
        %dma_wait3A_52 = arith.constant 0 : i32
        %dma_wait3A_53 = arith.constant 0 : i32
        %dma_wait3A_54 = tpu.memref_slice %arg2[%dma_wait3A_52, %dma_wait3A_53] : memref<10000x128xf32, #tpu.memory_space<hbm>> -> memref<10000x128xf32, #tpu.memory_space<hbm>>
        tpu.wait_indirect_dma semaphore(%arg14 : memref<!tpu.dma_semaphore, #tpu.memory_space<semaphore_mem>>) src(%dma_wait3A_54 : memref<10000x128xf32, #tpu.memory_space<hbm>>) dst(%arg11 : memref<128x128xf32, #tpu.memory_space<vmem>>)
        %dma_start3A_55 = arith.constant 1 : i32
        %dma_start3A_56 = arith.constant 0 : i32
        %dma_start3A_57 = tpu.memref_slice %arg9[%dma_start3A_55, %dma_start3A_56] : memref<32x128xi32, #tpu.memory_space<vmem>> -> memref<1x128xi32, #tpu.memory_space<vmem>>
        %dma_start3A_58 = tpu.memref_squeeze %dma_start3A_57 : memref<1x128xi32, #tpu.memory_space<vmem>> -> memref<128xi32, #tpu.memory_space<vmem>>
        %dma_start3A_59 = arith.constant 0 : i32
        %dma_start3A_60 = arith.constant 0 : i32
        %dma_start3A_61 = tpu.memref_slice %arg12[%dma_start3A_59, %dma_start3A_60] : memref<10240x128xf32, #tpu.memory_space<vmem_shared>> -> memref<10240x128xf32, #tpu.memory_space<vmem_shared>>
        tpu.enqueue_indirect_dma source(%arg11 : memref<128x128xf32, #tpu.memory_space<vmem>>) target(%dma_start3A_61 : memref<10240x128xf32, #tpu.memory_space<vmem_shared>>) offsets(%dma_start3A_58 : memref<128xi32, #tpu.memory_space<vmem>>) semaphore(%arg16 : memref<!tpu.dma_semaphore, #tpu.memory_space<semaphore_mem>>) {add = true}
        %scan3A_62 = arith.constant 0 : i32
        %scan3A_63 = arith.constant 15 : i32
        %scan3A_64 = arith.addi %scan3A_62, %scan3A_63 : i32
        %scan3A_65 = arith.constant 1 : i32
        scf.for %scan3A_81 = %scan3A_62 to %scan3A_64 step %scan3A_65  : i32 {
          %mul3A_82 = arith.constant 1 : i32
          %mul3A_83 = arith.muli %scan3A_81, %mul3A_82 : i32
          %add3A_84 = arith.constant 0 : i32
          %add3A_85 = arith.addi %add3A_84, %mul3A_83 : i32
          %mul3A_86 = arith.constant 2 : i32
          %mul3A_87 = arith.muli %mul3A_86, %add3A_85 : i32
          %add3A_88 = arith.constant 2 : i32
          %add3A_89 = arith.addi %mul3A_87, %add3A_88 : i32
          %sub3A = arith.constant 2 : i32
          %sub3A_90 = arith.subi %add3A_89, %sub3A : i32
          %dma_wait3A_91 = arith.constant 0 : i32
          %dma_wait3A_92 = tpu.memref_slice %arg9[%sub3A_90, %dma_wait3A_91] : memref<32x128xi32, #tpu.memory_space<vmem>> -> memref<1x128xi32, #tpu.memory_space<vmem>>
          %dma_wait3A_93 = tpu.memref_squeeze %dma_wait3A_92 : memref<1x128xi32, #tpu.memory_space<vmem>> -> memref<128xi32, #tpu.memory_space<vmem>>
          %dma_wait3A_94 = arith.constant 0 : i32
          %dma_wait3A_95 = arith.constant 0 : i32
          %dma_wait3A_96 = tpu.memref_slice %arg12[%dma_wait3A_94, %dma_wait3A_95] : memref<10240x128xf32, #tpu.memory_space<vmem_shared>> -> memref<10240x128xf32, #tpu.memory_space<vmem_shared>>
          tpu.wait_indirect_dma semaphore(%arg15 : memref<!tpu.dma_semaphore, #tpu.memory_space<semaphore_mem>>) src(%arg10 : memref<128x128xf32, #tpu.memory_space<vmem>>) dst(%dma_wait3A_96 : memref<10240x128xf32, #tpu.memory_space<vmem_shared>>)
          %dma_start3A_97 = arith.constant 0 : i32
          %dma_start3A_98 = tpu.memref_slice %arg8[%add3A_89, %dma_start3A_97] : memref<32x128xi32, #tpu.memory_space<vmem>> -> memref<1x128xi32, #tpu.memory_space<vmem>>
          %dma_start3A_99 = tpu.memref_squeeze %dma_start3A_98 : memref<1x128xi32, #tpu.memory_space<vmem>> -> memref<128xi32, #tpu.memory_space<vmem>>
          %dma_start3A_100 = arith.constant 0 : i32
          %dma_start3A_101 = arith.constant 0 : i32
          %dma_start3A_102 = tpu.memref_slice %arg2[%dma_start3A_100, %dma_start3A_101] : memref<10000x128xf32, #tpu.memory_space<hbm>> -> memref<10000x128xf32, #tpu.memory_space<hbm>>
          tpu.enqueue_indirect_dma source(%dma_start3A_102 : memref<10000x128xf32, #tpu.memory_space<hbm>>) target(%arg10 : memref<128x128xf32, #tpu.memory_space<vmem>>) offsets(%dma_start3A_99 : memref<128xi32, #tpu.memory_space<vmem>>) semaphore(%arg13 : memref<!tpu.dma_semaphore, #tpu.memory_space<semaphore_mem>>)
          %dma_wait3A_103 = arith.constant 0 : i32
          %dma_wait3A_104 = tpu.memref_slice %arg8[%add3A_89, %dma_wait3A_103] : memref<32x128xi32, #tpu.memory_space<vmem>> -> memref<1x128xi32, #tpu.memory_space<vmem>>
          %dma_wait3A_105 = tpu.memref_squeeze %dma_wait3A_104 : memref<1x128xi32, #tpu.memory_space<vmem>> -> memref<128xi32, #tpu.memory_space<vmem>>
          %dma_wait3A_106 = arith.constant 0 : i32
          %dma_wait3A_107 = arith.constant 0 : i32
          %dma_wait3A_108 = tpu.memref_slice %arg2[%dma_wait3A_106, %dma_wait3A_107] : memref<10000x128xf32, #tpu.memory_space<hbm>> -> memref<10000x128xf32, #tpu.memory_space<hbm>>
          tpu.wait_indirect_dma semaphore(%arg13 : memref<!tpu.dma_semaphore, #tpu.memory_space<semaphore_mem>>) src(%dma_wait3A_108 : memref<10000x128xf32, #tpu.memory_space<hbm>>) dst(%arg10 : memref<128x128xf32, #tpu.memory_space<vmem>>)
          %dma_start3A_109 = arith.constant 0 : i32
          %dma_start3A_110 = tpu.memref_slice %arg9[%add3A_89, %dma_start3A_109] : memref<32x128xi32, #tpu.memory_space<vmem>> -> memref<1x128xi32, #tpu.memory_space<vmem>>
          %dma_start3A_111 = tpu.memref_squeeze %dma_start3A_110 : memref<1x128xi32, #tpu.memory_space<vmem>> -> memref<128xi32, #tpu.memory_space<vmem>>
          %dma_start3A_112 = arith.constant 0 : i32
          %dma_start3A_113 = arith.constant 0 : i32
          %dma_start3A_114 = tpu.memref_slice %arg12[%dma_start3A_112, %dma_start3A_113] : memref<10240x128xf32, #tpu.memory_space<vmem_shared>> -> memref<10240x128xf32, #tpu.memory_space<vmem_shared>>
          tpu.enqueue_indirect_dma source(%arg10 : memref<128x128xf32, #tpu.memory_space<vmem>>) target(%dma_start3A_114 : memref<10240x128xf32, #tpu.memory_space<vmem_shared>>) offsets(%dma_start3A_111 : memref<128xi32, #tpu.memory_space<vmem>>) semaphore(%arg15 : memref<!tpu.dma_semaphore, #tpu.memory_space<semaphore_mem>>) {add = true}
          %sub3A_115 = arith.constant 1 : i32
          %sub3A_116 = arith.subi %add3A_89, %sub3A_115 : i32
          %dma_wait3A_117 = arith.constant 0 : i32
          %dma_wait3A_118 = tpu.memref_slice %arg9[%sub3A_116, %dma_wait3A_117] : memref<32x128xi32, #tpu.memory_space<vmem>> -> memref<1x128xi32, #tpu.memory_space<vmem>>
          %dma_wait3A_119 = tpu.memref_squeeze %dma_wait3A_118 : memref<1x128xi32, #tpu.memory_space<vmem>> -> memref<128xi32, #tpu.memory_space<vmem>>
          %dma_wait3A_120 = arith.constant 0 : i32
          %dma_wait3A_121 = arith.constant 0 : i32
          %dma_wait3A_122 = tpu.memref_slice %arg12[%dma_wait3A_120, %dma_wait3A_121] : memref<10240x128xf32, #tpu.memory_space<vmem_shared>> -> memref<10240x128xf32, #tpu.memory_space<vmem_shared>>
          tpu.wait_indirect_dma semaphore(%arg16 : memref<!tpu.dma_semaphore, #tpu.memory_space<semaphore_mem>>) src(%arg11 : memref<128x128xf32, #tpu.memory_space<vmem>>) dst(%dma_wait3A_122 : memref<10240x128xf32, #tpu.memory_space<vmem_shared>>)
          %add3A_123 = arith.constant 1 : i32
          %add3A_124 = arith.addi %add3A_89, %add3A_123 : i32
          %dma_start3A_125 = arith.constant 0 : i32
          %dma_start3A_126 = tpu.memref_slice %arg8[%add3A_124, %dma_start3A_125] : memref<32x128xi32, #tpu.memory_space<vmem>> -> memref<1x128xi32, #tpu.memory_space<vmem>>
          %dma_start3A_127 = tpu.memref_squeeze %dma_start3A_126 : memref<1x128xi32, #tpu.memory_space<vmem>> -> memref<128xi32, #tpu.memory_space<vmem>>
          %dma_start3A_128 = arith.constant 0 : i32
          %dma_start3A_129 = arith.constant 0 : i32
          %dma_start3A_130 = tpu.memref_slice %arg2[%dma_start3A_128, %dma_start3A_129] : memref<10000x128xf32, #tpu.memory_space<hbm>> -> memref<10000x128xf32, #tpu.memory_space<hbm>>
          tpu.enqueue_indirect_dma source(%dma_start3A_130 : memref<10000x128xf32, #tpu.memory_space<hbm>>) target(%arg11 : memref<128x128xf32, #tpu.memory_space<vmem>>) offsets(%dma_start3A_127 : memref<128xi32, #tpu.memory_space<vmem>>) semaphore(%arg14 : memref<!tpu.dma_semaphore, #tpu.memory_space<semaphore_mem>>)
          %add3A_131 = arith.constant 1 : i32
          %add3A_132 = arith.addi %add3A_89, %add3A_131 : i32
          %dma_wait3A_133 = arith.constant 0 : i32
          %dma_wait3A_134 = tpu.memref_slice %arg8[%add3A_132, %dma_wait3A_133] : memref<32x128xi32, #tpu.memory_space<vmem>> -> memref<1x128xi32, #tpu.memory_space<vmem>>
          %dma_wait3A_135 = tpu.memref_squeeze %dma_wait3A_134 : memref<1x128xi32, #tpu.memory_space<vmem>> -> memref<128xi32, #tpu.memory_space<vmem>>
          %dma_wait3A_136 = arith.constant 0 : i32
          %dma_wait3A_137 = arith.constant 0 : i32
          %dma_wait3A_138 = tpu.memref_slice %arg2[%dma_wait3A_136, %dma_wait3A_137] : memref<10000x128xf32, #tpu.memory_space<hbm>> -> memref<10000x128xf32, #tpu.memory_space<hbm>>
          tpu.wait_indirect_dma semaphore(%arg14 : memref<!tpu.dma_semaphore, #tpu.memory_space<semaphore_mem>>) src(%dma_wait3A_138 : memref<10000x128xf32, #tpu.memory_space<hbm>>) dst(%arg11 : memref<128x128xf32, #tpu.memory_space<vmem>>)
          %add3A_139 = arith.constant 1 : i32
          %add3A_140 = arith.addi %add3A_89, %add3A_139 : i32
          %dma_start3A_141 = arith.constant 0 : i32
          %dma_start3A_142 = tpu.memref_slice %arg9[%add3A_140, %dma_start3A_141] : memref<32x128xi32, #tpu.memory_space<vmem>> -> memref<1x128xi32, #tpu.memory_space<vmem>>
          %dma_start3A_143 = tpu.memref_squeeze %dma_start3A_142 : memref<1x128xi32, #tpu.memory_space<vmem>> -> memref<128xi32, #tpu.memory_space<vmem>>
          %dma_start3A_144 = arith.constant 0 : i32
          %dma_start3A_145 = arith.constant 0 : i32
          %dma_start3A_146 = tpu.memref_slice %arg12[%dma_start3A_144, %dma_start3A_145] : memref<10240x128xf32, #tpu.memory_space<vmem_shared>> -> memref<10240x128xf32, #tpu.memory_space<vmem_shared>>
          tpu.enqueue_indirect_dma source(%arg11 : memref<128x128xf32, #tpu.memory_space<vmem>>) target(%dma_start3A_146 : memref<10240x128xf32, #tpu.memory_space<vmem_shared>>) offsets(%dma_start3A_143 : memref<128xi32, #tpu.memory_space<vmem>>) semaphore(%arg16 : memref<!tpu.dma_semaphore, #tpu.memory_space<semaphore_mem>>) {add = true}
        }
        %scan3A_66 = arith.constant 15 : i32
        %dma_wait3A_67 = arith.constant 30 : i32
        %dma_wait3A_68 = arith.constant 0 : i32
        %dma_wait3A_69 = tpu.memref_slice %arg9[%dma_wait3A_67, %dma_wait3A_68] : memref<32x128xi32, #tpu.memory_space<vmem>> -> memref<1x128xi32, #tpu.memory_space<vmem>>
        %dma_wait3A_70 = tpu.memref_squeeze %dma_wait3A_69 : memref<1x128xi32, #tpu.memory_space<vmem>> -> memref<128xi32, #tpu.memory_space<vmem>>
        %dma_wait3A_71 = arith.constant 0 : i32
        %dma_wait3A_72 = arith.constant 0 : i32
        %dma_wait3A_73 = tpu.memref_slice %arg12[%dma_wait3A_71, %dma_wait3A_72] : memref<10240x128xf32, #tpu.memory_space<vmem_shared>> -> memref<10240x128xf32, #tpu.memory_space<vmem_shared>>
        tpu.wait_indirect_dma semaphore(%arg15 : memref<!tpu.dma_semaphore, #tpu.memory_space<semaphore_mem>>) src(%arg10 : memref<128x128xf32, #tpu.memory_space<vmem>>) dst(%dma_wait3A_73 : memref<10240x128xf32, #tpu.memory_space<vmem_shared>>)
        %dma_wait3A_74 = arith.constant 31 : i32
        %dma_wait3A_75 = arith.constant 0 : i32
        %dma_wait3A_76 = tpu.memref_slice %arg9[%dma_wait3A_74, %dma_wait3A_75] : memref<32x128xi32, #tpu.memory_space<vmem>> -> memref<1x128xi32, #tpu.memory_space<vmem>>
        %dma_wait3A_77 = tpu.memref_squeeze %dma_wait3A_76 : memref<1x128xi32, #tpu.memory_space<vmem>> -> memref<128xi32, #tpu.memory_space<vmem>>
        %dma_wait3A_78 = arith.constant 0 : i32
        %dma_wait3A_79 = arith.constant 0 : i32
        %dma_wait3A_80 = tpu.memref_slice %arg12[%dma_wait3A_78, %dma_wait3A_79] : memref<10240x128xf32, #tpu.memory_space<vmem_shared>> -> memref<10240x128xf32, #tpu.memory_space<vmem_shared>>
        tpu.wait_indirect_dma semaphore(%arg16 : memref<!tpu.dma_semaphore, #tpu.memory_space<semaphore_mem>>) src(%arg11 : memref<128x128xf32, #tpu.memory_space<vmem>>) dst(%dma_wait3A_80 : memref<10240x128xf32, #tpu.memory_space<vmem_shared>>)
      }
      %scan3A_12 = arith.constant 5 : i32
    } else {
    }
    %eq3A_3 = arith.constant 1 : i32
    %eq3A_4 = arith.cmpi eq, %arg0, %eq3A_3 : i32
    %convert_element_type3A_5 = arith.extui %eq3A_4 : i1 to i32
    %cond3A_6 = arith.constant 0 : i32
    %cond3A_7 = arith.cmpi ne, %convert_element_type3A_5, %cond3A_6 : i32
    scf.if %cond3A_7 {
      %scan3A = arith.constant 0 : i32
      %scan3A_9 = arith.constant 5 : i32
      %scan3A_10 = arith.addi %scan3A, %scan3A_9 : i32
      %scan3A_11 = arith.constant 1 : i32
      scf.for %scan3A_13 = %scan3A to %scan3A_10 step %scan3A_11  : i32 {
        %mul3A_14 = arith.constant 1 : i32
        %mul3A_15 = arith.muli %scan3A_13, %mul3A_14 : i32
        %add3A = arith.constant 0 : i32
        %add3A_16 = arith.addi %add3A, %mul3A_15 : i32
        %mul3A_17 = arith.constant 160 : i32
        %mul3A_18 = arith.muli %arg1, %mul3A_17 : i32
        %mul3A_19 = arith.constant 32 : i32
        %mul3A_20 = arith.muli %add3A_16, %mul3A_19 : i32
        %add3A_21 = arith.addi %mul3A_18, %mul3A_20 : i32
        "tpu.region"() ({
          %run_scoped3A = tpu.sem_alloc : memref<!tpu.dma_semaphore, #tpu.memory_space<semaphore_mem>>
          %dma_start3A_81 = arith.constant 0 : i32
          %dma_start3A_82 = tpu.memref_slice %arg4[%add3A_21, %dma_start3A_81] : memref<2560x128xi32, #tpu.memory_space<hbm>> -> memref<32x128xi32, #tpu.memory_space<hbm>>
          %dma_start3A_83 = arith.constant 0 : i32
          %dma_start3A_84 = tpu.memref_slice %arg4[%add3A_21, %dma_start3A_83] : memref<2560x128xi32, #tpu.memory_space<hbm>> -> memref<32x128xi32, #tpu.memory_space<hbm>>
          tpu.enqueue_dma source(%dma_start3A_84 : memref<32x128xi32, #tpu.memory_space<hbm>>) target(%arg8 : memref<32x128xi32, #tpu.memory_space<vmem>>) target_semaphore(%run_scoped3A : memref<!tpu.dma_semaphore, #tpu.memory_space<semaphore_mem>>)
          %dma_wait3A_85 = arith.constant 0 : i32
          %dma_wait3A_86 = tpu.memref_slice %arg4[%add3A_21, %dma_wait3A_85] : memref<2560x128xi32, #tpu.memory_space<hbm>> -> memref<32x128xi32, #tpu.memory_space<hbm>>
          %dma_wait3A_87 = arith.constant 0 : i32
          %dma_wait3A_88 = tpu.memref_slice %arg4[%add3A_21, %dma_wait3A_87] : memref<2560x128xi32, #tpu.memory_space<hbm>> -> memref<32x128xi32, #tpu.memory_space<hbm>>
          tpu.wait_dma2 semaphore(%run_scoped3A : memref<!tpu.dma_semaphore, #tpu.memory_space<semaphore_mem>>) src(%dma_wait3A_88 : memref<32x128xi32, #tpu.memory_space<hbm>>) dst(%arg8 : memref<32x128xi32, #tpu.memory_space<vmem>>)
          tpu.yield
        }) : () -> ()
        "tpu.region"() ({
          %run_scoped3A = tpu.sem_alloc : memref<!tpu.dma_semaphore, #tpu.memory_space<semaphore_mem>>
          %dma_start3A_81 = arith.constant 0 : i32
          %dma_start3A_82 = tpu.memref_slice %arg5[%add3A_21, %dma_start3A_81] : memref<2560x128xi32, #tpu.memory_space<hbm>> -> memref<32x128xi32, #tpu.memory_space<hbm>>
          %dma_start3A_83 = arith.constant 0 : i32
          %dma_start3A_84 = tpu.memref_slice %arg5[%add3A_21, %dma_start3A_83] : memref<2560x128xi32, #tpu.memory_space<hbm>> -> memref<32x128xi32, #tpu.memory_space<hbm>>
          tpu.enqueue_dma source(%dma_start3A_84 : memref<32x128xi32, #tpu.memory_space<hbm>>) target(%arg9 : memref<32x128xi32, #tpu.memory_space<vmem>>) target_semaphore(%run_scoped3A : memref<!tpu.dma_semaphore, #tpu.memory_space<semaphore_mem>>)
          %dma_wait3A_85 = arith.constant 0 : i32
          %dma_wait3A_86 = tpu.memref_slice %arg5[%add3A_21, %dma_wait3A_85] : memref<2560x128xi32, #tpu.memory_space<hbm>> -> memref<32x128xi32, #tpu.memory_space<hbm>>
          %dma_wait3A_87 = arith.constant 0 : i32
          %dma_wait3A_88 = tpu.memref_slice %arg5[%add3A_21, %dma_wait3A_87] : memref<2560x128xi32, #tpu.memory_space<hbm>> -> memref<32x128xi32, #tpu.memory_space<hbm>>
          tpu.wait_dma2 semaphore(%run_scoped3A : memref<!tpu.dma_semaphore, #tpu.memory_space<semaphore_mem>>) src(%dma_wait3A_88 : memref<32x128xi32, #tpu.memory_space<hbm>>) dst(%arg9 : memref<32x128xi32, #tpu.memory_space<vmem>>)
          tpu.yield
        }) : () -> ()
        %dma_start3A = arith.constant 0 : i32
        %dma_start3A_22 = arith.constant 0 : i32
        %dma_start3A_23 = tpu.memref_slice %arg8[%dma_start3A, %dma_start3A_22] : memref<32x128xi32, #tpu.memory_space<vmem>> -> memref<1x128xi32, #tpu.memory_space<vmem>>
        %dma_start3A_24 = tpu.memref_squeeze %dma_start3A_23 : memref<1x128xi32, #tpu.memory_space<vmem>> -> memref<128xi32, #tpu.memory_space<vmem>>
        %dma_start3A_25 = arith.constant 0 : i32
        %dma_start3A_26 = arith.constant 0 : i32
        %dma_start3A_27 = tpu.memref_slice %arg3[%dma_start3A_25, %dma_start3A_26] : memref<10000x128xf32, #tpu.memory_space<hbm>> -> memref<10000x128xf32, #tpu.memory_space<hbm>>
        tpu.enqueue_indirect_dma source(%dma_start3A_27 : memref<10000x128xf32, #tpu.memory_space<hbm>>) target(%arg10 : memref<128x128xf32, #tpu.memory_space<vmem>>) offsets(%dma_start3A_24 : memref<128xi32, #tpu.memory_space<vmem>>) semaphore(%arg13 : memref<!tpu.dma_semaphore, #tpu.memory_space<semaphore_mem>>)
        %dma_start3A_28 = arith.constant 1 : i32
        %dma_start3A_29 = arith.constant 0 : i32
        %dma_start3A_30 = tpu.memref_slice %arg8[%dma_start3A_28, %dma_start3A_29] : memref<32x128xi32, #tpu.memory_space<vmem>> -> memref<1x128xi32, #tpu.memory_space<vmem>>
        %dma_start3A_31 = tpu.memref_squeeze %dma_start3A_30 : memref<1x128xi32, #tpu.memory_space<vmem>> -> memref<128xi32, #tpu.memory_space<vmem>>
        %dma_start3A_32 = arith.constant 0 : i32
        %dma_start3A_33 = arith.constant 0 : i32
        %dma_start3A_34 = tpu.memref_slice %arg3[%dma_start3A_32, %dma_start3A_33] : memref<10000x128xf32, #tpu.memory_space<hbm>> -> memref<10000x128xf32, #tpu.memory_space<hbm>>
        tpu.enqueue_indirect_dma source(%dma_start3A_34 : memref<10000x128xf32, #tpu.memory_space<hbm>>) target(%arg11 : memref<128x128xf32, #tpu.memory_space<vmem>>) offsets(%dma_start3A_31 : memref<128xi32, #tpu.memory_space<vmem>>) semaphore(%arg14 : memref<!tpu.dma_semaphore, #tpu.memory_space<semaphore_mem>>)
        %dma_wait3A = arith.constant 0 : i32
        %dma_wait3A_35 = arith.constant 0 : i32
        %dma_wait3A_36 = tpu.memref_slice %arg8[%dma_wait3A, %dma_wait3A_35] : memref<32x128xi32, #tpu.memory_space<vmem>> -> memref<1x128xi32, #tpu.memory_space<vmem>>
        %dma_wait3A_37 = tpu.memref_squeeze %dma_wait3A_36 : memref<1x128xi32, #tpu.memory_space<vmem>> -> memref<128xi32, #tpu.memory_space<vmem>>
        %dma_wait3A_38 = arith.constant 0 : i32
        %dma_wait3A_39 = arith.constant 0 : i32
        %dma_wait3A_40 = tpu.memref_slice %arg3[%dma_wait3A_38, %dma_wait3A_39] : memref<10000x128xf32, #tpu.memory_space<hbm>> -> memref<10000x128xf32, #tpu.memory_space<hbm>>
        tpu.wait_indirect_dma semaphore(%arg13 : memref<!tpu.dma_semaphore, #tpu.memory_space<semaphore_mem>>) src(%dma_wait3A_40 : memref<10000x128xf32, #tpu.memory_space<hbm>>) dst(%arg10 : memref<128x128xf32, #tpu.memory_space<vmem>>)
        %dma_start3A_41 = arith.constant 0 : i32
        %dma_start3A_42 = arith.constant 0 : i32
        %dma_start3A_43 = tpu.memref_slice %arg9[%dma_start3A_41, %dma_start3A_42] : memref<32x128xi32, #tpu.memory_space<vmem>> -> memref<1x128xi32, #tpu.memory_space<vmem>>
        %dma_start3A_44 = tpu.memref_squeeze %dma_start3A_43 : memref<1x128xi32, #tpu.memory_space<vmem>> -> memref<128xi32, #tpu.memory_space<vmem>>
        %dma_start3A_45 = arith.constant 0 : i32
        %dma_start3A_46 = arith.constant 0 : i32
        %dma_start3A_47 = tpu.memref_slice %arg12[%dma_start3A_45, %dma_start3A_46] : memref<10240x128xf32, #tpu.memory_space<vmem_shared>> -> memref<10240x128xf32, #tpu.memory_space<vmem_shared>>
        tpu.enqueue_indirect_dma source(%arg10 : memref<128x128xf32, #tpu.memory_space<vmem>>) target(%dma_start3A_47 : memref<10240x128xf32, #tpu.memory_space<vmem_shared>>) offsets(%dma_start3A_44 : memref<128xi32, #tpu.memory_space<vmem>>) semaphore(%arg15 : memref<!tpu.dma_semaphore, #tpu.memory_space<semaphore_mem>>) {add = true}
        %dma_wait3A_48 = arith.constant 1 : i32
        %dma_wait3A_49 = arith.constant 0 : i32
        %dma_wait3A_50 = tpu.memref_slice %arg8[%dma_wait3A_48, %dma_wait3A_49] : memref<32x128xi32, #tpu.memory_space<vmem>> -> memref<1x128xi32, #tpu.memory_space<vmem>>
        %dma_wait3A_51 = tpu.memref_squeeze %dma_wait3A_50 : memref<1x128xi32, #tpu.memory_space<vmem>> -> memref<128xi32, #tpu.memory_space<vmem>>
        %dma_wait3A_52 = arith.constant 0 : i32
        %dma_wait3A_53 = arith.constant 0 : i32
        %dma_wait3A_54 = tpu.memref_slice %arg3[%dma_wait3A_52, %dma_wait3A_53] : memref<10000x128xf32, #tpu.memory_space<hbm>> -> memref<10000x128xf32, #tpu.memory_space<hbm>>
        tpu.wait_indirect_dma semaphore(%arg14 : memref<!tpu.dma_semaphore, #tpu.memory_space<semaphore_mem>>) src(%dma_wait3A_54 : memref<10000x128xf32, #tpu.memory_space<hbm>>) dst(%arg11 : memref<128x128xf32, #tpu.memory_space<vmem>>)
        %dma_start3A_55 = arith.constant 1 : i32
        %dma_start3A_56 = arith.constant 0 : i32
        %dma_start3A_57 = tpu.memref_slice %arg9[%dma_start3A_55, %dma_start3A_56] : memref<32x128xi32, #tpu.memory_space<vmem>> -> memref<1x128xi32, #tpu.memory_space<vmem>>
        %dma_start3A_58 = tpu.memref_squeeze %dma_start3A_57 : memref<1x128xi32, #tpu.memory_space<vmem>> -> memref<128xi32, #tpu.memory_space<vmem>>
        %dma_start3A_59 = arith.constant 0 : i32
        %dma_start3A_60 = arith.constant 0 : i32
        %dma_start3A_61 = tpu.memref_slice %arg12[%dma_start3A_59, %dma_start3A_60] : memref<10240x128xf32, #tpu.memory_space<vmem_shared>> -> memref<10240x128xf32, #tpu.memory_space<vmem_shared>>
        tpu.enqueue_indirect_dma source(%arg11 : memref<128x128xf32, #tpu.memory_space<vmem>>) target(%dma_start3A_61 : memref<10240x128xf32, #tpu.memory_space<vmem_shared>>) offsets(%dma_start3A_58 : memref<128xi32, #tpu.memory_space<vmem>>) semaphore(%arg16 : memref<!tpu.dma_semaphore, #tpu.memory_space<semaphore_mem>>) {add = true}
        %scan3A_62 = arith.constant 0 : i32
        %scan3A_63 = arith.constant 15 : i32
        %scan3A_64 = arith.addi %scan3A_62, %scan3A_63 : i32
        %scan3A_65 = arith.constant 1 : i32
        scf.for %scan3A_81 = %scan3A_62 to %scan3A_64 step %scan3A_65  : i32 {
          %mul3A_82 = arith.constant 1 : i32
          %mul3A_83 = arith.muli %scan3A_81, %mul3A_82 : i32
          %add3A_84 = arith.constant 0 : i32
          %add3A_85 = arith.addi %add3A_84, %mul3A_83 : i32
          %mul3A_86 = arith.constant 2 : i32
          %mul3A_87 = arith.muli %mul3A_86, %add3A_85 : i32
          %add3A_88 = arith.constant 2 : i32
          %add3A_89 = arith.addi %mul3A_87, %add3A_88 : i32
          %sub3A = arith.constant 2 : i32
          %sub3A_90 = arith.subi %add3A_89, %sub3A : i32
          %dma_wait3A_91 = arith.constant 0 : i32
          %dma_wait3A_92 = tpu.memref_slice %arg9[%sub3A_90, %dma_wait3A_91] : memref<32x128xi32, #tpu.memory_space<vmem>> -> memref<1x128xi32, #tpu.memory_space<vmem>>
          %dma_wait3A_93 = tpu.memref_squeeze %dma_wait3A_92 : memref<1x128xi32, #tpu.memory_space<vmem>> -> memref<128xi32, #tpu.memory_space<vmem>>
          %dma_wait3A_94 = arith.constant 0 : i32
          %dma_wait3A_95 = arith.constant 0 : i32
          %dma_wait3A_96 = tpu.memref_slice %arg12[%dma_wait3A_94, %dma_wait3A_95] : memref<10240x128xf32, #tpu.memory_space<vmem_shared>> -> memref<10240x128xf32, #tpu.memory_space<vmem_shared>>
          tpu.wait_indirect_dma semaphore(%arg15 : memref<!tpu.dma_semaphore, #tpu.memory_space<semaphore_mem>>) src(%arg10 : memref<128x128xf32, #tpu.memory_space<vmem>>) dst(%dma_wait3A_96 : memref<10240x128xf32, #tpu.memory_space<vmem_shared>>)
          %dma_start3A_97 = arith.constant 0 : i32
          %dma_start3A_98 = tpu.memref_slice %arg8[%add3A_89, %dma_start3A_97] : memref<32x128xi32, #tpu.memory_space<vmem>> -> memref<1x128xi32, #tpu.memory_space<vmem>>
          %dma_start3A_99 = tpu.memref_squeeze %dma_start3A_98 : memref<1x128xi32, #tpu.memory_space<vmem>> -> memref<128xi32, #tpu.memory_space<vmem>>
          %dma_start3A_100 = arith.constant 0 : i32
          %dma_start3A_101 = arith.constant 0 : i32
          %dma_start3A_102 = tpu.memref_slice %arg3[%dma_start3A_100, %dma_start3A_101] : memref<10000x128xf32, #tpu.memory_space<hbm>> -> memref<10000x128xf32, #tpu.memory_space<hbm>>
          tpu.enqueue_indirect_dma source(%dma_start3A_102 : memref<10000x128xf32, #tpu.memory_space<hbm>>) target(%arg10 : memref<128x128xf32, #tpu.memory_space<vmem>>) offsets(%dma_start3A_99 : memref<128xi32, #tpu.memory_space<vmem>>) semaphore(%arg13 : memref<!tpu.dma_semaphore, #tpu.memory_space<semaphore_mem>>)
          %dma_wait3A_103 = arith.constant 0 : i32
          %dma_wait3A_104 = tpu.memref_slice %arg8[%add3A_89, %dma_wait3A_103] : memref<32x128xi32, #tpu.memory_space<vmem>> -> memref<1x128xi32, #tpu.memory_space<vmem>>
          %dma_wait3A_105 = tpu.memref_squeeze %dma_wait3A_104 : memref<1x128xi32, #tpu.memory_space<vmem>> -> memref<128xi32, #tpu.memory_space<vmem>>
          %dma_wait3A_106 = arith.constant 0 : i32
          %dma_wait3A_107 = arith.constant 0 : i32
          %dma_wait3A_108 = tpu.memref_slice %arg3[%dma_wait3A_106, %dma_wait3A_107] : memref<10000x128xf32, #tpu.memory_space<hbm>> -> memref<10000x128xf32, #tpu.memory_space<hbm>>
          tpu.wait_indirect_dma semaphore(%arg13 : memref<!tpu.dma_semaphore, #tpu.memory_space<semaphore_mem>>) src(%dma_wait3A_108 : memref<10000x128xf32, #tpu.memory_space<hbm>>) dst(%arg10 : memref<128x128xf32, #tpu.memory_space<vmem>>)
          %dma_start3A_109 = arith.constant 0 : i32
          %dma_start3A_110 = tpu.memref_slice %arg9[%add3A_89, %dma_start3A_109] : memref<32x128xi32, #tpu.memory_space<vmem>> -> memref<1x128xi32, #tpu.memory_space<vmem>>
          %dma_start3A_111 = tpu.memref_squeeze %dma_start3A_110 : memref<1x128xi32, #tpu.memory_space<vmem>> -> memref<128xi32, #tpu.memory_space<vmem>>
          %dma_start3A_112 = arith.constant 0 : i32
          %dma_start3A_113 = arith.constant 0 : i32
          %dma_start3A_114 = tpu.memref_slice %arg12[%dma_start3A_112, %dma_start3A_113] : memref<10240x128xf32, #tpu.memory_space<vmem_shared>> -> memref<10240x128xf32, #tpu.memory_space<vmem_shared>>
          tpu.enqueue_indirect_dma source(%arg10 : memref<128x128xf32, #tpu.memory_space<vmem>>) target(%dma_start3A_114 : memref<10240x128xf32, #tpu.memory_space<vmem_shared>>) offsets(%dma_start3A_111 : memref<128xi32, #tpu.memory_space<vmem>>) semaphore(%arg15 : memref<!tpu.dma_semaphore, #tpu.memory_space<semaphore_mem>>) {add = true}
          %sub3A_115 = arith.constant 1 : i32
          %sub3A_116 = arith.subi %add3A_89, %sub3A_115 : i32
          %dma_wait3A_117 = arith.constant 0 : i32
          %dma_wait3A_118 = tpu.memref_slice %arg9[%sub3A_116, %dma_wait3A_117] : memref<32x128xi32, #tpu.memory_space<vmem>> -> memref<1x128xi32, #tpu.memory_space<vmem>>
          %dma_wait3A_119 = tpu.memref_squeeze %dma_wait3A_118 : memref<1x128xi32, #tpu.memory_space<vmem>> -> memref<128xi32, #tpu.memory_space<vmem>>
          %dma_wait3A_120 = arith.constant 0 : i32
          %dma_wait3A_121 = arith.constant 0 : i32
          %dma_wait3A_122 = tpu.memref_slice %arg12[%dma_wait3A_120, %dma_wait3A_121] : memref<10240x128xf32, #tpu.memory_space<vmem_shared>> -> memref<10240x128xf32, #tpu.memory_space<vmem_shared>>
          tpu.wait_indirect_dma semaphore(%arg16 : memref<!tpu.dma_semaphore, #tpu.memory_space<semaphore_mem>>) src(%arg11 : memref<128x128xf32, #tpu.memory_space<vmem>>) dst(%dma_wait3A_122 : memref<10240x128xf32, #tpu.memory_space<vmem_shared>>)
          %add3A_123 = arith.constant 1 : i32
          %add3A_124 = arith.addi %add3A_89, %add3A_123 : i32
          %dma_start3A_125 = arith.constant 0 : i32
          %dma_start3A_126 = tpu.memref_slice %arg8[%add3A_124, %dma_start3A_125] : memref<32x128xi32, #tpu.memory_space<vmem>> -> memref<1x128xi32, #tpu.memory_space<vmem>>
          %dma_start3A_127 = tpu.memref_squeeze %dma_start3A_126 : memref<1x128xi32, #tpu.memory_space<vmem>> -> memref<128xi32, #tpu.memory_space<vmem>>
          %dma_start3A_128 = arith.constant 0 : i32
          %dma_start3A_129 = arith.constant 0 : i32
          %dma_start3A_130 = tpu.memref_slice %arg3[%dma_start3A_128, %dma_start3A_129] : memref<10000x128xf32, #tpu.memory_space<hbm>> -> memref<10000x128xf32, #tpu.memory_space<hbm>>
          tpu.enqueue_indirect_dma source(%dma_start3A_130 : memref<10000x128xf32, #tpu.memory_space<hbm>>) target(%arg11 : memref<128x128xf32, #tpu.memory_space<vmem>>) offsets(%dma_start3A_127 : memref<128xi32, #tpu.memory_space<vmem>>) semaphore(%arg14 : memref<!tpu.dma_semaphore, #tpu.memory_space<semaphore_mem>>)
          %add3A_131 = arith.constant 1 : i32
          %add3A_132 = arith.addi %add3A_89, %add3A_131 : i32
          %dma_wait3A_133 = arith.constant 0 : i32
          %dma_wait3A_134 = tpu.memref_slice %arg8[%add3A_132, %dma_wait3A_133] : memref<32x128xi32, #tpu.memory_space<vmem>> -> memref<1x128xi32, #tpu.memory_space<vmem>>
          %dma_wait3A_135 = tpu.memref_squeeze %dma_wait3A_134 : memref<1x128xi32, #tpu.memory_space<vmem>> -> memref<128xi32, #tpu.memory_space<vmem>>
          %dma_wait3A_136 = arith.constant 0 : i32
          %dma_wait3A_137 = arith.constant 0 : i32
          %dma_wait3A_138 = tpu.memref_slice %arg3[%dma_wait3A_136, %dma_wait3A_137] : memref<10000x128xf32, #tpu.memory_space<hbm>> -> memref<10000x128xf32, #tpu.memory_space<hbm>>
          tpu.wait_indirect_dma semaphore(%arg14 : memref<!tpu.dma_semaphore, #tpu.memory_space<semaphore_mem>>) src(%dma_wait3A_138 : memref<10000x128xf32, #tpu.memory_space<hbm>>) dst(%arg11 : memref<128x128xf32, #tpu.memory_space<vmem>>)
          %add3A_139 = arith.constant 1 : i32
          %add3A_140 = arith.addi %add3A_89, %add3A_139 : i32
          %dma_start3A_141 = arith.constant 0 : i32
          %dma_start3A_142 = tpu.memref_slice %arg9[%add3A_140, %dma_start3A_141] : memref<32x128xi32, #tpu.memory_space<vmem>> -> memref<1x128xi32, #tpu.memory_space<vmem>>
          %dma_start3A_143 = tpu.memref_squeeze %dma_start3A_142 : memref<1x128xi32, #tpu.memory_space<vmem>> -> memref<128xi32, #tpu.memory_space<vmem>>
          %dma_start3A_144 = arith.constant 0 : i32
          %dma_start3A_145 = arith.constant 0 : i32
          %dma_start3A_146 = tpu.memref_slice %arg12[%dma_start3A_144, %dma_start3A_145] : memref<10240x128xf32, #tpu.memory_space<vmem_shared>> -> memref<10240x128xf32, #tpu.memory_space<vmem_shared>>
          tpu.enqueue_indirect_dma source(%arg11 : memref<128x128xf32, #tpu.memory_space<vmem>>) target(%dma_start3A_146 : memref<10240x128xf32, #tpu.memory_space<vmem_shared>>) offsets(%dma_start3A_143 : memref<128xi32, #tpu.memory_space<vmem>>) semaphore(%arg16 : memref<!tpu.dma_semaphore, #tpu.memory_space<semaphore_mem>>) {add = true}
        }
        %scan3A_66 = arith.constant 15 : i32
        %dma_wait3A_67 = arith.constant 30 : i32
        %dma_wait3A_68 = arith.constant 0 : i32
        %dma_wait3A_69 = tpu.memref_slice %arg9[%dma_wait3A_67, %dma_wait3A_68] : memref<32x128xi32, #tpu.memory_space<vmem>> -> memref<1x128xi32, #tpu.memory_space<vmem>>
        %dma_wait3A_70 = tpu.memref_squeeze %dma_wait3A_69 : memref<1x128xi32, #tpu.memory_space<vmem>> -> memref<128xi32, #tpu.memory_space<vmem>>
        %dma_wait3A_71 = arith.constant 0 : i32
        %dma_wait3A_72 = arith.constant 0 : i32
        %dma_wait3A_73 = tpu.memref_slice %arg12[%dma_wait3A_71, %dma_wait3A_72] : memref<10240x128xf32, #tpu.memory_space<vmem_shared>> -> memref<10240x128xf32, #tpu.memory_space<vmem_shared>>
        tpu.wait_indirect_dma semaphore(%arg15 : memref<!tpu.dma_semaphore, #tpu.memory_space<semaphore_mem>>) src(%arg10 : memref<128x128xf32, #tpu.memory_space<vmem>>) dst(%dma_wait3A_73 : memref<10240x128xf32, #tpu.memory_space<vmem_shared>>)
        %dma_wait3A_74 = arith.constant 31 : i32
        %dma_wait3A_75 = arith.constant 0 : i32
        %dma_wait3A_76 = tpu.memref_slice %arg9[%dma_wait3A_74, %dma_wait3A_75] : memref<32x128xi32, #tpu.memory_space<vmem>> -> memref<1x128xi32, #tpu.memory_space<vmem>>
        %dma_wait3A_77 = tpu.memref_squeeze %dma_wait3A_76 : memref<1x128xi32, #tpu.memory_space<vmem>> -> memref<128xi32, #tpu.memory_space<vmem>>
        %dma_wait3A_78 = arith.constant 0 : i32
        %dma_wait3A_79 = arith.constant 0 : i32
        %dma_wait3A_80 = tpu.memref_slice %arg12[%dma_wait3A_78, %dma_wait3A_79] : memref<10240x128xf32, #tpu.memory_space<vmem_shared>> -> memref<10240x128xf32, #tpu.memory_space<vmem_shared>>
        tpu.wait_indirect_dma semaphore(%arg16 : memref<!tpu.dma_semaphore, #tpu.memory_space<semaphore_mem>>) src(%arg11 : memref<128x128xf32, #tpu.memory_space<vmem>>) dst(%dma_wait3A_80 : memref<10240x128xf32, #tpu.memory_space<vmem_shared>>)
      }
      %scan3A_12 = arith.constant 5 : i32
    } else {
    }
    %barrier3A_8 = arith.constant 0 : index
    tpu.barrier barrier_id(%barrier3A_8)
    "tpu.region"() ({
      %run_scoped3A = tpu.sem_alloc : memref<!tpu.dma_semaphore, #tpu.memory_space<semaphore_mem>>
      %dma_start3A = arith.constant 0 : i32
      %dma_start3A_9 = tpu.memref_slice %arg7[%arg0, %mul3A_0, %dma_start3A] : memref<2x10240x128xf32, #tpu.memory_space<hbm>> -> memref<1x640x128xf32, #tpu.memory_space<hbm>>
      %dma_start3A_10 = tpu.memref_squeeze %dma_start3A_9 : memref<1x640x128xf32, #tpu.memory_space<hbm>> -> memref<640x128xf32, #tpu.memory_space<hbm>>
      %dma_start3A_11 = arith.constant 0 : i32
      %dma_start3A_12 = tpu.memref_slice %arg12[%mul3A_0, %dma_start3A_11] : memref<10240x128xf32, #tpu.memory_space<vmem_shared>> -> memref<640x128xf32, #tpu.memory_space<vmem_shared>>
      tpu.enqueue_dma source(%dma_start3A_12 : memref<640x128xf32, #tpu.memory_space<vmem_shared>>) target(%dma_start3A_10 : memref<640x128xf32, #tpu.memory_space<hbm>>) target_semaphore(%run_scoped3A : memref<!tpu.dma_semaphore, #tpu.memory_space<semaphore_mem>>)
      %dma_wait3A = arith.constant 0 : i32
      %dma_wait3A_13 = tpu.memref_slice %arg7[%arg0, %mul3A_0, %dma_wait3A] : memref<2x10240x128xf32, #tpu.memory_space<hbm>> -> memref<1x640x128xf32, #tpu.memory_space<hbm>>
      %dma_wait3A_14 = tpu.memref_squeeze %dma_wait3A_13 : memref<1x640x128xf32, #tpu.memory_space<hbm>> -> memref<640x128xf32, #tpu.memory_space<hbm>>
      %dma_wait3A_15 = arith.constant 0 : i32
      %dma_wait3A_16 = tpu.memref_slice %arg12[%mul3A_0, %dma_wait3A_15] : memref<10240x128xf32, #tpu.memory_space<vmem_shared>> -> memref<640x128xf32, #tpu.memory_space<vmem_shared>>
      tpu.wait_dma2 semaphore(%run_scoped3A : memref<!tpu.dma_semaphore, #tpu.memory_space<semaphore_mem>>) src(%dma_wait3A_16 : memref<640x128xf32, #tpu.memory_space<vmem_shared>>) dst(%dma_wait3A_14 : memref<640x128xf32, #tpu.memory_space<hbm>>)
      tpu.yield
    }) : () -> ()
    return
  }
}

#map = affine_map<(d0, d1) -> (0, 0)>
#map1 = affine_map<(d0, d1) -> (0, 0, 0)>
module attributes {stable_mosaic.version = 14 : i64} {
  func.func @_edge_call(%arg0: i32, %arg1: i32, %arg2: memref<10000x128xf32, #tpu.memory_space<hbm>>, %arg3: memref<10000x128xf32, #tpu.memory_space<hbm>>, %arg4: memref<2560x128xi32, #tpu.memory_space<hbm>>, %arg5: memref<2560x128xi32, #tpu.memory_space<hbm>>, %arg6: memref<640x128xf32, #tpu.memory_space<hbm>>, %arg7: memref<2x10240x128xf32, #tpu.memory_space<hbm>>, %arg8: memref<32x128xi32, #tpu.memory_space<vmem>>, %arg9: memref<32x128xi32, #tpu.memory_space<vmem>>, %arg10: memref<128x128xf32, #tpu.memory_space<vmem>>, %arg11: memref<128x128xf32, #tpu.memory_space<vmem>>, %arg12: memref<10240x128xf32, #tpu.memory_space<vmem_shared>>, %arg13: memref<!tpu.dma_semaphore, #tpu.memory_space<semaphore_mem>>, %arg14: memref<!tpu.dma_semaphore, #tpu.memory_space<semaphore_mem>>, %arg15: memref<!tpu.dma_semaphore, #tpu.memory_space<semaphore_mem>>, %arg16: memref<!tpu.dma_semaphore, #tpu.memory_space<semaphore_mem>>) attributes {dimension_semantics = [#tpu.dimension_semantics<core_parallel>, #tpu.dimension_semantics<subcore_parallel>], iteration_bounds = array<i64: 2, 16>, scalar_prefetch = 0 : i64, scratch_operands = 9 : i64, tpu.core_type = #tpu.core_type<sc_vector_subcore>, window_params = [{transform_indices = #map}, {transform_indices = #map}, {transform_indices = #map}, {transform_indices = #map}, {transform_indices = #map}, {transform_indices = #map1}]} {
    %mul3A = arith.constant 640 : i32
    %mul3A_0 = arith.muli %arg1, %mul3A : i32
    "tpu.region"() ({
      %run_scoped3A = tpu.sem_alloc : memref<!tpu.dma_semaphore, #tpu.memory_space<semaphore_mem>>
      %dma_start3A = arith.constant 0 : i32
      %dma_start3A_9 = tpu.memref_slice %arg12[%mul3A_0, %dma_start3A] : memref<10240x128xf32, #tpu.memory_space<vmem_shared>> -> memref<640x128xf32, #tpu.memory_space<vmem_shared>>
      tpu.enqueue_dma source(%arg6 : memref<640x128xf32, #tpu.memory_space<hbm>>) target(%dma_start3A_9 : memref<640x128xf32, #tpu.memory_space<vmem_shared>>) target_semaphore(%run_scoped3A : memref<!tpu.dma_semaphore, #tpu.memory_space<semaphore_mem>>)
      %dma_wait3A = arith.constant 0 : i32
      %dma_wait3A_10 = tpu.memref_slice %arg12[%mul3A_0, %dma_wait3A] : memref<10240x128xf32, #tpu.memory_space<vmem_shared>> -> memref<640x128xf32, #tpu.memory_space<vmem_shared>>
      tpu.wait_dma2 semaphore(%run_scoped3A : memref<!tpu.dma_semaphore, #tpu.memory_space<semaphore_mem>>) src(%arg6 : memref<640x128xf32, #tpu.memory_space<hbm>>) dst(%dma_wait3A_10 : memref<640x128xf32, #tpu.memory_space<vmem_shared>>)
      tpu.yield
    }) : () -> ()
    %barrier3A = arith.constant 0 : index
    tpu.barrier barrier_id(%barrier3A)
    %eq3A = arith.constant 0 : i32
    %eq3A_1 = arith.cmpi eq, %arg0, %eq3A : i32
    %convert_element_type3A = arith.extui %eq3A_1 : i1 to i32
    %cond3A = arith.constant 0 : i32
    %cond3A_2 = arith.cmpi ne, %convert_element_type3A, %cond3A : i32
    scf.if %cond3A_2 {
      %scan3A = arith.constant 0 : i32
      %scan3A_9 = arith.constant 5 : i32
      %scan3A_10 = arith.addi %scan3A, %scan3A_9 : i32
      %scan3A_11 = arith.constant 1 : i32
      scf.for %scan3A_13 = %scan3A to %scan3A_10 step %scan3A_11  : i32 {
        %mul3A_14 = arith.constant 1 : i32
        %mul3A_15 = arith.muli %scan3A_13, %mul3A_14 : i32
        %add3A = arith.constant 0 : i32
        %add3A_16 = arith.addi %add3A, %mul3A_15 : i32
        %mul3A_17 = arith.constant 160 : i32
        %mul3A_18 = arith.muli %arg1, %mul3A_17 : i32
        %mul3A_19 = arith.constant 32 : i32
        %mul3A_20 = arith.muli %add3A_16, %mul3A_19 : i32
        %add3A_21 = arith.addi %mul3A_18, %mul3A_20 : i32
        "tpu.region"() ({
          %run_scoped3A = tpu.sem_alloc : memref<!tpu.dma_semaphore, #tpu.memory_space<semaphore_mem>>
          %dma_start3A_81 = arith.constant 0 : i32
          %dma_start3A_82 = tpu.memref_slice %arg4[%add3A_21, %dma_start3A_81] : memref<2560x128xi32, #tpu.memory_space<hbm>> -> memref<32x128xi32, #tpu.memory_space<hbm>>
          %dma_start3A_83 = arith.constant 0 : i32
          %dma_start3A_84 = tpu.memref_slice %arg4[%add3A_21, %dma_start3A_83] : memref<2560x128xi32, #tpu.memory_space<hbm>> -> memref<32x128xi32, #tpu.memory_space<hbm>>
          tpu.enqueue_dma source(%dma_start3A_84 : memref<32x128xi32, #tpu.memory_space<hbm>>) target(%arg8 : memref<32x128xi32, #tpu.memory_space<vmem>>) target_semaphore(%run_scoped3A : memref<!tpu.dma_semaphore, #tpu.memory_space<semaphore_mem>>)
          %dma_wait3A_85 = arith.constant 0 : i32
          %dma_wait3A_86 = tpu.memref_slice %arg4[%add3A_21, %dma_wait3A_85] : memref<2560x128xi32, #tpu.memory_space<hbm>> -> memref<32x128xi32, #tpu.memory_space<hbm>>
          %dma_wait3A_87 = arith.constant 0 : i32
          %dma_wait3A_88 = tpu.memref_slice %arg4[%add3A_21, %dma_wait3A_87] : memref<2560x128xi32, #tpu.memory_space<hbm>> -> memref<32x128xi32, #tpu.memory_space<hbm>>
          tpu.wait_dma2 semaphore(%run_scoped3A : memref<!tpu.dma_semaphore, #tpu.memory_space<semaphore_mem>>) src(%dma_wait3A_88 : memref<32x128xi32, #tpu.memory_space<hbm>>) dst(%arg8 : memref<32x128xi32, #tpu.memory_space<vmem>>)
          tpu.yield
        }) : () -> ()
        "tpu.region"() ({
          %run_scoped3A = tpu.sem_alloc : memref<!tpu.dma_semaphore, #tpu.memory_space<semaphore_mem>>
          %dma_start3A_81 = arith.constant 0 : i32
          %dma_start3A_82 = tpu.memref_slice %arg5[%add3A_21, %dma_start3A_81] : memref<2560x128xi32, #tpu.memory_space<hbm>> -> memref<32x128xi32, #tpu.memory_space<hbm>>
          %dma_start3A_83 = arith.constant 0 : i32
          %dma_start3A_84 = tpu.memref_slice %arg5[%add3A_21, %dma_start3A_83] : memref<2560x128xi32, #tpu.memory_space<hbm>> -> memref<32x128xi32, #tpu.memory_space<hbm>>
          tpu.enqueue_dma source(%dma_start3A_84 : memref<32x128xi32, #tpu.memory_space<hbm>>) target(%arg9 : memref<32x128xi32, #tpu.memory_space<vmem>>) target_semaphore(%run_scoped3A : memref<!tpu.dma_semaphore, #tpu.memory_space<semaphore_mem>>)
          %dma_wait3A_85 = arith.constant 0 : i32
          %dma_wait3A_86 = tpu.memref_slice %arg5[%add3A_21, %dma_wait3A_85] : memref<2560x128xi32, #tpu.memory_space<hbm>> -> memref<32x128xi32, #tpu.memory_space<hbm>>
          %dma_wait3A_87 = arith.constant 0 : i32
          %dma_wait3A_88 = tpu.memref_slice %arg5[%add3A_21, %dma_wait3A_87] : memref<2560x128xi32, #tpu.memory_space<hbm>> -> memref<32x128xi32, #tpu.memory_space<hbm>>
          tpu.wait_dma2 semaphore(%run_scoped3A : memref<!tpu.dma_semaphore, #tpu.memory_space<semaphore_mem>>) src(%dma_wait3A_88 : memref<32x128xi32, #tpu.memory_space<hbm>>) dst(%arg9 : memref<32x128xi32, #tpu.memory_space<vmem>>)
          tpu.yield
        }) : () -> ()
        %dma_start3A = arith.constant 0 : i32
        %dma_start3A_22 = arith.constant 0 : i32
        %dma_start3A_23 = tpu.memref_slice %arg8[%dma_start3A, %dma_start3A_22] : memref<32x128xi32, #tpu.memory_space<vmem>> -> memref<1x128xi32, #tpu.memory_space<vmem>>
        %dma_start3A_24 = tpu.memref_squeeze %dma_start3A_23 : memref<1x128xi32, #tpu.memory_space<vmem>> -> memref<128xi32, #tpu.memory_space<vmem>>
        %dma_start3A_25 = arith.constant 0 : i32
        %dma_start3A_26 = arith.constant 0 : i32
        %dma_start3A_27 = tpu.memref_slice %arg2[%dma_start3A_25, %dma_start3A_26] : memref<10000x128xf32, #tpu.memory_space<hbm>> -> memref<10000x128xf32, #tpu.memory_space<hbm>>
        tpu.enqueue_indirect_dma source(%dma_start3A_27 : memref<10000x128xf32, #tpu.memory_space<hbm>>) target(%arg10 : memref<128x128xf32, #tpu.memory_space<vmem>>) offsets(%dma_start3A_24 : memref<128xi32, #tpu.memory_space<vmem>>) semaphore(%arg13 : memref<!tpu.dma_semaphore, #tpu.memory_space<semaphore_mem>>)
        %dma_start3A_28 = arith.constant 1 : i32
        %dma_start3A_29 = arith.constant 0 : i32
        %dma_start3A_30 = tpu.memref_slice %arg8[%dma_start3A_28, %dma_start3A_29] : memref<32x128xi32, #tpu.memory_space<vmem>> -> memref<1x128xi32, #tpu.memory_space<vmem>>
        %dma_start3A_31 = tpu.memref_squeeze %dma_start3A_30 : memref<1x128xi32, #tpu.memory_space<vmem>> -> memref<128xi32, #tpu.memory_space<vmem>>
        %dma_start3A_32 = arith.constant 0 : i32
        %dma_start3A_33 = arith.constant 0 : i32
        %dma_start3A_34 = tpu.memref_slice %arg2[%dma_start3A_32, %dma_start3A_33] : memref<10000x128xf32, #tpu.memory_space<hbm>> -> memref<10000x128xf32, #tpu.memory_space<hbm>>
        tpu.enqueue_indirect_dma source(%dma_start3A_34 : memref<10000x128xf32, #tpu.memory_space<hbm>>) target(%arg11 : memref<128x128xf32, #tpu.memory_space<vmem>>) offsets(%dma_start3A_31 : memref<128xi32, #tpu.memory_space<vmem>>) semaphore(%arg14 : memref<!tpu.dma_semaphore, #tpu.memory_space<semaphore_mem>>)
        %dma_wait3A = arith.constant 0 : i32
        %dma_wait3A_35 = arith.constant 0 : i32
        %dma_wait3A_36 = tpu.memref_slice %arg8[%dma_wait3A, %dma_wait3A_35] : memref<32x128xi32, #tpu.memory_space<vmem>> -> memref<1x128xi32, #tpu.memory_space<vmem>>
        %dma_wait3A_37 = tpu.memref_squeeze %dma_wait3A_36 : memref<1x128xi32, #tpu.memory_space<vmem>> -> memref<128xi32, #tpu.memory_space<vmem>>
        %dma_wait3A_38 = arith.constant 0 : i32
        %dma_wait3A_39 = arith.constant 0 : i32
        %dma_wait3A_40 = tpu.memref_slice %arg2[%dma_wait3A_38, %dma_wait3A_39] : memref<10000x128xf32, #tpu.memory_space<hbm>> -> memref<10000x128xf32, #tpu.memory_space<hbm>>
        tpu.wait_indirect_dma semaphore(%arg13 : memref<!tpu.dma_semaphore, #tpu.memory_space<semaphore_mem>>) src(%dma_wait3A_40 : memref<10000x128xf32, #tpu.memory_space<hbm>>) dst(%arg10 : memref<128x128xf32, #tpu.memory_space<vmem>>)
        %dma_start3A_41 = arith.constant 0 : i32
        %dma_start3A_42 = arith.constant 0 : i32
        %dma_start3A_43 = tpu.memref_slice %arg9[%dma_start3A_41, %dma_start3A_42] : memref<32x128xi32, #tpu.memory_space<vmem>> -> memref<1x128xi32, #tpu.memory_space<vmem>>
        %dma_start3A_44 = tpu.memref_squeeze %dma_start3A_43 : memref<1x128xi32, #tpu.memory_space<vmem>> -> memref<128xi32, #tpu.memory_space<vmem>>
        %dma_start3A_45 = arith.constant 0 : i32
        %dma_start3A_46 = arith.constant 0 : i32
        %dma_start3A_47 = tpu.memref_slice %arg12[%dma_start3A_45, %dma_start3A_46] : memref<10240x128xf32, #tpu.memory_space<vmem_shared>> -> memref<10240x128xf32, #tpu.memory_space<vmem_shared>>
        tpu.enqueue_indirect_dma source(%arg10 : memref<128x128xf32, #tpu.memory_space<vmem>>) target(%dma_start3A_47 : memref<10240x128xf32, #tpu.memory_space<vmem_shared>>) offsets(%dma_start3A_44 : memref<128xi32, #tpu.memory_space<vmem>>) semaphore(%arg15 : memref<!tpu.dma_semaphore, #tpu.memory_space<semaphore_mem>>) {add = true}
        %dma_wait3A_48 = arith.constant 1 : i32
        %dma_wait3A_49 = arith.constant 0 : i32
        %dma_wait3A_50 = tpu.memref_slice %arg8[%dma_wait3A_48, %dma_wait3A_49] : memref<32x128xi32, #tpu.memory_space<vmem>> -> memref<1x128xi32, #tpu.memory_space<vmem>>
        %dma_wait3A_51 = tpu.memref_squeeze %dma_wait3A_50 : memref<1x128xi32, #tpu.memory_space<vmem>> -> memref<128xi32, #tpu.memory_space<vmem>>
        %dma_wait3A_52 = arith.constant 0 : i32
        %dma_wait3A_53 = arith.constant 0 : i32
        %dma_wait3A_54 = tpu.memref_slice %arg2[%dma_wait3A_52, %dma_wait3A_53] : memref<10000x128xf32, #tpu.memory_space<hbm>> -> memref<10000x128xf32, #tpu.memory_space<hbm>>
        tpu.wait_indirect_dma semaphore(%arg14 : memref<!tpu.dma_semaphore, #tpu.memory_space<semaphore_mem>>) src(%dma_wait3A_54 : memref<10000x128xf32, #tpu.memory_space<hbm>>) dst(%arg11 : memref<128x128xf32, #tpu.memory_space<vmem>>)
        %dma_start3A_55 = arith.constant 1 : i32
        %dma_start3A_56 = arith.constant 0 : i32
        %dma_start3A_57 = tpu.memref_slice %arg9[%dma_start3A_55, %dma_start3A_56] : memref<32x128xi32, #tpu.memory_space<vmem>> -> memref<1x128xi32, #tpu.memory_space<vmem>>
        %dma_start3A_58 = tpu.memref_squeeze %dma_start3A_57 : memref<1x128xi32, #tpu.memory_space<vmem>> -> memref<128xi32, #tpu.memory_space<vmem>>
        %dma_start3A_59 = arith.constant 0 : i32
        %dma_start3A_60 = arith.constant 0 : i32
        %dma_start3A_61 = tpu.memref_slice %arg12[%dma_start3A_59, %dma_start3A_60] : memref<10240x128xf32, #tpu.memory_space<vmem_shared>> -> memref<10240x128xf32, #tpu.memory_space<vmem_shared>>
        tpu.enqueue_indirect_dma source(%arg11 : memref<128x128xf32, #tpu.memory_space<vmem>>) target(%dma_start3A_61 : memref<10240x128xf32, #tpu.memory_space<vmem_shared>>) offsets(%dma_start3A_58 : memref<128xi32, #tpu.memory_space<vmem>>) semaphore(%arg16 : memref<!tpu.dma_semaphore, #tpu.memory_space<semaphore_mem>>) {add = true}
        %scan3A_62 = arith.constant 0 : i32
        %scan3A_63 = arith.constant 15 : i32
        %scan3A_64 = arith.addi %scan3A_62, %scan3A_63 : i32
        %scan3A_65 = arith.constant 1 : i32
        scf.for %scan3A_81 = %scan3A_62 to %scan3A_64 step %scan3A_65  : i32 {
          %mul3A_82 = arith.constant 1 : i32
          %mul3A_83 = arith.muli %scan3A_81, %mul3A_82 : i32
          %add3A_84 = arith.constant 0 : i32
          %add3A_85 = arith.addi %add3A_84, %mul3A_83 : i32
          %mul3A_86 = arith.constant 2 : i32
          %mul3A_87 = arith.muli %mul3A_86, %add3A_85 : i32
          %add3A_88 = arith.constant 2 : i32
          %add3A_89 = arith.addi %mul3A_87, %add3A_88 : i32
          %sub3A = arith.constant 2 : i32
          %sub3A_90 = arith.subi %add3A_89, %sub3A : i32
          %dma_wait3A_91 = arith.constant 0 : i32
          %dma_wait3A_92 = tpu.memref_slice %arg9[%sub3A_90, %dma_wait3A_91] : memref<32x128xi32, #tpu.memory_space<vmem>> -> memref<1x128xi32, #tpu.memory_space<vmem>>
          %dma_wait3A_93 = tpu.memref_squeeze %dma_wait3A_92 : memref<1x128xi32, #tpu.memory_space<vmem>> -> memref<128xi32, #tpu.memory_space<vmem>>
          %dma_wait3A_94 = arith.constant 0 : i32
          %dma_wait3A_95 = arith.constant 0 : i32
          %dma_wait3A_96 = tpu.memref_slice %arg12[%dma_wait3A_94, %dma_wait3A_95] : memref<10240x128xf32, #tpu.memory_space<vmem_shared>> -> memref<10240x128xf32, #tpu.memory_space<vmem_shared>>
          tpu.wait_indirect_dma semaphore(%arg15 : memref<!tpu.dma_semaphore, #tpu.memory_space<semaphore_mem>>) src(%arg10 : memref<128x128xf32, #tpu.memory_space<vmem>>) dst(%dma_wait3A_96 : memref<10240x128xf32, #tpu.memory_space<vmem_shared>>)
          %dma_start3A_97 = arith.constant 0 : i32
          %dma_start3A_98 = tpu.memref_slice %arg8[%add3A_89, %dma_start3A_97] : memref<32x128xi32, #tpu.memory_space<vmem>> -> memref<1x128xi32, #tpu.memory_space<vmem>>
          %dma_start3A_99 = tpu.memref_squeeze %dma_start3A_98 : memref<1x128xi32, #tpu.memory_space<vmem>> -> memref<128xi32, #tpu.memory_space<vmem>>
          %dma_start3A_100 = arith.constant 0 : i32
          %dma_start3A_101 = arith.constant 0 : i32
          %dma_start3A_102 = tpu.memref_slice %arg2[%dma_start3A_100, %dma_start3A_101] : memref<10000x128xf32, #tpu.memory_space<hbm>> -> memref<10000x128xf32, #tpu.memory_space<hbm>>
          tpu.enqueue_indirect_dma source(%dma_start3A_102 : memref<10000x128xf32, #tpu.memory_space<hbm>>) target(%arg10 : memref<128x128xf32, #tpu.memory_space<vmem>>) offsets(%dma_start3A_99 : memref<128xi32, #tpu.memory_space<vmem>>) semaphore(%arg13 : memref<!tpu.dma_semaphore, #tpu.memory_space<semaphore_mem>>)
          %dma_wait3A_103 = arith.constant 0 : i32
          %dma_wait3A_104 = tpu.memref_slice %arg8[%add3A_89, %dma_wait3A_103] : memref<32x128xi32, #tpu.memory_space<vmem>> -> memref<1x128xi32, #tpu.memory_space<vmem>>
          %dma_wait3A_105 = tpu.memref_squeeze %dma_wait3A_104 : memref<1x128xi32, #tpu.memory_space<vmem>> -> memref<128xi32, #tpu.memory_space<vmem>>
          %dma_wait3A_106 = arith.constant 0 : i32
          %dma_wait3A_107 = arith.constant 0 : i32
          %dma_wait3A_108 = tpu.memref_slice %arg2[%dma_wait3A_106, %dma_wait3A_107] : memref<10000x128xf32, #tpu.memory_space<hbm>> -> memref<10000x128xf32, #tpu.memory_space<hbm>>
          tpu.wait_indirect_dma semaphore(%arg13 : memref<!tpu.dma_semaphore, #tpu.memory_space<semaphore_mem>>) src(%dma_wait3A_108 : memref<10000x128xf32, #tpu.memory_space<hbm>>) dst(%arg10 : memref<128x128xf32, #tpu.memory_space<vmem>>)
          %dma_start3A_109 = arith.constant 0 : i32
          %dma_start3A_110 = tpu.memref_slice %arg9[%add3A_89, %dma_start3A_109] : memref<32x128xi32, #tpu.memory_space<vmem>> -> memref<1x128xi32, #tpu.memory_space<vmem>>
          %dma_start3A_111 = tpu.memref_squeeze %dma_start3A_110 : memref<1x128xi32, #tpu.memory_space<vmem>> -> memref<128xi32, #tpu.memory_space<vmem>>
          %dma_start3A_112 = arith.constant 0 : i32
          %dma_start3A_113 = arith.constant 0 : i32
          %dma_start3A_114 = tpu.memref_slice %arg12[%dma_start3A_112, %dma_start3A_113] : memref<10240x128xf32, #tpu.memory_space<vmem_shared>> -> memref<10240x128xf32, #tpu.memory_space<vmem_shared>>
          tpu.enqueue_indirect_dma source(%arg10 : memref<128x128xf32, #tpu.memory_space<vmem>>) target(%dma_start3A_114 : memref<10240x128xf32, #tpu.memory_space<vmem_shared>>) offsets(%dma_start3A_111 : memref<128xi32, #tpu.memory_space<vmem>>) semaphore(%arg15 : memref<!tpu.dma_semaphore, #tpu.memory_space<semaphore_mem>>) {add = true}
          %sub3A_115 = arith.constant 1 : i32
          %sub3A_116 = arith.subi %add3A_89, %sub3A_115 : i32
          %dma_wait3A_117 = arith.constant 0 : i32
          %dma_wait3A_118 = tpu.memref_slice %arg9[%sub3A_116, %dma_wait3A_117] : memref<32x128xi32, #tpu.memory_space<vmem>> -> memref<1x128xi32, #tpu.memory_space<vmem>>
          %dma_wait3A_119 = tpu.memref_squeeze %dma_wait3A_118 : memref<1x128xi32, #tpu.memory_space<vmem>> -> memref<128xi32, #tpu.memory_space<vmem>>
          %dma_wait3A_120 = arith.constant 0 : i32
          %dma_wait3A_121 = arith.constant 0 : i32
          %dma_wait3A_122 = tpu.memref_slice %arg12[%dma_wait3A_120, %dma_wait3A_121] : memref<10240x128xf32, #tpu.memory_space<vmem_shared>> -> memref<10240x128xf32, #tpu.memory_space<vmem_shared>>
          tpu.wait_indirect_dma semaphore(%arg16 : memref<!tpu.dma_semaphore, #tpu.memory_space<semaphore_mem>>) src(%arg11 : memref<128x128xf32, #tpu.memory_space<vmem>>) dst(%dma_wait3A_122 : memref<10240x128xf32, #tpu.memory_space<vmem_shared>>)
          %add3A_123 = arith.constant 1 : i32
          %add3A_124 = arith.addi %add3A_89, %add3A_123 : i32
          %dma_start3A_125 = arith.constant 0 : i32
          %dma_start3A_126 = tpu.memref_slice %arg8[%add3A_124, %dma_start3A_125] : memref<32x128xi32, #tpu.memory_space<vmem>> -> memref<1x128xi32, #tpu.memory_space<vmem>>
          %dma_start3A_127 = tpu.memref_squeeze %dma_start3A_126 : memref<1x128xi32, #tpu.memory_space<vmem>> -> memref<128xi32, #tpu.memory_space<vmem>>
          %dma_start3A_128 = arith.constant 0 : i32
          %dma_start3A_129 = arith.constant 0 : i32
          %dma_start3A_130 = tpu.memref_slice %arg2[%dma_start3A_128, %dma_start3A_129] : memref<10000x128xf32, #tpu.memory_space<hbm>> -> memref<10000x128xf32, #tpu.memory_space<hbm>>
          tpu.enqueue_indirect_dma source(%dma_start3A_130 : memref<10000x128xf32, #tpu.memory_space<hbm>>) target(%arg11 : memref<128x128xf32, #tpu.memory_space<vmem>>) offsets(%dma_start3A_127 : memref<128xi32, #tpu.memory_space<vmem>>) semaphore(%arg14 : memref<!tpu.dma_semaphore, #tpu.memory_space<semaphore_mem>>)
          %add3A_131 = arith.constant 1 : i32
          %add3A_132 = arith.addi %add3A_89, %add3A_131 : i32
          %dma_wait3A_133 = arith.constant 0 : i32
          %dma_wait3A_134 = tpu.memref_slice %arg8[%add3A_132, %dma_wait3A_133] : memref<32x128xi32, #tpu.memory_space<vmem>> -> memref<1x128xi32, #tpu.memory_space<vmem>>
          %dma_wait3A_135 = tpu.memref_squeeze %dma_wait3A_134 : memref<1x128xi32, #tpu.memory_space<vmem>> -> memref<128xi32, #tpu.memory_space<vmem>>
          %dma_wait3A_136 = arith.constant 0 : i32
          %dma_wait3A_137 = arith.constant 0 : i32
          %dma_wait3A_138 = tpu.memref_slice %arg2[%dma_wait3A_136, %dma_wait3A_137] : memref<10000x128xf32, #tpu.memory_space<hbm>> -> memref<10000x128xf32, #tpu.memory_space<hbm>>
          tpu.wait_indirect_dma semaphore(%arg14 : memref<!tpu.dma_semaphore, #tpu.memory_space<semaphore_mem>>) src(%dma_wait3A_138 : memref<10000x128xf32, #tpu.memory_space<hbm>>) dst(%arg11 : memref<128x128xf32, #tpu.memory_space<vmem>>)
          %add3A_139 = arith.constant 1 : i32
          %add3A_140 = arith.addi %add3A_89, %add3A_139 : i32
          %dma_start3A_141 = arith.constant 0 : i32
          %dma_start3A_142 = tpu.memref_slice %arg9[%add3A_140, %dma_start3A_141] : memref<32x128xi32, #tpu.memory_space<vmem>> -> memref<1x128xi32, #tpu.memory_space<vmem>>
          %dma_start3A_143 = tpu.memref_squeeze %dma_start3A_142 : memref<1x128xi32, #tpu.memory_space<vmem>> -> memref<128xi32, #tpu.memory_space<vmem>>
          %dma_start3A_144 = arith.constant 0 : i32
          %dma_start3A_145 = arith.constant 0 : i32
          %dma_start3A_146 = tpu.memref_slice %arg12[%dma_start3A_144, %dma_start3A_145] : memref<10240x128xf32, #tpu.memory_space<vmem_shared>> -> memref<10240x128xf32, #tpu.memory_space<vmem_shared>>
          tpu.enqueue_indirect_dma source(%arg11 : memref<128x128xf32, #tpu.memory_space<vmem>>) target(%dma_start3A_146 : memref<10240x128xf32, #tpu.memory_space<vmem_shared>>) offsets(%dma_start3A_143 : memref<128xi32, #tpu.memory_space<vmem>>) semaphore(%arg16 : memref<!tpu.dma_semaphore, #tpu.memory_space<semaphore_mem>>) {add = true}
        }
        %scan3A_66 = arith.constant 15 : i32
        %dma_wait3A_67 = arith.constant 30 : i32
        %dma_wait3A_68 = arith.constant 0 : i32
        %dma_wait3A_69 = tpu.memref_slice %arg9[%dma_wait3A_67, %dma_wait3A_68] : memref<32x128xi32, #tpu.memory_space<vmem>> -> memref<1x128xi32, #tpu.memory_space<vmem>>
        %dma_wait3A_70 = tpu.memref_squeeze %dma_wait3A_69 : memref<1x128xi32, #tpu.memory_space<vmem>> -> memref<128xi32, #tpu.memory_space<vmem>>
        %dma_wait3A_71 = arith.constant 0 : i32
        %dma_wait3A_72 = arith.constant 0 : i32
        %dma_wait3A_73 = tpu.memref_slice %arg12[%dma_wait3A_71, %dma_wait3A_72] : memref<10240x128xf32, #tpu.memory_space<vmem_shared>> -> memref<10240x128xf32, #tpu.memory_space<vmem_shared>>
        tpu.wait_indirect_dma semaphore(%arg15 : memref<!tpu.dma_semaphore, #tpu.memory_space<semaphore_mem>>) src(%arg10 : memref<128x128xf32, #tpu.memory_space<vmem>>) dst(%dma_wait3A_73 : memref<10240x128xf32, #tpu.memory_space<vmem_shared>>)
        %dma_wait3A_74 = arith.constant 31 : i32
        %dma_wait3A_75 = arith.constant 0 : i32
        %dma_wait3A_76 = tpu.memref_slice %arg9[%dma_wait3A_74, %dma_wait3A_75] : memref<32x128xi32, #tpu.memory_space<vmem>> -> memref<1x128xi32, #tpu.memory_space<vmem>>
        %dma_wait3A_77 = tpu.memref_squeeze %dma_wait3A_76 : memref<1x128xi32, #tpu.memory_space<vmem>> -> memref<128xi32, #tpu.memory_space<vmem>>
        %dma_wait3A_78 = arith.constant 0 : i32
        %dma_wait3A_79 = arith.constant 0 : i32
        %dma_wait3A_80 = tpu.memref_slice %arg12[%dma_wait3A_78, %dma_wait3A_79] : memref<10240x128xf32, #tpu.memory_space<vmem_shared>> -> memref<10240x128xf32, #tpu.memory_space<vmem_shared>>
        tpu.wait_indirect_dma semaphore(%arg16 : memref<!tpu.dma_semaphore, #tpu.memory_space<semaphore_mem>>) src(%arg11 : memref<128x128xf32, #tpu.memory_space<vmem>>) dst(%dma_wait3A_80 : memref<10240x128xf32, #tpu.memory_space<vmem_shared>>)
      }
      %scan3A_12 = arith.constant 5 : i32
    } else {
    }
    %eq3A_3 = arith.constant 1 : i32
    %eq3A_4 = arith.cmpi eq, %arg0, %eq3A_3 : i32
    %convert_element_type3A_5 = arith.extui %eq3A_4 : i1 to i32
    %cond3A_6 = arith.constant 0 : i32
    %cond3A_7 = arith.cmpi ne, %convert_element_type3A_5, %cond3A_6 : i32
    scf.if %cond3A_7 {
      %scan3A = arith.constant 0 : i32
      %scan3A_9 = arith.constant 5 : i32
      %scan3A_10 = arith.addi %scan3A, %scan3A_9 : i32
      %scan3A_11 = arith.constant 1 : i32
      scf.for %scan3A_13 = %scan3A to %scan3A_10 step %scan3A_11  : i32 {
        %mul3A_14 = arith.constant 1 : i32
        %mul3A_15 = arith.muli %scan3A_13, %mul3A_14 : i32
        %add3A = arith.constant 0 : i32
        %add3A_16 = arith.addi %add3A, %mul3A_15 : i32
        %mul3A_17 = arith.constant 160 : i32
        %mul3A_18 = arith.muli %arg1, %mul3A_17 : i32
        %mul3A_19 = arith.constant 32 : i32
        %mul3A_20 = arith.muli %add3A_16, %mul3A_19 : i32
        %add3A_21 = arith.addi %mul3A_18, %mul3A_20 : i32
        "tpu.region"() ({
          %run_scoped3A = tpu.sem_alloc : memref<!tpu.dma_semaphore, #tpu.memory_space<semaphore_mem>>
          %dma_start3A_81 = arith.constant 0 : i32
          %dma_start3A_82 = tpu.memref_slice %arg4[%add3A_21, %dma_start3A_81] : memref<2560x128xi32, #tpu.memory_space<hbm>> -> memref<32x128xi32, #tpu.memory_space<hbm>>
          %dma_start3A_83 = arith.constant 0 : i32
          %dma_start3A_84 = tpu.memref_slice %arg4[%add3A_21, %dma_start3A_83] : memref<2560x128xi32, #tpu.memory_space<hbm>> -> memref<32x128xi32, #tpu.memory_space<hbm>>
          tpu.enqueue_dma source(%dma_start3A_84 : memref<32x128xi32, #tpu.memory_space<hbm>>) target(%arg8 : memref<32x128xi32, #tpu.memory_space<vmem>>) target_semaphore(%run_scoped3A : memref<!tpu.dma_semaphore, #tpu.memory_space<semaphore_mem>>)
          %dma_wait3A_85 = arith.constant 0 : i32
          %dma_wait3A_86 = tpu.memref_slice %arg4[%add3A_21, %dma_wait3A_85] : memref<2560x128xi32, #tpu.memory_space<hbm>> -> memref<32x128xi32, #tpu.memory_space<hbm>>
          %dma_wait3A_87 = arith.constant 0 : i32
          %dma_wait3A_88 = tpu.memref_slice %arg4[%add3A_21, %dma_wait3A_87] : memref<2560x128xi32, #tpu.memory_space<hbm>> -> memref<32x128xi32, #tpu.memory_space<hbm>>
          tpu.wait_dma2 semaphore(%run_scoped3A : memref<!tpu.dma_semaphore, #tpu.memory_space<semaphore_mem>>) src(%dma_wait3A_88 : memref<32x128xi32, #tpu.memory_space<hbm>>) dst(%arg8 : memref<32x128xi32, #tpu.memory_space<vmem>>)
          tpu.yield
        }) : () -> ()
        "tpu.region"() ({
          %run_scoped3A = tpu.sem_alloc : memref<!tpu.dma_semaphore, #tpu.memory_space<semaphore_mem>>
          %dma_start3A_81 = arith.constant 0 : i32
          %dma_start3A_82 = tpu.memref_slice %arg5[%add3A_21, %dma_start3A_81] : memref<2560x128xi32, #tpu.memory_space<hbm>> -> memref<32x128xi32, #tpu.memory_space<hbm>>
          %dma_start3A_83 = arith.constant 0 : i32
          %dma_start3A_84 = tpu.memref_slice %arg5[%add3A_21, %dma_start3A_83] : memref<2560x128xi32, #tpu.memory_space<hbm>> -> memref<32x128xi32, #tpu.memory_space<hbm>>
          tpu.enqueue_dma source(%dma_start3A_84 : memref<32x128xi32, #tpu.memory_space<hbm>>) target(%arg9 : memref<32x128xi32, #tpu.memory_space<vmem>>) target_semaphore(%run_scoped3A : memref<!tpu.dma_semaphore, #tpu.memory_space<semaphore_mem>>)
          %dma_wait3A_85 = arith.constant 0 : i32
          %dma_wait3A_86 = tpu.memref_slice %arg5[%add3A_21, %dma_wait3A_85] : memref<2560x128xi32, #tpu.memory_space<hbm>> -> memref<32x128xi32, #tpu.memory_space<hbm>>
          %dma_wait3A_87 = arith.constant 0 : i32
          %dma_wait3A_88 = tpu.memref_slice %arg5[%add3A_21, %dma_wait3A_87] : memref<2560x128xi32, #tpu.memory_space<hbm>> -> memref<32x128xi32, #tpu.memory_space<hbm>>
          tpu.wait_dma2 semaphore(%run_scoped3A : memref<!tpu.dma_semaphore, #tpu.memory_space<semaphore_mem>>) src(%dma_wait3A_88 : memref<32x128xi32, #tpu.memory_space<hbm>>) dst(%arg9 : memref<32x128xi32, #tpu.memory_space<vmem>>)
          tpu.yield
        }) : () -> ()
        %dma_start3A = arith.constant 0 : i32
        %dma_start3A_22 = arith.constant 0 : i32
        %dma_start3A_23 = tpu.memref_slice %arg8[%dma_start3A, %dma_start3A_22] : memref<32x128xi32, #tpu.memory_space<vmem>> -> memref<1x128xi32, #tpu.memory_space<vmem>>
        %dma_start3A_24 = tpu.memref_squeeze %dma_start3A_23 : memref<1x128xi32, #tpu.memory_space<vmem>> -> memref<128xi32, #tpu.memory_space<vmem>>
        %dma_start3A_25 = arith.constant 0 : i32
        %dma_start3A_26 = arith.constant 0 : i32
        %dma_start3A_27 = tpu.memref_slice %arg3[%dma_start3A_25, %dma_start3A_26] : memref<10000x128xf32, #tpu.memory_space<hbm>> -> memref<10000x128xf32, #tpu.memory_space<hbm>>
        tpu.enqueue_indirect_dma source(%dma_start3A_27 : memref<10000x128xf32, #tpu.memory_space<hbm>>) target(%arg10 : memref<128x128xf32, #tpu.memory_space<vmem>>) offsets(%dma_start3A_24 : memref<128xi32, #tpu.memory_space<vmem>>) semaphore(%arg13 : memref<!tpu.dma_semaphore, #tpu.memory_space<semaphore_mem>>)
        %dma_start3A_28 = arith.constant 1 : i32
        %dma_start3A_29 = arith.constant 0 : i32
        %dma_start3A_30 = tpu.memref_slice %arg8[%dma_start3A_28, %dma_start3A_29] : memref<32x128xi32, #tpu.memory_space<vmem>> -> memref<1x128xi32, #tpu.memory_space<vmem>>
        %dma_start3A_31 = tpu.memref_squeeze %dma_start3A_30 : memref<1x128xi32, #tpu.memory_space<vmem>> -> memref<128xi32, #tpu.memory_space<vmem>>
        %dma_start3A_32 = arith.constant 0 : i32
        %dma_start3A_33 = arith.constant 0 : i32
        %dma_start3A_34 = tpu.memref_slice %arg3[%dma_start3A_32, %dma_start3A_33] : memref<10000x128xf32, #tpu.memory_space<hbm>> -> memref<10000x128xf32, #tpu.memory_space<hbm>>
        tpu.enqueue_indirect_dma source(%dma_start3A_34 : memref<10000x128xf32, #tpu.memory_space<hbm>>) target(%arg11 : memref<128x128xf32, #tpu.memory_space<vmem>>) offsets(%dma_start3A_31 : memref<128xi32, #tpu.memory_space<vmem>>) semaphore(%arg14 : memref<!tpu.dma_semaphore, #tpu.memory_space<semaphore_mem>>)
        %dma_wait3A = arith.constant 0 : i32
        %dma_wait3A_35 = arith.constant 0 : i32
        %dma_wait3A_36 = tpu.memref_slice %arg8[%dma_wait3A, %dma_wait3A_35] : memref<32x128xi32, #tpu.memory_space<vmem>> -> memref<1x128xi32, #tpu.memory_space<vmem>>
        %dma_wait3A_37 = tpu.memref_squeeze %dma_wait3A_36 : memref<1x128xi32, #tpu.memory_space<vmem>> -> memref<128xi32, #tpu.memory_space<vmem>>
        %dma_wait3A_38 = arith.constant 0 : i32
        %dma_wait3A_39 = arith.constant 0 : i32
        %dma_wait3A_40 = tpu.memref_slice %arg3[%dma_wait3A_38, %dma_wait3A_39] : memref<10000x128xf32, #tpu.memory_space<hbm>> -> memref<10000x128xf32, #tpu.memory_space<hbm>>
        tpu.wait_indirect_dma semaphore(%arg13 : memref<!tpu.dma_semaphore, #tpu.memory_space<semaphore_mem>>) src(%dma_wait3A_40 : memref<10000x128xf32, #tpu.memory_space<hbm>>) dst(%arg10 : memref<128x128xf32, #tpu.memory_space<vmem>>)
        %dma_start3A_41 = arith.constant 0 : i32
        %dma_start3A_42 = arith.constant 0 : i32
        %dma_start3A_43 = tpu.memref_slice %arg9[%dma_start3A_41, %dma_start3A_42] : memref<32x128xi32, #tpu.memory_space<vmem>> -> memref<1x128xi32, #tpu.memory_space<vmem>>
        %dma_start3A_44 = tpu.memref_squeeze %dma_start3A_43 : memref<1x128xi32, #tpu.memory_space<vmem>> -> memref<128xi32, #tpu.memory_space<vmem>>
        %dma_start3A_45 = arith.constant 0 : i32
        %dma_start3A_46 = arith.constant 0 : i32
        %dma_start3A_47 = tpu.memref_slice %arg12[%dma_start3A_45, %dma_start3A_46] : memref<10240x128xf32, #tpu.memory_space<vmem_shared>> -> memref<10240x128xf32, #tpu.memory_space<vmem_shared>>
        tpu.enqueue_indirect_dma source(%arg10 : memref<128x128xf32, #tpu.memory_space<vmem>>) target(%dma_start3A_47 : memref<10240x128xf32, #tpu.memory_space<vmem_shared>>) offsets(%dma_start3A_44 : memref<128xi32, #tpu.memory_space<vmem>>) semaphore(%arg15 : memref<!tpu.dma_semaphore, #tpu.memory_space<semaphore_mem>>) {add = true}
        %dma_wait3A_48 = arith.constant 1 : i32
        %dma_wait3A_49 = arith.constant 0 : i32
        %dma_wait3A_50 = tpu.memref_slice %arg8[%dma_wait3A_48, %dma_wait3A_49] : memref<32x128xi32, #tpu.memory_space<vmem>> -> memref<1x128xi32, #tpu.memory_space<vmem>>
        %dma_wait3A_51 = tpu.memref_squeeze %dma_wait3A_50 : memref<1x128xi32, #tpu.memory_space<vmem>> -> memref<128xi32, #tpu.memory_space<vmem>>
        %dma_wait3A_52 = arith.constant 0 : i32
        %dma_wait3A_53 = arith.constant 0 : i32
        %dma_wait3A_54 = tpu.memref_slice %arg3[%dma_wait3A_52, %dma_wait3A_53] : memref<10000x128xf32, #tpu.memory_space<hbm>> -> memref<10000x128xf32, #tpu.memory_space<hbm>>
        tpu.wait_indirect_dma semaphore(%arg14 : memref<!tpu.dma_semaphore, #tpu.memory_space<semaphore_mem>>) src(%dma_wait3A_54 : memref<10000x128xf32, #tpu.memory_space<hbm>>) dst(%arg11 : memref<128x128xf32, #tpu.memory_space<vmem>>)
        %dma_start3A_55 = arith.constant 1 : i32
        %dma_start3A_56 = arith.constant 0 : i32
        %dma_start3A_57 = tpu.memref_slice %arg9[%dma_start3A_55, %dma_start3A_56] : memref<32x128xi32, #tpu.memory_space<vmem>> -> memref<1x128xi32, #tpu.memory_space<vmem>>
        %dma_start3A_58 = tpu.memref_squeeze %dma_start3A_57 : memref<1x128xi32, #tpu.memory_space<vmem>> -> memref<128xi32, #tpu.memory_space<vmem>>
        %dma_start3A_59 = arith.constant 0 : i32
        %dma_start3A_60 = arith.constant 0 : i32
        %dma_start3A_61 = tpu.memref_slice %arg12[%dma_start3A_59, %dma_start3A_60] : memref<10240x128xf32, #tpu.memory_space<vmem_shared>> -> memref<10240x128xf32, #tpu.memory_space<vmem_shared>>
        tpu.enqueue_indirect_dma source(%arg11 : memref<128x128xf32, #tpu.memory_space<vmem>>) target(%dma_start3A_61 : memref<10240x128xf32, #tpu.memory_space<vmem_shared>>) offsets(%dma_start3A_58 : memref<128xi32, #tpu.memory_space<vmem>>) semaphore(%arg16 : memref<!tpu.dma_semaphore, #tpu.memory_space<semaphore_mem>>) {add = true}
        %scan3A_62 = arith.constant 0 : i32
        %scan3A_63 = arith.constant 15 : i32
        %scan3A_64 = arith.addi %scan3A_62, %scan3A_63 : i32
        %scan3A_65 = arith.constant 1 : i32
        scf.for %scan3A_81 = %scan3A_62 to %scan3A_64 step %scan3A_65  : i32 {
          %mul3A_82 = arith.constant 1 : i32
          %mul3A_83 = arith.muli %scan3A_81, %mul3A_82 : i32
          %add3A_84 = arith.constant 0 : i32
          %add3A_85 = arith.addi %add3A_84, %mul3A_83 : i32
          %mul3A_86 = arith.constant 2 : i32
          %mul3A_87 = arith.muli %mul3A_86, %add3A_85 : i32
          %add3A_88 = arith.constant 2 : i32
          %add3A_89 = arith.addi %mul3A_87, %add3A_88 : i32
          %sub3A = arith.constant 2 : i32
          %sub3A_90 = arith.subi %add3A_89, %sub3A : i32
          %dma_wait3A_91 = arith.constant 0 : i32
          %dma_wait3A_92 = tpu.memref_slice %arg9[%sub3A_90, %dma_wait3A_91] : memref<32x128xi32, #tpu.memory_space<vmem>> -> memref<1x128xi32, #tpu.memory_space<vmem>>
          %dma_wait3A_93 = tpu.memref_squeeze %dma_wait3A_92 : memref<1x128xi32, #tpu.memory_space<vmem>> -> memref<128xi32, #tpu.memory_space<vmem>>
          %dma_wait3A_94 = arith.constant 0 : i32
          %dma_wait3A_95 = arith.constant 0 : i32
          %dma_wait3A_96 = tpu.memref_slice %arg12[%dma_wait3A_94, %dma_wait3A_95] : memref<10240x128xf32, #tpu.memory_space<vmem_shared>> -> memref<10240x128xf32, #tpu.memory_space<vmem_shared>>
          tpu.wait_indirect_dma semaphore(%arg15 : memref<!tpu.dma_semaphore, #tpu.memory_space<semaphore_mem>>) src(%arg10 : memref<128x128xf32, #tpu.memory_space<vmem>>) dst(%dma_wait3A_96 : memref<10240x128xf32, #tpu.memory_space<vmem_shared>>)
          %dma_start3A_97 = arith.constant 0 : i32
          %dma_start3A_98 = tpu.memref_slice %arg8[%add3A_89, %dma_start3A_97] : memref<32x128xi32, #tpu.memory_space<vmem>> -> memref<1x128xi32, #tpu.memory_space<vmem>>
          %dma_start3A_99 = tpu.memref_squeeze %dma_start3A_98 : memref<1x128xi32, #tpu.memory_space<vmem>> -> memref<128xi32, #tpu.memory_space<vmem>>
          %dma_start3A_100 = arith.constant 0 : i32
          %dma_start3A_101 = arith.constant 0 : i32
          %dma_start3A_102 = tpu.memref_slice %arg3[%dma_start3A_100, %dma_start3A_101] : memref<10000x128xf32, #tpu.memory_space<hbm>> -> memref<10000x128xf32, #tpu.memory_space<hbm>>
          tpu.enqueue_indirect_dma source(%dma_start3A_102 : memref<10000x128xf32, #tpu.memory_space<hbm>>) target(%arg10 : memref<128x128xf32, #tpu.memory_space<vmem>>) offsets(%dma_start3A_99 : memref<128xi32, #tpu.memory_space<vmem>>) semaphore(%arg13 : memref<!tpu.dma_semaphore, #tpu.memory_space<semaphore_mem>>)
          %dma_wait3A_103 = arith.constant 0 : i32
          %dma_wait3A_104 = tpu.memref_slice %arg8[%add3A_89, %dma_wait3A_103] : memref<32x128xi32, #tpu.memory_space<vmem>> -> memref<1x128xi32, #tpu.memory_space<vmem>>
          %dma_wait3A_105 = tpu.memref_squeeze %dma_wait3A_104 : memref<1x128xi32, #tpu.memory_space<vmem>> -> memref<128xi32, #tpu.memory_space<vmem>>
          %dma_wait3A_106 = arith.constant 0 : i32
          %dma_wait3A_107 = arith.constant 0 : i32
          %dma_wait3A_108 = tpu.memref_slice %arg3[%dma_wait3A_106, %dma_wait3A_107] : memref<10000x128xf32, #tpu.memory_space<hbm>> -> memref<10000x128xf32, #tpu.memory_space<hbm>>
          tpu.wait_indirect_dma semaphore(%arg13 : memref<!tpu.dma_semaphore, #tpu.memory_space<semaphore_mem>>) src(%dma_wait3A_108 : memref<10000x128xf32, #tpu.memory_space<hbm>>) dst(%arg10 : memref<128x128xf32, #tpu.memory_space<vmem>>)
          %dma_start3A_109 = arith.constant 0 : i32
          %dma_start3A_110 = tpu.memref_slice %arg9[%add3A_89, %dma_start3A_109] : memref<32x128xi32, #tpu.memory_space<vmem>> -> memref<1x128xi32, #tpu.memory_space<vmem>>
          %dma_start3A_111 = tpu.memref_squeeze %dma_start3A_110 : memref<1x128xi32, #tpu.memory_space<vmem>> -> memref<128xi32, #tpu.memory_space<vmem>>
          %dma_start3A_112 = arith.constant 0 : i32
          %dma_start3A_113 = arith.constant 0 : i32
          %dma_start3A_114 = tpu.memref_slice %arg12[%dma_start3A_112, %dma_start3A_113] : memref<10240x128xf32, #tpu.memory_space<vmem_shared>> -> memref<10240x128xf32, #tpu.memory_space<vmem_shared>>
          tpu.enqueue_indirect_dma source(%arg10 : memref<128x128xf32, #tpu.memory_space<vmem>>) target(%dma_start3A_114 : memref<10240x128xf32, #tpu.memory_space<vmem_shared>>) offsets(%dma_start3A_111 : memref<128xi32, #tpu.memory_space<vmem>>) semaphore(%arg15 : memref<!tpu.dma_semaphore, #tpu.memory_space<semaphore_mem>>) {add = true}
          %sub3A_115 = arith.constant 1 : i32
          %sub3A_116 = arith.subi %add3A_89, %sub3A_115 : i32
          %dma_wait3A_117 = arith.constant 0 : i32
          %dma_wait3A_118 = tpu.memref_slice %arg9[%sub3A_116, %dma_wait3A_117] : memref<32x128xi32, #tpu.memory_space<vmem>> -> memref<1x128xi32, #tpu.memory_space<vmem>>
          %dma_wait3A_119 = tpu.memref_squeeze %dma_wait3A_118 : memref<1x128xi32, #tpu.memory_space<vmem>> -> memref<128xi32, #tpu.memory_space<vmem>>
          %dma_wait3A_120 = arith.constant 0 : i32
          %dma_wait3A_121 = arith.constant 0 : i32
          %dma_wait3A_122 = tpu.memref_slice %arg12[%dma_wait3A_120, %dma_wait3A_121] : memref<10240x128xf32, #tpu.memory_space<vmem_shared>> -> memref<10240x128xf32, #tpu.memory_space<vmem_shared>>
          tpu.wait_indirect_dma semaphore(%arg16 : memref<!tpu.dma_semaphore, #tpu.memory_space<semaphore_mem>>) src(%arg11 : memref<128x128xf32, #tpu.memory_space<vmem>>) dst(%dma_wait3A_122 : memref<10240x128xf32, #tpu.memory_space<vmem_shared>>)
          %add3A_123 = arith.constant 1 : i32
          %add3A_124 = arith.addi %add3A_89, %add3A_123 : i32
          %dma_start3A_125 = arith.constant 0 : i32
          %dma_start3A_126 = tpu.memref_slice %arg8[%add3A_124, %dma_start3A_125] : memref<32x128xi32, #tpu.memory_space<vmem>> -> memref<1x128xi32, #tpu.memory_space<vmem>>
          %dma_start3A_127 = tpu.memref_squeeze %dma_start3A_126 : memref<1x128xi32, #tpu.memory_space<vmem>> -> memref<128xi32, #tpu.memory_space<vmem>>
          %dma_start3A_128 = arith.constant 0 : i32
          %dma_start3A_129 = arith.constant 0 : i32
          %dma_start3A_130 = tpu.memref_slice %arg3[%dma_start3A_128, %dma_start3A_129] : memref<10000x128xf32, #tpu.memory_space<hbm>> -> memref<10000x128xf32, #tpu.memory_space<hbm>>
          tpu.enqueue_indirect_dma source(%dma_start3A_130 : memref<10000x128xf32, #tpu.memory_space<hbm>>) target(%arg11 : memref<128x128xf32, #tpu.memory_space<vmem>>) offsets(%dma_start3A_127 : memref<128xi32, #tpu.memory_space<vmem>>) semaphore(%arg14 : memref<!tpu.dma_semaphore, #tpu.memory_space<semaphore_mem>>)
          %add3A_131 = arith.constant 1 : i32
          %add3A_132 = arith.addi %add3A_89, %add3A_131 : i32
          %dma_wait3A_133 = arith.constant 0 : i32
          %dma_wait3A_134 = tpu.memref_slice %arg8[%add3A_132, %dma_wait3A_133] : memref<32x128xi32, #tpu.memory_space<vmem>> -> memref<1x128xi32, #tpu.memory_space<vmem>>
          %dma_wait3A_135 = tpu.memref_squeeze %dma_wait3A_134 : memref<1x128xi32, #tpu.memory_space<vmem>> -> memref<128xi32, #tpu.memory_space<vmem>>
          %dma_wait3A_136 = arith.constant 0 : i32
          %dma_wait3A_137 = arith.constant 0 : i32
          %dma_wait3A_138 = tpu.memref_slice %arg3[%dma_wait3A_136, %dma_wait3A_137] : memref<10000x128xf32, #tpu.memory_space<hbm>> -> memref<10000x128xf32, #tpu.memory_space<hbm>>
          tpu.wait_indirect_dma semaphore(%arg14 : memref<!tpu.dma_semaphore, #tpu.memory_space<semaphore_mem>>) src(%dma_wait3A_138 : memref<10000x128xf32, #tpu.memory_space<hbm>>) dst(%arg11 : memref<128x128xf32, #tpu.memory_space<vmem>>)
          %add3A_139 = arith.constant 1 : i32
          %add3A_140 = arith.addi %add3A_89, %add3A_139 : i32
          %dma_start3A_141 = arith.constant 0 : i32
          %dma_start3A_142 = tpu.memref_slice %arg9[%add3A_140, %dma_start3A_141] : memref<32x128xi32, #tpu.memory_space<vmem>> -> memref<1x128xi32, #tpu.memory_space<vmem>>
          %dma_start3A_143 = tpu.memref_squeeze %dma_start3A_142 : memref<1x128xi32, #tpu.memory_space<vmem>> -> memref<128xi32, #tpu.memory_space<vmem>>
          %dma_start3A_144 = arith.constant 0 : i32
          %dma_start3A_145 = arith.constant 0 : i32
          %dma_start3A_146 = tpu.memref_slice %arg12[%dma_start3A_144, %dma_start3A_145] : memref<10240x128xf32, #tpu.memory_space<vmem_shared>> -> memref<10240x128xf32, #tpu.memory_space<vmem_shared>>
          tpu.enqueue_indirect_dma source(%arg11 : memref<128x128xf32, #tpu.memory_space<vmem>>) target(%dma_start3A_146 : memref<10240x128xf32, #tpu.memory_space<vmem_shared>>) offsets(%dma_start3A_143 : memref<128xi32, #tpu.memory_space<vmem>>) semaphore(%arg16 : memref<!tpu.dma_semaphore, #tpu.memory_space<semaphore_mem>>) {add = true}
        }
        %scan3A_66 = arith.constant 15 : i32
        %dma_wait3A_67 = arith.constant 30 : i32
        %dma_wait3A_68 = arith.constant 0 : i32
        %dma_wait3A_69 = tpu.memref_slice %arg9[%dma_wait3A_67, %dma_wait3A_68] : memref<32x128xi32, #tpu.memory_space<vmem>> -> memref<1x128xi32, #tpu.memory_space<vmem>>
        %dma_wait3A_70 = tpu.memref_squeeze %dma_wait3A_69 : memref<1x128xi32, #tpu.memory_space<vmem>> -> memref<128xi32, #tpu.memory_space<vmem>>
        %dma_wait3A_71 = arith.constant 0 : i32
        %dma_wait3A_72 = arith.constant 0 : i32
        %dma_wait3A_73 = tpu.memref_slice %arg12[%dma_wait3A_71, %dma_wait3A_72] : memref<10240x128xf32, #tpu.memory_space<vmem_shared>> -> memref<10240x128xf32, #tpu.memory_space<vmem_shared>>
        tpu.wait_indirect_dma semaphore(%arg15 : memref<!tpu.dma_semaphore, #tpu.memory_space<semaphore_mem>>) src(%arg10 : memref<128x128xf32, #tpu.memory_space<vmem>>) dst(%dma_wait3A_73 : memref<10240x128xf32, #tpu.memory_space<vmem_shared>>)
        %dma_wait3A_74 = arith.constant 31 : i32
        %dma_wait3A_75 = arith.constant 0 : i32
        %dma_wait3A_76 = tpu.memref_slice %arg9[%dma_wait3A_74, %dma_wait3A_75] : memref<32x128xi32, #tpu.memory_space<vmem>> -> memref<1x128xi32, #tpu.memory_space<vmem>>
        %dma_wait3A_77 = tpu.memref_squeeze %dma_wait3A_76 : memref<1x128xi32, #tpu.memory_space<vmem>> -> memref<128xi32, #tpu.memory_space<vmem>>
        %dma_wait3A_78 = arith.constant 0 : i32
        %dma_wait3A_79 = arith.constant 0 : i32
        %dma_wait3A_80 = tpu.memref_slice %arg12[%dma_wait3A_78, %dma_wait3A_79] : memref<10240x128xf32, #tpu.memory_space<vmem_shared>> -> memref<10240x128xf32, #tpu.memory_space<vmem_shared>>
        tpu.wait_indirect_dma semaphore(%arg16 : memref<!tpu.dma_semaphore, #tpu.memory_space<semaphore_mem>>) src(%arg11 : memref<128x128xf32, #tpu.memory_space<vmem>>) dst(%dma_wait3A_80 : memref<10240x128xf32, #tpu.memory_space<vmem_shared>>)
      }
      %scan3A_12 = arith.constant 5 : i32
    } else {
    }
    %barrier3A_8 = arith.constant 0 : index
    tpu.barrier barrier_id(%barrier3A_8)
    "tpu.region"() ({
      %run_scoped3A = tpu.sem_alloc : memref<!tpu.dma_semaphore, #tpu.memory_space<semaphore_mem>>
      %dma_start3A = arith.constant 0 : i32
      %dma_start3A_9 = tpu.memref_slice %arg7[%arg0, %mul3A_0, %dma_start3A] : memref<2x10240x128xf32, #tpu.memory_space<hbm>> -> memref<1x640x128xf32, #tpu.memory_space<hbm>>
      %dma_start3A_10 = tpu.memref_squeeze %dma_start3A_9 : memref<1x640x128xf32, #tpu.memory_space<hbm>> -> memref<640x128xf32, #tpu.memory_space<hbm>>
      %dma_start3A_11 = arith.constant 0 : i32
      %dma_start3A_12 = tpu.memref_slice %arg12[%mul3A_0, %dma_start3A_11] : memref<10240x128xf32, #tpu.memory_space<vmem_shared>> -> memref<640x128xf32, #tpu.memory_space<vmem_shared>>
      tpu.enqueue_dma source(%dma_start3A_12 : memref<640x128xf32, #tpu.memory_space<vmem_shared>>) target(%dma_start3A_10 : memref<640x128xf32, #tpu.memory_space<hbm>>) target_semaphore(%run_scoped3A : memref<!tpu.dma_semaphore, #tpu.memory_space<semaphore_mem>>)
      %dma_wait3A = arith.constant 0 : i32
      %dma_wait3A_13 = tpu.memref_slice %arg7[%arg0, %mul3A_0, %dma_wait3A] : memref<2x10240x128xf32, #tpu.memory_space<hbm>> -> memref<1x640x128xf32, #tpu.memory_space<hbm>>
      %dma_wait3A_14 = tpu.memref_squeeze %dma_wait3A_13 : memref<1x640x128xf32, #tpu.memory_space<hbm>> -> memref<640x128xf32, #tpu.memory_space<hbm>>
      %dma_wait3A_15 = arith.constant 0 : i32
      %dma_wait3A_16 = tpu.memref_slice %arg12[%mul3A_0, %dma_wait3A_15] : memref<10240x128xf32, #tpu.memory_space<vmem_shared>> -> memref<640x128xf32, #tpu.memory_space<vmem_shared>>
      tpu.wait_dma2 semaphore(%run_scoped3A : memref<!tpu.dma_semaphore, #tpu.memory_space<semaphore_mem>>) src(%dma_wait3A_16 : memref<640x128xf32, #tpu.memory_space<vmem_shared>>) dst(%dma_wait3A_14 : memref<640x128xf32, #tpu.memory_space<hbm>>)
      tpu.yield
    }) : () -> ()
    return
  }
}

#map = affine_map<(d0, d1) -> (0, 0)>
#map1 = affine_map<(d0, d1) -> (0, 0, 0)>
module attributes {stable_mosaic.version = 14 : i64} {
  func.func @_edge_call(%arg0: i32, %arg1: i32, %arg2: memref<10000x128xf32, #tpu.memory_space<hbm>>, %arg3: memref<10000x128xf32, #tpu.memory_space<hbm>>, %arg4: memref<2560x128xi32, #tpu.memory_space<hbm>>, %arg5: memref<2560x128xi32, #tpu.memory_space<hbm>>, %arg6: memref<640x128xf32, #tpu.memory_space<hbm>>, %arg7: memref<2x10240x128xf32, #tpu.memory_space<hbm>>, %arg8: memref<32x128xi32, #tpu.memory_space<vmem>>, %arg9: memref<32x128xi32, #tpu.memory_space<vmem>>, %arg10: memref<128x128xf32, #tpu.memory_space<vmem>>, %arg11: memref<128x128xf32, #tpu.memory_space<vmem>>, %arg12: memref<10240x128xf32, #tpu.memory_space<vmem_shared>>, %arg13: memref<!tpu.dma_semaphore, #tpu.memory_space<semaphore_mem>>, %arg14: memref<!tpu.dma_semaphore, #tpu.memory_space<semaphore_mem>>, %arg15: memref<!tpu.dma_semaphore, #tpu.memory_space<semaphore_mem>>, %arg16: memref<!tpu.dma_semaphore, #tpu.memory_space<semaphore_mem>>) attributes {dimension_semantics = [#tpu.dimension_semantics<core_parallel>, #tpu.dimension_semantics<subcore_parallel>], iteration_bounds = array<i64: 2, 16>, scalar_prefetch = 0 : i64, scratch_operands = 9 : i64, tpu.core_type = #tpu.core_type<sc_vector_subcore>, window_params = [{transform_indices = #map}, {transform_indices = #map}, {transform_indices = #map}, {transform_indices = #map}, {transform_indices = #map}, {transform_indices = #map1}]} {
    %mul3A = arith.constant 640 : i32
    %mul3A_0 = arith.muli %arg1, %mul3A : i32
    "tpu.region"() ({
      %run_scoped3A = tpu.sem_alloc : memref<!tpu.dma_semaphore, #tpu.memory_space<semaphore_mem>>
      %dma_start3A = arith.constant 0 : i32
      %dma_start3A_9 = tpu.memref_slice %arg12[%mul3A_0, %dma_start3A] : memref<10240x128xf32, #tpu.memory_space<vmem_shared>> -> memref<640x128xf32, #tpu.memory_space<vmem_shared>>
      tpu.enqueue_dma source(%arg6 : memref<640x128xf32, #tpu.memory_space<hbm>>) target(%dma_start3A_9 : memref<640x128xf32, #tpu.memory_space<vmem_shared>>) target_semaphore(%run_scoped3A : memref<!tpu.dma_semaphore, #tpu.memory_space<semaphore_mem>>)
      %dma_wait3A = arith.constant 0 : i32
      %dma_wait3A_10 = tpu.memref_slice %arg12[%mul3A_0, %dma_wait3A] : memref<10240x128xf32, #tpu.memory_space<vmem_shared>> -> memref<640x128xf32, #tpu.memory_space<vmem_shared>>
      tpu.wait_dma2 semaphore(%run_scoped3A : memref<!tpu.dma_semaphore, #tpu.memory_space<semaphore_mem>>) src(%arg6 : memref<640x128xf32, #tpu.memory_space<hbm>>) dst(%dma_wait3A_10 : memref<640x128xf32, #tpu.memory_space<vmem_shared>>)
      tpu.yield
    }) : () -> ()
    %barrier3A = arith.constant 0 : index
    tpu.barrier barrier_id(%barrier3A)
    %eq3A = arith.constant 0 : i32
    %eq3A_1 = arith.cmpi eq, %arg0, %eq3A : i32
    %convert_element_type3A = arith.extui %eq3A_1 : i1 to i32
    %cond3A = arith.constant 0 : i32
    %cond3A_2 = arith.cmpi ne, %convert_element_type3A, %cond3A : i32
    scf.if %cond3A_2 {
      %scan3A = arith.constant 0 : i32
      %scan3A_9 = arith.constant 5 : i32
      %scan3A_10 = arith.addi %scan3A, %scan3A_9 : i32
      %scan3A_11 = arith.constant 1 : i32
      scf.for %scan3A_13 = %scan3A to %scan3A_10 step %scan3A_11  : i32 {
        %mul3A_14 = arith.constant 1 : i32
        %mul3A_15 = arith.muli %scan3A_13, %mul3A_14 : i32
        %add3A = arith.constant 0 : i32
        %add3A_16 = arith.addi %add3A, %mul3A_15 : i32
        %mul3A_17 = arith.constant 160 : i32
        %mul3A_18 = arith.muli %arg1, %mul3A_17 : i32
        %mul3A_19 = arith.constant 32 : i32
        %mul3A_20 = arith.muli %add3A_16, %mul3A_19 : i32
        %add3A_21 = arith.addi %mul3A_18, %mul3A_20 : i32
        "tpu.region"() ({
          %run_scoped3A = tpu.sem_alloc : memref<!tpu.dma_semaphore, #tpu.memory_space<semaphore_mem>>
          %dma_start3A_81 = arith.constant 0 : i32
          %dma_start3A_82 = tpu.memref_slice %arg4[%add3A_21, %dma_start3A_81] : memref<2560x128xi32, #tpu.memory_space<hbm>> -> memref<32x128xi32, #tpu.memory_space<hbm>>
          %dma_start3A_83 = arith.constant 0 : i32
          %dma_start3A_84 = tpu.memref_slice %arg4[%add3A_21, %dma_start3A_83] : memref<2560x128xi32, #tpu.memory_space<hbm>> -> memref<32x128xi32, #tpu.memory_space<hbm>>
          tpu.enqueue_dma source(%dma_start3A_84 : memref<32x128xi32, #tpu.memory_space<hbm>>) target(%arg8 : memref<32x128xi32, #tpu.memory_space<vmem>>) target_semaphore(%run_scoped3A : memref<!tpu.dma_semaphore, #tpu.memory_space<semaphore_mem>>)
          %dma_wait3A_85 = arith.constant 0 : i32
          %dma_wait3A_86 = tpu.memref_slice %arg4[%add3A_21, %dma_wait3A_85] : memref<2560x128xi32, #tpu.memory_space<hbm>> -> memref<32x128xi32, #tpu.memory_space<hbm>>
          %dma_wait3A_87 = arith.constant 0 : i32
          %dma_wait3A_88 = tpu.memref_slice %arg4[%add3A_21, %dma_wait3A_87] : memref<2560x128xi32, #tpu.memory_space<hbm>> -> memref<32x128xi32, #tpu.memory_space<hbm>>
          tpu.wait_dma2 semaphore(%run_scoped3A : memref<!tpu.dma_semaphore, #tpu.memory_space<semaphore_mem>>) src(%dma_wait3A_88 : memref<32x128xi32, #tpu.memory_space<hbm>>) dst(%arg8 : memref<32x128xi32, #tpu.memory_space<vmem>>)
          tpu.yield
        }) : () -> ()
        "tpu.region"() ({
          %run_scoped3A = tpu.sem_alloc : memref<!tpu.dma_semaphore, #tpu.memory_space<semaphore_mem>>
          %dma_start3A_81 = arith.constant 0 : i32
          %dma_start3A_82 = tpu.memref_slice %arg5[%add3A_21, %dma_start3A_81] : memref<2560x128xi32, #tpu.memory_space<hbm>> -> memref<32x128xi32, #tpu.memory_space<hbm>>
          %dma_start3A_83 = arith.constant 0 : i32
          %dma_start3A_84 = tpu.memref_slice %arg5[%add3A_21, %dma_start3A_83] : memref<2560x128xi32, #tpu.memory_space<hbm>> -> memref<32x128xi32, #tpu.memory_space<hbm>>
          tpu.enqueue_dma source(%dma_start3A_84 : memref<32x128xi32, #tpu.memory_space<hbm>>) target(%arg9 : memref<32x128xi32, #tpu.memory_space<vmem>>) target_semaphore(%run_scoped3A : memref<!tpu.dma_semaphore, #tpu.memory_space<semaphore_mem>>)
          %dma_wait3A_85 = arith.constant 0 : i32
          %dma_wait3A_86 = tpu.memref_slice %arg5[%add3A_21, %dma_wait3A_85] : memref<2560x128xi32, #tpu.memory_space<hbm>> -> memref<32x128xi32, #tpu.memory_space<hbm>>
          %dma_wait3A_87 = arith.constant 0 : i32
          %dma_wait3A_88 = tpu.memref_slice %arg5[%add3A_21, %dma_wait3A_87] : memref<2560x128xi32, #tpu.memory_space<hbm>> -> memref<32x128xi32, #tpu.memory_space<hbm>>
          tpu.wait_dma2 semaphore(%run_scoped3A : memref<!tpu.dma_semaphore, #tpu.memory_space<semaphore_mem>>) src(%dma_wait3A_88 : memref<32x128xi32, #tpu.memory_space<hbm>>) dst(%arg9 : memref<32x128xi32, #tpu.memory_space<vmem>>)
          tpu.yield
        }) : () -> ()
        %dma_start3A = arith.constant 0 : i32
        %dma_start3A_22 = arith.constant 0 : i32
        %dma_start3A_23 = tpu.memref_slice %arg8[%dma_start3A, %dma_start3A_22] : memref<32x128xi32, #tpu.memory_space<vmem>> -> memref<1x128xi32, #tpu.memory_space<vmem>>
        %dma_start3A_24 = tpu.memref_squeeze %dma_start3A_23 : memref<1x128xi32, #tpu.memory_space<vmem>> -> memref<128xi32, #tpu.memory_space<vmem>>
        %dma_start3A_25 = arith.constant 0 : i32
        %dma_start3A_26 = arith.constant 0 : i32
        %dma_start3A_27 = tpu.memref_slice %arg2[%dma_start3A_25, %dma_start3A_26] : memref<10000x128xf32, #tpu.memory_space<hbm>> -> memref<10000x128xf32, #tpu.memory_space<hbm>>
        tpu.enqueue_indirect_dma source(%dma_start3A_27 : memref<10000x128xf32, #tpu.memory_space<hbm>>) target(%arg10 : memref<128x128xf32, #tpu.memory_space<vmem>>) offsets(%dma_start3A_24 : memref<128xi32, #tpu.memory_space<vmem>>) semaphore(%arg13 : memref<!tpu.dma_semaphore, #tpu.memory_space<semaphore_mem>>)
        %dma_start3A_28 = arith.constant 1 : i32
        %dma_start3A_29 = arith.constant 0 : i32
        %dma_start3A_30 = tpu.memref_slice %arg8[%dma_start3A_28, %dma_start3A_29] : memref<32x128xi32, #tpu.memory_space<vmem>> -> memref<1x128xi32, #tpu.memory_space<vmem>>
        %dma_start3A_31 = tpu.memref_squeeze %dma_start3A_30 : memref<1x128xi32, #tpu.memory_space<vmem>> -> memref<128xi32, #tpu.memory_space<vmem>>
        %dma_start3A_32 = arith.constant 0 : i32
        %dma_start3A_33 = arith.constant 0 : i32
        %dma_start3A_34 = tpu.memref_slice %arg2[%dma_start3A_32, %dma_start3A_33] : memref<10000x128xf32, #tpu.memory_space<hbm>> -> memref<10000x128xf32, #tpu.memory_space<hbm>>
        tpu.enqueue_indirect_dma source(%dma_start3A_34 : memref<10000x128xf32, #tpu.memory_space<hbm>>) target(%arg11 : memref<128x128xf32, #tpu.memory_space<vmem>>) offsets(%dma_start3A_31 : memref<128xi32, #tpu.memory_space<vmem>>) semaphore(%arg14 : memref<!tpu.dma_semaphore, #tpu.memory_space<semaphore_mem>>)
        %dma_wait3A = arith.constant 0 : i32
        %dma_wait3A_35 = arith.constant 0 : i32
        %dma_wait3A_36 = tpu.memref_slice %arg8[%dma_wait3A, %dma_wait3A_35] : memref<32x128xi32, #tpu.memory_space<vmem>> -> memref<1x128xi32, #tpu.memory_space<vmem>>
        %dma_wait3A_37 = tpu.memref_squeeze %dma_wait3A_36 : memref<1x128xi32, #tpu.memory_space<vmem>> -> memref<128xi32, #tpu.memory_space<vmem>>
        %dma_wait3A_38 = arith.constant 0 : i32
        %dma_wait3A_39 = arith.constant 0 : i32
        %dma_wait3A_40 = tpu.memref_slice %arg2[%dma_wait3A_38, %dma_wait3A_39] : memref<10000x128xf32, #tpu.memory_space<hbm>> -> memref<10000x128xf32, #tpu.memory_space<hbm>>
        tpu.wait_indirect_dma semaphore(%arg13 : memref<!tpu.dma_semaphore, #tpu.memory_space<semaphore_mem>>) src(%dma_wait3A_40 : memref<10000x128xf32, #tpu.memory_space<hbm>>) dst(%arg10 : memref<128x128xf32, #tpu.memory_space<vmem>>)
        %dma_start3A_41 = arith.constant 0 : i32
        %dma_start3A_42 = arith.constant 0 : i32
        %dma_start3A_43 = tpu.memref_slice %arg9[%dma_start3A_41, %dma_start3A_42] : memref<32x128xi32, #tpu.memory_space<vmem>> -> memref<1x128xi32, #tpu.memory_space<vmem>>
        %dma_start3A_44 = tpu.memref_squeeze %dma_start3A_43 : memref<1x128xi32, #tpu.memory_space<vmem>> -> memref<128xi32, #tpu.memory_space<vmem>>
        %dma_start3A_45 = arith.constant 0 : i32
        %dma_start3A_46 = arith.constant 0 : i32
        %dma_start3A_47 = tpu.memref_slice %arg12[%dma_start3A_45, %dma_start3A_46] : memref<10240x128xf32, #tpu.memory_space<vmem_shared>> -> memref<10240x128xf32, #tpu.memory_space<vmem_shared>>
        tpu.enqueue_indirect_dma source(%arg10 : memref<128x128xf32, #tpu.memory_space<vmem>>) target(%dma_start3A_47 : memref<10240x128xf32, #tpu.memory_space<vmem_shared>>) offsets(%dma_start3A_44 : memref<128xi32, #tpu.memory_space<vmem>>) semaphore(%arg15 : memref<!tpu.dma_semaphore, #tpu.memory_space<semaphore_mem>>) {add = true}
        %dma_wait3A_48 = arith.constant 1 : i32
        %dma_wait3A_49 = arith.constant 0 : i32
        %dma_wait3A_50 = tpu.memref_slice %arg8[%dma_wait3A_48, %dma_wait3A_49] : memref<32x128xi32, #tpu.memory_space<vmem>> -> memref<1x128xi32, #tpu.memory_space<vmem>>
        %dma_wait3A_51 = tpu.memref_squeeze %dma_wait3A_50 : memref<1x128xi32, #tpu.memory_space<vmem>> -> memref<128xi32, #tpu.memory_space<vmem>>
        %dma_wait3A_52 = arith.constant 0 : i32
        %dma_wait3A_53 = arith.constant 0 : i32
        %dma_wait3A_54 = tpu.memref_slice %arg2[%dma_wait3A_52, %dma_wait3A_53] : memref<10000x128xf32, #tpu.memory_space<hbm>> -> memref<10000x128xf32, #tpu.memory_space<hbm>>
        tpu.wait_indirect_dma semaphore(%arg14 : memref<!tpu.dma_semaphore, #tpu.memory_space<semaphore_mem>>) src(%dma_wait3A_54 : memref<10000x128xf32, #tpu.memory_space<hbm>>) dst(%arg11 : memref<128x128xf32, #tpu.memory_space<vmem>>)
        %dma_start3A_55 = arith.constant 1 : i32
        %dma_start3A_56 = arith.constant 0 : i32
        %dma_start3A_57 = tpu.memref_slice %arg9[%dma_start3A_55, %dma_start3A_56] : memref<32x128xi32, #tpu.memory_space<vmem>> -> memref<1x128xi32, #tpu.memory_space<vmem>>
        %dma_start3A_58 = tpu.memref_squeeze %dma_start3A_57 : memref<1x128xi32, #tpu.memory_space<vmem>> -> memref<128xi32, #tpu.memory_space<vmem>>
        %dma_start3A_59 = arith.constant 0 : i32
        %dma_start3A_60 = arith.constant 0 : i32
        %dma_start3A_61 = tpu.memref_slice %arg12[%dma_start3A_59, %dma_start3A_60] : memref<10240x128xf32, #tpu.memory_space<vmem_shared>> -> memref<10240x128xf32, #tpu.memory_space<vmem_shared>>
        tpu.enqueue_indirect_dma source(%arg11 : memref<128x128xf32, #tpu.memory_space<vmem>>) target(%dma_start3A_61 : memref<10240x128xf32, #tpu.memory_space<vmem_shared>>) offsets(%dma_start3A_58 : memref<128xi32, #tpu.memory_space<vmem>>) semaphore(%arg16 : memref<!tpu.dma_semaphore, #tpu.memory_space<semaphore_mem>>) {add = true}
        %scan3A_62 = arith.constant 0 : i32
        %scan3A_63 = arith.constant 15 : i32
        %scan3A_64 = arith.addi %scan3A_62, %scan3A_63 : i32
        %scan3A_65 = arith.constant 1 : i32
        scf.for %scan3A_81 = %scan3A_62 to %scan3A_64 step %scan3A_65  : i32 {
          %mul3A_82 = arith.constant 1 : i32
          %mul3A_83 = arith.muli %scan3A_81, %mul3A_82 : i32
          %add3A_84 = arith.constant 0 : i32
          %add3A_85 = arith.addi %add3A_84, %mul3A_83 : i32
          %mul3A_86 = arith.constant 2 : i32
          %mul3A_87 = arith.muli %mul3A_86, %add3A_85 : i32
          %add3A_88 = arith.constant 2 : i32
          %add3A_89 = arith.addi %mul3A_87, %add3A_88 : i32
          %sub3A = arith.constant 2 : i32
          %sub3A_90 = arith.subi %add3A_89, %sub3A : i32
          %dma_wait3A_91 = arith.constant 0 : i32
          %dma_wait3A_92 = tpu.memref_slice %arg9[%sub3A_90, %dma_wait3A_91] : memref<32x128xi32, #tpu.memory_space<vmem>> -> memref<1x128xi32, #tpu.memory_space<vmem>>
          %dma_wait3A_93 = tpu.memref_squeeze %dma_wait3A_92 : memref<1x128xi32, #tpu.memory_space<vmem>> -> memref<128xi32, #tpu.memory_space<vmem>>
          %dma_wait3A_94 = arith.constant 0 : i32
          %dma_wait3A_95 = arith.constant 0 : i32
          %dma_wait3A_96 = tpu.memref_slice %arg12[%dma_wait3A_94, %dma_wait3A_95] : memref<10240x128xf32, #tpu.memory_space<vmem_shared>> -> memref<10240x128xf32, #tpu.memory_space<vmem_shared>>
          tpu.wait_indirect_dma semaphore(%arg15 : memref<!tpu.dma_semaphore, #tpu.memory_space<semaphore_mem>>) src(%arg10 : memref<128x128xf32, #tpu.memory_space<vmem>>) dst(%dma_wait3A_96 : memref<10240x128xf32, #tpu.memory_space<vmem_shared>>)
          %dma_start3A_97 = arith.constant 0 : i32
          %dma_start3A_98 = tpu.memref_slice %arg8[%add3A_89, %dma_start3A_97] : memref<32x128xi32, #tpu.memory_space<vmem>> -> memref<1x128xi32, #tpu.memory_space<vmem>>
          %dma_start3A_99 = tpu.memref_squeeze %dma_start3A_98 : memref<1x128xi32, #tpu.memory_space<vmem>> -> memref<128xi32, #tpu.memory_space<vmem>>
          %dma_start3A_100 = arith.constant 0 : i32
          %dma_start3A_101 = arith.constant 0 : i32
          %dma_start3A_102 = tpu.memref_slice %arg2[%dma_start3A_100, %dma_start3A_101] : memref<10000x128xf32, #tpu.memory_space<hbm>> -> memref<10000x128xf32, #tpu.memory_space<hbm>>
          tpu.enqueue_indirect_dma source(%dma_start3A_102 : memref<10000x128xf32, #tpu.memory_space<hbm>>) target(%arg10 : memref<128x128xf32, #tpu.memory_space<vmem>>) offsets(%dma_start3A_99 : memref<128xi32, #tpu.memory_space<vmem>>) semaphore(%arg13 : memref<!tpu.dma_semaphore, #tpu.memory_space<semaphore_mem>>)
          %dma_wait3A_103 = arith.constant 0 : i32
          %dma_wait3A_104 = tpu.memref_slice %arg8[%add3A_89, %dma_wait3A_103] : memref<32x128xi32, #tpu.memory_space<vmem>> -> memref<1x128xi32, #tpu.memory_space<vmem>>
          %dma_wait3A_105 = tpu.memref_squeeze %dma_wait3A_104 : memref<1x128xi32, #tpu.memory_space<vmem>> -> memref<128xi32, #tpu.memory_space<vmem>>
          %dma_wait3A_106 = arith.constant 0 : i32
          %dma_wait3A_107 = arith.constant 0 : i32
          %dma_wait3A_108 = tpu.memref_slice %arg2[%dma_wait3A_106, %dma_wait3A_107] : memref<10000x128xf32, #tpu.memory_space<hbm>> -> memref<10000x128xf32, #tpu.memory_space<hbm>>
          tpu.wait_indirect_dma semaphore(%arg13 : memref<!tpu.dma_semaphore, #tpu.memory_space<semaphore_mem>>) src(%dma_wait3A_108 : memref<10000x128xf32, #tpu.memory_space<hbm>>) dst(%arg10 : memref<128x128xf32, #tpu.memory_space<vmem>>)
          %dma_start3A_109 = arith.constant 0 : i32
          %dma_start3A_110 = tpu.memref_slice %arg9[%add3A_89, %dma_start3A_109] : memref<32x128xi32, #tpu.memory_space<vmem>> -> memref<1x128xi32, #tpu.memory_space<vmem>>
          %dma_start3A_111 = tpu.memref_squeeze %dma_start3A_110 : memref<1x128xi32, #tpu.memory_space<vmem>> -> memref<128xi32, #tpu.memory_space<vmem>>
          %dma_start3A_112 = arith.constant 0 : i32
          %dma_start3A_113 = arith.constant 0 : i32
          %dma_start3A_114 = tpu.memref_slice %arg12[%dma_start3A_112, %dma_start3A_113] : memref<10240x128xf32, #tpu.memory_space<vmem_shared>> -> memref<10240x128xf32, #tpu.memory_space<vmem_shared>>
          tpu.enqueue_indirect_dma source(%arg10 : memref<128x128xf32, #tpu.memory_space<vmem>>) target(%dma_start3A_114 : memref<10240x128xf32, #tpu.memory_space<vmem_shared>>) offsets(%dma_start3A_111 : memref<128xi32, #tpu.memory_space<vmem>>) semaphore(%arg15 : memref<!tpu.dma_semaphore, #tpu.memory_space<semaphore_mem>>) {add = true}
          %sub3A_115 = arith.constant 1 : i32
          %sub3A_116 = arith.subi %add3A_89, %sub3A_115 : i32
          %dma_wait3A_117 = arith.constant 0 : i32
          %dma_wait3A_118 = tpu.memref_slice %arg9[%sub3A_116, %dma_wait3A_117] : memref<32x128xi32, #tpu.memory_space<vmem>> -> memref<1x128xi32, #tpu.memory_space<vmem>>
          %dma_wait3A_119 = tpu.memref_squeeze %dma_wait3A_118 : memref<1x128xi32, #tpu.memory_space<vmem>> -> memref<128xi32, #tpu.memory_space<vmem>>
          %dma_wait3A_120 = arith.constant 0 : i32
          %dma_wait3A_121 = arith.constant 0 : i32
          %dma_wait3A_122 = tpu.memref_slice %arg12[%dma_wait3A_120, %dma_wait3A_121] : memref<10240x128xf32, #tpu.memory_space<vmem_shared>> -> memref<10240x128xf32, #tpu.memory_space<vmem_shared>>
          tpu.wait_indirect_dma semaphore(%arg16 : memref<!tpu.dma_semaphore, #tpu.memory_space<semaphore_mem>>) src(%arg11 : memref<128x128xf32, #tpu.memory_space<vmem>>) dst(%dma_wait3A_122 : memref<10240x128xf32, #tpu.memory_space<vmem_shared>>)
          %add3A_123 = arith.constant 1 : i32
          %add3A_124 = arith.addi %add3A_89, %add3A_123 : i32
          %dma_start3A_125 = arith.constant 0 : i32
          %dma_start3A_126 = tpu.memref_slice %arg8[%add3A_124, %dma_start3A_125] : memref<32x128xi32, #tpu.memory_space<vmem>> -> memref<1x128xi32, #tpu.memory_space<vmem>>
          %dma_start3A_127 = tpu.memref_squeeze %dma_start3A_126 : memref<1x128xi32, #tpu.memory_space<vmem>> -> memref<128xi32, #tpu.memory_space<vmem>>
          %dma_start3A_128 = arith.constant 0 : i32
          %dma_start3A_129 = arith.constant 0 : i32
          %dma_start3A_130 = tpu.memref_slice %arg2[%dma_start3A_128, %dma_start3A_129] : memref<10000x128xf32, #tpu.memory_space<hbm>> -> memref<10000x128xf32, #tpu.memory_space<hbm>>
          tpu.enqueue_indirect_dma source(%dma_start3A_130 : memref<10000x128xf32, #tpu.memory_space<hbm>>) target(%arg11 : memref<128x128xf32, #tpu.memory_space<vmem>>) offsets(%dma_start3A_127 : memref<128xi32, #tpu.memory_space<vmem>>) semaphore(%arg14 : memref<!tpu.dma_semaphore, #tpu.memory_space<semaphore_mem>>)
          %add3A_131 = arith.constant 1 : i32
          %add3A_132 = arith.addi %add3A_89, %add3A_131 : i32
          %dma_wait3A_133 = arith.constant 0 : i32
          %dma_wait3A_134 = tpu.memref_slice %arg8[%add3A_132, %dma_wait3A_133] : memref<32x128xi32, #tpu.memory_space<vmem>> -> memref<1x128xi32, #tpu.memory_space<vmem>>
          %dma_wait3A_135 = tpu.memref_squeeze %dma_wait3A_134 : memref<1x128xi32, #tpu.memory_space<vmem>> -> memref<128xi32, #tpu.memory_space<vmem>>
          %dma_wait3A_136 = arith.constant 0 : i32
          %dma_wait3A_137 = arith.constant 0 : i32
          %dma_wait3A_138 = tpu.memref_slice %arg2[%dma_wait3A_136, %dma_wait3A_137] : memref<10000x128xf32, #tpu.memory_space<hbm>> -> memref<10000x128xf32, #tpu.memory_space<hbm>>
          tpu.wait_indirect_dma semaphore(%arg14 : memref<!tpu.dma_semaphore, #tpu.memory_space<semaphore_mem>>) src(%dma_wait3A_138 : memref<10000x128xf32, #tpu.memory_space<hbm>>) dst(%arg11 : memref<128x128xf32, #tpu.memory_space<vmem>>)
          %add3A_139 = arith.constant 1 : i32
          %add3A_140 = arith.addi %add3A_89, %add3A_139 : i32
          %dma_start3A_141 = arith.constant 0 : i32
          %dma_start3A_142 = tpu.memref_slice %arg9[%add3A_140, %dma_start3A_141] : memref<32x128xi32, #tpu.memory_space<vmem>> -> memref<1x128xi32, #tpu.memory_space<vmem>>
          %dma_start3A_143 = tpu.memref_squeeze %dma_start3A_142 : memref<1x128xi32, #tpu.memory_space<vmem>> -> memref<128xi32, #tpu.memory_space<vmem>>
          %dma_start3A_144 = arith.constant 0 : i32
          %dma_start3A_145 = arith.constant 0 : i32
          %dma_start3A_146 = tpu.memref_slice %arg12[%dma_start3A_144, %dma_start3A_145] : memref<10240x128xf32, #tpu.memory_space<vmem_shared>> -> memref<10240x128xf32, #tpu.memory_space<vmem_shared>>
          tpu.enqueue_indirect_dma source(%arg11 : memref<128x128xf32, #tpu.memory_space<vmem>>) target(%dma_start3A_146 : memref<10240x128xf32, #tpu.memory_space<vmem_shared>>) offsets(%dma_start3A_143 : memref<128xi32, #tpu.memory_space<vmem>>) semaphore(%arg16 : memref<!tpu.dma_semaphore, #tpu.memory_space<semaphore_mem>>) {add = true}
        }
        %scan3A_66 = arith.constant 15 : i32
        %dma_wait3A_67 = arith.constant 30 : i32
        %dma_wait3A_68 = arith.constant 0 : i32
        %dma_wait3A_69 = tpu.memref_slice %arg9[%dma_wait3A_67, %dma_wait3A_68] : memref<32x128xi32, #tpu.memory_space<vmem>> -> memref<1x128xi32, #tpu.memory_space<vmem>>
        %dma_wait3A_70 = tpu.memref_squeeze %dma_wait3A_69 : memref<1x128xi32, #tpu.memory_space<vmem>> -> memref<128xi32, #tpu.memory_space<vmem>>
        %dma_wait3A_71 = arith.constant 0 : i32
        %dma_wait3A_72 = arith.constant 0 : i32
        %dma_wait3A_73 = tpu.memref_slice %arg12[%dma_wait3A_71, %dma_wait3A_72] : memref<10240x128xf32, #tpu.memory_space<vmem_shared>> -> memref<10240x128xf32, #tpu.memory_space<vmem_shared>>
        tpu.wait_indirect_dma semaphore(%arg15 : memref<!tpu.dma_semaphore, #tpu.memory_space<semaphore_mem>>) src(%arg10 : memref<128x128xf32, #tpu.memory_space<vmem>>) dst(%dma_wait3A_73 : memref<10240x128xf32, #tpu.memory_space<vmem_shared>>)
        %dma_wait3A_74 = arith.constant 31 : i32
        %dma_wait3A_75 = arith.constant 0 : i32
        %dma_wait3A_76 = tpu.memref_slice %arg9[%dma_wait3A_74, %dma_wait3A_75] : memref<32x128xi32, #tpu.memory_space<vmem>> -> memref<1x128xi32, #tpu.memory_space<vmem>>
        %dma_wait3A_77 = tpu.memref_squeeze %dma_wait3A_76 : memref<1x128xi32, #tpu.memory_space<vmem>> -> memref<128xi32, #tpu.memory_space<vmem>>
        %dma_wait3A_78 = arith.constant 0 : i32
        %dma_wait3A_79 = arith.constant 0 : i32
        %dma_wait3A_80 = tpu.memref_slice %arg12[%dma_wait3A_78, %dma_wait3A_79] : memref<10240x128xf32, #tpu.memory_space<vmem_shared>> -> memref<10240x128xf32, #tpu.memory_space<vmem_shared>>
        tpu.wait_indirect_dma semaphore(%arg16 : memref<!tpu.dma_semaphore, #tpu.memory_space<semaphore_mem>>) src(%arg11 : memref<128x128xf32, #tpu.memory_space<vmem>>) dst(%dma_wait3A_80 : memref<10240x128xf32, #tpu.memory_space<vmem_shared>>)
      }
      %scan3A_12 = arith.constant 5 : i32
    } else {
    }
    %eq3A_3 = arith.constant 1 : i32
    %eq3A_4 = arith.cmpi eq, %arg0, %eq3A_3 : i32
    %convert_element_type3A_5 = arith.extui %eq3A_4 : i1 to i32
    %cond3A_6 = arith.constant 0 : i32
    %cond3A_7 = arith.cmpi ne, %convert_element_type3A_5, %cond3A_6 : i32
    scf.if %cond3A_7 {
      %scan3A = arith.constant 0 : i32
      %scan3A_9 = arith.constant 5 : i32
      %scan3A_10 = arith.addi %scan3A, %scan3A_9 : i32
      %scan3A_11 = arith.constant 1 : i32
      scf.for %scan3A_13 = %scan3A to %scan3A_10 step %scan3A_11  : i32 {
        %mul3A_14 = arith.constant 1 : i32
        %mul3A_15 = arith.muli %scan3A_13, %mul3A_14 : i32
        %add3A = arith.constant 0 : i32
        %add3A_16 = arith.addi %add3A, %mul3A_15 : i32
        %mul3A_17 = arith.constant 160 : i32
        %mul3A_18 = arith.muli %arg1, %mul3A_17 : i32
        %mul3A_19 = arith.constant 32 : i32
        %mul3A_20 = arith.muli %add3A_16, %mul3A_19 : i32
        %add3A_21 = arith.addi %mul3A_18, %mul3A_20 : i32
        "tpu.region"() ({
          %run_scoped3A = tpu.sem_alloc : memref<!tpu.dma_semaphore, #tpu.memory_space<semaphore_mem>>
          %dma_start3A_81 = arith.constant 0 : i32
          %dma_start3A_82 = tpu.memref_slice %arg4[%add3A_21, %dma_start3A_81] : memref<2560x128xi32, #tpu.memory_space<hbm>> -> memref<32x128xi32, #tpu.memory_space<hbm>>
          %dma_start3A_83 = arith.constant 0 : i32
          %dma_start3A_84 = tpu.memref_slice %arg4[%add3A_21, %dma_start3A_83] : memref<2560x128xi32, #tpu.memory_space<hbm>> -> memref<32x128xi32, #tpu.memory_space<hbm>>
          tpu.enqueue_dma source(%dma_start3A_84 : memref<32x128xi32, #tpu.memory_space<hbm>>) target(%arg8 : memref<32x128xi32, #tpu.memory_space<vmem>>) target_semaphore(%run_scoped3A : memref<!tpu.dma_semaphore, #tpu.memory_space<semaphore_mem>>)
          %dma_wait3A_85 = arith.constant 0 : i32
          %dma_wait3A_86 = tpu.memref_slice %arg4[%add3A_21, %dma_wait3A_85] : memref<2560x128xi32, #tpu.memory_space<hbm>> -> memref<32x128xi32, #tpu.memory_space<hbm>>
          %dma_wait3A_87 = arith.constant 0 : i32
          %dma_wait3A_88 = tpu.memref_slice %arg4[%add3A_21, %dma_wait3A_87] : memref<2560x128xi32, #tpu.memory_space<hbm>> -> memref<32x128xi32, #tpu.memory_space<hbm>>
          tpu.wait_dma2 semaphore(%run_scoped3A : memref<!tpu.dma_semaphore, #tpu.memory_space<semaphore_mem>>) src(%dma_wait3A_88 : memref<32x128xi32, #tpu.memory_space<hbm>>) dst(%arg8 : memref<32x128xi32, #tpu.memory_space<vmem>>)
          tpu.yield
        }) : () -> ()
        "tpu.region"() ({
          %run_scoped3A = tpu.sem_alloc : memref<!tpu.dma_semaphore, #tpu.memory_space<semaphore_mem>>
          %dma_start3A_81 = arith.constant 0 : i32
          %dma_start3A_82 = tpu.memref_slice %arg5[%add3A_21, %dma_start3A_81] : memref<2560x128xi32, #tpu.memory_space<hbm>> -> memref<32x128xi32, #tpu.memory_space<hbm>>
          %dma_start3A_83 = arith.constant 0 : i32
          %dma_start3A_84 = tpu.memref_slice %arg5[%add3A_21, %dma_start3A_83] : memref<2560x128xi32, #tpu.memory_space<hbm>> -> memref<32x128xi32, #tpu.memory_space<hbm>>
          tpu.enqueue_dma source(%dma_start3A_84 : memref<32x128xi32, #tpu.memory_space<hbm>>) target(%arg9 : memref<32x128xi32, #tpu.memory_space<vmem>>) target_semaphore(%run_scoped3A : memref<!tpu.dma_semaphore, #tpu.memory_space<semaphore_mem>>)
          %dma_wait3A_85 = arith.constant 0 : i32
          %dma_wait3A_86 = tpu.memref_slice %arg5[%add3A_21, %dma_wait3A_85] : memref<2560x128xi32, #tpu.memory_space<hbm>> -> memref<32x128xi32, #tpu.memory_space<hbm>>
          %dma_wait3A_87 = arith.constant 0 : i32
          %dma_wait3A_88 = tpu.memref_slice %arg5[%add3A_21, %dma_wait3A_87] : memref<2560x128xi32, #tpu.memory_space<hbm>> -> memref<32x128xi32, #tpu.memory_space<hbm>>
          tpu.wait_dma2 semaphore(%run_scoped3A : memref<!tpu.dma_semaphore, #tpu.memory_space<semaphore_mem>>) src(%dma_wait3A_88 : memref<32x128xi32, #tpu.memory_space<hbm>>) dst(%arg9 : memref<32x128xi32, #tpu.memory_space<vmem>>)
          tpu.yield
        }) : () -> ()
        %dma_start3A = arith.constant 0 : i32
        %dma_start3A_22 = arith.constant 0 : i32
        %dma_start3A_23 = tpu.memref_slice %arg8[%dma_start3A, %dma_start3A_22] : memref<32x128xi32, #tpu.memory_space<vmem>> -> memref<1x128xi32, #tpu.memory_space<vmem>>
        %dma_start3A_24 = tpu.memref_squeeze %dma_start3A_23 : memref<1x128xi32, #tpu.memory_space<vmem>> -> memref<128xi32, #tpu.memory_space<vmem>>
        %dma_start3A_25 = arith.constant 0 : i32
        %dma_start3A_26 = arith.constant 0 : i32
        %dma_start3A_27 = tpu.memref_slice %arg3[%dma_start3A_25, %dma_start3A_26] : memref<10000x128xf32, #tpu.memory_space<hbm>> -> memref<10000x128xf32, #tpu.memory_space<hbm>>
        tpu.enqueue_indirect_dma source(%dma_start3A_27 : memref<10000x128xf32, #tpu.memory_space<hbm>>) target(%arg10 : memref<128x128xf32, #tpu.memory_space<vmem>>) offsets(%dma_start3A_24 : memref<128xi32, #tpu.memory_space<vmem>>) semaphore(%arg13 : memref<!tpu.dma_semaphore, #tpu.memory_space<semaphore_mem>>)
        %dma_start3A_28 = arith.constant 1 : i32
        %dma_start3A_29 = arith.constant 0 : i32
        %dma_start3A_30 = tpu.memref_slice %arg8[%dma_start3A_28, %dma_start3A_29] : memref<32x128xi32, #tpu.memory_space<vmem>> -> memref<1x128xi32, #tpu.memory_space<vmem>>
        %dma_start3A_31 = tpu.memref_squeeze %dma_start3A_30 : memref<1x128xi32, #tpu.memory_space<vmem>> -> memref<128xi32, #tpu.memory_space<vmem>>
        %dma_start3A_32 = arith.constant 0 : i32
        %dma_start3A_33 = arith.constant 0 : i32
        %dma_start3A_34 = tpu.memref_slice %arg3[%dma_start3A_32, %dma_start3A_33] : memref<10000x128xf32, #tpu.memory_space<hbm>> -> memref<10000x128xf32, #tpu.memory_space<hbm>>
        tpu.enqueue_indirect_dma source(%dma_start3A_34 : memref<10000x128xf32, #tpu.memory_space<hbm>>) target(%arg11 : memref<128x128xf32, #tpu.memory_space<vmem>>) offsets(%dma_start3A_31 : memref<128xi32, #tpu.memory_space<vmem>>) semaphore(%arg14 : memref<!tpu.dma_semaphore, #tpu.memory_space<semaphore_mem>>)
        %dma_wait3A = arith.constant 0 : i32
        %dma_wait3A_35 = arith.constant 0 : i32
        %dma_wait3A_36 = tpu.memref_slice %arg8[%dma_wait3A, %dma_wait3A_35] : memref<32x128xi32, #tpu.memory_space<vmem>> -> memref<1x128xi32, #tpu.memory_space<vmem>>
        %dma_wait3A_37 = tpu.memref_squeeze %dma_wait3A_36 : memref<1x128xi32, #tpu.memory_space<vmem>> -> memref<128xi32, #tpu.memory_space<vmem>>
        %dma_wait3A_38 = arith.constant 0 : i32
        %dma_wait3A_39 = arith.constant 0 : i32
        %dma_wait3A_40 = tpu.memref_slice %arg3[%dma_wait3A_38, %dma_wait3A_39] : memref<10000x128xf32, #tpu.memory_space<hbm>> -> memref<10000x128xf32, #tpu.memory_space<hbm>>
        tpu.wait_indirect_dma semaphore(%arg13 : memref<!tpu.dma_semaphore, #tpu.memory_space<semaphore_mem>>) src(%dma_wait3A_40 : memref<10000x128xf32, #tpu.memory_space<hbm>>) dst(%arg10 : memref<128x128xf32, #tpu.memory_space<vmem>>)
        %dma_start3A_41 = arith.constant 0 : i32
        %dma_start3A_42 = arith.constant 0 : i32
        %dma_start3A_43 = tpu.memref_slice %arg9[%dma_start3A_41, %dma_start3A_42] : memref<32x128xi32, #tpu.memory_space<vmem>> -> memref<1x128xi32, #tpu.memory_space<vmem>>
        %dma_start3A_44 = tpu.memref_squeeze %dma_start3A_43 : memref<1x128xi32, #tpu.memory_space<vmem>> -> memref<128xi32, #tpu.memory_space<vmem>>
        %dma_start3A_45 = arith.constant 0 : i32
        %dma_start3A_46 = arith.constant 0 : i32
        %dma_start3A_47 = tpu.memref_slice %arg12[%dma_start3A_45, %dma_start3A_46] : memref<10240x128xf32, #tpu.memory_space<vmem_shared>> -> memref<10240x128xf32, #tpu.memory_space<vmem_shared>>
        tpu.enqueue_indirect_dma source(%arg10 : memref<128x128xf32, #tpu.memory_space<vmem>>) target(%dma_start3A_47 : memref<10240x128xf32, #tpu.memory_space<vmem_shared>>) offsets(%dma_start3A_44 : memref<128xi32, #tpu.memory_space<vmem>>) semaphore(%arg15 : memref<!tpu.dma_semaphore, #tpu.memory_space<semaphore_mem>>) {add = true}
        %dma_wait3A_48 = arith.constant 1 : i32
        %dma_wait3A_49 = arith.constant 0 : i32
        %dma_wait3A_50 = tpu.memref_slice %arg8[%dma_wait3A_48, %dma_wait3A_49] : memref<32x128xi32, #tpu.memory_space<vmem>> -> memref<1x128xi32, #tpu.memory_space<vmem>>
        %dma_wait3A_51 = tpu.memref_squeeze %dma_wait3A_50 : memref<1x128xi32, #tpu.memory_space<vmem>> -> memref<128xi32, #tpu.memory_space<vmem>>
        %dma_wait3A_52 = arith.constant 0 : i32
        %dma_wait3A_53 = arith.constant 0 : i32
        %dma_wait3A_54 = tpu.memref_slice %arg3[%dma_wait3A_52, %dma_wait3A_53] : memref<10000x128xf32, #tpu.memory_space<hbm>> -> memref<10000x128xf32, #tpu.memory_space<hbm>>
        tpu.wait_indirect_dma semaphore(%arg14 : memref<!tpu.dma_semaphore, #tpu.memory_space<semaphore_mem>>) src(%dma_wait3A_54 : memref<10000x128xf32, #tpu.memory_space<hbm>>) dst(%arg11 : memref<128x128xf32, #tpu.memory_space<vmem>>)
        %dma_start3A_55 = arith.constant 1 : i32
        %dma_start3A_56 = arith.constant 0 : i32
        %dma_start3A_57 = tpu.memref_slice %arg9[%dma_start3A_55, %dma_start3A_56] : memref<32x128xi32, #tpu.memory_space<vmem>> -> memref<1x128xi32, #tpu.memory_space<vmem>>
        %dma_start3A_58 = tpu.memref_squeeze %dma_start3A_57 : memref<1x128xi32, #tpu.memory_space<vmem>> -> memref<128xi32, #tpu.memory_space<vmem>>
        %dma_start3A_59 = arith.constant 0 : i32
        %dma_start3A_60 = arith.constant 0 : i32
        %dma_start3A_61 = tpu.memref_slice %arg12[%dma_start3A_59, %dma_start3A_60] : memref<10240x128xf32, #tpu.memory_space<vmem_shared>> -> memref<10240x128xf32, #tpu.memory_space<vmem_shared>>
        tpu.enqueue_indirect_dma source(%arg11 : memref<128x128xf32, #tpu.memory_space<vmem>>) target(%dma_start3A_61 : memref<10240x128xf32, #tpu.memory_space<vmem_shared>>) offsets(%dma_start3A_58 : memref<128xi32, #tpu.memory_space<vmem>>) semaphore(%arg16 : memref<!tpu.dma_semaphore, #tpu.memory_space<semaphore_mem>>) {add = true}
        %scan3A_62 = arith.constant 0 : i32
        %scan3A_63 = arith.constant 15 : i32
        %scan3A_64 = arith.addi %scan3A_62, %scan3A_63 : i32
        %scan3A_65 = arith.constant 1 : i32
        scf.for %scan3A_81 = %scan3A_62 to %scan3A_64 step %scan3A_65  : i32 {
          %mul3A_82 = arith.constant 1 : i32
          %mul3A_83 = arith.muli %scan3A_81, %mul3A_82 : i32
          %add3A_84 = arith.constant 0 : i32
          %add3A_85 = arith.addi %add3A_84, %mul3A_83 : i32
          %mul3A_86 = arith.constant 2 : i32
          %mul3A_87 = arith.muli %mul3A_86, %add3A_85 : i32
          %add3A_88 = arith.constant 2 : i32
          %add3A_89 = arith.addi %mul3A_87, %add3A_88 : i32
          %sub3A = arith.constant 2 : i32
          %sub3A_90 = arith.subi %add3A_89, %sub3A : i32
          %dma_wait3A_91 = arith.constant 0 : i32
          %dma_wait3A_92 = tpu.memref_slice %arg9[%sub3A_90, %dma_wait3A_91] : memref<32x128xi32, #tpu.memory_space<vmem>> -> memref<1x128xi32, #tpu.memory_space<vmem>>
          %dma_wait3A_93 = tpu.memref_squeeze %dma_wait3A_92 : memref<1x128xi32, #tpu.memory_space<vmem>> -> memref<128xi32, #tpu.memory_space<vmem>>
          %dma_wait3A_94 = arith.constant 0 : i32
          %dma_wait3A_95 = arith.constant 0 : i32
          %dma_wait3A_96 = tpu.memref_slice %arg12[%dma_wait3A_94, %dma_wait3A_95] : memref<10240x128xf32, #tpu.memory_space<vmem_shared>> -> memref<10240x128xf32, #tpu.memory_space<vmem_shared>>
          tpu.wait_indirect_dma semaphore(%arg15 : memref<!tpu.dma_semaphore, #tpu.memory_space<semaphore_mem>>) src(%arg10 : memref<128x128xf32, #tpu.memory_space<vmem>>) dst(%dma_wait3A_96 : memref<10240x128xf32, #tpu.memory_space<vmem_shared>>)
          %dma_start3A_97 = arith.constant 0 : i32
          %dma_start3A_98 = tpu.memref_slice %arg8[%add3A_89, %dma_start3A_97] : memref<32x128xi32, #tpu.memory_space<vmem>> -> memref<1x128xi32, #tpu.memory_space<vmem>>
          %dma_start3A_99 = tpu.memref_squeeze %dma_start3A_98 : memref<1x128xi32, #tpu.memory_space<vmem>> -> memref<128xi32, #tpu.memory_space<vmem>>
          %dma_start3A_100 = arith.constant 0 : i32
          %dma_start3A_101 = arith.constant 0 : i32
          %dma_start3A_102 = tpu.memref_slice %arg3[%dma_start3A_100, %dma_start3A_101] : memref<10000x128xf32, #tpu.memory_space<hbm>> -> memref<10000x128xf32, #tpu.memory_space<hbm>>
          tpu.enqueue_indirect_dma source(%dma_start3A_102 : memref<10000x128xf32, #tpu.memory_space<hbm>>) target(%arg10 : memref<128x128xf32, #tpu.memory_space<vmem>>) offsets(%dma_start3A_99 : memref<128xi32, #tpu.memory_space<vmem>>) semaphore(%arg13 : memref<!tpu.dma_semaphore, #tpu.memory_space<semaphore_mem>>)
          %dma_wait3A_103 = arith.constant 0 : i32
          %dma_wait3A_104 = tpu.memref_slice %arg8[%add3A_89, %dma_wait3A_103] : memref<32x128xi32, #tpu.memory_space<vmem>> -> memref<1x128xi32, #tpu.memory_space<vmem>>
          %dma_wait3A_105 = tpu.memref_squeeze %dma_wait3A_104 : memref<1x128xi32, #tpu.memory_space<vmem>> -> memref<128xi32, #tpu.memory_space<vmem>>
          %dma_wait3A_106 = arith.constant 0 : i32
          %dma_wait3A_107 = arith.constant 0 : i32
          %dma_wait3A_108 = tpu.memref_slice %arg3[%dma_wait3A_106, %dma_wait3A_107] : memref<10000x128xf32, #tpu.memory_space<hbm>> -> memref<10000x128xf32, #tpu.memory_space<hbm>>
          tpu.wait_indirect_dma semaphore(%arg13 : memref<!tpu.dma_semaphore, #tpu.memory_space<semaphore_mem>>) src(%dma_wait3A_108 : memref<10000x128xf32, #tpu.memory_space<hbm>>) dst(%arg10 : memref<128x128xf32, #tpu.memory_space<vmem>>)
          %dma_start3A_109 = arith.constant 0 : i32
          %dma_start3A_110 = tpu.memref_slice %arg9[%add3A_89, %dma_start3A_109] : memref<32x128xi32, #tpu.memory_space<vmem>> -> memref<1x128xi32, #tpu.memory_space<vmem>>
          %dma_start3A_111 = tpu.memref_squeeze %dma_start3A_110 : memref<1x128xi32, #tpu.memory_space<vmem>> -> memref<128xi32, #tpu.memory_space<vmem>>
          %dma_start3A_112 = arith.constant 0 : i32
          %dma_start3A_113 = arith.constant 0 : i32
          %dma_start3A_114 = tpu.memref_slice %arg12[%dma_start3A_112, %dma_start3A_113] : memref<10240x128xf32, #tpu.memory_space<vmem_shared>> -> memref<10240x128xf32, #tpu.memory_space<vmem_shared>>
          tpu.enqueue_indirect_dma source(%arg10 : memref<128x128xf32, #tpu.memory_space<vmem>>) target(%dma_start3A_114 : memref<10240x128xf32, #tpu.memory_space<vmem_shared>>) offsets(%dma_start3A_111 : memref<128xi32, #tpu.memory_space<vmem>>) semaphore(%arg15 : memref<!tpu.dma_semaphore, #tpu.memory_space<semaphore_mem>>) {add = true}
          %sub3A_115 = arith.constant 1 : i32
          %sub3A_116 = arith.subi %add3A_89, %sub3A_115 : i32
          %dma_wait3A_117 = arith.constant 0 : i32
          %dma_wait3A_118 = tpu.memref_slice %arg9[%sub3A_116, %dma_wait3A_117] : memref<32x128xi32, #tpu.memory_space<vmem>> -> memref<1x128xi32, #tpu.memory_space<vmem>>
          %dma_wait3A_119 = tpu.memref_squeeze %dma_wait3A_118 : memref<1x128xi32, #tpu.memory_space<vmem>> -> memref<128xi32, #tpu.memory_space<vmem>>
          %dma_wait3A_120 = arith.constant 0 : i32
          %dma_wait3A_121 = arith.constant 0 : i32
          %dma_wait3A_122 = tpu.memref_slice %arg12[%dma_wait3A_120, %dma_wait3A_121] : memref<10240x128xf32, #tpu.memory_space<vmem_shared>> -> memref<10240x128xf32, #tpu.memory_space<vmem_shared>>
          tpu.wait_indirect_dma semaphore(%arg16 : memref<!tpu.dma_semaphore, #tpu.memory_space<semaphore_mem>>) src(%arg11 : memref<128x128xf32, #tpu.memory_space<vmem>>) dst(%dma_wait3A_122 : memref<10240x128xf32, #tpu.memory_space<vmem_shared>>)
          %add3A_123 = arith.constant 1 : i32
          %add3A_124 = arith.addi %add3A_89, %add3A_123 : i32
          %dma_start3A_125 = arith.constant 0 : i32
          %dma_start3A_126 = tpu.memref_slice %arg8[%add3A_124, %dma_start3A_125] : memref<32x128xi32, #tpu.memory_space<vmem>> -> memref<1x128xi32, #tpu.memory_space<vmem>>
          %dma_start3A_127 = tpu.memref_squeeze %dma_start3A_126 : memref<1x128xi32, #tpu.memory_space<vmem>> -> memref<128xi32, #tpu.memory_space<vmem>>
          %dma_start3A_128 = arith.constant 0 : i32
          %dma_start3A_129 = arith.constant 0 : i32
          %dma_start3A_130 = tpu.memref_slice %arg3[%dma_start3A_128, %dma_start3A_129] : memref<10000x128xf32, #tpu.memory_space<hbm>> -> memref<10000x128xf32, #tpu.memory_space<hbm>>
          tpu.enqueue_indirect_dma source(%dma_start3A_130 : memref<10000x128xf32, #tpu.memory_space<hbm>>) target(%arg11 : memref<128x128xf32, #tpu.memory_space<vmem>>) offsets(%dma_start3A_127 : memref<128xi32, #tpu.memory_space<vmem>>) semaphore(%arg14 : memref<!tpu.dma_semaphore, #tpu.memory_space<semaphore_mem>>)
          %add3A_131 = arith.constant 1 : i32
          %add3A_132 = arith.addi %add3A_89, %add3A_131 : i32
          %dma_wait3A_133 = arith.constant 0 : i32
          %dma_wait3A_134 = tpu.memref_slice %arg8[%add3A_132, %dma_wait3A_133] : memref<32x128xi32, #tpu.memory_space<vmem>> -> memref<1x128xi32, #tpu.memory_space<vmem>>
          %dma_wait3A_135 = tpu.memref_squeeze %dma_wait3A_134 : memref<1x128xi32, #tpu.memory_space<vmem>> -> memref<128xi32, #tpu.memory_space<vmem>>
          %dma_wait3A_136 = arith.constant 0 : i32
          %dma_wait3A_137 = arith.constant 0 : i32
          %dma_wait3A_138 = tpu.memref_slice %arg3[%dma_wait3A_136, %dma_wait3A_137] : memref<10000x128xf32, #tpu.memory_space<hbm>> -> memref<10000x128xf32, #tpu.memory_space<hbm>>
          tpu.wait_indirect_dma semaphore(%arg14 : memref<!tpu.dma_semaphore, #tpu.memory_space<semaphore_mem>>) src(%dma_wait3A_138 : memref<10000x128xf32, #tpu.memory_space<hbm>>) dst(%arg11 : memref<128x128xf32, #tpu.memory_space<vmem>>)
          %add3A_139 = arith.constant 1 : i32
          %add3A_140 = arith.addi %add3A_89, %add3A_139 : i32
          %dma_start3A_141 = arith.constant 0 : i32
          %dma_start3A_142 = tpu.memref_slice %arg9[%add3A_140, %dma_start3A_141] : memref<32x128xi32, #tpu.memory_space<vmem>> -> memref<1x128xi32, #tpu.memory_space<vmem>>
          %dma_start3A_143 = tpu.memref_squeeze %dma_start3A_142 : memref<1x128xi32, #tpu.memory_space<vmem>> -> memref<128xi32, #tpu.memory_space<vmem>>
          %dma_start3A_144 = arith.constant 0 : i32
          %dma_start3A_145 = arith.constant 0 : i32
          %dma_start3A_146 = tpu.memref_slice %arg12[%dma_start3A_144, %dma_start3A_145] : memref<10240x128xf32, #tpu.memory_space<vmem_shared>> -> memref<10240x128xf32, #tpu.memory_space<vmem_shared>>
          tpu.enqueue_indirect_dma source(%arg11 : memref<128x128xf32, #tpu.memory_space<vmem>>) target(%dma_start3A_146 : memref<10240x128xf32, #tpu.memory_space<vmem_shared>>) offsets(%dma_start3A_143 : memref<128xi32, #tpu.memory_space<vmem>>) semaphore(%arg16 : memref<!tpu.dma_semaphore, #tpu.memory_space<semaphore_mem>>) {add = true}
        }
        %scan3A_66 = arith.constant 15 : i32
        %dma_wait3A_67 = arith.constant 30 : i32
        %dma_wait3A_68 = arith.constant 0 : i32
        %dma_wait3A_69 = tpu.memref_slice %arg9[%dma_wait3A_67, %dma_wait3A_68] : memref<32x128xi32, #tpu.memory_space<vmem>> -> memref<1x128xi32, #tpu.memory_space<vmem>>
        %dma_wait3A_70 = tpu.memref_squeeze %dma_wait3A_69 : memref<1x128xi32, #tpu.memory_space<vmem>> -> memref<128xi32, #tpu.memory_space<vmem>>
        %dma_wait3A_71 = arith.constant 0 : i32
        %dma_wait3A_72 = arith.constant 0 : i32
        %dma_wait3A_73 = tpu.memref_slice %arg12[%dma_wait3A_71, %dma_wait3A_72] : memref<10240x128xf32, #tpu.memory_space<vmem_shared>> -> memref<10240x128xf32, #tpu.memory_space<vmem_shared>>
        tpu.wait_indirect_dma semaphore(%arg15 : memref<!tpu.dma_semaphore, #tpu.memory_space<semaphore_mem>>) src(%arg10 : memref<128x128xf32, #tpu.memory_space<vmem>>) dst(%dma_wait3A_73 : memref<10240x128xf32, #tpu.memory_space<vmem_shared>>)
        %dma_wait3A_74 = arith.constant 31 : i32
        %dma_wait3A_75 = arith.constant 0 : i32
        %dma_wait3A_76 = tpu.memref_slice %arg9[%dma_wait3A_74, %dma_wait3A_75] : memref<32x128xi32, #tpu.memory_space<vmem>> -> memref<1x128xi32, #tpu.memory_space<vmem>>
        %dma_wait3A_77 = tpu.memref_squeeze %dma_wait3A_76 : memref<1x128xi32, #tpu.memory_space<vmem>> -> memref<128xi32, #tpu.memory_space<vmem>>
        %dma_wait3A_78 = arith.constant 0 : i32
        %dma_wait3A_79 = arith.constant 0 : i32
        %dma_wait3A_80 = tpu.memref_slice %arg12[%dma_wait3A_78, %dma_wait3A_79] : memref<10240x128xf32, #tpu.memory_space<vmem_shared>> -> memref<10240x128xf32, #tpu.memory_space<vmem_shared>>
        tpu.wait_indirect_dma semaphore(%arg16 : memref<!tpu.dma_semaphore, #tpu.memory_space<semaphore_mem>>) src(%arg11 : memref<128x128xf32, #tpu.memory_space<vmem>>) dst(%dma_wait3A_80 : memref<10240x128xf32, #tpu.memory_space<vmem_shared>>)
      }
      %scan3A_12 = arith.constant 5 : i32
    } else {
    }
    %barrier3A_8 = arith.constant 0 : index
    tpu.barrier barrier_id(%barrier3A_8)
    "tpu.region"() ({
      %run_scoped3A = tpu.sem_alloc : memref<!tpu.dma_semaphore, #tpu.memory_space<semaphore_mem>>
      %dma_start3A = arith.constant 0 : i32
      %dma_start3A_9 = tpu.memref_slice %arg7[%arg0, %mul3A_0, %dma_start3A] : memref<2x10240x128xf32, #tpu.memory_space<hbm>> -> memref<1x640x128xf32, #tpu.memory_space<hbm>>
      %dma_start3A_10 = tpu.memref_squeeze %dma_start3A_9 : memref<1x640x128xf32, #tpu.memory_space<hbm>> -> memref<640x128xf32, #tpu.memory_space<hbm>>
      %dma_start3A_11 = arith.constant 0 : i32
      %dma_start3A_12 = tpu.memref_slice %arg12[%mul3A_0, %dma_start3A_11] : memref<10240x128xf32, #tpu.memory_space<vmem_shared>> -> memref<640x128xf32, #tpu.memory_space<vmem_shared>>
      tpu.enqueue_dma source(%dma_start3A_12 : memref<640x128xf32, #tpu.memory_space<vmem_shared>>) target(%dma_start3A_10 : memref<640x128xf32, #tpu.memory_space<hbm>>) target_semaphore(%run_scoped3A : memref<!tpu.dma_semaphore, #tpu.memory_space<semaphore_mem>>)
      %dma_wait3A = arith.constant 0 : i32
      %dma_wait3A_13 = tpu.memref_slice %arg7[%arg0, %mul3A_0, %dma_wait3A] : memref<2x10240x128xf32, #tpu.memory_space<hbm>> -> memref<1x640x128xf32, #tpu.memory_space<hbm>>
      %dma_wait3A_14 = tpu.memref_squeeze %dma_wait3A_13 : memref<1x640x128xf32, #tpu.memory_space<hbm>> -> memref<640x128xf32, #tpu.memory_space<hbm>>
      %dma_wait3A_15 = arith.constant 0 : i32
      %dma_wait3A_16 = tpu.memref_slice %arg12[%mul3A_0, %dma_wait3A_15] : memref<10240x128xf32, #tpu.memory_space<vmem_shared>> -> memref<640x128xf32, #tpu.memory_space<vmem_shared>>
      tpu.wait_dma2 semaphore(%run_scoped3A : memref<!tpu.dma_semaphore, #tpu.memory_space<semaphore_mem>>) src(%dma_wait3A_16 : memref<640x128xf32, #tpu.memory_space<vmem_shared>>) dst(%dma_wait3A_14 : memref<640x128xf32, #tpu.memory_space<hbm>>)
      tpu.yield
    }) : () -> ()
    return
  }
}

module attributes {stable_mosaic.version = 14 : i64} {
  func.func @_mlp_body(%arg0: i32, %arg1: memref<1000x128xf32, #tpu.memory_space<vmem>>, %arg2: memref<128x64xf32, #tpu.memory_space<vmem>>, %arg3: memref<1x64xf32, #tpu.memory_space<vmem>>, %arg4: memref<64x128xf32, #tpu.memory_space<vmem>>, %arg5: memref<1x128xf32, #tpu.memory_space<vmem>>, %arg6: memref<128x128xf32, #tpu.memory_space<vmem>>, %arg7: memref<1x128xf32, #tpu.memory_space<vmem>>, %arg8: memref<128x256xf32, #tpu.memory_space<vmem>>, %arg9: memref<1x256xf32, #tpu.memory_space<vmem>>, %arg10: memref<256x256xf32, #tpu.memory_space<vmem>>, %arg11: memref<1x256xf32, #tpu.memory_space<vmem>>, %arg12: memref<1000x256xf32, #tpu.memory_space<vmem>>) attributes {dimension_semantics = [#tpu.dimension_semantics<arbitrary>], iteration_bounds = array<i64: 10>, scalar_prefetch = 0 : i64, scratch_operands = 0 : i64, tpu.core_type = #tpu.core_type<tc>, window_params = [{transform_indices = @transform_0, window_bounds = array<i64: 1000, 128>}, {pipeline_mode = #tpu.pipeline_mode<synchronous>, transform_indices = @transform_1, window_bounds = array<i64: 128, 64>}, {pipeline_mode = #tpu.pipeline_mode<synchronous>, transform_indices = @transform_2, window_bounds = array<i64: 1, 64>}, {pipeline_mode = #tpu.pipeline_mode<synchronous>, transform_indices = @transform_3, window_bounds = array<i64: 64, 128>}, {pipeline_mode = #tpu.pipeline_mode<synchronous>, transform_indices = @transform_4, window_bounds = array<i64: 1, 128>}, {pipeline_mode = #tpu.pipeline_mode<synchronous>, transform_indices = @transform_5, window_bounds = array<i64: 128, 128>}, {pipeline_mode = #tpu.pipeline_mode<synchronous>, transform_indices = @transform_6, window_bounds = array<i64: 1, 128>}, {pipeline_mode = #tpu.pipeline_mode<synchronous>, transform_indices = @transform_7, window_bounds = array<i64: 128, 256>}, {pipeline_mode = #tpu.pipeline_mode<synchronous>, transform_indices = @transform_8, window_bounds = array<i64: 1, 256>}, {pipeline_mode = #tpu.pipeline_mode<synchronous>, transform_indices = @transform_9, window_bounds = array<i64: 256, 256>}, {pipeline_mode = #tpu.pipeline_mode<synchronous>, transform_indices = @transform_10, window_bounds = array<i64: 1, 256>}, {transform_indices = @transform_11, window_bounds = array<i64: 1000, 256>}]} {
    %get3A = arith.constant 0 : index
    %get3A_0 = arith.constant 0 : index
    %get3A_1 = vector.load %arg1[%get3A, %get3A_0] : memref<1000x128xf32, #tpu.memory_space<vmem>>, vector<1000x128xf32>
    %get3A_2 = arith.constant 0 : index
    %get3A_3 = arith.constant 0 : index
    %get3A_4 = vector.load %arg2[%get3A_2, %get3A_3] : memref<128x64xf32, #tpu.memory_space<vmem>>, vector<128x64xf32>
    %dot_general3A = arith.constant dense<0.000000e+00> : vector<1000x64xf32>
    %dot_general3A_5 = tpu.matmul %get3A_1, %get3A_4, %dot_general3A {dimension_numbers = #tpu.dot_dimension_numbers<[1], [0], [0], [1], [0, 0, 1, 1], [], []>, transpose_lhs_hint = false} : vector<1000x128xf32>, vector<128x64xf32>, vector<1000x64xf32> -> vector<1000x64xf32>
    %get3A_6 = arith.constant 0 : index
    %get3A_7 = arith.constant 0 : index
    %get3A_8 = vector.load %arg3[%get3A_6, %get3A_7] : memref<1x64xf32, #tpu.memory_space<vmem>>, vector<1x64xf32>
    %add3A = vector.broadcast %get3A_8 : vector<1x64xf32> to vector<1000x64xf32>
    %add3A_9 = arith.addf %dot_general3A_5, %add3A : vector<1000x64xf32>
    %max3A = arith.constant 0.000000e+00 : f32
    %max3A_10 = vector.broadcast %max3A : f32 to vector<1000x64xf32>
    %max3A_11 = arith.maximumf %add3A_9, %max3A_10 : vector<1000x64xf32>
    %get3A_12 = arith.constant 0 : index
    %get3A_13 = arith.constant 0 : index
    %get3A_14 = vector.load %arg4[%get3A_12, %get3A_13] : memref<64x128xf32, #tpu.memory_space<vmem>>, vector<64x128xf32>
    %dot_general3A_15 = arith.constant dense<0.000000e+00> : vector<1000x128xf32>
    %dot_general3A_16 = tpu.matmul %max3A_11, %get3A_14, %dot_general3A_15 {dimension_numbers = #tpu.dot_dimension_numbers<[1], [0], [0], [1], [0, 0, 1, 1], [], []>, transpose_lhs_hint = false} : vector<1000x64xf32>, vector<64x128xf32>, vector<1000x128xf32> -> vector<1000x128xf32>
    %get3A_17 = arith.constant 0 : index
    %get3A_18 = arith.constant 0 : index
    %get3A_19 = vector.load %arg5[%get3A_17, %get3A_18] : memref<1x128xf32, #tpu.memory_space<vmem>>, vector<1x128xf32>
    %add3A_20 = vector.broadcast %get3A_19 : vector<1x128xf32> to vector<1000x128xf32>
    %add3A_21 = arith.addf %dot_general3A_16, %add3A_20 : vector<1000x128xf32>
    %max3A_22 = arith.constant 0.000000e+00 : f32
    %max3A_23 = vector.broadcast %max3A_22 : f32 to vector<1000x128xf32>
    %max3A_24 = arith.maximumf %add3A_21, %max3A_23 : vector<1000x128xf32>
    %get3A_25 = arith.constant 0 : index
    %get3A_26 = arith.constant 0 : index
    %get3A_27 = vector.load %arg6[%get3A_25, %get3A_26] : memref<128x128xf32, #tpu.memory_space<vmem>>, vector<128x128xf32>
    %dot_general3A_28 = arith.constant dense<0.000000e+00> : vector<1000x128xf32>
    %dot_general3A_29 = tpu.matmul %max3A_24, %get3A_27, %dot_general3A_28 {dimension_numbers = #tpu.dot_dimension_numbers<[1], [0], [0], [1], [0, 0, 1, 1], [], []>, transpose_lhs_hint = false} : vector<1000x128xf32>, vector<128x128xf32>, vector<1000x128xf32> -> vector<1000x128xf32>
    %get3A_30 = arith.constant 0 : index
    %get3A_31 = arith.constant 0 : index
    %get3A_32 = vector.load %arg7[%get3A_30, %get3A_31] : memref<1x128xf32, #tpu.memory_space<vmem>>, vector<1x128xf32>
    %add3A_33 = vector.broadcast %get3A_32 : vector<1x128xf32> to vector<1000x128xf32>
    %add3A_34 = arith.addf %dot_general3A_29, %add3A_33 : vector<1000x128xf32>
    %max3A_35 = arith.constant 0.000000e+00 : f32
    %max3A_36 = vector.broadcast %max3A_35 : f32 to vector<1000x128xf32>
    %max3A_37 = arith.maximumf %add3A_34, %max3A_36 : vector<1000x128xf32>
    %get3A_38 = arith.constant 0 : index
    %get3A_39 = arith.constant 0 : index
    %get3A_40 = vector.load %arg8[%get3A_38, %get3A_39] : memref<128x256xf32, #tpu.memory_space<vmem>>, vector<128x256xf32>
    %dot_general3A_41 = arith.constant dense<0.000000e+00> : vector<1000x256xf32>
    %dot_general3A_42 = tpu.matmul %max3A_37, %get3A_40, %dot_general3A_41 {dimension_numbers = #tpu.dot_dimension_numbers<[1], [0], [0], [1], [0, 0, 1, 1], [], []>, transpose_lhs_hint = false} : vector<1000x128xf32>, vector<128x256xf32>, vector<1000x256xf32> -> vector<1000x256xf32>
    %get3A_43 = arith.constant 0 : index
    %get3A_44 = arith.constant 0 : index
    %get3A_45 = vector.load %arg9[%get3A_43, %get3A_44] : memref<1x256xf32, #tpu.memory_space<vmem>>, vector<1x256xf32>
    %add3A_46 = vector.broadcast %get3A_45 : vector<1x256xf32> to vector<1000x256xf32>
    %add3A_47 = arith.addf %dot_general3A_42, %add3A_46 : vector<1000x256xf32>
    %max3A_48 = arith.constant 0.000000e+00 : f32
    %max3A_49 = vector.broadcast %max3A_48 : f32 to vector<1000x256xf32>
    %max3A_50 = arith.maximumf %add3A_47, %max3A_49 : vector<1000x256xf32>
    %get3A_51 = arith.constant 0 : index
    %get3A_52 = arith.constant 0 : index
    %get3A_53 = vector.load %arg10[%get3A_51, %get3A_52] : memref<256x256xf32, #tpu.memory_space<vmem>>, vector<256x256xf32>
    %dot_general3A_54 = arith.constant dense<0.000000e+00> : vector<1000x256xf32>
    %dot_general3A_55 = tpu.matmul %max3A_50, %get3A_53, %dot_general3A_54 {dimension_numbers = #tpu.dot_dimension_numbers<[1], [0], [0], [1], [0, 0, 1, 1], [], []>, transpose_lhs_hint = false} : vector<1000x256xf32>, vector<256x256xf32>, vector<1000x256xf32> -> vector<1000x256xf32>
    %get3A_56 = arith.constant 0 : index
    %get3A_57 = arith.constant 0 : index
    %get3A_58 = vector.load %arg11[%get3A_56, %get3A_57] : memref<1x256xf32, #tpu.memory_space<vmem>>, vector<1x256xf32>
    %add3A_59 = vector.broadcast %get3A_58 : vector<1x256xf32> to vector<1000x256xf32>
    %add3A_60 = arith.addf %dot_general3A_55, %add3A_59 : vector<1000x256xf32>
    %max3A_61 = arith.constant 0.000000e+00 : f32
    %max3A_62 = vector.broadcast %max3A_61 : f32 to vector<1000x256xf32>
    %max3A_63 = arith.maximumf %add3A_60, %max3A_62 : vector<1000x256xf32>
    %swap3A = arith.constant 0 : index
    %swap3A_64 = arith.constant 0 : index
    %swap3A_65 = vector.load %arg12[%swap3A, %swap3A_64] : memref<1000x256xf32, #tpu.memory_space<vmem>>, vector<1000x256xf32>
    tpu.vector_store %arg12[%swap3A, %swap3A_64], %max3A_63 {strides = array<i32>} : memref<1000x256xf32, #tpu.memory_space<vmem>>, vector<1000x256xf32>,
    return
  }
  func.func @transform_0(%arg0: i32) -> (i32, i32) {
    %c0_i32 = arith.constant 0 : i32
    %c0_i32_0 = arith.constant 0 : i32
    return %arg0, %c0_i32 : i32, i32
  }
  func.func @transform_1(%arg0: i32) -> (i32, i32) {
    %c0_i32 = arith.constant 0 : i32
    %c0_i32_0 = arith.constant 0 : i32
    %c0_i32_1 = arith.constant 0 : i32
    return %c0_i32, %c0_i32_0 : i32, i32
  }
  func.func @transform_2(%arg0: i32) -> (i32, i32) {
    %c0_i32 = arith.constant 0 : i32
    %c0_i32_0 = arith.constant 0 : i32
    %c0_i32_1 = arith.constant 0 : i32
    return %c0_i32, %c0_i32_0 : i32, i32
  }
  func.func @transform_3(%arg0: i32) -> (i32, i32) {
    %c0_i32 = arith.constant 0 : i32
    %c0_i32_0 = arith.constant 0 : i32
    %c0_i32_1 = arith.constant 0 : i32
    return %c0_i32, %c0_i32_0 : i32, i32
  }
  func.func @transform_4(%arg0: i32) -> (i32, i32) {
    %c0_i32 = arith.constant 0 : i32
    %c0_i32_0 = arith.constant 0 : i32
    %c0_i32_1 = arith.constant 0 : i32
    return %c0_i32, %c0_i32_0 : i32, i32
  }
  func.func @transform_5(%arg0: i32) -> (i32, i32) {
    %c0_i32 = arith.constant 0 : i32
    %c0_i32_0 = arith.constant 0 : i32
    %c0_i32_1 = arith.constant 0 : i32
    return %c0_i32, %c0_i32_0 : i32, i32
  }
  func.func @transform_6(%arg0: i32) -> (i32, i32) {
    %c0_i32 = arith.constant 0 : i32
    %c0_i32_0 = arith.constant 0 : i32
    %c0_i32_1 = arith.constant 0 : i32
    return %c0_i32, %c0_i32_0 : i32, i32
  }
  func.func @transform_7(%arg0: i32) -> (i32, i32) {
    %c0_i32 = arith.constant 0 : i32
    %c0_i32_0 = arith.constant 0 : i32
    %c0_i32_1 = arith.constant 0 : i32
    return %c0_i32, %c0_i32_0 : i32, i32
  }
  func.func @transform_8(%arg0: i32) -> (i32, i32) {
    %c0_i32 = arith.constant 0 : i32
    %c0_i32_0 = arith.constant 0 : i32
    %c0_i32_1 = arith.constant 0 : i32
    return %c0_i32, %c0_i32_0 : i32, i32
  }
  func.func @transform_9(%arg0: i32) -> (i32, i32) {
    %c0_i32 = arith.constant 0 : i32
    %c0_i32_0 = arith.constant 0 : i32
    %c0_i32_1 = arith.constant 0 : i32
    return %c0_i32, %c0_i32_0 : i32, i32
  }
  func.func @transform_10(%arg0: i32) -> (i32, i32) {
    %c0_i32 = arith.constant 0 : i32
    %c0_i32_0 = arith.constant 0 : i32
    %c0_i32_1 = arith.constant 0 : i32
    return %c0_i32, %c0_i32_0 : i32, i32
  }
  func.func @transform_11(%arg0: i32) -> (i32, i32) {
    %c0_i32 = arith.constant 0 : i32
    %c0_i32_0 = arith.constant 0 : i32
    return %arg0, %c0_i32 : i32, i32
  }
}

module attributes {stable_mosaic.version = 14 : i64} {
  func.func @_pre_body(%arg0: i32, %arg1: memref<1000x256xf32, #tpu.memory_space<vmem>>, %arg2: memref<256x256xf32, #tpu.memory_space<vmem>>, %arg3: memref<2x1000x1xf32, #tpu.memory_space<vmem>>, %arg4: memref<1000x128xf32, #tpu.memory_space<vmem>>, %arg5: memref<1000x128xf32, #tpu.memory_space<vmem>>) attributes {dimension_semantics = [#tpu.dimension_semantics<arbitrary>], iteration_bounds = array<i64: 10>, scalar_prefetch = 0 : i64, scratch_operands = 0 : i64, tpu.core_type = #tpu.core_type<tc>, window_params = [{transform_indices = @transform_0, window_bounds = array<i64: 1000, 256>}, {pipeline_mode = #tpu.pipeline_mode<synchronous>, transform_indices = @transform_1, window_bounds = array<i64: 256, 256>}, {transform_indices = @transform_2, window_bounds = array<i64: 2, 1000, 1>}, {transform_indices = @transform_3, window_bounds = array<i64: 1000, 128>}, {transform_indices = @transform_4, window_bounds = array<i64: 1000, 128>}]} {
    %get3A = arith.constant 0 : index
    %get3A_0 = arith.constant 0 : index
    %get3A_1 = arith.constant 0 : index
    %get3A_2 = vector.load %arg3[%get3A, %get3A_0, %get3A_1] : memref<2x1000x1xf32, #tpu.memory_space<vmem>>, vector<2x1000x1xf32>
    %slice3A = vector.extract_strided_slice %get3A_2 {offsets = [0, 0, 0], sizes = [1, 1000, 1], strides = [1, 1, 1]} : vector<2x1000x1xf32> to vector<1x1000x1xf32>
    %squeeze3A = vector.shape_cast %slice3A : vector<1x1000x1xf32> to vector<1000x1xf32>
    %slice3A_3 = vector.extract_strided_slice %get3A_2 {offsets = [1, 0, 0], sizes = [1, 1000, 1], strides = [1, 1, 1]} : vector<2x1000x1xf32> to vector<1x1000x1xf32>
    %squeeze3A_4 = vector.shape_cast %slice3A_3 : vector<1x1000x1xf32> to vector<1000x1xf32>
    %add3A = arith.addf %squeeze3A, %squeeze3A_4 : vector<1000x1xf32>
    %add3A_5 = arith.constant 1.000000e+00 : f32
    %add3A_6 = vector.broadcast %add3A_5 : f32 to vector<1000x1xf32>
    %add3A_7 = arith.addf %add3A, %add3A_6 : vector<1000x1xf32>
    %rsqrt3A = math.rsqrt %add3A_7 : vector<1000x1xf32>
    %get3A_8 = arith.constant 0 : index
    %get3A_9 = arith.constant 0 : index
    %get3A_10 = vector.load %arg1[%get3A_8, %get3A_9] : memref<1000x256xf32, #tpu.memory_space<vmem>>, vector<1000x256xf32>
    %get3A_11 = arith.constant 0 : index
    %get3A_12 = arith.constant 0 : index
    %get3A_13 = vector.load %arg2[%get3A_11, %get3A_12] : memref<256x256xf32, #tpu.memory_space<vmem>>, vector<256x256xf32>
    %dot_general3A = arith.constant dense<0.000000e+00> : vector<1000x256xf32>
    %dot_general3A_14 = tpu.matmul %get3A_10, %get3A_13, %dot_general3A {dimension_numbers = #tpu.dot_dimension_numbers<[1], [0], [0], [1], [0, 0, 1, 1], [], []>, transpose_lhs_hint = false} : vector<1000x256xf32>, vector<256x256xf32>, vector<1000x256xf32> -> vector<1000x256xf32>
    %mul3A = vector.broadcast %rsqrt3A : vector<1000x1xf32> to vector<1000x256xf32>
    %mul3A_15 = arith.mulf %mul3A, %dot_general3A_14 : vector<1000x256xf32>
    %slice3A_16 = vector.extract_strided_slice %mul3A_15 {offsets = [0, 0], sizes = [1000, 128], strides = [1, 1]} : vector<1000x256xf32> to vector<1000x128xf32>
    %swap3A = arith.constant 0 : index
    %swap3A_17 = arith.constant 0 : index
    %swap3A_18 = vector.load %arg4[%swap3A, %swap3A_17] : memref<1000x128xf32, #tpu.memory_space<vmem>>, vector<1000x128xf32>
    tpu.vector_store %arg4[%swap3A, %swap3A_17], %slice3A_16 {strides = array<i32>} : memref<1000x128xf32, #tpu.memory_space<vmem>>, vector<1000x128xf32>,
    %slice3A_19 = vector.extract_strided_slice %mul3A_15 {offsets = [0, 128], sizes = [1000, 128], strides = [1, 1]} : vector<1000x256xf32> to vector<1000x128xf32>
    %swap3A_20 = arith.constant 0 : index
    %swap3A_21 = arith.constant 0 : index
    %swap3A_22 = vector.load %arg5[%swap3A_20, %swap3A_21] : memref<1000x128xf32, #tpu.memory_space<vmem>>, vector<1000x128xf32>
    tpu.vector_store %arg5[%swap3A_20, %swap3A_21], %slice3A_19 {strides = array<i32>} : memref<1000x128xf32, #tpu.memory_space<vmem>>, vector<1000x128xf32>,
    return
  }
  func.func @transform_0(%arg0: i32) -> (i32, i32) {
    %c0_i32 = arith.constant 0 : i32
    %c0_i32_0 = arith.constant 0 : i32
    return %arg0, %c0_i32 : i32, i32
  }
  func.func @transform_1(%arg0: i32) -> (i32, i32) {
    %c0_i32 = arith.constant 0 : i32
    %c0_i32_0 = arith.constant 0 : i32
    %c0_i32_1 = arith.constant 0 : i32
    return %c0_i32, %c0_i32_0 : i32, i32
  }
  func.func @transform_2(%arg0: i32) -> (i32, i32, i32) {
    %c0_i32 = arith.constant 0 : i32
    %c0_i32_0 = arith.constant 0 : i32
    %c0_i32_1 = arith.constant 0 : i32
    return %c0_i32, %arg0, %c0_i32_0 : i32, i32, i32
  }
  func.func @transform_3(%arg0: i32) -> (i32, i32) {
    %c0_i32 = arith.constant 0 : i32
    %c0_i32_0 = arith.constant 0 : i32
    return %arg0, %c0_i32 : i32, i32
  }
  func.func @transform_4(%arg0: i32) -> (i32, i32) {
    %c0_i32 = arith.constant 0 : i32
    %c0_i32_0 = arith.constant 0 : i32
    return %arg0, %c0_i32 : i32, i32
  }
}

module attributes {stable_mosaic.version = 14 : i64} {
  func.func @_post_body(%arg0: i32, %arg1: memref<2x1000x128xf32, #tpu.memory_space<vmem>>, %arg2: memref<1000x128xf32, #tpu.memory_space<vmem>>, %arg3: memref<1000x128xf32, #tpu.memory_space<vmem>>, %arg4: memref<2x1000x1xf32, #tpu.memory_space<vmem>>, %arg5: memref<1x256xf32, #tpu.memory_space<vmem>>, %arg6: memref<1000x256xf32, #tpu.memory_space<vmem>>, %arg7: memref<1000x256xf32, #tpu.memory_space<vmem>>) attributes {dimension_semantics = [#tpu.dimension_semantics<arbitrary>], iteration_bounds = array<i64: 10>, scalar_prefetch = 0 : i64, scratch_operands = 0 : i64, tpu.core_type = #tpu.core_type<tc>, window_params = [{transform_indices = @transform_0, window_bounds = array<i64: 2, 1000, 128>}, {transform_indices = @transform_1, window_bounds = array<i64: 1000, 128>}, {transform_indices = @transform_2, window_bounds = array<i64: 1000, 128>}, {transform_indices = @transform_3, window_bounds = array<i64: 2, 1000, 1>}, {pipeline_mode = #tpu.pipeline_mode<synchronous>, transform_indices = @transform_4, window_bounds = array<i64: 1, 256>}, {transform_indices = @transform_5, window_bounds = array<i64: 1000, 256>}, {transform_indices = @transform_6, window_bounds = array<i64: 1000, 256>}]} {
    %get3A = arith.constant 0 : index
    %get3A_0 = arith.constant 0 : index
    %get3A_1 = arith.constant 0 : index
    %get3A_2 = vector.load %arg4[%get3A, %get3A_0, %get3A_1] : memref<2x1000x1xf32, #tpu.memory_space<vmem>>, vector<2x1000x1xf32>
    %slice3A = vector.extract_strided_slice %get3A_2 {offsets = [0, 0, 0], sizes = [1, 1000, 1], strides = [1, 1, 1]} : vector<2x1000x1xf32> to vector<1x1000x1xf32>
    %squeeze3A = vector.shape_cast %slice3A : vector<1x1000x1xf32> to vector<1000x1xf32>
    %slice3A_3 = vector.extract_strided_slice %get3A_2 {offsets = [1, 0, 0], sizes = [1, 1000, 1], strides = [1, 1, 1]} : vector<2x1000x1xf32> to vector<1x1000x1xf32>
    %squeeze3A_4 = vector.shape_cast %slice3A_3 : vector<1x1000x1xf32> to vector<1000x1xf32>
    %add3A = arith.addf %squeeze3A, %squeeze3A_4 : vector<1000x1xf32>
    %add3A_5 = arith.constant 1.000000e+00 : f32
    %add3A_6 = vector.broadcast %add3A_5 : f32 to vector<1000x1xf32>
    %add3A_7 = arith.addf %add3A, %add3A_6 : vector<1000x1xf32>
    %rsqrt3A = math.rsqrt %add3A_7 : vector<1000x1xf32>
    %get3A_8 = arith.constant 0 : index
    %get3A_9 = arith.constant 0 : index
    %get3A_10 = arith.constant 0 : index
    %get3A_11 = vector.load %arg1[%get3A_8, %get3A_9, %get3A_10] : memref<2x1000x128xf32, #tpu.memory_space<vmem>>, vector<2x1000x128xf32>
    %slice3A_12 = vector.extract_strided_slice %get3A_11 {offsets = [0, 0, 0], sizes = [1, 1000, 128], strides = [1, 1, 1]} : vector<2x1000x128xf32> to vector<1x1000x128xf32>
    %squeeze3A_13 = vector.shape_cast %slice3A_12 : vector<1x1000x128xf32> to vector<1000x128xf32>
    %get3A_14 = arith.constant 0 : index
    %get3A_15 = arith.constant 0 : index
    %get3A_16 = vector.load %arg2[%get3A_14, %get3A_15] : memref<1000x128xf32, #tpu.memory_space<vmem>>, vector<1000x128xf32>
    %add3A_17 = arith.addf %squeeze3A_13, %get3A_16 : vector<1000x128xf32>
    %slice3A_18 = vector.extract_strided_slice %get3A_11 {offsets = [1, 0, 0], sizes = [1, 1000, 128], strides = [1, 1, 1]} : vector<2x1000x128xf32> to vector<1x1000x128xf32>
    %squeeze3A_19 = vector.shape_cast %slice3A_18 : vector<1x1000x128xf32> to vector<1000x128xf32>
    %get3A_20 = arith.constant 0 : index
    %get3A_21 = arith.constant 0 : index
    %get3A_22 = vector.load %arg3[%get3A_20, %get3A_21] : memref<1000x128xf32, #tpu.memory_space<vmem>>, vector<1000x128xf32>
    %add3A_23 = arith.addf %squeeze3A_19, %get3A_22 : vector<1000x128xf32>
    %concatenate3A = tpu.concatenate %add3A_17, %add3A_23 in 1 : vector<1000x128xf32>, vector<1000x128xf32> -> vector<1000x256xf32>
    %mul3A = vector.broadcast %rsqrt3A : vector<1000x1xf32> to vector<1000x256xf32>
    %mul3A_24 = arith.mulf %mul3A, %concatenate3A : vector<1000x256xf32>
    %get3A_25 = arith.constant 0 : index
    %get3A_26 = arith.constant 0 : index
    %get3A_27 = vector.load %arg5[%get3A_25, %get3A_26] : memref<1x256xf32, #tpu.memory_space<vmem>>, vector<1x256xf32>
    %add3A_28 = vector.broadcast %get3A_27 : vector<1x256xf32> to vector<1000x256xf32>
    %add3A_29 = arith.addf %mul3A_24, %add3A_28 : vector<1000x256xf32>
    %max3A = arith.constant 0.000000e+00 : f32
    %max3A_30 = vector.broadcast %max3A : f32 to vector<1000x256xf32>
    %max3A_31 = arith.maximumf %add3A_29, %max3A_30 : vector<1000x256xf32>
    %get3A_32 = arith.constant 0 : index
    %get3A_33 = arith.constant 0 : index
    %get3A_34 = vector.load %arg6[%get3A_32, %get3A_33] : memref<1000x256xf32, #tpu.memory_space<vmem>>, vector<1000x256xf32>
    %add3A_35 = arith.addf %max3A_31, %get3A_34 : vector<1000x256xf32>
    %swap3A = arith.constant 0 : index
    %swap3A_36 = arith.constant 0 : index
    %swap3A_37 = vector.load %arg7[%swap3A, %swap3A_36] : memref<1000x256xf32, #tpu.memory_space<vmem>>, vector<1000x256xf32>
    tpu.vector_store %arg7[%swap3A, %swap3A_36], %add3A_35 {strides = array<i32>} : memref<1000x256xf32, #tpu.memory_space<vmem>>, vector<1000x256xf32>,
    return
  }
  func.func @transform_0(%arg0: i32) -> (i32, i32, i32) {
    %c0_i32 = arith.constant 0 : i32
    %c0_i32_0 = arith.constant 0 : i32
    %c0_i32_1 = arith.constant 0 : i32
    return %c0_i32, %arg0, %c0_i32_0 : i32, i32, i32
  }
  func.func @transform_1(%arg0: i32) -> (i32, i32) {
    %c0_i32 = arith.constant 0 : i32
    %c0_i32_0 = arith.constant 0 : i32
    return %arg0, %c0_i32 : i32, i32
  }
  func.func @transform_2(%arg0: i32) -> (i32, i32) {
    %c0_i32 = arith.constant 0 : i32
    %c0_i32_0 = arith.constant 0 : i32
    return %arg0, %c0_i32 : i32, i32
  }
  func.func @transform_3(%arg0: i32) -> (i32, i32, i32) {
    %c0_i32 = arith.constant 0 : i32
    %c0_i32_0 = arith.constant 0 : i32
    %c0_i32_1 = arith.constant 0 : i32
    return %c0_i32, %arg0, %c0_i32_0 : i32, i32, i32
  }
  func.func @transform_4(%arg0: i32) -> (i32, i32) {
    %c0_i32 = arith.constant 0 : i32
    %c0_i32_0 = arith.constant 0 : i32
    %c0_i32_1 = arith.constant 0 : i32
    return %c0_i32, %c0_i32_0 : i32, i32
  }
  func.func @transform_5(%arg0: i32) -> (i32, i32) {
    %c0_i32 = arith.constant 0 : i32
    %c0_i32_0 = arith.constant 0 : i32
    return %arg0, %c0_i32 : i32, i32
  }
  func.func @transform_6(%arg0: i32) -> (i32, i32) {
    %c0_i32 = arith.constant 0 : i32
    %c0_i32_0 = arith.constant 0 : i32
    return %arg0, %c0_i32 : i32, i32
  }
}

module attributes {stable_mosaic.version = 14 : i64} {
  func.func @_fin_body(%arg0: i32, %arg1: memref<1000x256xf32, #tpu.memory_space<vmem>>, %arg2: memref<256x1xf32, #tpu.memory_space<vmem>>, %arg3: memref<1x1xf32, #tpu.memory_space<vmem>>, %arg4: memref<1000x1xf32, #tpu.memory_space<vmem>>) attributes {dimension_semantics = [#tpu.dimension_semantics<arbitrary>], iteration_bounds = array<i64: 10>, scalar_prefetch = 0 : i64, scratch_operands = 0 : i64, tpu.core_type = #tpu.core_type<tc>, window_params = [{transform_indices = @transform_0, window_bounds = array<i64: 1000, 256>}, {pipeline_mode = #tpu.pipeline_mode<synchronous>, transform_indices = @transform_1, window_bounds = array<i64: 256, 1>}, {pipeline_mode = #tpu.pipeline_mode<synchronous>, transform_indices = @transform_2, window_bounds = array<i64: 1, 1>}, {transform_indices = @transform_3, window_bounds = array<i64: 1000, 1>}]} {
    %get3A = arith.constant 0 : index
    %get3A_0 = arith.constant 0 : index
    %get3A_1 = vector.load %arg1[%get3A, %get3A_0] : memref<1000x256xf32, #tpu.memory_space<vmem>>, vector<1000x256xf32>
    %get3A_2 = arith.constant 0 : index
    %get3A_3 = arith.constant 0 : index
    %get3A_4 = vector.load %arg2[%get3A_2, %get3A_3] : memref<256x1xf32, #tpu.memory_space<vmem>>, vector<256x1xf32>
    %dot_general3A = arith.constant dense<0.000000e+00> : vector<1000x1xf32>
    %dot_general3A_5 = tpu.matmul %get3A_1, %get3A_4, %dot_general3A {dimension_numbers = #tpu.dot_dimension_numbers<[1], [0], [0], [1], [0, 0, 1, 1], [], []>, transpose_lhs_hint = false} : vector<1000x256xf32>, vector<256x1xf32>, vector<1000x1xf32> -> vector<1000x1xf32>
    %get3A_6 = arith.constant 0 : index
    %get3A_7 = arith.constant 0 : index
    %get3A_8 = vector.load %arg3[%get3A_6, %get3A_7] : memref<1x1xf32, #tpu.memory_space<vmem>>, vector<1x1xf32>
    %add3A = vector.broadcast %get3A_8 : vector<1x1xf32> to vector<1000x1xf32>
    %add3A_9 = arith.addf %dot_general3A_5, %add3A : vector<1000x1xf32>
    %swap3A = arith.constant 0 : index
    %swap3A_10 = arith.constant 0 : index
    %swap3A_11 = vector.load %arg4[%swap3A, %swap3A_10] : memref<1000x1xf32, #tpu.memory_space<vmem>>, vector<1000x1xf32>
    tpu.vector_store %arg4[%swap3A, %swap3A_10], %add3A_9 {strides = array<i32>} : memref<1000x1xf32, #tpu.memory_space<vmem>>, vector<1000x1xf32>,
    return
  }
  func.func @transform_0(%arg0: i32) -> (i32, i32) {
    %c0_i32 = arith.constant 0 : i32
    %c0_i32_0 = arith.constant 0 : i32
    return %arg0, %c0_i32 : i32, i32
  }
  func.func @transform_1(%arg0: i32) -> (i32, i32) {
    %c0_i32 = arith.constant 0 : i32
    %c0_i32_0 = arith.constant 0 : i32
    %c0_i32_1 = arith.constant 0 : i32
    return %c0_i32, %c0_i32_0 : i32, i32
  }
  func.func @transform_2(%arg0: i32) -> (i32, i32) {
    %c0_i32 = arith.constant 0 : i32
    %c0_i32_0 = arith.constant 0 : i32
    %c0_i32_1 = arith.constant 0 : i32
    return %c0_i32, %c0_i32_0 : i32, i32
  }
  func.func @transform_3(%arg0: i32) -> (i32, i32) {
    %c0_i32 = arith.constant 0 : i32
    %c0_i32_0 = arith.constant 0 : i32
    return %arg0, %c0_i32 : i32, i32
  }
}

</mosaic_0001>

<sc_bundles>
// kernel: kernel.20.cloned.1.call-start
scs
__scs_entry_jumppad:
0x0: {  	(pc) =	sbr.rel $0x88, $3  }
0x1: {  	(tag) =	ssettag $0x0;
	lr =	simm.s32 $0x1  }
0x2: {  	[smem:$0x3F89] =	sst lr;
	_ =	strace $0xD0000000  }
0x3: {  	_ = 	snop  }
0x4: {  	_ = 	snop  }
0x5: {  	_ = 	snop  }
0x6: {  	_ = 	snop  }
0x7: {  	_ = 	snop  }
__scs_overlays_trampoline_lowered:
0x8: {  	[smem:$0x3F98] =	sst s0  }
0x9: {  	[smem:$0x3F99] =	sst s1  }
0xa: {  	[smem:$0x3F9A] =	sst s2  }
0xb: {  	[smem:$0x3F9B] =	sst s3  }
0xc: {  	[smem:$0x3F9C] =	sst s4  }
0xd: {  	[smem:$0x3F9D] =	sst s5  }
0xe: {  	[smem:$0x3F9E] =	sst s6  }
0xf: {  	[smem:$0x3F9F] =	sst s7  }
0x10: {  	[smem:$0x3FA0] =	sst s8  }
0x11: {  	[smem:$0x3FA1] =	sst s9;
	s0 =	simm.s32 @!p0 $0x0  }
0x12: {  	s1 =	sld [smem:$0x3F87];
	s0 =	simm.s32 @p0 $0x1  }
0x13: {  	[smem:$0x3FA2] =	sst s0;
	s0 =	simm.s32 @!p1 $0x0  }
0x14: {  	s2 =	sld [smem:$0x3F86];
	s0 =	simm.s32 @p1 $0x1  }
0x15: {  	[smem:$0x3FA3] =	sst s0;
	s0 =	simm.s32 @!p2 $0x0  }
0x16: {  	s3 =	sld [smem:$0x3FDB];
	s0 =	simm.s32 @p2 $0x1  }
0x17: {  	s4 =	simm.s32 $0x1BF5;
	[smem:$0x3FA5] =	sst s0  }
0x18: {  	s0 =	sld [smem:$0x3F88];
	_ =	swait.ge [sflag:s4], $0x0  }
0x19: {  	s7 =	sld [smem:$0x3F89]  }
0x1a: {  	s8 =	sadd.s32 $0xFFFFE003, lr  }
0x1b: {  	s9 =	sadd.s32 $0xFFFFFEF7, lr;
	s5 =	simm.s32 $0xFFFFFFFF;
	p2 =	slt.u32 s8, $0xFFFFF086  }
0x1c: {  	p1 =	slt.u32 s9, $0xF7A;
	s5 =	simm.s32 @!p2 $0x0  }
0x1d: {  	s5 =	simm.s32 @p1 $0x1;
	p0 =	seq.s32 s7, s2  }
0x1e: {  	s7 =	smul.u32 @!p0 $0xF7A, s2;
	p2 =	seq.s32 @!p0 s5, $0x0  }
0x1f: {  	s9 =	smul.u32 $0xF7A, s1;
	s8 =	simm.s32 @!p0 $0x1BF5;
	p2 =	por !p2, p0  }
0x20: {  	[sflag:s8] =	ssyncset.s32 @!p0 $0xFFFFF086;
	s6 =	sadd.s32 @!p0 s3, s7;
	s7 =	simm.s32 @!p0 $0x108  }
0x21: {  	s3 =	sadd.s32 s3, s9;
	s6 =	sadd.s32 @!p0 $0x88, s6;
	s7 =	simm.s32 @p2 $0x1082  }
0x22: {  	[simem:s7], [sflag:s8] =	dma.local @!p0 [hbm:s6], $0xF7A  }
0x23: {  	s9 =	sor.u32 $0xD0000000, s2;
	s6 =	simm.s32 $0x108;
	_ =	swait.ge @!p0 [sflag:s8], $0x0  }
0x24: {  	s3 =	sadd.s32 $0x88, s3;
	s6 =	simm.s32 @!p1 $0x1082;
	[sflag:s4] =	ssyncset.s32 $0xFFFFF086  }
0x25: {  	[simem:s6], [sflag:s4] =	dma.local [hbm:s3], $0xF7A  }
0x26: {  	[smem:$0x3F89] =	sst s1;
	(tag) =	ssettag s2;
	_ =	strace s9  }
0x27: {  	s1 =	sld [smem:$0x3F99]  }
0x28: {  	s2 =	sld [smem:$0x3F9A]  }
0x29: {  	s4 =	sld [smem:$0x3F9C]  }
0x2a: {  	p0 =	seq.s32 s5, $0x0;
	s5 =	sld [smem:$0x3F9D]  }
0x2b: {  	s6 =	sld [smem:$0x3F9E]  }
0x2c: {  	s7 =	sld [smem:$0x3F9F]  }
0x2d: {  	s3 =	simm.s32 $0x108;
	s8 =	sld [smem:$0x3FA0]  }
0x2e: {  	s3 =	simm.s32 @!p0 $0x1082;
	s9 =	sld [smem:$0x3FA1]  }
0x2f: {  	lr =	sadd.s32 s0, s3;
	s0 =	sld [smem:$0x3F98]  }
0x30: {  	s3 =	sld [smem:$0x3F9B]  }
0x31: {  	[smem:$0x3FA4] =	sst s10  }
0x32: {  	s10 =	sld [smem:$0x3FA2];
	_ =	sdelay $0x3  }
0x33: {  	p0 =	seq.s32 s10, $0x1;
	s10 =	sld [smem:$0x3FA4];
	_ =	sdelay $0x3  }
0x34: {  	[smem:$0x3FA4] =	sst s10  }
0x35: {  	s10 =	sld [smem:$0x3FA3];
	_ =	sdelay $0x3  }
0x36: {  	p1 =	seq.s32 s10, $0x1;
	s10 =	sld [smem:$0x3FA4];
	_ =	sdelay $0x3  }
0x37: {  	[smem:$0x3FA4] =	sst s10  }
0x38: {  	s10 =	sld [smem:$0x3FA5]  }
0x39: {  	_ = 	snop;
	(pc) =	sbr.ind lr, $3  }
0x3a: {  	_ = 	snop  }
0x3b: {  	_ = 	snop  }
0x3c: {  	p2 =	seq.s32 s10, $0x1;
	s10 =	sld [smem:$0x3FA4]  }
0x3d: {  	_ =	shalt  }
0x3e: {  	_ =	shalt  }
0x3f: {  	_ =	shalt  }
0x40: {  	_ =	shalt  }
0x41: {  	_ =	shalt  }
0x42: {  	_ =	shalt  }
0x43: {  	_ =	shalt  }
0x44: {  	_ =	shalt  }
0x45: {  	_ =	shalt  }
0x46: {  	_ =	shalt  }
0x47: {  	_ =	shalt  }
0x48: {  	_ =	shalt  }
0x49: {  	_ =	shalt  }
0x4a: {  	_ =	shalt  }
0x4b: {  	_ =	shalt  }
0x4c: {  	_ =	shalt  }
0x4d: {  	_ =	shalt  }
0x4e: {  	_ =	shalt  }
0x4f: {  	_ =	shalt  }
0x50: {  	_ =	shalt  }
0x51: {  	_ =	shalt  }
0x52: {  	_ =	shalt  }
0x53: {  	_ =	shalt  }
0x54: {  	_ =	shalt  }
0x55: {  	_ =	shalt  }
0x56: {  	_ =	shalt  }
0x57: {  	_ =	shalt  }
0x58: {  	_ =	shalt  }
0x59: {  	_ =	shalt  }
0x5a: {  	_ =	shalt  }
0x5b: {  	_ =	shalt  }
0x5c: {  	_ =	shalt  }
0x5d: {  	_ =	shalt  }
0x5e: {  	_ =	shalt  }
0x5f: {  	_ =	shalt  }
0x60: {  	_ =	shalt  }
0x61: {  	_ =	shalt  }
0x62: {  	_ =	shalt  }
0x63: {  	_ =	shalt  }
0x64: {  	_ =	shalt  }
0x65: {  	_ =	shalt  }
0x66: {  	_ =	shalt  }
0x67: {  	_ =	shalt  }
0x68: {  	_ =	shalt  }
0x69: {  	_ =	shalt  }
0x6a: {  	_ =	shalt  }
0x6b: {  	_ =	shalt  }
0x6c: {  	_ =	shalt  }
0x6d: {  	_ =	shalt  }
0x6e: {  	_ =	shalt  }
0x6f: {  	_ =	shalt  }
0x70: {  	_ =	shalt  }
0x71: {  	_ =	shalt  }
0x72: {  	_ =	shalt  }
0x73: {  	_ =	shalt  }
0x74: {  	_ =	shalt  }
0x75: {  	_ =	shalt  }
0x76: {  	_ =	shalt  }
0x77: {  	_ =	shalt  }
0x78: {  	_ =	shalt  }
0x79: {  	_ =	shalt  }
0x7a: {  	_ =	shalt  }
0x7b: {  	_ =	shalt  }
0x7c: {  	_ =	shalt  }
0x7d: {  	_ =	shalt  }
0x7e: {  	_ =	shalt  }
0x7f: {  	_ =	shalt  }
0x80: {  	_ =	shalt  }
0x81: {  	_ =	shalt  }
0x82: {  	_ =	shalt  }
0x83: {  	_ =	shalt  }
0x84: {  	_ =	shalt  }
0x85: {  	_ =	shalt  }
0x86: {  	_ =	shalt  }
0x87: {  	_ =	shalt  }
.Lfunc_end0:
.L_simem_size_0:
called_computation_lowered:
.L_overlay_start_0:
0x88: {  	s2 =	sld [smem:$0x3FD9]  }
0x89: {  	s3 =	sld [smem:$0x3FFE];
	_ =	sdelay $0x1  }
0x8a: {  	s1 =	srdreg.scid  }
0x8b: {  	s0 =	sand.u32 $0x1, s1  }
0x8c: {  	s16 =	sshll.u32 s0, $0xA;
	s2 =	sadd.s32 s3, s2  }
0x8d: {  	s2 =	sadd.s32 s2, s16  }
0x8e: {  	[smem:$0x3FB0] =	sst s2  }
0x8f: {  	_ = 	snop  }
0x90: {  	(tm) =	ssettm $0x1  }
0x91: {  	s17 =	sld [smem:$0x3FFB];
	_ =	sdelay $0x3  }
0x92: {  	_ =	strace s17  }
0x93: {  	s2 =	sld [smem:$0x3FFC];
	_ =	sdelay $0x3  }
0x94: {  	_ =	strace s2  }
0x95: {  	s2 =	sld [smem:$0x3FFD];
	_ =	sdelay $0x3  }
0x96: {  	_ =	strace s2  }
0x97: {  	_ =	strace $0x8FFFFFFF  }
0x98: {  	s18 =	sld [smem:$0x3FDB];
	_ =	sdelay $0x1  }
0x99: {  	s19 =	simm.s32 $_scs_section_size  }
0x9a: {  	s4 =	simm.s32 $_size__tile_overlayer_lowered;
	s5 =	simm.s32 $_tile_overlayer_lowered  }
0x9b: {  	s22 =	simm.s32 $0x1BFF;
	s21 =	sshll.u32 s5, $0x1;
	s2 =	sadd.s32 s19, s18  }
0x9c: {  	s6 =	simm.s32 $0x0;
	s20 =	sshll.u32 s4, $0x1;
	s4 =	sadd.s32 s21, s2  }
0x9d: {  	[timem:s6], [sflag:s22] =	dma.local [hbm:s4], s20  }
0x9e: {  	_ =	swait.ge [sflag:s22], s20  }
0x9f: {  	s3 =	ssub.s32 $0x0, s20;
	[sflag:s22] =	ssyncset.done $0x0  }
0xa0: {  	[sflag:s22] =	ssyncadd.s32 s3;
	_ =	sdelay $0x1  }
0xa1: {  	s23 =	simm.s32 $0x1B8B  }
0xa2: {  	_ =	swait.ge [sflag:s23], $0x1  }
0xa3: {  	[sflag:s23] =	ssyncset.done $0x0  }
0xa4: {  	s25 =	simm.s32 $0x1B8E;
	s24 =	sld [smem:$0x3FFE];
	[sflag:s23] =	ssyncadd.s32 $0xFFFFFFFF  }
0xa5: {  	s26 =	simm.s32 $execute0_lowered;
	[smem:$0x3FD2] =	sst s25  }
0xa6: {  	s4 =	sshll.u32 s26, $0x1;
	_ =	strace $0x80000046;
	[dreg:$0x1] =	wrdreg $0xFFFFFFFF  }
0xa7: {  	s28 =	simm.s32 $_size_execute0_lowered;
	s2 =	sadd.s32 s2, s4;
	[dreg:$0x0] =	wrdreg $0x0  }
0xa8: {  	s4 =	sshll.u32 s28, $0x1;
	[dreg:$0x2] =	wrdreg s2  }
0xa9: {  	[dreg:$0x3] =	wrdreg s4  }
0xaa: {  	[dreg:$0x4] =	wrdreg $0xC0  }
0xab: {  	_ =	task [dreg:s6], $0x5FFFF  }
0xac: {  	[dreg:$0x1] =	wrdreg $0xFFFFFFFF  }
0xad: {  	[dreg:$0x0] =	wrdreg $0x60  }
0xae: {  	[dreg:$0x2] =	wrdreg s24  }
0xaf: {  	[dreg:$0x3] =	wrdreg $0x68000  }
0xb0: {  	[dreg:$0x4] =	wrdreg $0x9  }
0xb1: {  	_ =	task.clear_ibuf [dreg:s6], $0x5FFFF;
	_ =	strace $0x90000046  }
0xb2: {  	s29 =	simm.s32 $0x9;
	_ =	strace $0x80000048  }
0xb3: {  	_ =	swait.ge [sflag:s29], $0x1  }
0xb4: {  	[sflag:s29] =	ssyncadd.s32 $0xFFFFFFFF  }
0xb5: {  	_ =	strace $0x90000048  }
0xb6: {  	_ =	sfence  }
0xb7: {  	s30 =	sld [smem:$0x0];
	_ =	sdelay $0x2  }
0xb8: {  	s31 =	sshll.u32 s1, $0xD;
	s1 =	sshrl.u32 s1, $0x2  }
0xb9: {  	s3 =	sand.u32 $0x4000, s31;
	s1 =	sadd.s32 s1, s30  }
0xba: {  	s0 =	sor.u32 s3, s0;
	s1 =	sshll.u32 s1, $0x11  }
0xbb: {  	s0 =	sor.u32 s1, s0  }
0xbc: {  	s0 =	sadd.s32 $0x8F2B, s0  }
0xbd: {  	[sflag:s0] =	ssyncadd.remote.s32 $0x1  }
0xbe: {  	_ =	sfence.sel $0xFFFF  }
0xbf: {  	[dreg:$0x0] =	wrdreg $0xFFFFFFFF;
	(pc) =	sbr.abs _section_cstart, $3  }
0xc0: {  	[dreg:$0x1] =	wrdreg $0xFFFFFFFF  }
0xc1: {  	_ =	task.clear_ibuf [dreg:s6], $0x2FFFF;
	_ =	strace $0x9FFFFFFF  }
0xc2: {  	(tm) =	ssettm $0x7FFFFFFF  }
0xc3: {  	_ =	shalt  }
tec
execute0_lowered:
.L_overlay_start_1:
0x0: {  	(tag) =	ssettag $0x1  }
0x1: {  	s1 =	srdreg.scid;
	s7 =	rddreg [dreg:$0x0]  }
0x2: {  	s0 =	stileid.u32;
	s2 =	rddreg [dreg:$0x1]  }
0x3: {  	s3 =	simm.s32 $0x0;
	s13 =	simm.s32 $0x80;
	s14 =	simm.s32 $0x1  }
0x4: {  	s15 =	simm.s32 $0x0;
	s6 =	sand.u32 $0x1, s1;
	s8 =	smul.u32 $0x14000, s0  }
0x5: {  	s30 =	sshll.u32 s0, $0x1;
	[smem:$0x7FF] =	sst s3;
	s10 =	smul.u32 $0x50000, s0  }
0x6: {  	s11 =	sshll.u32 s0, $0x6;
	s1 =	sor.u32 s6, s30;
	s5 =	smul.u32 $0x140000, s6  }
0x7: {  	s6 =	ssub.s32 $0x2, s6;
	s4 =	smul.u32 $0x500, s1;
	s1 =	rddreg [dreg:$0x2]  }
0x8: {  	_ =	strace $0x80000047;
	s31 =	sshrl.u32 s6, $0x1;
	s10 =	sshrl.u32 s10, $0x2  }
0x9: {  	s5 =	sadd.s32 s8, s5;
	s12 =	ssub.s32 s6, s31;
	s10 =	sadd.s32 s10, s2  }
0xa: {  	s6 =	sor.u32 $0x1C02, s11;
	s11 =	simm.s32 $0x2;
	s9 =	sadd.s32 s4, s7  }
0xb: {  	s4 =	sadd.s32 $0x1E200, s7;
	s8 =	sshrl.u32 s5, $0x3;
	s5 =	sadd.s32 $0x1BA00, s7  }
0xc: {  	s10 =	sshrl.u32 s10, $0x3;
	s8 =	sadd.s32 s8, s7;
	s7 =	sadd.s32 $0x7A00, s9  }
0xd: {  	s9 =	smax.u32 s12, $0x1;
	s12 =	simm.s32 $0x2800;
	s8 =	sadd.s32 $0x1EA00, s8  }
.LBB2_1:
0xe: {  	[spmem:s10], [sflag:s6] =	dma.local [hbm:s5], $0x2800  }
0xf: {  	_ =	swait.ge [sflag:s11], $0x2800  }
0x10: {  	[sflag:s11] =	ssyncset.done $0x0  }
0x11: {  	[sflag:s11] =	ssyncadd.s32 $0xFFFFD800  }
0x12: {  	[tilespmem:s12], [sflag:$0x2] =	stream.linear.gather [hbm4b:s4+s3], $0x4000, $0x38;
	[tilespmem:$0x1A800] =	vst v63  }
0x13: {  	_ =	swait.ge [sflag:s11], $0x4000  }
0x14: {  	[sflag:s11] =	ssyncset.done $0x0  }
0x15: {  	[sflag:s11] =	ssyncadd.s32 $0xFFFFC000  }
0x16: {  	[tilespmem:s3], [sflag:$0x2] =	stream.linear.gather [hbm4b:s7+s3], $0x2800, $0x38;
	[tilespmem:$0x1A800] =	vst v63  }
0x17: {  	_ =	swait.ge [sflag:s11], $0x2800  }
0x18: {  	[sflag:s11] =	ssyncset.done $0x0  }
0x19: {  	[sflag:s11] =	ssyncadd.s32 $0xFFFFD800  }
0x1a: {  	s16 =	simm.s32 $0x0;
	[bflag:$0x0] =	sbarrier.arrive $0xFFFF  }
0x1b: {  	[spmem:s2] =	stream.indirect.scatter.add.f32 [tilespmem:s12], [sflag:$0x1], $0x80, s16, s13, $0xb8;
	[tilespmem:$0x1A800] =	vst v63  }
0x1c: {  	s24 =	simm.s32 $0x80  }
0x1d: {  	[spmem:s2] =	stream.indirect.scatter.add.f32 [tilespmem:s12], [sflag:$0x1], $0x80, s24, s13, $0xb8;
	[tilespmem:$0x1A800] =	vst v63  }
0x1e: {  	s25 =	simm.s32 $0x100  }
0x1f: {  	[spmem:s2] =	stream.indirect.scatter.add.f32 [tilespmem:s12], [sflag:$0x1], $0x80, s25, s13, $0xb8;
	[tilespmem:$0x1A800] =	vst v63  }
0x20: {  	s26 =	simm.s32 $0x180  }
0x21: {  	[spmem:s2] =	stream.indirect.scatter.add.f32 [tilespmem:s12], [sflag:$0x1], $0x80, s26, s13, $0xb8;
	[tilespmem:$0x1A800] =	vst v63  }
0x22: {  	s28 =	simm.s32 $0x200  }
0x23: {  	[spmem:s2] =	stream.indirect.scatter.add.f32 [tilespmem:s12], [sflag:$0x1], $0x80, s28, s13, $0xb8;
	[tilespmem:$0x1A800] =	vst v63  }
0x24: {  	s29 =	simm.s32 $0x280  }
0x25: {  	[spmem:s2] =	stream.indirect.scatter.add.f32 [tilespmem:s12], [sflag:$0x1], $0x80, s29, s13, $0xb8;
	[tilespmem:$0x1A800] =	vst v63  }
0x26: {  	s30 =	simm.s32 $0x300  }
0x27: {  	[spmem:s2] =	stream.indirect.scatter.add.f32 [tilespmem:s12], [sflag:$0x1], $0x80, s30, s13, $0xb8;
	[tilespmem:$0x1A800] =	vst v63  }
0x28: {  	s31 =	simm.s32 $0x380  }
0x29: {  	[spmem:s2] =	stream.indirect.scatter.add.f32 [tilespmem:s12], [sflag:$0x1], $0x80, s31, s13, $0xb8;
	[tilespmem:$0x1A800] =	vst v63  }
0x2a: {  	_ =	swait.ge [sflag:s14], $0x4000  }
0x2b: {  	[sflag:s14] =	ssyncset.done $0x0  }
0x2c: {  	[sflag:s14] =	ssyncadd.s32 $0xFFFFC000  }
0x2d: {  	_ =	swait.ge [sflag:s14], $0x4000  }
0x2e: {  	[sflag:s14] =	ssyncset.done $0x0  }
0x2f: {  	[sflag:s14] =	ssyncadd.s32 $0xFFFFC000  }
0x30: {  	_ =	swait.ge [sflag:s14], $0x4000  }
0x31: {  	[sflag:s14] =	ssyncset.done $0x0  }
0x32: {  	[sflag:s14] =	ssyncadd.s32 $0xFFFFC000  }
0x33: {  	_ =	swait.ge [sflag:s14], $0x4000  }
0x34: {  	[sflag:s14] =	ssyncset.done $0x0  }
0x35: {  	[sflag:s14] =	ssyncadd.s32 $0xFFFFC000  }
0x36: {  	_ =	swait.ge [sflag:s14], $0x4000  }
0x37: {  	[sflag:s14] =	ssyncset.done $0x0  }
0x38: {  	[sflag:s14] =	ssyncadd.s32 $0xFFFFC000  }
0x39: {  	_ =	swait.ge [sflag:s14], $0x4000  }
0x3a: {  	[sflag:s14] =	ssyncset.done $0x0  }
0x3b: {  	[sflag:s14] =	ssyncadd.s32 $0xFFFFC000  }
0x3c: {  	_ =	swait.ge [sflag:s14], $0x4000  }
0x3d: {  	[sflag:s14] =	ssyncset.done $0x0  }
0x3e: {  	[sflag:s14] =	ssyncadd.s32 $0xFFFFC000  }
0x3f: {  	_ =	swait.ge [sflag:s14], $0x4000  }
0x40: {  	s18 =	simm.s32 $0x2000;
	s16 =	simm.s32 $0x1000;
	[sflag:s14] =	ssyncset.done $0x0  }
.LBB2_2:
0x41: {  	s19 =	sshra.s32 s16, $0x2  }
0x42: {  	[sflag:s14] =	ssyncadd.s32 $0xFFFFC000;
	s16 =	smov.u32 s18;
	s17 =	sadd.s32 $0x1000, s18  }
0x43: {  	[spmem:s2] =	stream.indirect.scatter.add.f32 [tilespmem:s12], [sflag:$0x1], $0x80, s19, s13, $0xb8;
	[tilespmem:$0x1A800] =	vst v63  }
0x44: {  	p0 =	sne.s32 s18, $0x9000;
	s18 =	sadd.s32 $0x80, s19  }
0x45: {  	[spmem:s2] =	stream.indirect.scatter.add.f32 [tilespmem:s12], [sflag:$0x1], $0x80, s18, s13, $0xb8;
	[tilespmem:$0x1A800] =	vst v63  }
0x46: {  	s18 =	sadd.s32 $0x100, s19  }
0x47: {  	[spmem:s2] =	stream.indirect.scatter.add.f32 [tilespmem:s12], [sflag:$0x1], $0x80, s18, s13, $0xb8;
	[tilespmem:$0x1A800] =	vst v63  }
0x48: {  	s18 =	sadd.s32 $0x180, s19  }
0x49: {  	[spmem:s2] =	stream.indirect.scatter.add.f32 [tilespmem:s12], [sflag:$0x1], $0x80, s18, s13, $0xb8;
	[tilespmem:$0x1A800] =	vst v63  }
0x4a: {  	s18 =	sadd.s32 $0x200, s19  }
0x4b: {  	[spmem:s2] =	stream.indirect.scatter.add.f32 [tilespmem:s12], [sflag:$0x1], $0x80, s18, s13, $0xb8;
	[tilespmem:$0x1A800] =	vst v63  }
0x4c: {  	s18 =	sadd.s32 $0x280, s19  }
0x4d: {  	[spmem:s2] =	stream.indirect.scatter.add.f32 [tilespmem:s12], [sflag:$0x1], $0x80, s18, s13, $0xb8;
	[tilespmem:$0x1A800] =	vst v63  }
0x4e: {  	s18 =	sadd.s32 $0x300, s19  }
0x4f: {  	[spmem:s2] =	stream.indirect.scatter.add.f32 [tilespmem:s12], [sflag:$0x1], $0x80, s18, s13, $0xb8;
	[tilespmem:$0x1A800] =	vst v63  }
0x50: {  	s18 =	sadd.s32 $0x380, s19  }
0x51: {  	[spmem:s2] =	stream.indirect.scatter.add.f32 [tilespmem:s12], [sflag:$0x1], $0x80, s18, s13, $0xb8;
	[tilespmem:$0x1A800] =	vst v63  }
0x52: {  	_ =	swait.ge [sflag:s14], $0x4000  }
0x53: {  	[sflag:s14] =	ssyncset.done $0x0  }
0x54: {  	[sflag:s14] =	ssyncadd.s32 $0xFFFFC000  }
0x55: {  	_ =	swait.ge [sflag:s14], $0x4000  }
0x56: {  	[sflag:s14] =	ssyncset.done $0x0  }
0x57: {  	[sflag:s14] =	ssyncadd.s32 $0xFFFFC000  }
0x58: {  	_ =	swait.ge [sflag:s14], $0x4000  }
0x59: {  	[sflag:s14] =	ssyncset.done $0x0  }
0x5a: {  	[sflag:s14] =	ssyncadd.s32 $0xFFFFC000  }
0x5b: {  	_ =	swait.ge [sflag:s14], $0x4000  }
0x5c: {  	[sflag:s14] =	ssyncset.done $0x0  }
0x5d: {  	[sflag:s14] =	ssyncadd.s32 $0xFFFFC000  }
0x5e: {  	_ =	swait.ge [sflag:s14], $0x4000  }
0x5f: {  	[sflag:s14] =	ssyncset.done $0x0  }
0x60: {  	[sflag:s14] =	ssyncadd.s32 $0xFFFFC000  }
0x61: {  	_ =	swait.ge [sflag:s14], $0x4000  }
0x62: {  	[sflag:s14] =	ssyncset.done $0x0  }
0x63: {  	[sflag:s14] =	ssyncadd.s32 $0xFFFFC000  }
.Ltmp0:
0x64: {  	_ =	swait.ge [sflag:s14], $0x4000;
	(pc) =	sbr.rel @p0 .LBB2_2-.Ltmp0, $4  }
0x65: {  	[sflag:s14] =	ssyncset.done $0x0  }
0x66: {  	[sflag:s14] =	ssyncadd.s32 $0xFFFFC000  }
0x67: {  	_ =	swait.ge [sflag:s14], $0x4000  }
0x68: {  	s18 =	smov.u32 s17;
	[sflag:s14] =	ssyncset.done $0x0  }
0x69: {  	s16 =	sshra.s32 s16, $0x2;
	[sflag:s14] =	ssyncadd.s32 $0xFFFFC000  }
0x6a: {  	[spmem:s2] =	stream.indirect.scatter.add.f32 [tilespmem:s12], [sflag:$0x1], $0x80, s16, s13, $0xb8;
	[tilespmem:$0x1A800] =	vst v63  }
0x6b: {  	s17 =	sadd.s32 $0x80, s16  }
0x6c: {  	[spmem:s2] =	stream.indirect.scatter.add.f32 [tilespmem:s12], [sflag:$0x1], $0x80, s17, s13, $0xb8;
	[tilespmem:$0x1A800] =	vst v63  }
0x6d: {  	s26 =	sadd.s32 $0x100, s16  }
0x6e: {  	[spmem:s2] =	stream.indirect.scatter.add.f32 [tilespmem:s12], [sflag:$0x1], $0x80, s26, s13, $0xb8;
	[tilespmem:$0x1A800] =	vst v63  }
0x6f: {  	s28 =	sadd.s32 $0x180, s16  }
0x70: {  	[spmem:s2] =	stream.indirect.scatter.add.f32 [tilespmem:s12], [sflag:$0x1], $0x80, s28, s13, $0xb8;
	[tilespmem:$0x1A800] =	vst v63  }
0x71: {  	s29 =	sadd.s32 $0x200, s16  }
0x72: {  	[spmem:s2] =	stream.indirect.scatter.add.f32 [tilespmem:s12], [sflag:$0x1], $0x80, s29, s13, $0xb8;
	[tilespmem:$0x1A800] =	vst v63  }
0x73: {  	s30 =	sadd.s32 $0x280, s16  }
0x74: {  	[spmem:s2] =	stream.indirect.scatter.add.f32 [tilespmem:s12], [sflag:$0x1], $0x80, s30, s13, $0xb8;
	[tilespmem:$0x1A800] =	vst v63  }
0x75: {  	s31 =	sadd.s32 $0x300, s16  }
0x76: {  	[spmem:s2] =	stream.indirect.scatter.add.f32 [tilespmem:s12], [sflag:$0x1], $0x80, s31, s13, $0xb8;
	[tilespmem:$0x1A800] =	vst v63  }
0x77: {  	s16 =	sadd.s32 $0x380, s16  }
0x78: {  	[spmem:s2] =	stream.indirect.scatter.add.f32 [tilespmem:s12], [sflag:$0x1], $0x80, s16, s13, $0xb8;
	[tilespmem:$0x1A800] =	vst v63  }
0x79: {  	_ =	swait.ge [sflag:s14], $0x4000  }
0x7a: {  	[sflag:s14] =	ssyncset.done $0x0  }
0x7b: {  	[sflag:s14] =	ssyncadd.s32 $0xFFFFC000  }
0x7c: {  	_ =	swait.ge [sflag:s14], $0x4000  }
0x7d: {  	[sflag:s14] =	ssyncset.done $0x0  }
0x7e: {  	[sflag:s14] =	ssyncadd.s32 $0xFFFFC000  }
0x7f: {  	_ =	swait.ge [sflag:s14], $0x4000  }
0x80: {  	[sflag:s14] =	ssyncset.done $0x0  }
0x81: {  	[sflag:s14] =	ssyncadd.s32 $0xFFFFC000  }
0x82: {  	_ =	swait.ge [sflag:s14], $0x4000  }
0x83: {  	[sflag:s14] =	ssyncset.done $0x0  }
0x84: {  	[sflag:s14] =	ssyncadd.s32 $0xFFFFC000  }
0x85: {  	_ =	swait.ge [sflag:s14], $0x4000  }
0x86: {  	[sflag:s14] =	ssyncset.done $0x0  }
0x87: {  	[sflag:s14] =	ssyncadd.s32 $0xFFFFC000  }
0x88: {  	_ =	swait.ge [sflag:s14], $0x4000  }
0x89: {  	[sflag:s14] =	ssyncset.done $0x0  }
0x8a: {  	[sflag:s14] =	ssyncadd.s32 $0xFFFFC000  }
0x8b: {  	_ =	swait.ge [sflag:s14], $0x4000  }
0x8c: {  	[sflag:s14] =	ssyncset.done $0x0  }
0x8d: {  	[sflag:s14] =	ssyncadd.s32 $0xFFFFC000  }
0x8e: {  	_ =	swait.ge [sflag:s14], $0x4000  }
0x8f: {  	s15 =	sadd.s32 $0x1, s15;
	[sflag:s14] =	ssyncset.done $0x0  }
0x90: {  	p0 =	sne.s32 s15, s9;
	[sflag:s14] =	ssyncadd.s32 $0xFFFFC000  }
.Ltmp1:
0x91: {  	[bflag:$0x0] =	sbarrier.arrive $0xFFFF;
	(pc) =	sbr.rel @p0 .LBB2_1-.Ltmp1, $4  }
0x92: {  	[hbm:s8], [sflag:s6] =	dma.local [spmem:s10], $0x2800  }
0x93: {  	_ =	swait.ge [sflag:s11], $0x2800  }
0x94: {  	[sflag:s11] =	ssyncset.done $0x0  }
0x95: {  	[sflag:s11] =	ssyncadd.s32 $0xFFFFD800  }
0x96: {  	_ =	sfence.sel $0x180000  }
0x97: {  	[bflag:$0x0] =	sbarrier.arrive $0xFFFF  }
0x98: {  	p0 =	sne.s32 s0, $0x0;
	_ =	strace $0x90000047  }
0x99: {  	s0 =	sadd.s32 @!p0 $0x100000, s1;
	[bflag:$0x2] =	sbarrier.arrive $0xFFFF  }
0x9a: {  	[sflag:s0] =	ssyncadd.tile.s32 @!p0 $0x1;
	_ =	shalt  }
.Lfunc_end2:
_tile_overlayer_lowered:
.L_overlay_start_2:
0x9b: {  	(tag) =	ssettag $0x2  }
0x9c: {  	s0 =	rddreg [dreg:$0x0];
	s2 =	stileid.u32  }
0x9d: {  	s1 =	rddreg [dreg:$0x1];
	p0 =	sne.s32 s2, $0x0  }
0x9e: {  	s3 =	rddreg [dreg:$0x2];
	[bflag:$0x3] =	sbarrier.arrive $0xFFFF;
	s2 =	simm.s32 @!p0 $0x1C02  }
0x9f: {  	[timem:s3], [sflag:s2] =	dma.local @!p0 [hbm:s0], s1  }
0xa0: {  	s0 =	simm.s32 @!p0 $0x2  }
0xa1: {  	_ =	swait.ge @!p0 [sflag:s0], s1  }
0xa2: {  	s1 =	ssub.s32 @!p0 $0x0, s1;
	[sflag:s0] =	ssyncset.done @!p0 $0x0  }
0xa3: {  	[sflag:s0] =	ssyncadd.s32 @!p0 s1  }
0xa4: {  	[bflag:$0x3] =	sbarrier.arrive $0xFFFF  }
0xa5: {  	_ =	shalt  }

// kernel: kernel.23.cloned.1.call-start
scs
__scs_entry_jumppad:
0x0: {  	(pc) =	sbr.rel $0x88, $3  }
0x1: {  	(tag) =	ssettag $0x0;
	lr =	simm.s32 $0x1  }
0x2: {  	[smem:$0x3F89] =	sst lr;
	_ =	strace $0xD0000000  }
0x3: {  	_ = 	snop  }
0x4: {  	_ = 	snop  }
0x5: {  	_ = 	snop  }
0x6: {  	_ = 	snop  }
0x7: {  	_ = 	snop  }
__scs_overlays_trampoline_lowered:
0x8: {  	[smem:$0x3F98] =	sst s0  }
0x9: {  	[smem:$0x3F99] =	sst s1  }
0xa: {  	[smem:$0x3F9A] =	sst s2  }
0xb: {  	[smem:$0x3F9B] =	sst s3  }
0xc: {  	[smem:$0x3F9C] =	sst s4  }
0xd: {  	[smem:$0x3F9D] =	sst s5  }
0xe: {  	[smem:$0x3F9E] =	sst s6  }
0xf: {  	[smem:$0x3F9F] =	sst s7  }
0x10: {  	[smem:$0x3FA0] =	sst s8  }
0x11: {  	[smem:$0x3FA1] =	sst s9;
	s0 =	simm.s32 @!p0 $0x0  }
0x12: {  	s1 =	sld [smem:$0x3F87];
	s0 =	simm.s32 @p0 $0x1  }
0x13: {  	[smem:$0x3FA2] =	sst s0;
	s0 =	simm.s32 @!p1 $0x0  }
0x14: {  	s2 =	sld [smem:$0x3F86];
	s0 =	simm.s32 @p1 $0x1  }
0x15: {  	[smem:$0x3FA3] =	sst s0;
	s0 =	simm.s32 @!p2 $0x0  }
0x16: {  	s3 =	sld [smem:$0x3FDB];
	s0 =	simm.s32 @p2 $0x1  }
0x17: {  	s4 =	simm.s32 $0x1BF5;
	[smem:$0x3FA5] =	sst s0  }
0x18: {  	s0 =	sld [smem:$0x3F88];
	_ =	swait.ge [sflag:s4], $0x0  }
0x19: {  	s7 =	sld [smem:$0x3F89]  }
0x1a: {  	s8 =	sadd.s32 $0xFFFFE003, lr  }
0x1b: {  	s9 =	sadd.s32 $0xFFFFFEF7, lr;
	s5 =	simm.s32 $0xFFFFFFFF;
	p2 =	slt.u32 s8, $0xFFFFF086  }
0x1c: {  	p1 =	slt.u32 s9, $0xF7A;
	s5 =	simm.s32 @!p2 $0x0  }
0x1d: {  	s5 =	simm.s32 @p1 $0x1;
	p0 =	seq.s32 s7, s2  }
0x1e: {  	s7 =	smul.u32 @!p0 $0xF7A, s2;
	p2 =	seq.s32 @!p0 s5, $0x0  }
0x1f: {  	s9 =	smul.u32 $0xF7A, s1;
	s8 =	simm.s32 @!p0 $0x1BF5;
	p2 =	por !p2, p0  }
0x20: {  	[sflag:s8] =	ssyncset.s32 @!p0 $0xFFFFF086;
	s6 =	sadd.s32 @!p0 s3, s7;
	s7 =	simm.s32 @!p0 $0x108  }
0x21: {  	s3 =	sadd.s32 s3, s9;
	s6 =	sadd.s32 @!p0 $0x88, s6;
	s7 =	simm.s32 @p2 $0x1082  }
0x22: {  	[simem:s7], [sflag:s8] =	dma.local @!p0 [hbm:s6], $0xF7A  }
0x23: {  	s9 =	sor.u32 $0xD0000000, s2;
	s6 =	simm.s32 $0x108;
	_ =	swait.ge @!p0 [sflag:s8], $0x0  }
0x24: {  	s3 =	sadd.s32 $0x88, s3;
	s6 =	simm.s32 @!p1 $0x1082;
	[sflag:s4] =	ssyncset.s32 $0xFFFFF086  }
0x25: {  	[simem:s6], [sflag:s4] =	dma.local [hbm:s3], $0xF7A  }
0x26: {  	[smem:$0x3F89] =	sst s1;
	(tag) =	ssettag s2;
	_ =	strace s9  }
0x27: {  	s1 =	sld [smem:$0x3F99]  }
0x28: {  	s2 =	sld [smem:$0x3F9A]  }
0x29: {  	s4 =	sld [smem:$0x3F9C]  }
0x2a: {  	p0 =	seq.s32 s5, $0x0;
	s5 =	sld [smem:$0x3F9D]  }
0x2b: {  	s6 =	sld [smem:$0x3F9E]  }
0x2c: {  	s7 =	sld [smem:$0x3F9F]  }
0x2d: {  	s3 =	simm.s32 $0x108;
	s8 =	sld [smem:$0x3FA0]  }
0x2e: {  	s3 =	simm.s32 @!p0 $0x1082;
	s9 =	sld [smem:$0x3FA1]  }
0x2f: {  	lr =	sadd.s32 s0, s3;
	s0 =	sld [smem:$0x3F98]  }
0x30: {  	s3 =	sld [smem:$0x3F9B]  }
0x31: {  	[smem:$0x3FA4] =	sst s10  }
0x32: {  	s10 =	sld [smem:$0x3FA2];
	_ =	sdelay $0x3  }
0x33: {  	p0 =	seq.s32 s10, $0x1;
	s10 =	sld [smem:$0x3FA4];
	_ =	sdelay $0x3  }
0x34: {  	[smem:$0x3FA4] =	sst s10  }
0x35: {  	s10 =	sld [smem:$0x3FA3];
	_ =	sdelay $0x3  }
0x36: {  	p1 =	seq.s32 s10, $0x1;
	s10 =	sld [smem:$0x3FA4];
	_ =	sdelay $0x3  }
0x37: {  	[smem:$0x3FA4] =	sst s10  }
0x38: {  	s10 =	sld [smem:$0x3FA5]  }
0x39: {  	_ = 	snop;
	(pc) =	sbr.ind lr, $3  }
0x3a: {  	_ = 	snop  }
0x3b: {  	_ = 	snop  }
0x3c: {  	p2 =	seq.s32 s10, $0x1;
	s10 =	sld [smem:$0x3FA4]  }
0x3d: {  	_ =	shalt  }
0x3e: {  	_ =	shalt  }
0x3f: {  	_ =	shalt  }
0x40: {  	_ =	shalt  }
0x41: {  	_ =	shalt  }
0x42: {  	_ =	shalt  }
0x43: {  	_ =	shalt  }
0x44: {  	_ =	shalt  }
0x45: {  	_ =	shalt  }
0x46: {  	_ =	shalt  }
0x47: {  	_ =	shalt  }
0x48: {  	_ =	shalt  }
0x49: {  	_ =	shalt  }
0x4a: {  	_ =	shalt  }
0x4b: {  	_ =	shalt  }
0x4c: {  	_ =	shalt  }
0x4d: {  	_ =	shalt  }
0x4e: {  	_ =	shalt  }
0x4f: {  	_ =	shalt  }
0x50: {  	_ =	shalt  }
0x51: {  	_ =	shalt  }
0x52: {  	_ =	shalt  }
0x53: {  	_ =	shalt  }
0x54: {  	_ =	shalt  }
0x55: {  	_ =	shalt  }
0x56: {  	_ =	shalt  }
0x57: {  	_ =	shalt  }
0x58: {  	_ =	shalt  }
0x59: {  	_ =	shalt  }
0x5a: {  	_ =	shalt  }
0x5b: {  	_ =	shalt  }
0x5c: {  	_ =	shalt  }
0x5d: {  	_ =	shalt  }
0x5e: {  	_ =	shalt  }
0x5f: {  	_ =	shalt  }
0x60: {  	_ =	shalt  }
0x61: {  	_ =	shalt  }
0x62: {  	_ =	shalt  }
0x63: {  	_ =	shalt  }
0x64: {  	_ =	shalt  }
0x65: {  	_ =	shalt  }
0x66: {  	_ =	shalt  }
0x67: {  	_ =	shalt  }
0x68: {  	_ =	shalt  }
0x69: {  	_ =	shalt  }
0x6a: {  	_ =	shalt  }
0x6b: {  	_ =	shalt  }
0x6c: {  	_ =	shalt  }
0x6d: {  	_ =	shalt  }
0x6e: {  	_ =	shalt  }
0x6f: {  	_ =	shalt  }
0x70: {  	_ =	shalt  }
0x71: {  	_ =	shalt  }
0x72: {  	_ =	shalt  }
0x73: {  	_ =	shalt  }
0x74: {  	_ =	shalt  }
0x75: {  	_ =	shalt  }
0x76: {  	_ =	shalt  }
0x77: {  	_ =	shalt  }
0x78: {  	_ =	shalt  }
0x79: {  	_ =	shalt  }
0x7a: {  	_ =	shalt  }
0x7b: {  	_ =	shalt  }
0x7c: {  	_ =	shalt  }
0x7d: {  	_ =	shalt  }
0x7e: {  	_ =	shalt  }
0x7f: {  	_ =	shalt  }
0x80: {  	_ =	shalt  }
0x81: {  	_ =	shalt  }
0x82: {  	_ =	shalt  }
0x83: {  	_ =	shalt  }
0x84: {  	_ =	shalt  }
0x85: {  	_ =	shalt  }
0x86: {  	_ =	shalt  }
0x87: {  	_ =	shalt  }
.Lfunc_end0:
.L_simem_size_0:
called_computation.1_lowered:
.L_overlay_start_0:
0x88: {  	s2 =	sld [smem:$0x3FD9]  }
0x89: {  	s3 =	sld [smem:$0x3FFE];
	_ =	sdelay $0x1  }
0x8a: {  	s1 =	srdreg.scid  }
0x8b: {  	s0 =	sand.u32 $0x1, s1  }
0x8c: {  	s16 =	sshll.u32 s0, $0xA;
	s2 =	sadd.s32 s3, s2  }
0x8d: {  	s2 =	sadd.s32 s2, s16  }
0x8e: {  	[smem:$0x3FB0] =	sst s2  }
0x8f: {  	_ = 	snop  }
0x90: {  	(tm) =	ssettm $0x1  }
0x91: {  	s17 =	sld [smem:$0x3FFB];
	_ =	sdelay $0x3  }
0x92: {  	_ =	strace s17  }
0x93: {  	s2 =	sld [smem:$0x3FFC];
	_ =	sdelay $0x3  }
0x94: {  	_ =	strace s2  }
0x95: {  	s2 =	sld [smem:$0x3FFD];
	_ =	sdelay $0x3  }
0x96: {  	_ =	strace s2  }
0x97: {  	_ =	strace $0x8FFFFFFF  }
0x98: {  	s18 =	sld [smem:$0x3FDB];
	_ =	sdelay $0x1  }
0x99: {  	s19 =	simm.s32 $_scs_section_size  }
0x9a: {  	s4 =	simm.s32 $_size__tile_overlayer_lowered;
	s5 =	simm.s32 $_tile_overlayer_lowered  }
0x9b: {  	s22 =	simm.s32 $0x1BFF;
	s21 =	sshll.u32 s5, $0x1;
	s2 =	sadd.s32 s19, s18  }
0x9c: {  	s6 =	simm.s32 $0x0;
	s20 =	sshll.u32 s4, $0x1;
	s4 =	sadd.s32 s21, s2  }
0x9d: {  	[timem:s6], [sflag:s22] =	dma.local [hbm:s4], s20  }
0x9e: {  	_ =	swait.ge [sflag:s22], s20  }
0x9f: {  	s3 =	ssub.s32 $0x0, s20;
	[sflag:s22] =	ssyncset.done $0x0  }
0xa0: {  	[sflag:s22] =	ssyncadd.s32 s3;
	_ =	sdelay $0x1  }
0xa1: {  	s23 =	simm.s32 $0x1B8B  }
0xa2: {  	_ =	swait.ge [sflag:s23], $0x1  }
0xa3: {  	[sflag:s23] =	ssyncset.done $0x0  }
0xa4: {  	s25 =	simm.s32 $0x1B8E;
	s24 =	sld [smem:$0x3FFE];
	[sflag:s23] =	ssyncadd.s32 $0xFFFFFFFF  }
0xa5: {  	s26 =	simm.s32 $execute0_lowered;
	[smem:$0x3FD2] =	sst s25  }
0xa6: {  	s4 =	sshll.u32 s26, $0x1;
	_ =	strace $0x80000049;
	[dreg:$0x1] =	wrdreg $0xFFFFFFFF  }
0xa7: {  	s28 =	simm.s32 $_size_execute0_lowered;
	s2 =	sadd.s32 s2, s4;
	[dreg:$0x0] =	wrdreg $0x0  }
0xa8: {  	s4 =	sshll.u32 s28, $0x1;
	[dreg:$0x2] =	wrdreg s2  }
0xa9: {  	[dreg:$0x3] =	wrdreg s4  }
0xaa: {  	[dreg:$0x4] =	wrdreg $0xC0  }
0xab: {  	_ =	task [dreg:s6], $0x5FFFF  }
0xac: {  	[dreg:$0x1] =	wrdreg $0xFFFFFFFF  }
0xad: {  	[dreg:$0x0] =	wrdreg $0x60  }
0xae: {  	[dreg:$0x2] =	wrdreg s24  }
0xaf: {  	[dreg:$0x3] =	wrdreg $0xA0000  }
0xb0: {  	[dreg:$0x4] =	wrdreg $0x9  }
0xb1: {  	_ =	task.clear_ibuf [dreg:s6], $0x5FFFF;
	_ =	strace $0x90000049  }
0xb2: {  	s29 =	simm.s32 $0x9;
	_ =	strace $0x8000004B  }
0xb3: {  	_ =	swait.ge [sflag:s29], $0x1  }
0xb4: {  	[sflag:s29] =	ssyncadd.s32 $0xFFFFFFFF  }
0xb5: {  	_ =	strace $0x9000004B  }
0xb6: {  	_ =	sfence  }
0xb7: {  	s30 =	sld [smem:$0x0];
	_ =	sdelay $0x2  }
0xb8: {  	s31 =	sshll.u32 s1, $0xD;
	s1 =	sshrl.u32 s1, $0x2  }
0xb9: {  	s3 =	sand.u32 $0x4000, s31;
	s1 =	sadd.s32 s1, s30  }
0xba: {  	s0 =	sor.u32 s3, s0;
	s1 =	sshll.u32 s1, $0x11  }
0xbb: {  	s0 =	sor.u32 s1, s0  }
0xbc: {  	s0 =	sadd.s32 $0x8F2B, s0  }
0xbd: {  	[sflag:s0] =	ssyncadd.remote.s32 $0x1  }
0xbe: {  	_ =	sfence.sel $0xFFFF  }
0xbf: {  	[dreg:$0x0] =	wrdreg $0xFFFFFFFF;
	(pc) =	sbr.abs _section_cstart, $3  }
0xc0: {  	[dreg:$0x1] =	wrdreg $0xFFFFFFFF  }
0xc1: {  	_ =	task.clear_ibuf [dreg:s6], $0x2FFFF;
	_ =	strace $0x9FFFFFFF  }
0xc2: {  	(tm) =	ssettm $0x7FFFFFFF  }
0xc3: {  	_ =	shalt  }
tec
execute0_lowered:
.L_overlay_start_1:
0x0: {  	(tag) =	ssettag $0x1  }
0x1: {  	s9 =	rddreg [dreg:$0x0]  }
0x2: {  	s1 =	rddreg [dreg:$0x1]  }
0x3: {  	s2 =	srdreg.scid;
	s0 =	rddreg [dreg:$0x2];
	s3 =	simm.s32 $0x0  }
0x4: {  	s15 =	simm.s32 $0x1000;
	s16 =	simm.s32 $0x80;
	s17 =	simm.s32 $0x2000  }
0x5: {  	s18 =	simm.s32 $0x6000;
	s19 =	simm.s32 $0x1;
	s20 =	simm.s32 $0x2  }
0x6: {  	s21 =	simm.s32 $0x1080;
	s22 =	simm.s32 $0x3;
	s23 =	simm.s32 $0x4  }
0x7: {  	s24 =	simm.s32 $0x0;
	s10 =	sand.u32 $0x1, s2;
	s2 =	stileid.u32  }
0x8: {  	[smem:$0x7FF] =	sst s3;
	s4 =	sadd.s32 $0xBCC00, s9;
	s8 =	smul.u32 $0x140000, s10  }
0x9: {  	s5 =	sadd.s32 $0xE3E00, s9;
	s6 =	sadd.s32 $0x11A00, s9;
	s11 =	smul.u32 $0x14000, s2  }
0xa: {  	s7 =	sadd.s32 $0x7A00, s9;
	_ =	strace $0x8000004A;
	s13 =	smul.u32 $0x50000, s2  }
0xb: {  	s12 =	ssub.s32 $0x2, s10;
	p0 =	seq.s32 s10, $0x1;
	s10 =	smul.u32 $0x5000, s2  }
.Ltmp0:
0xc: {  	s31 =	sshll.u32 s2, $0x6;
	s29 =	sshrl.u32 s12, $0x1;
	(pc) =	sbr.rel .LBB2_1-.Ltmp0, $4  }
0xd: {  	s8 =	sadd.s32 s11, s8;
	s12 =	ssub.s32 s12, s29;
	s30 =	sshrl.u32 s13, $0x2  }
0xe: {  	s11 =	sshrl.u32 s8, $0x3;
	s8 =	sadd.s32 $0x1BA00, s9;
	s14 =	sadd.s32 s30, s1  }
0xf: {  	s12 =	smax.u32 s12, $0x1;
	s11 =	sadd.s32 s11, s9;
	s9 =	sor.u32 $0x1C05, s31  }
0x10: {  	s13 =	sshrl.u32 s14, $0x3;
	s14 =	simm.s32 $0x5;
	s11 =	sadd.s32 $0x10B000, s11  }
.LBB2_8:
0x11: {  	s24 =	sadd.s32 $0x1, s24  }
0x12: {  	p1 =	sne.s32 s24, s12  }
.Ltmp1:
0x13: {  	[bflag:$0x0] =	sbarrier.arrive $0xFFFF;
	(pc) =	sbr.rel @!p1 .LBB2_9-.Ltmp1, $4  }
0x14: {  	[hbm:s11], [sflag:s9] =	dma.local [spmem:s13], $0x2800  }
0x15: {  	_ =	swait.ge [sflag:s14], $0x2800  }
0x16: {  	[sflag:s14] =	ssyncset.done $0x0  }
0x17: {  	[sflag:s14] =	ssyncadd.s32 $0xFFFFD800  }
.LBB2_1:
0x18: {  	[spmem:s13], [sflag:s9] =	dma.local [hbm:s8], $0x2800  }
.Ltmp2:
0x19: {  	_ =	swait.ge [sflag:s14], $0x2800;
	(pc) =	sbr.rel @!p0 .LBB2_2-.Ltmp2, $4  }
0x1a: {  	[sflag:s14] =	ssyncset.done $0x0  }
0x1b: {  	[sflag:s14] =	ssyncadd.s32 $0xFFFFD800  }
0x1c: {  	[bflag:$0x0] =	sbarrier.arrive $0xFFFF  }
0x1d: {  	s25 =	simm.s32 $0x0;
	s26 =	simm.s32 $0x0  }
.LBB2_5:
0x1e: {  	s25 =	sshll.u32 s26, $0xC  }
0x1f: {  	s25 =	sadd.s32 s10, s25  }
0x20: {  	s25 =	sshrl.u32 s25, $0x3  }
0x21: {  	s28 =	sadd.s32 s6, s25  }
0x22: {  	[tilespmem:s3], [sflag:$0x5] =	stream.linear.gather [hbm4b:s28+s3], $0x1000, $0x38;
	[tilespmem:$0x1E000] =	vst v63  }
0x23: {  	_ =	swait.ge [sflag:s14], $0x1000  }
0x24: {  	[sflag:s14] =	ssyncset.done $0x0  }
0x25: {  	s25 =	sadd.s32 s7, s25;
	[sflag:s14] =	ssyncadd.s32 $0xFFFFF000  }
0x26: {  	[tilespmem:s15], [sflag:$0x5] =	stream.linear.gather [hbm4b:s25+s3], $0x1000, $0x38;
	[tilespmem:$0x1E000] =	vst v63  }
0x27: {  	_ =	swait.ge [sflag:s14], $0x1000  }
0x28: {  	[sflag:s14] =	ssyncset.done $0x0  }
0x29: {  	[sflag:s14] =	ssyncadd.s32 $0xFFFFF000  }
0x2a: {  	[tilespmem:s17], [sflag:$0x1] =	stream.indirect.gather [hbm4b:s5+s16], $0x80, s3, s16, $0xb8;
	[tilespmem:$0x1E000] =	vst v63  }
0x2b: {  	_ = 	snop  }
0x2c: {  	[tilespmem:s18], [sflag:$0x2] =	stream.indirect.gather [hbm4b:s5+s16], $0x80, s16, s16, $0xb8;
	[tilespmem:$0x1E000] =	vst v63  }
0x2d: {  	_ =	swait.ge [sflag:s19], $0x4000  }
0x2e: {  	[sflag:s19] =	ssyncset.done $0x0  }
0x2f: {  	[sflag:s19] =	ssyncadd.s32 $0xFFFFC000  }
0x30: {  	[spmem:s1] =	stream.indirect.scatter.add.f32 [tilespmem:s17], [sflag:$0x3], $0x80, s15, s16, $0xb8;
	[tilespmem:$0x1E000] =	vst v63  }
0x31: {  	_ =	swait.ge [sflag:s20], $0x4000  }
0x32: {  	[sflag:s20] =	ssyncset.done $0x0  }
0x33: {  	[sflag:s20] =	ssyncadd.s32 $0xFFFFC000  }
0x34: {  	[spmem:s1] =	stream.indirect.scatter.add.f32 [tilespmem:s18], [sflag:$0x4], $0x80, s21, s16, $0xb8;
	[tilespmem:$0x1E000] =	vst v63  }
0x35: {  	_ =	swait.ge [sflag:s22], $0x4000  }
0x36: {  	[sflag:s22] =	ssyncset.done $0x0  }
0x37: {  	s29 =	simm.s32 $0x100;
	[sflag:s22] =	ssyncadd.s32 $0xFFFFC000  }
0x38: {  	[tilespmem:s17], [sflag:$0x1] =	stream.indirect.gather [hbm4b:s5+s16], $0x80, s29, s16, $0xb8;
	[tilespmem:$0x1E000] =	vst v63  }
0x39: {  	_ =	swait.ge [sflag:s19], $0x4000  }
0x3a: {  	[sflag:s19] =	ssyncset.done $0x0  }
0x3b: {  	s30 =	simm.s32 $0x1100;
	[sflag:s19] =	ssyncadd.s32 $0xFFFFC000  }
0x3c: {  	[spmem:s1] =	stream.indirect.scatter.add.f32 [tilespmem:s17], [sflag:$0x3], $0x80, s30, s16, $0xb8;
	[tilespmem:$0x1E000] =	vst v63  }
0x3d: {  	_ =	swait.ge [sflag:s23], $0x4000  }
0x3e: {  	[sflag:s23] =	ssyncset.done $0x0  }
0x3f: {  	s31 =	simm.s32 $0x180;
	[sflag:s23] =	ssyncadd.s32 $0xFFFFC000  }
0x40: {  	[tilespmem:s18], [sflag:$0x2] =	stream.indirect.gather [hbm4b:s5+s16], $0x80, s31, s16, $0xb8;
	[tilespmem:$0x1E000] =	vst v63  }
0x41: {  	_ =	swait.ge [sflag:s20], $0x4000  }
0x42: {  	[sflag:s20] =	ssyncset.done $0x0  }
0x43: {  	s28 =	simm.s32 $0x1180;
	s25 =	simm.s32 $0xFFFFC800;
	[sflag:s20] =	ssyncadd.s32 $0xFFFFC000  }
.LBB2_6:
0x44: {  	[spmem:s1] =	stream.indirect.scatter.add.f32 [tilespmem:s18], [sflag:$0x4], $0x80, s28, s16, $0xb8;
	[tilespmem:$0x1E000] =	vst v63  }
0x45: {  	s28 =	smov.u32 s25  }
0x46: {  	p1 =	sne.s32 s25, $0xFFFFFC00;
	s25 =	sadd.s32 $0x400, s25;
	_ =	swait.ge [sflag:s22], $0x4000  }
0x47: {  	s28 =	sshra.s32 s28, $0x2;
	[sflag:s22] =	ssyncset.done $0x0  }
0x48: {  	s29 =	sadd.s32 $0x1000, s28;
	[sflag:s22] =	ssyncadd.s32 $0xFFFFC000  }
0x49: {  	[tilespmem:s17], [sflag:$0x1] =	stream.indirect.gather [hbm4b:s5+s16], $0x80, s29, s16, $0xb8;
	[tilespmem:$0x1E000] =	vst v63  }
0x4a: {  	_ =	swait.ge [sflag:s19], $0x4000  }
0x4b: {  	[sflag:s19] =	ssyncset.done $0x0  }
0x4c: {  	s29 =	sadd.s32 $0x2000, s28;
	[sflag:s19] =	ssyncadd.s32 $0xFFFFC000  }
0x4d: {  	[spmem:s1] =	stream.indirect.scatter.add.f32 [tilespmem:s17], [sflag:$0x3], $0x80, s29, s16, $0xb8;
	[tilespmem:$0x1E000] =	vst v63  }
0x4e: {  	_ =	swait.ge [sflag:s23], $0x4000  }
0x4f: {  	[sflag:s23] =	ssyncset.done $0x0  }
.Ltmp3:
0x50: {  	s29 =	sadd.s32 $0x1080, s28;
	[sflag:s23] =	ssyncadd.s32 $0xFFFFC000;
	(pc) =	sbr.rel @p1 .LBB2_6-.Ltmp3, $4  }
0x51: {  	[tilespmem:s18], [sflag:$0x2] =	stream.indirect.gather [hbm4b:s5+s16], $0x80, s29, s16, $0xb8;
	[tilespmem:$0x1E000] =	vst v63  }
0x52: {  	_ =	swait.ge [sflag:s20], $0x4000  }
0x53: {  	[sflag:s20] =	ssyncset.done $0x0  }
0x54: {  	s28 =	sadd.s32 $0x2080, s28;
	[sflag:s20] =	ssyncadd.s32 $0xFFFFC000  }
0x55: {  	[spmem:s1] =	stream.indirect.scatter.add.f32 [tilespmem:s18], [sflag:$0x4], $0x80, s28, s16, $0xb8;
	[tilespmem:$0x1E000] =	vst v63  }
0x56: {  	s26 =	sadd.s32 $0x1, s26  }
0x57: {  	_ =	swait.ge [sflag:s22], $0x4000;
	p1 =	sne.s32 s26, $0x5  }
.Ltmp4:
0x58: {  	[sflag:s22] =	ssyncset.done $0x0;
	(pc) =	sbr.rel @p1 .LBB2_5-.Ltmp4, $4  }
.Ltmp5:
0x59: {  	[sflag:s22] =	ssyncadd.s32 $0xFFFFC000;
	(pc) =	sbr.rel @!p1 .LBB2_8-.Ltmp5, $4  }
0x5a: {  	_ =	swait.ge [sflag:s23], $0x4000  }
0x5b: {  	[sflag:s23] =	ssyncset.done $0x0  }
0x5c: {  	[sflag:s23] =	ssyncadd.s32 $0xFFFFC000  }
0x5d: {  	_ = 	snop  }
.LBB2_2:
0x5e: {  	s26 =	sshll.u32 s25, $0xC  }
0x5f: {  	s26 =	sadd.s32 s10, s26  }
0x60: {  	s26 =	sshrl.u32 s26, $0x3  }
0x61: {  	s28 =	sadd.s32 s6, s26  }
0x62: {  	[tilespmem:s3], [sflag:$0x5] =	stream.linear.gather [hbm4b:s28+s3], $0x1000, $0x38;
	[tilespmem:$0x1E000] =	vst v63  }
0x63: {  	_ =	swait.ge [sflag:s14], $0x1000  }
0x64: {  	[sflag:s14] =	ssyncset.done $0x0  }
0x65: {  	s26 =	sadd.s32 s7, s26;
	[sflag:s14] =	ssyncadd.s32 $0xFFFFF000  }
0x66: {  	[tilespmem:s15], [sflag:$0x5] =	stream.linear.gather [hbm4b:s26+s3], $0x1000, $0x38;
	[tilespmem:$0x1E000] =	vst v63  }
0x67: {  	_ =	swait.ge [sflag:s14], $0x1000  }
0x68: {  	[sflag:s14] =	ssyncset.done $0x0  }
0x69: {  	[sflag:s14] =	ssyncadd.s32 $0xFFFFF000  }
0x6a: {  	[tilespmem:s17], [sflag:$0x1] =	stream.indirect.gather [hbm4b:s4+s16], $0x80, s3, s16, $0xb8;
	[tilespmem:$0x1E000] =	vst v63  }
0x6b: {  	_ = 	snop  }
0x6c: {  	[tilespmem:s18], [sflag:$0x2] =	stream.indirect.gather [hbm4b:s4+s16], $0x80, s16, s16, $0xb8;
	[tilespmem:$0x1E000] =	vst v63  }
0x6d: {  	_ =	swait.ge [sflag:s19], $0x4000  }
0x6e: {  	[sflag:s19] =	ssyncset.done $0x0  }
0x6f: {  	[sflag:s19] =	ssyncadd.s32 $0xFFFFC000  }
0x70: {  	[spmem:s1] =	stream.indirect.scatter.add.f32 [tilespmem:s17], [sflag:$0x3], $0x80, s15, s16, $0xb8;
	[tilespmem:$0x1E000] =	vst v63  }
0x71: {  	_ =	swait.ge [sflag:s20], $0x4000  }
0x72: {  	[sflag:s20] =	ssyncset.done $0x0  }
0x73: {  	[sflag:s20] =	ssyncadd.s32 $0xFFFFC000  }
0x74: {  	[spmem:s1] =	stream.indirect.scatter.add.f32 [tilespmem:s18], [sflag:$0x4], $0x80, s21, s16, $0xb8;
	[tilespmem:$0x1E000] =	vst v63  }
0x75: {  	_ =	swait.ge [sflag:s22], $0x4000  }
0x76: {  	[sflag:s22] =	ssyncset.done $0x0  }
0x77: {  	s29 =	simm.s32 $0x100;
	[sflag:s22] =	ssyncadd.s32 $0xFFFFC000  }
0x78: {  	[tilespmem:s17], [sflag:$0x1] =	stream.indirect.gather [hbm4b:s4+s16], $0x80, s29, s16, $0xb8;
	[tilespmem:$0x1E000] =	vst v63  }
0x79: {  	_ =	swait.ge [sflag:s19], $0x4000  }
0x7a: {  	[sflag:s19] =	ssyncset.done $0x0  }
0x7b: {  	s30 =	simm.s32 $0x1100;
	[sflag:s19] =	ssyncadd.s32 $0xFFFFC000  }
0x7c: {  	[spmem:s1] =	stream.indirect.scatter.add.f32 [tilespmem:s17], [sflag:$0x3], $0x80, s30, s16, $0xb8;
	[tilespmem:$0x1E000] =	vst v63  }
0x7d: {  	_ =	swait.ge [sflag:s23], $0x4000  }
0x7e: {  	[sflag:s23] =	ssyncset.done $0x0  }
0x7f: {  	s31 =	simm.s32 $0x180;
	[sflag:s23] =	ssyncadd.s32 $0xFFFFC000  }
0x80: {  	[tilespmem:s18], [sflag:$0x2] =	stream.indirect.gather [hbm4b:s4+s16], $0x80, s31, s16, $0xb8;
	[tilespmem:$0x1E000] =	vst v63  }
0x81: {  	_ =	swait.ge [sflag:s20], $0x4000  }
0x82: {  	[sflag:s20] =	ssyncset.done $0x0  }
0x83: {  	s28 =	simm.s32 $0x1180;
	s26 =	simm.s32 $0xFFFFC800;
	[sflag:s20] =	ssyncadd.s32 $0xFFFFC000  }
.LBB2_3:
0x84: {  	[spmem:s1] =	stream.indirect.scatter.add.f32 [tilespmem:s18], [sflag:$0x4], $0x80, s28, s16, $0xb8;
	[tilespmem:$0x1E000] =	vst v63  }
0x85: {  	s28 =	smov.u32 s26  }
0x86: {  	p1 =	sne.s32 s26, $0xFFFFFC00;
	s26 =	sadd.s32 $0x400, s26;
	_ =	swait.ge [sflag:s22], $0x4000  }
0x87: {  	s28 =	sshra.s32 s28, $0x2;
	[sflag:s22] =	ssyncset.done $0x0  }
0x88: {  	s29 =	sadd.s32 $0x1000, s28;
	[sflag:s22] =	ssyncadd.s32 $0xFFFFC000  }
0x89: {  	[tilespmem:s17], [sflag:$0x1] =	stream.indirect.gather [hbm4b:s4+s16], $0x80, s29, s16, $0xb8;
	[tilespmem:$0x1E000] =	vst v63  }
0x8a: {  	_ =	swait.ge [sflag:s19], $0x4000  }
0x8b: {  	[sflag:s19] =	ssyncset.done $0x0  }
0x8c: {  	s29 =	sadd.s32 $0x2000, s28;
	[sflag:s19] =	ssyncadd.s32 $0xFFFFC000  }
0x8d: {  	[spmem:s1] =	stream.indirect.scatter.add.f32 [tilespmem:s17], [sflag:$0x3], $0x80, s29, s16, $0xb8;
	[tilespmem:$0x1E000] =	vst v63  }
0x8e: {  	_ =	swait.ge [sflag:s23], $0x4000  }
0x8f: {  	[sflag:s23] =	ssyncset.done $0x0  }
.Ltmp6:
0x90: {  	s29 =	sadd.s32 $0x1080, s28;
	[sflag:s23] =	ssyncadd.s32 $0xFFFFC000;
	(pc) =	sbr.rel @p1 .LBB2_3-.Ltmp6, $4  }
0x91: {  	[tilespmem:s18], [sflag:$0x2] =	stream.indirect.gather [hbm4b:s4+s16], $0x80, s29, s16, $0xb8;
	[tilespmem:$0x1E000] =	vst v63  }
0x92: {  	_ =	swait.ge [sflag:s20], $0x4000  }
0x93: {  	[sflag:s20] =	ssyncset.done $0x0  }
0x94: {  	s28 =	sadd.s32 $0x2080, s28;
	[sflag:s20] =	ssyncadd.s32 $0xFFFFC000  }
0x95: {  	[spmem:s1] =	stream.indirect.scatter.add.f32 [tilespmem:s18], [sflag:$0x4], $0x80, s28, s16, $0xb8;
	[tilespmem:$0x1E000] =	vst v63  }
0x96: {  	s25 =	sadd.s32 $0x1, s25  }
0x97: {  	_ =	swait.ge [sflag:s22], $0x4000;
	p1 =	seq.s32 s25, $0x5  }
.Ltmp7:
0x98: {  	[sflag:s22] =	ssyncset.done $0x0;
	(pc) =	sbr.rel @!p1 .LBB2_2-.Ltmp7, $4  }
.Ltmp8:
0x99: {  	[sflag:s22] =	ssyncadd.s32 $0xFFFFC000;
	(pc) =	sbr.rel @p1 .LBB2_8-.Ltmp8, $4  }
0x9a: {  	_ =	swait.ge [sflag:s23], $0x4000  }
0x9b: {  	[sflag:s23] =	ssyncset.done $0x0  }
0x9c: {  	[sflag:s23] =	ssyncadd.s32 $0xFFFFC000  }
0x9d: {  	_ = 	snop  }
.LBB2_9:
0x9e: {  	_ =	sfence.sel $0x180000  }
0x9f: {  	[bflag:$0x0] =	sbarrier.arrive $0xFFFF  }
0xa0: {  	p0 =	sne.s32 s2, $0x0;
	_ =	strace $0x9000004A  }
0xa1: {  	s0 =	sadd.s32 @!p0 $0x100000, s0;
	[bflag:$0x2] =	sbarrier.arrive $0xFFFF  }
0xa2: {  	[sflag:s0] =	ssyncadd.tile.s32 @!p0 $0x1;
	_ =	shalt  }
.Lfunc_end2:
_tile_overlayer_lowered:
.L_overlay_start_2:
0xa3: {  	(tag) =	ssettag $0x2  }
0xa4: {  	s0 =	rddreg [dreg:$0x0];
	s2 =	stileid.u32  }
0xa5: {  	s1 =	rddreg [dreg:$0x1];
	p0 =	sne.s32 s2, $0x0  }
0xa6: {  	s3 =	rddreg [dreg:$0x2];
	[bflag:$0x3] =	sbarrier.arrive $0xFFFF;
	s2 =	simm.s32 @!p0 $0x1C05  }
0xa7: {  	[timem:s3], [sflag:s2] =	dma.local @!p0 [hbm:s0], s1  }
0xa8: {  	s0 =	simm.s32 @!p0 $0x5  }
0xa9: {  	_ =	swait.ge @!p0 [sflag:s0], s1  }
0xaa: {  	s1 =	ssub.s32 @!p0 $0x0, s1;
	[sflag:s0] =	ssyncset.done @!p0 $0x0  }
0xab: {  	[sflag:s0] =	ssyncadd.s32 @!p0 s1  }
0xac: {  	[bflag:$0x3] =	sbarrier.arrive $0xFFFF  }
0xad: {  	_ =	shalt  }

// kernel: kernel.26.cloned.1.call-start
scs
__scs_entry_jumppad:
0x0: {  	(pc) =	sbr.rel $0x88, $3  }
0x1: {  	(tag) =	ssettag $0x0;
	lr =	simm.s32 $0x1  }
0x2: {  	[smem:$0x3F89] =	sst lr;
	_ =	strace $0xD0000000  }
0x3: {  	_ = 	snop  }
0x4: {  	_ = 	snop  }
0x5: {  	_ = 	snop  }
0x6: {  	_ = 	snop  }
0x7: {  	_ = 	snop  }
__scs_overlays_trampoline_lowered:
0x8: {  	[smem:$0x3F98] =	sst s0  }
0x9: {  	[smem:$0x3F99] =	sst s1  }
0xa: {  	[smem:$0x3F9A] =	sst s2  }
0xb: {  	[smem:$0x3F9B] =	sst s3  }
0xc: {  	[smem:$0x3F9C] =	sst s4  }
0xd: {  	[smem:$0x3F9D] =	sst s5  }
0xe: {  	[smem:$0x3F9E] =	sst s6  }
0xf: {  	[smem:$0x3F9F] =	sst s7  }
0x10: {  	[smem:$0x3FA0] =	sst s8  }
0x11: {  	[smem:$0x3FA1] =	sst s9;
	s0 =	simm.s32 @!p0 $0x0  }
0x12: {  	s1 =	sld [smem:$0x3F87];
	s0 =	simm.s32 @p0 $0x1  }
0x13: {  	[smem:$0x3FA2] =	sst s0;
	s0 =	simm.s32 @!p1 $0x0  }
0x14: {  	s2 =	sld [smem:$0x3F86];
	s0 =	simm.s32 @p1 $0x1  }
0x15: {  	[smem:$0x3FA3] =	sst s0;
	s0 =	simm.s32 @!p2 $0x0  }
0x16: {  	s3 =	sld [smem:$0x3FDB];
	s0 =	simm.s32 @p2 $0x1  }
0x17: {  	s4 =	simm.s32 $0x1BF5;
	[smem:$0x3FA5] =	sst s0  }
0x18: {  	s0 =	sld [smem:$0x3F88];
	_ =	swait.ge [sflag:s4], $0x0  }
0x19: {  	s7 =	sld [smem:$0x3F89]  }
0x1a: {  	s8 =	sadd.s32 $0xFFFFE003, lr  }
0x1b: {  	s9 =	sadd.s32 $0xFFFFFEF7, lr;
	s5 =	simm.s32 $0xFFFFFFFF;
	p2 =	slt.u32 s8, $0xFFFFF086  }
0x1c: {  	p1 =	slt.u32 s9, $0xF7A;
	s5 =	simm.s32 @!p2 $0x0  }
0x1d: {  	s5 =	simm.s32 @p1 $0x1;
	p0 =	seq.s32 s7, s2  }
0x1e: {  	s7 =	smul.u32 @!p0 $0xF7A, s2;
	p2 =	seq.s32 @!p0 s5, $0x0  }
0x1f: {  	s9 =	smul.u32 $0xF7A, s1;
	s8 =	simm.s32 @!p0 $0x1BF5;
	p2 =	por !p2, p0  }
0x20: {  	[sflag:s8] =	ssyncset.s32 @!p0 $0xFFFFF086;
	s6 =	sadd.s32 @!p0 s3, s7;
	s7 =	simm.s32 @!p0 $0x108  }
0x21: {  	s3 =	sadd.s32 s3, s9;
	s6 =	sadd.s32 @!p0 $0x88, s6;
	s7 =	simm.s32 @p2 $0x1082  }
0x22: {  	[simem:s7], [sflag:s8] =	dma.local @!p0 [hbm:s6], $0xF7A  }
0x23: {  	s9 =	sor.u32 $0xD0000000, s2;
	s6 =	simm.s32 $0x108;
	_ =	swait.ge @!p0 [sflag:s8], $0x0  }
0x24: {  	s3 =	sadd.s32 $0x88, s3;
	s6 =	simm.s32 @!p1 $0x1082;
	[sflag:s4] =	ssyncset.s32 $0xFFFFF086  }
0x25: {  	[simem:s6], [sflag:s4] =	dma.local [hbm:s3], $0xF7A  }
0x26: {  	[smem:$0x3F89] =	sst s1;
	(tag) =	ssettag s2;
	_ =	strace s9  }
0x27: {  	s1 =	sld [smem:$0x3F99]  }
0x28: {  	s2 =	sld [smem:$0x3F9A]  }
0x29: {  	s4 =	sld [smem:$0x3F9C]  }
0x2a: {  	p0 =	seq.s32 s5, $0x0;
	s5 =	sld [smem:$0x3F9D]  }
0x2b: {  	s6 =	sld [smem:$0x3F9E]  }
0x2c: {  	s7 =	sld [smem:$0x3F9F]  }
0x2d: {  	s3 =	simm.s32 $0x108;
	s8 =	sld [smem:$0x3FA0]  }
0x2e: {  	s3 =	simm.s32 @!p0 $0x1082;
	s9 =	sld [smem:$0x3FA1]  }
0x2f: {  	lr =	sadd.s32 s0, s3;
	s0 =	sld [smem:$0x3F98]  }
0x30: {  	s3 =	sld [smem:$0x3F9B]  }
0x31: {  	[smem:$0x3FA4] =	sst s10  }
0x32: {  	s10 =	sld [smem:$0x3FA2];
	_ =	sdelay $0x3  }
0x33: {  	p0 =	seq.s32 s10, $0x1;
	s10 =	sld [smem:$0x3FA4];
	_ =	sdelay $0x3  }
0x34: {  	[smem:$0x3FA4] =	sst s10  }
0x35: {  	s10 =	sld [smem:$0x3FA3];
	_ =	sdelay $0x3  }
0x36: {  	p1 =	seq.s32 s10, $0x1;
	s10 =	sld [smem:$0x3FA4];
	_ =	sdelay $0x3  }
0x37: {  	[smem:$0x3FA4] =	sst s10  }
0x38: {  	s10 =	sld [smem:$0x3FA5]  }
0x39: {  	_ = 	snop;
	(pc) =	sbr.ind lr, $3  }
0x3a: {  	_ = 	snop  }
0x3b: {  	_ = 	snop  }
0x3c: {  	p2 =	seq.s32 s10, $0x1;
	s10 =	sld [smem:$0x3FA4]  }
0x3d: {  	_ =	shalt  }
0x3e: {  	_ =	shalt  }
0x3f: {  	_ =	shalt  }
0x40: {  	_ =	shalt  }
0x41: {  	_ =	shalt  }
0x42: {  	_ =	shalt  }
0x43: {  	_ =	shalt  }
0x44: {  	_ =	shalt  }
0x45: {  	_ =	shalt  }
0x46: {  	_ =	shalt  }
0x47: {  	_ =	shalt  }
0x48: {  	_ =	shalt  }
0x49: {  	_ =	shalt  }
0x4a: {  	_ =	shalt  }
0x4b: {  	_ =	shalt  }
0x4c: {  	_ =	shalt  }
0x4d: {  	_ =	shalt  }
0x4e: {  	_ =	shalt  }
0x4f: {  	_ =	shalt  }
0x50: {  	_ =	shalt  }
0x51: {  	_ =	shalt  }
0x52: {  	_ =	shalt  }
0x53: {  	_ =	shalt  }
0x54: {  	_ =	shalt  }
0x55: {  	_ =	shalt  }
0x56: {  	_ =	shalt  }
0x57: {  	_ =	shalt  }
0x58: {  	_ =	shalt  }
0x59: {  	_ =	shalt  }
0x5a: {  	_ =	shalt  }
0x5b: {  	_ =	shalt  }
0x5c: {  	_ =	shalt  }
0x5d: {  	_ =	shalt  }
0x5e: {  	_ =	shalt  }
0x5f: {  	_ =	shalt  }
0x60: {  	_ =	shalt  }
0x61: {  	_ =	shalt  }
0x62: {  	_ =	shalt  }
0x63: {  	_ =	shalt  }
0x64: {  	_ =	shalt  }
0x65: {  	_ =	shalt  }
0x66: {  	_ =	shalt  }
0x67: {  	_ =	shalt  }
0x68: {  	_ =	shalt  }
0x69: {  	_ =	shalt  }
0x6a: {  	_ =	shalt  }
0x6b: {  	_ =	shalt  }
0x6c: {  	_ =	shalt  }
0x6d: {  	_ =	shalt  }
0x6e: {  	_ =	shalt  }
0x6f: {  	_ =	shalt  }
0x70: {  	_ =	shalt  }
0x71: {  	_ =	shalt  }
0x72: {  	_ =	shalt  }
0x73: {  	_ =	shalt  }
0x74: {  	_ =	shalt  }
0x75: {  	_ =	shalt  }
0x76: {  	_ =	shalt  }
0x77: {  	_ =	shalt  }
0x78: {  	_ =	shalt  }
0x79: {  	_ =	shalt  }
0x7a: {  	_ =	shalt  }
0x7b: {  	_ =	shalt  }
0x7c: {  	_ =	shalt  }
0x7d: {  	_ =	shalt  }
0x7e: {  	_ =	shalt  }
0x7f: {  	_ =	shalt  }
0x80: {  	_ =	shalt  }
0x81: {  	_ =	shalt  }
0x82: {  	_ =	shalt  }
0x83: {  	_ =	shalt  }
0x84: {  	_ =	shalt  }
0x85: {  	_ =	shalt  }
0x86: {  	_ =	shalt  }
0x87: {  	_ =	shalt  }
.Lfunc_end0:
.L_simem_size_0:
called_computation.2_lowered:
.L_overlay_start_0:
0x88: {  	s2 =	sld [smem:$0x3FD9]  }
0x89: {  	s3 =	sld [smem:$0x3FFE];
	_ =	sdelay $0x1  }
0x8a: {  	s1 =	srdreg.scid  }
0x8b: {  	s0 =	sand.u32 $0x1, s1  }
0x8c: {  	s16 =	sshll.u32 s0, $0xA;
	s2 =	sadd.s32 s3, s2  }
0x8d: {  	s2 =	sadd.s32 s2, s16  }
0x8e: {  	[smem:$0x3FB0] =	sst s2  }
0x8f: {  	_ = 	snop  }
0x90: {  	(tm) =	ssettm $0x1  }
0x91: {  	s17 =	sld [smem:$0x3FFB];
	_ =	sdelay $0x3  }
0x92: {  	_ =	strace s17  }
0x93: {  	s2 =	sld [smem:$0x3FFC];
	_ =	sdelay $0x3  }
0x94: {  	_ =	strace s2  }
0x95: {  	s2 =	sld [smem:$0x3FFD];
	_ =	sdelay $0x3  }
0x96: {  	_ =	strace s2  }
0x97: {  	_ =	strace $0x8FFFFFFF  }
0x98: {  	s18 =	sld [smem:$0x3FDB];
	_ =	sdelay $0x1  }
0x99: {  	s19 =	simm.s32 $_scs_section_size  }
0x9a: {  	s4 =	simm.s32 $_size__tile_overlayer_lowered;
	s5 =	simm.s32 $_tile_overlayer_lowered  }
0x9b: {  	s22 =	simm.s32 $0x1BFF;
	s21 =	sshll.u32 s5, $0x1;
	s2 =	sadd.s32 s19, s18  }
0x9c: {  	s6 =	simm.s32 $0x0;
	s20 =	sshll.u32 s4, $0x1;
	s4 =	sadd.s32 s21, s2  }
0x9d: {  	[timem:s6], [sflag:s22] =	dma.local [hbm:s4], s20  }
0x9e: {  	_ =	swait.ge [sflag:s22], s20  }
0x9f: {  	s3 =	ssub.s32 $0x0, s20;
	[sflag:s22] =	ssyncset.done $0x0  }
0xa0: {  	[sflag:s22] =	ssyncadd.s32 s3;
	_ =	sdelay $0x1  }
0xa1: {  	s23 =	simm.s32 $0x1B8B  }
0xa2: {  	_ =	swait.ge [sflag:s23], $0x1  }
0xa3: {  	[sflag:s23] =	ssyncset.done $0x0  }
0xa4: {  	s25 =	simm.s32 $0x1B8E;
	s24 =	sld [smem:$0x3FFE];
	[sflag:s23] =	ssyncadd.s32 $0xFFFFFFFF  }
0xa5: {  	s26 =	simm.s32 $execute0_lowered;
	[smem:$0x3FD2] =	sst s25  }
0xa6: {  	s4 =	sshll.u32 s26, $0x1;
	_ =	strace $0x8000004C;
	[dreg:$0x1] =	wrdreg $0xFFFFFFFF  }
0xa7: {  	s28 =	simm.s32 $_size_execute0_lowered;
	s2 =	sadd.s32 s2, s4;
	[dreg:$0x0] =	wrdreg $0x0  }
0xa8: {  	s4 =	sshll.u32 s28, $0x1;
	[dreg:$0x2] =	wrdreg s2  }
0xa9: {  	[dreg:$0x3] =	wrdreg s4  }
0xaa: {  	[dreg:$0x4] =	wrdreg $0xC0  }
0xab: {  	_ =	task [dreg:s6], $0x5FFFF  }
0xac: {  	[dreg:$0x1] =	wrdreg $0xFFFFFFFF  }
0xad: {  	[dreg:$0x0] =	wrdreg $0x60  }
0xae: {  	[dreg:$0x2] =	wrdreg s24  }
0xaf: {  	[dreg:$0x3] =	wrdreg $0xA0000  }
0xb0: {  	[dreg:$0x4] =	wrdreg $0x9  }
0xb1: {  	_ =	task.clear_ibuf [dreg:s6], $0x5FFFF;
	_ =	strace $0x9000004C  }
0xb2: {  	s29 =	simm.s32 $0x9;
	_ =	strace $0x8000004E  }
0xb3: {  	_ =	swait.ge [sflag:s29], $0x1  }
0xb4: {  	[sflag:s29] =	ssyncadd.s32 $0xFFFFFFFF  }
0xb5: {  	_ =	strace $0x9000004E  }
0xb6: {  	_ =	sfence  }
0xb7: {  	s30 =	sld [smem:$0x0];
	_ =	sdelay $0x2  }
0xb8: {  	s31 =	sshll.u32 s1, $0xD;
	s1 =	sshrl.u32 s1, $0x2  }
0xb9: {  	s3 =	sand.u32 $0x4000, s31;
	s1 =	sadd.s32 s1, s30  }
0xba: {  	s0 =	sor.u32 s3, s0;
	s1 =	sshll.u32 s1, $0x11  }
0xbb: {  	s0 =	sor.u32 s1, s0  }
0xbc: {  	s0 =	sadd.s32 $0x8F2B, s0  }
0xbd: {  	[sflag:s0] =	ssyncadd.remote.s32 $0x1  }
0xbe: {  	_ =	sfence.sel $0xFFFF  }
0xbf: {  	[dreg:$0x0] =	wrdreg $0xFFFFFFFF;
	(pc) =	sbr.abs _section_cstart, $3  }
0xc0: {  	[dreg:$0x1] =	wrdreg $0xFFFFFFFF  }
0xc1: {  	_ =	task.clear_ibuf [dreg:s6], $0x2FFFF;
	_ =	strace $0x9FFFFFFF  }
0xc2: {  	(tm) =	ssettm $0x7FFFFFFF  }
0xc3: {  	_ =	shalt  }
tec
execute0_lowered:
.L_overlay_start_1:
0x0: {  	(tag) =	ssettag $0x1  }
0x1: {  	s9 =	rddreg [dreg:$0x0]  }
0x2: {  	s1 =	rddreg [dreg:$0x1]  }
0x3: {  	s2 =	srdreg.scid;
	s0 =	rddreg [dreg:$0x2];
	s3 =	simm.s32 $0x0  }
0x4: {  	s15 =	simm.s32 $0x1000;
	s16 =	simm.s32 $0x80;
	s17 =	simm.s32 $0x2000  }
0x5: {  	s18 =	simm.s32 $0x6000;
	s19 =	simm.s32 $0x1;
	s20 =	simm.s32 $0x2  }
0x6: {  	s21 =	simm.s32 $0x1080;
	s22 =	simm.s32 $0x3;
	s23 =	simm.s32 $0x4  }
0x7: {  	s24 =	simm.s32 $0x0;
	s10 =	sand.u32 $0x1, s2;
	s2 =	stileid.u32  }
0x8: {  	[smem:$0x7FF] =	sst s3;
	s4 =	sadd.s32 $0xBCC00, s9;
	s8 =	smul.u32 $0x140000, s10  }
0x9: {  	s5 =	sadd.s32 $0xE3E00, s9;
	s6 =	sadd.s32 $0x11A00, s9;
	s11 =	smul.u32 $0x14000, s2  }
0xa: {  	s7 =	sadd.s32 $0x7A00, s9;
	_ =	strace $0x8000004D;
	s13 =	smul.u32 $0x50000, s2  }
0xb: {  	s12 =	ssub.s32 $0x2, s10;
	p0 =	seq.s32 s10, $0x1;
	s10 =	smul.u32 $0x5000, s2  }
.Ltmp0:
0xc: {  	s31 =	sshll.u32 s2, $0x6;
	s29 =	sshrl.u32 s12, $0x1;
	(pc) =	sbr.rel .LBB2_1-.Ltmp0, $4  }
0xd: {  	s8 =	sadd.s32 s11, s8;
	s12 =	ssub.s32 s12, s29;
	s30 =	sshrl.u32 s13, $0x2  }
0xe: {  	s11 =	sshrl.u32 s8, $0x3;
	s8 =	sadd.s32 $0x1BA00, s9;
	s14 =	sadd.s32 s30, s1  }
0xf: {  	s12 =	smax.u32 s12, $0x1;
	s11 =	sadd.s32 s11, s9;
	s9 =	sor.u32 $0x1C05, s31  }
0x10: {  	s13 =	sshrl.u32 s14, $0x3;
	s14 =	simm.s32 $0x5;
	s11 =	sadd.s32 $0x10B000, s11  }
.LBB2_8:
0x11: {  	s24 =	sadd.s32 $0x1, s24  }
0x12: {  	p1 =	sne.s32 s24, s12  }
.Ltmp1:
0x13: {  	[bflag:$0x0] =	sbarrier.arrive $0xFFFF;
	(pc) =	sbr.rel @!p1 .LBB2_9-.Ltmp1, $4  }
0x14: {  	[hbm:s11], [sflag:s9] =	dma.local [spmem:s13], $0x2800  }
0x15: {  	_ =	swait.ge [sflag:s14], $0x2800  }
0x16: {  	[sflag:s14] =	ssyncset.done $0x0  }
0x17: {  	[sflag:s14] =	ssyncadd.s32 $0xFFFFD800  }
.LBB2_1:
0x18: {  	[spmem:s13], [sflag:s9] =	dma.local [hbm:s8], $0x2800  }
.Ltmp2:
0x19: {  	_ =	swait.ge [sflag:s14], $0x2800;
	(pc) =	sbr.rel @!p0 .LBB2_2-.Ltmp2, $4  }
0x1a: {  	[sflag:s14] =	ssyncset.done $0x0  }
0x1b: {  	[sflag:s14] =	ssyncadd.s32 $0xFFFFD800  }
0x1c: {  	[bflag:$0x0] =	sbarrier.arrive $0xFFFF  }
0x1d: {  	s25 =	simm.s32 $0x0;
	s26 =	simm.s32 $0x0  }
.LBB2_5:
0x1e: {  	s25 =	sshll.u32 s26, $0xC  }
0x1f: {  	s25 =	sadd.s32 s10, s25  }
0x20: {  	s25 =	sshrl.u32 s25, $0x3  }
0x21: {  	s28 =	sadd.s32 s6, s25  }
0x22: {  	[tilespmem:s3], [sflag:$0x5] =	stream.linear.gather [hbm4b:s28+s3], $0x1000, $0x38;
	[tilespmem:$0x1E000] =	vst v63  }
0x23: {  	_ =	swait.ge [sflag:s14], $0x1000  }
0x24: {  	[sflag:s14] =	ssyncset.done $0x0  }
0x25: {  	s25 =	sadd.s32 s7, s25;
	[sflag:s14] =	ssyncadd.s32 $0xFFFFF000  }
0x26: {  	[tilespmem:s15], [sflag:$0x5] =	stream.linear.gather [hbm4b:s25+s3], $0x1000, $0x38;
	[tilespmem:$0x1E000] =	vst v63  }
0x27: {  	_ =	swait.ge [sflag:s14], $0x1000  }
0x28: {  	[sflag:s14] =	ssyncset.done $0x0  }
0x29: {  	[sflag:s14] =	ssyncadd.s32 $0xFFFFF000  }
0x2a: {  	[tilespmem:s17], [sflag:$0x1] =	stream.indirect.gather [hbm4b:s5+s16], $0x80, s3, s16, $0xb8;
	[tilespmem:$0x1E000] =	vst v63  }
0x2b: {  	_ = 	snop  }
0x2c: {  	[tilespmem:s18], [sflag:$0x2] =	stream.indirect.gather [hbm4b:s5+s16], $0x80, s16, s16, $0xb8;
	[tilespmem:$0x1E000] =	vst v63  }
0x2d: {  	_ =	swait.ge [sflag:s19], $0x4000  }
0x2e: {  	[sflag:s19] =	ssyncset.done $0x0  }
0x2f: {  	[sflag:s19] =	ssyncadd.s32 $0xFFFFC000  }
0x30: {  	[spmem:s1] =	stream.indirect.scatter.add.f32 [tilespmem:s17], [sflag:$0x3], $0x80, s15, s16, $0xb8;
	[tilespmem:$0x1E000] =	vst v63  }
0x31: {  	_ =	swait.ge [sflag:s20], $0x4000  }
0x32: {  	[sflag:s20] =	ssyncset.done $0x0  }
0x33: {  	[sflag:s20] =	ssyncadd.s32 $0xFFFFC000  }
0x34: {  	[spmem:s1] =	stream.indirect.scatter.add.f32 [tilespmem:s18], [sflag:$0x4], $0x80, s21, s16, $0xb8;
	[tilespmem:$0x1E000] =	vst v63  }
0x35: {  	_ =	swait.ge [sflag:s22], $0x4000  }
0x36: {  	[sflag:s22] =	ssyncset.done $0x0  }
0x37: {  	s29 =	simm.s32 $0x100;
	[sflag:s22] =	ssyncadd.s32 $0xFFFFC000  }
0x38: {  	[tilespmem:s17], [sflag:$0x1] =	stream.indirect.gather [hbm4b:s5+s16], $0x80, s29, s16, $0xb8;
	[tilespmem:$0x1E000] =	vst v63  }
0x39: {  	_ =	swait.ge [sflag:s19], $0x4000  }
0x3a: {  	[sflag:s19] =	ssyncset.done $0x0  }
0x3b: {  	s30 =	simm.s32 $0x1100;
	[sflag:s19] =	ssyncadd.s32 $0xFFFFC000  }
0x3c: {  	[spmem:s1] =	stream.indirect.scatter.add.f32 [tilespmem:s17], [sflag:$0x3], $0x80, s30, s16, $0xb8;
	[tilespmem:$0x1E000] =	vst v63  }
0x3d: {  	_ =	swait.ge [sflag:s23], $0x4000  }
0x3e: {  	[sflag:s23] =	ssyncset.done $0x0  }
0x3f: {  	s31 =	simm.s32 $0x180;
	[sflag:s23] =	ssyncadd.s32 $0xFFFFC000  }
0x40: {  	[tilespmem:s18], [sflag:$0x2] =	stream.indirect.gather [hbm4b:s5+s16], $0x80, s31, s16, $0xb8;
	[tilespmem:$0x1E000] =	vst v63  }
0x41: {  	_ =	swait.ge [sflag:s20], $0x4000  }
0x42: {  	[sflag:s20] =	ssyncset.done $0x0  }
0x43: {  	s28 =	simm.s32 $0x1180;
	s25 =	simm.s32 $0xFFFFC800;
	[sflag:s20] =	ssyncadd.s32 $0xFFFFC000  }
.LBB2_6:
0x44: {  	[spmem:s1] =	stream.indirect.scatter.add.f32 [tilespmem:s18], [sflag:$0x4], $0x80, s28, s16, $0xb8;
	[tilespmem:$0x1E000] =	vst v63  }
0x45: {  	s28 =	smov.u32 s25  }
0x46: {  	p1 =	sne.s32 s25, $0xFFFFFC00;
	s25 =	sadd.s32 $0x400, s25;
	_ =	swait.ge [sflag:s22], $0x4000  }
0x47: {  	s28 =	sshra.s32 s28, $0x2;
	[sflag:s22] =	ssyncset.done $0x0  }
0x48: {  	s29 =	sadd.s32 $0x1000, s28;
	[sflag:s22] =	ssyncadd.s32 $0xFFFFC000  }
0x49: {  	[tilespmem:s17], [sflag:$0x1] =	stream.indirect.gather [hbm4b:s5+s16], $0x80, s29, s16, $0xb8;
	[tilespmem:$0x1E000] =	vst v63  }
0x4a: {  	_ =	swait.ge [sflag:s19], $0x4000  }
0x4b: {  	[sflag:s19] =	ssyncset.done $0x0  }
0x4c: {  	s29 =	sadd.s32 $0x2000, s28;
	[sflag:s19] =	ssyncadd.s32 $0xFFFFC000  }
0x4d: {  	[spmem:s1] =	stream.indirect.scatter.add.f32 [tilespmem:s17], [sflag:$0x3], $0x80, s29, s16, $0xb8;
	[tilespmem:$0x1E000] =	vst v63  }
0x4e: {  	_ =	swait.ge [sflag:s23], $0x4000  }
0x4f: {  	[sflag:s23] =	ssyncset.done $0x0  }
.Ltmp3:
0x50: {  	s29 =	sadd.s32 $0x1080, s28;
	[sflag:s23] =	ssyncadd.s32 $0xFFFFC000;
	(pc) =	sbr.rel @p1 .LBB2_6-.Ltmp3, $4  }
0x51: {  	[tilespmem:s18], [sflag:$0x2] =	stream.indirect.gather [hbm4b:s5+s16], $0x80, s29, s16, $0xb8;
	[tilespmem:$0x1E000] =	vst v63  }
0x52: {  	_ =	swait.ge [sflag:s20], $0x4000  }
0x53: {  	[sflag:s20] =	ssyncset.done $0x0  }
0x54: {  	s28 =	sadd.s32 $0x2080, s28;
	[sflag:s20] =	ssyncadd.s32 $0xFFFFC000  }
0x55: {  	[spmem:s1] =	stream.indirect.scatter.add.f32 [tilespmem:s18], [sflag:$0x4], $0x80, s28, s16, $0xb8;
	[tilespmem:$0x1E000] =	vst v63  }
0x56: {  	s26 =	sadd.s32 $0x1, s26  }
0x57: {  	_ =	swait.ge [sflag:s22], $0x4000;
	p1 =	sne.s32 s26, $0x5  }
.Ltmp4:
0x58: {  	[sflag:s22] =	ssyncset.done $0x0;
	(pc) =	sbr.rel @p1 .LBB2_5-.Ltmp4, $4  }
.Ltmp5:
0x59: {  	[sflag:s22] =	ssyncadd.s32 $0xFFFFC000;
	(pc) =	sbr.rel @!p1 .LBB2_8-.Ltmp5, $4  }
0x5a: {  	_ =	swait.ge [sflag:s23], $0x4000  }
0x5b: {  	[sflag:s23] =	ssyncset.done $0x0  }
0x5c: {  	[sflag:s23] =	ssyncadd.s32 $0xFFFFC000  }
0x5d: {  	_ = 	snop  }
.LBB2_2:
0x5e: {  	s26 =	sshll.u32 s25, $0xC  }
0x5f: {  	s26 =	sadd.s32 s10, s26  }
0x60: {  	s26 =	sshrl.u32 s26, $0x3  }
0x61: {  	s28 =	sadd.s32 s6, s26  }
0x62: {  	[tilespmem:s3], [sflag:$0x5] =	stream.linear.gather [hbm4b:s28+s3], $0x1000, $0x38;
	[tilespmem:$0x1E000] =	vst v63  }
0x63: {  	_ =	swait.ge [sflag:s14], $0x1000  }
0x64: {  	[sflag:s14] =	ssyncset.done $0x0  }
0x65: {  	s26 =	sadd.s32 s7, s26;
	[sflag:s14] =	ssyncadd.s32 $0xFFFFF000  }
0x66: {  	[tilespmem:s15], [sflag:$0x5] =	stream.linear.gather [hbm4b:s26+s3], $0x1000, $0x38;
	[tilespmem:$0x1E000] =	vst v63  }
0x67: {  	_ =	swait.ge [sflag:s14], $0x1000  }
0x68: {  	[sflag:s14] =	ssyncset.done $0x0  }
0x69: {  	[sflag:s14] =	ssyncadd.s32 $0xFFFFF000  }
0x6a: {  	[tilespmem:s17], [sflag:$0x1] =	stream.indirect.gather [hbm4b:s4+s16], $0x80, s3, s16, $0xb8;
	[tilespmem:$0x1E000] =	vst v63  }
0x6b: {  	_ = 	snop  }
0x6c: {  	[tilespmem:s18], [sflag:$0x2] =	stream.indirect.gather [hbm4b:s4+s16], $0x80, s16, s16, $0xb8;
	[tilespmem:$0x1E000] =	vst v63  }
0x6d: {  	_ =	swait.ge [sflag:s19], $0x4000  }
0x6e: {  	[sflag:s19] =	ssyncset.done $0x0  }
0x6f: {  	[sflag:s19] =	ssyncadd.s32 $0xFFFFC000  }
0x70: {  	[spmem:s1] =	stream.indirect.scatter.add.f32 [tilespmem:s17], [sflag:$0x3], $0x80, s15, s16, $0xb8;
	[tilespmem:$0x1E000] =	vst v63  }
0x71: {  	_ =	swait.ge [sflag:s20], $0x4000  }
0x72: {  	[sflag:s20] =	ssyncset.done $0x0  }
0x73: {  	[sflag:s20] =	ssyncadd.s32 $0xFFFFC000  }
0x74: {  	[spmem:s1] =	stream.indirect.scatter.add.f32 [tilespmem:s18], [sflag:$0x4], $0x80, s21, s16, $0xb8;
	[tilespmem:$0x1E000] =	vst v63  }
0x75: {  	_ =	swait.ge [sflag:s22], $0x4000  }
0x76: {  	[sflag:s22] =	ssyncset.done $0x0  }
0x77: {  	s29 =	simm.s32 $0x100;
	[sflag:s22] =	ssyncadd.s32 $0xFFFFC000  }
0x78: {  	[tilespmem:s17], [sflag:$0x1] =	stream.indirect.gather [hbm4b:s4+s16], $0x80, s29, s16, $0xb8;
	[tilespmem:$0x1E000] =	vst v63  }
0x79: {  	_ =	swait.ge [sflag:s19], $0x4000  }
0x7a: {  	[sflag:s19] =	ssyncset.done $0x0  }
0x7b: {  	s30 =	simm.s32 $0x1100;
	[sflag:s19] =	ssyncadd.s32 $0xFFFFC000  }
0x7c: {  	[spmem:s1] =	stream.indirect.scatter.add.f32 [tilespmem:s17], [sflag:$0x3], $0x80, s30, s16, $0xb8;
	[tilespmem:$0x1E000] =	vst v63  }
0x7d: {  	_ =	swait.ge [sflag:s23], $0x4000  }
0x7e: {  	[sflag:s23] =	ssyncset.done $0x0  }
0x7f: {  	s31 =	simm.s32 $0x180;
	[sflag:s23] =	ssyncadd.s32 $0xFFFFC000  }
0x80: {  	[tilespmem:s18], [sflag:$0x2] =	stream.indirect.gather [hbm4b:s4+s16], $0x80, s31, s16, $0xb8;
	[tilespmem:$0x1E000] =	vst v63  }
0x81: {  	_ =	swait.ge [sflag:s20], $0x4000  }
0x82: {  	[sflag:s20] =	ssyncset.done $0x0  }
0x83: {  	s28 =	simm.s32 $0x1180;
	s26 =	simm.s32 $0xFFFFC800;
	[sflag:s20] =	ssyncadd.s32 $0xFFFFC000  }
.LBB2_3:
0x84: {  	[spmem:s1] =	stream.indirect.scatter.add.f32 [tilespmem:s18], [sflag:$0x4], $0x80, s28, s16, $0xb8;
	[tilespmem:$0x1E000] =	vst v63  }
0x85: {  	s28 =	smov.u32 s26  }
0x86: {  	p1 =	sne.s32 s26, $0xFFFFFC00;
	s26 =	sadd.s32 $0x400, s26;
	_ =	swait.ge [sflag:s22], $0x4000  }
0x87: {  	s28 =	sshra.s32 s28, $0x2;
	[sflag:s22] =	ssyncset.done $0x0  }
0x88: {  	s29 =	sadd.s32 $0x1000, s28;
	[sflag:s22] =	ssyncadd.s32 $0xFFFFC000  }
0x89: {  	[tilespmem:s17], [sflag:$0x1] =	stream.indirect.gather [hbm4b:s4+s16], $0x80, s29, s16, $0xb8;
	[tilespmem:$0x1E000] =	vst v63  }
0x8a: {  	_ =	swait.ge [sflag:s19], $0x4000  }
0x8b: {  	[sflag:s19] =	ssyncset.done $0x0  }
0x8c: {  	s29 =	sadd.s32 $0x2000, s28;
	[sflag:s19] =	ssyncadd.s32 $0xFFFFC000  }
0x8d: {  	[spmem:s1] =	stream.indirect.scatter.add.f32 [tilespmem:s17], [sflag:$0x3], $0x80, s29, s16, $0xb8;
	[tilespmem:$0x1E000] =	vst v63  }
0x8e: {  	_ =	swait.ge [sflag:s23], $0x4000  }
0x8f: {  	[sflag:s23] =	ssyncset.done $0x0  }
.Ltmp6:
0x90: {  	s29 =	sadd.s32 $0x1080, s28;
	[sflag:s23] =	ssyncadd.s32 $0xFFFFC000;
	(pc) =	sbr.rel @p1 .LBB2_3-.Ltmp6, $4  }
0x91: {  	[tilespmem:s18], [sflag:$0x2] =	stream.indirect.gather [hbm4b:s4+s16], $0x80, s29, s16, $0xb8;
	[tilespmem:$0x1E000] =	vst v63  }
0x92: {  	_ =	swait.ge [sflag:s20], $0x4000  }
0x93: {  	[sflag:s20] =	ssyncset.done $0x0  }
0x94: {  	s28 =	sadd.s32 $0x2080, s28;
	[sflag:s20] =	ssyncadd.s32 $0xFFFFC000  }
0x95: {  	[spmem:s1] =	stream.indirect.scatter.add.f32 [tilespmem:s18], [sflag:$0x4], $0x80, s28, s16, $0xb8;
	[tilespmem:$0x1E000] =	vst v63  }
0x96: {  	s25 =	sadd.s32 $0x1, s25  }
0x97: {  	_ =	swait.ge [sflag:s22], $0x4000;
	p1 =	seq.s32 s25, $0x5  }
.Ltmp7:
0x98: {  	[sflag:s22] =	ssyncset.done $0x0;
	(pc) =	sbr.rel @!p1 .LBB2_2-.Ltmp7, $4  }
.Ltmp8:
0x99: {  	[sflag:s22] =	ssyncadd.s32 $0xFFFFC000;
	(pc) =	sbr.rel @p1 .LBB2_8-.Ltmp8, $4  }
0x9a: {  	_ =	swait.ge [sflag:s23], $0x4000  }
0x9b: {  	[sflag:s23] =	ssyncset.done $0x0  }
0x9c: {  	[sflag:s23] =	ssyncadd.s32 $0xFFFFC000  }
0x9d: {  	_ = 	snop  }
.LBB2_9:
0x9e: {  	_ =	sfence.sel $0x180000  }
0x9f: {  	[bflag:$0x0] =	sbarrier.arrive $0xFFFF  }
0xa0: {  	p0 =	sne.s32 s2, $0x0;
	_ =	strace $0x9000004D  }
0xa1: {  	s0 =	sadd.s32 @!p0 $0x100000, s0;
	[bflag:$0x2] =	sbarrier.arrive $0xFFFF  }
0xa2: {  	[sflag:s0] =	ssyncadd.tile.s32 @!p0 $0x1;
	_ =	shalt  }
.Lfunc_end2:
_tile_overlayer_lowered:
.L_overlay_start_2:
0xa3: {  	(tag) =	ssettag $0x2  }
0xa4: {  	s0 =	rddreg [dreg:$0x0];
	s2 =	stileid.u32  }
0xa5: {  	s1 =	rddreg [dreg:$0x1];
	p0 =	sne.s32 s2, $0x0  }
0xa6: {  	s3 =	rddreg [dreg:$0x2];
	[bflag:$0x3] =	sbarrier.arrive $0xFFFF;
	s2 =	simm.s32 @!p0 $0x1C05  }
0xa7: {  	[timem:s3], [sflag:s2] =	dma.local @!p0 [hbm:s0], s1  }
0xa8: {  	s0 =	simm.s32 @!p0 $0x5  }
0xa9: {  	_ =	swait.ge @!p0 [sflag:s0], s1  }
0xaa: {  	s1 =	ssub.s32 @!p0 $0x0, s1;
	[sflag:s0] =	ssyncset.done @!p0 $0x0  }
0xab: {  	[sflag:s0] =	ssyncadd.s32 @!p0 s1  }
0xac: {  	[bflag:$0x3] =	sbarrier.arrive $0xFFFF  }
0xad: {  	_ =	shalt  }

// kernel: kernel.29.cloned.1.call-start
scs
__scs_entry_jumppad:
0x0: {  	(pc) =	sbr.rel $0x88, $3  }
0x1: {  	(tag) =	ssettag $0x0;
	lr =	simm.s32 $0x1  }
0x2: {  	[smem:$0x3F89] =	sst lr;
	_ =	strace $0xD0000000  }
0x3: {  	_ = 	snop  }
0x4: {  	_ = 	snop  }
0x5: {  	_ = 	snop  }
0x6: {  	_ = 	snop  }
0x7: {  	_ = 	snop  }
__scs_overlays_trampoline_lowered:
0x8: {  	[smem:$0x3F98] =	sst s0  }
0x9: {  	[smem:$0x3F99] =	sst s1  }
0xa: {  	[smem:$0x3F9A] =	sst s2  }
0xb: {  	[smem:$0x3F9B] =	sst s3  }
0xc: {  	[smem:$0x3F9C] =	sst s4  }
0xd: {  	[smem:$0x3F9D] =	sst s5  }
0xe: {  	[smem:$0x3F9E] =	sst s6  }
0xf: {  	[smem:$0x3F9F] =	sst s7  }
0x10: {  	[smem:$0x3FA0] =	sst s8  }
0x11: {  	[smem:$0x3FA1] =	sst s9;
	s0 =	simm.s32 @!p0 $0x0  }
0x12: {  	s1 =	sld [smem:$0x3F87];
	s0 =	simm.s32 @p0 $0x1  }
0x13: {  	[smem:$0x3FA2] =	sst s0;
	s0 =	simm.s32 @!p1 $0x0  }
0x14: {  	s2 =	sld [smem:$0x3F86];
	s0 =	simm.s32 @p1 $0x1  }
0x15: {  	[smem:$0x3FA3] =	sst s0;
	s0 =	simm.s32 @!p2 $0x0  }
0x16: {  	s3 =	sld [smem:$0x3FDB];
	s0 =	simm.s32 @p2 $0x1  }
0x17: {  	s4 =	simm.s32 $0x1BF5;
	[smem:$0x3FA5] =	sst s0  }
0x18: {  	s0 =	sld [smem:$0x3F88];
	_ =	swait.ge [sflag:s4], $0x0  }
0x19: {  	s7 =	sld [smem:$0x3F89]  }
0x1a: {  	s8 =	sadd.s32 $0xFFFFE003, lr  }
0x1b: {  	s9 =	sadd.s32 $0xFFFFFEF7, lr;
	s5 =	simm.s32 $0xFFFFFFFF;
	p2 =	slt.u32 s8, $0xFFFFF086  }
0x1c: {  	p1 =	slt.u32 s9, $0xF7A;
	s5 =	simm.s32 @!p2 $0x0  }
0x1d: {  	s5 =	simm.s32 @p1 $0x1;
	p0 =	seq.s32 s7, s2  }
0x1e: {  	s7 =	smul.u32 @!p0 $0xF7A, s2;
	p2 =	seq.s32 @!p0 s5, $0x0  }
0x1f: {  	s9 =	smul.u32 $0xF7A, s1;
	s8 =	simm.s32 @!p0 $0x1BF5;
	p2 =	por !p2, p0  }
0x20: {  	[sflag:s8] =	ssyncset.s32 @!p0 $0xFFFFF086;
	s6 =	sadd.s32 @!p0 s3, s7;
	s7 =	simm.s32 @!p0 $0x108  }
0x21: {  	s3 =	sadd.s32 s3, s9;
	s6 =	sadd.s32 @!p0 $0x88, s6;
	s7 =	simm.s32 @p2 $0x1082  }
0x22: {  	[simem:s7], [sflag:s8] =	dma.local @!p0 [hbm:s6], $0xF7A  }
0x23: {  	s9 =	sor.u32 $0xD0000000, s2;
	s6 =	simm.s32 $0x108;
	_ =	swait.ge @!p0 [sflag:s8], $0x0  }
0x24: {  	s3 =	sadd.s32 $0x88, s3;
	s6 =	simm.s32 @!p1 $0x1082;
	[sflag:s4] =	ssyncset.s32 $0xFFFFF086  }
0x25: {  	[simem:s6], [sflag:s4] =	dma.local [hbm:s3], $0xF7A  }
0x26: {  	[smem:$0x3F89] =	sst s1;
	(tag) =	ssettag s2;
	_ =	strace s9  }
0x27: {  	s1 =	sld [smem:$0x3F99]  }
0x28: {  	s2 =	sld [smem:$0x3F9A]  }
0x29: {  	s4 =	sld [smem:$0x3F9C]  }
0x2a: {  	p0 =	seq.s32 s5, $0x0;
	s5 =	sld [smem:$0x3F9D]  }
0x2b: {  	s6 =	sld [smem:$0x3F9E]  }
0x2c: {  	s7 =	sld [smem:$0x3F9F]  }
0x2d: {  	s3 =	simm.s32 $0x108;
	s8 =	sld [smem:$0x3FA0]  }
0x2e: {  	s3 =	simm.s32 @!p0 $0x1082;
	s9 =	sld [smem:$0x3FA1]  }
0x2f: {  	lr =	sadd.s32 s0, s3;
	s0 =	sld [smem:$0x3F98]  }
0x30: {  	s3 =	sld [smem:$0x3F9B]  }
0x31: {  	[smem:$0x3FA4] =	sst s10  }
0x32: {  	s10 =	sld [smem:$0x3FA2];
	_ =	sdelay $0x3  }
0x33: {  	p0 =	seq.s32 s10, $0x1;
	s10 =	sld [smem:$0x3FA4];
	_ =	sdelay $0x3  }
0x34: {  	[smem:$0x3FA4] =	sst s10  }
0x35: {  	s10 =	sld [smem:$0x3FA3];
	_ =	sdelay $0x3  }
0x36: {  	p1 =	seq.s32 s10, $0x1;
	s10 =	sld [smem:$0x3FA4];
	_ =	sdelay $0x3  }
0x37: {  	[smem:$0x3FA4] =	sst s10  }
0x38: {  	s10 =	sld [smem:$0x3FA5]  }
0x39: {  	_ = 	snop;
	(pc) =	sbr.ind lr, $3  }
0x3a: {  	_ = 	snop  }
0x3b: {  	_ = 	snop  }
0x3c: {  	p2 =	seq.s32 s10, $0x1;
	s10 =	sld [smem:$0x3FA4]  }
0x3d: {  	_ =	shalt  }
0x3e: {  	_ =	shalt  }
0x3f: {  	_ =	shalt  }
0x40: {  	_ =	shalt  }
0x41: {  	_ =	shalt  }
0x42: {  	_ =	shalt  }
0x43: {  	_ =	shalt  }
0x44: {  	_ =	shalt  }
0x45: {  	_ =	shalt  }
0x46: {  	_ =	shalt  }
0x47: {  	_ =	shalt  }
0x48: {  	_ =	shalt  }
0x49: {  	_ =	shalt  }
0x4a: {  	_ =	shalt  }
0x4b: {  	_ =	shalt  }
0x4c: {  	_ =	shalt  }
0x4d: {  	_ =	shalt  }
0x4e: {  	_ =	shalt  }
0x4f: {  	_ =	shalt  }
0x50: {  	_ =	shalt  }
0x51: {  	_ =	shalt  }
0x52: {  	_ =	shalt  }
0x53: {  	_ =	shalt  }
0x54: {  	_ =	shalt  }
0x55: {  	_ =	shalt  }
0x56: {  	_ =	shalt  }
0x57: {  	_ =	shalt  }
0x58: {  	_ =	shalt  }
0x59: {  	_ =	shalt  }
0x5a: {  	_ =	shalt  }
0x5b: {  	_ =	shalt  }
0x5c: {  	_ =	shalt  }
0x5d: {  	_ =	shalt  }
0x5e: {  	_ =	shalt  }
0x5f: {  	_ =	shalt  }
0x60: {  	_ =	shalt  }
0x61: {  	_ =	shalt  }
0x62: {  	_ =	shalt  }
0x63: {  	_ =	shalt  }
0x64: {  	_ =	shalt  }
0x65: {  	_ =	shalt  }
0x66: {  	_ =	shalt  }
0x67: {  	_ =	shalt  }
0x68: {  	_ =	shalt  }
0x69: {  	_ =	shalt  }
0x6a: {  	_ =	shalt  }
0x6b: {  	_ =	shalt  }
0x6c: {  	_ =	shalt  }
0x6d: {  	_ =	shalt  }
0x6e: {  	_ =	shalt  }
0x6f: {  	_ =	shalt  }
0x70: {  	_ =	shalt  }
0x71: {  	_ =	shalt  }
0x72: {  	_ =	shalt  }
0x73: {  	_ =	shalt  }
0x74: {  	_ =	shalt  }
0x75: {  	_ =	shalt  }
0x76: {  	_ =	shalt  }
0x77: {  	_ =	shalt  }
0x78: {  	_ =	shalt  }
0x79: {  	_ =	shalt  }
0x7a: {  	_ =	shalt  }
0x7b: {  	_ =	shalt  }
0x7c: {  	_ =	shalt  }
0x7d: {  	_ =	shalt  }
0x7e: {  	_ =	shalt  }
0x7f: {  	_ =	shalt  }
0x80: {  	_ =	shalt  }
0x81: {  	_ =	shalt  }
0x82: {  	_ =	shalt  }
0x83: {  	_ =	shalt  }
0x84: {  	_ =	shalt  }
0x85: {  	_ =	shalt  }
0x86: {  	_ =	shalt  }
0x87: {  	_ =	shalt  }
.Lfunc_end0:
.L_simem_size_0:
called_computation.3_lowered:
.L_overlay_start_0:
0x88: {  	s2 =	sld [smem:$0x3FD9]  }
0x89: {  	s3 =	sld [smem:$0x3FFE];
	_ =	sdelay $0x1  }
0x8a: {  	s1 =	srdreg.scid  }
0x8b: {  	s0 =	sand.u32 $0x1, s1  }
0x8c: {  	s16 =	sshll.u32 s0, $0xA;
	s2 =	sadd.s32 s3, s2  }
0x8d: {  	s2 =	sadd.s32 s2, s16  }
0x8e: {  	[smem:$0x3FB0] =	sst s2  }
0x8f: {  	_ = 	snop  }
0x90: {  	(tm) =	ssettm $0x1  }
0x91: {  	s17 =	sld [smem:$0x3FFB];
	_ =	sdelay $0x3  }
0x92: {  	_ =	strace s17  }
0x93: {  	s2 =	sld [smem:$0x3FFC];
	_ =	sdelay $0x3  }
0x94: {  	_ =	strace s2  }
0x95: {  	s2 =	sld [smem:$0x3FFD];
	_ =	sdelay $0x3  }
0x96: {  	_ =	strace s2  }
0x97: {  	_ =	strace $0x8FFFFFFF  }
0x98: {  	s18 =	sld [smem:$0x3FDB];
	_ =	sdelay $0x1  }
0x99: {  	s19 =	simm.s32 $_scs_section_size  }
0x9a: {  	s4 =	simm.s32 $_size__tile_overlayer_lowered;
	s5 =	simm.s32 $_tile_overlayer_lowered  }
0x9b: {  	s22 =	simm.s32 $0x1BFF;
	s21 =	sshll.u32 s5, $0x1;
	s2 =	sadd.s32 s19, s18  }
0x9c: {  	s6 =	simm.s32 $0x0;
	s20 =	sshll.u32 s4, $0x1;
	s4 =	sadd.s32 s21, s2  }
0x9d: {  	[timem:s6], [sflag:s22] =	dma.local [hbm:s4], s20  }
0x9e: {  	_ =	swait.ge [sflag:s22], s20  }
0x9f: {  	s3 =	ssub.s32 $0x0, s20;
	[sflag:s22] =	ssyncset.done $0x0  }
0xa0: {  	[sflag:s22] =	ssyncadd.s32 s3;
	_ =	sdelay $0x1  }
0xa1: {  	s23 =	simm.s32 $0x1B8B  }
0xa2: {  	_ =	swait.ge [sflag:s23], $0x1  }
0xa3: {  	[sflag:s23] =	ssyncset.done $0x0  }
0xa4: {  	s25 =	simm.s32 $0x1B8E;
	s24 =	sld [smem:$0x3FFE];
	[sflag:s23] =	ssyncadd.s32 $0xFFFFFFFF  }
0xa5: {  	s26 =	simm.s32 $execute0_lowered;
	[smem:$0x3FD2] =	sst s25  }
0xa6: {  	s4 =	sshll.u32 s26, $0x1;
	_ =	strace $0x8000004F;
	[dreg:$0x1] =	wrdreg $0xFFFFFFFF  }
0xa7: {  	s28 =	simm.s32 $_size_execute0_lowered;
	s2 =	sadd.s32 s2, s4;
	[dreg:$0x0] =	wrdreg $0x0  }
0xa8: {  	s4 =	sshll.u32 s28, $0x1;
	[dreg:$0x2] =	wrdreg s2  }
0xa9: {  	[dreg:$0x3] =	wrdreg s4  }
0xaa: {  	[dreg:$0x4] =	wrdreg $0xC0  }
0xab: {  	_ =	task [dreg:s6], $0x5FFFF  }
0xac: {  	[dreg:$0x1] =	wrdreg $0xFFFFFFFF  }
0xad: {  	[dreg:$0x0] =	wrdreg $0x60  }
0xae: {  	[dreg:$0x2] =	wrdreg s24  }
0xaf: {  	[dreg:$0x3] =	wrdreg $0xA0000  }
0xb0: {  	[dreg:$0x4] =	wrdreg $0x9  }
0xb1: {  	_ =	task.clear_ibuf [dreg:s6], $0x5FFFF;
	_ =	strace $0x9000004F  }
0xb2: {  	s29 =	simm.s32 $0x9;
	_ =	strace $0x80000051  }
0xb3: {  	_ =	swait.ge [sflag:s29], $0x1  }
0xb4: {  	[sflag:s29] =	ssyncadd.s32 $0xFFFFFFFF  }
0xb5: {  	_ =	strace $0x90000051  }
0xb6: {  	_ =	sfence  }
0xb7: {  	s30 =	sld [smem:$0x0];
	_ =	sdelay $0x2  }
0xb8: {  	s31 =	sshll.u32 s1, $0xD;
	s1 =	sshrl.u32 s1, $0x2  }
0xb9: {  	s3 =	sand.u32 $0x4000, s31;
	s1 =	sadd.s32 s1, s30  }
0xba: {  	s0 =	sor.u32 s3, s0;
	s1 =	sshll.u32 s1, $0x11  }
0xbb: {  	s0 =	sor.u32 s1, s0  }
0xbc: {  	s0 =	sadd.s32 $0x8F2B, s0  }
0xbd: {  	[sflag:s0] =	ssyncadd.remote.s32 $0x1  }
0xbe: {  	_ =	sfence.sel $0xFFFF  }
0xbf: {  	[dreg:$0x0] =	wrdreg $0xFFFFFFFF;
	(pc) =	sbr.abs _section_cstart, $3  }
0xc0: {  	[dreg:$0x1] =	wrdreg $0xFFFFFFFF  }
0xc1: {  	_ =	task.clear_ibuf [dreg:s6], $0x2FFFF;
	_ =	strace $0x9FFFFFFF  }
0xc2: {  	(tm) =	ssettm $0x7FFFFFFF  }
0xc3: {  	_ =	shalt  }
tec
execute0_lowered:
.L_overlay_start_1:
0x0: {  	(tag) =	ssettag $0x1  }
0x1: {  	s9 =	rddreg [dreg:$0x0]  }
0x2: {  	s1 =	rddreg [dreg:$0x1]  }
0x3: {  	s2 =	srdreg.scid;
	s0 =	rddreg [dreg:$0x2];
	s3 =	simm.s32 $0x0  }
0x4: {  	s15 =	simm.s32 $0x1000;
	s16 =	simm.s32 $0x80;
	s17 =	simm.s32 $0x2000  }
0x5: {  	s18 =	simm.s32 $0x6000;
	s19 =	simm.s32 $0x1;
	s20 =	simm.s32 $0x2  }
0x6: {  	s21 =	simm.s32 $0x1080;
	s22 =	simm.s32 $0x3;
	s23 =	simm.s32 $0x4  }
0x7: {  	s24 =	simm.s32 $0x0;
	s10 =	sand.u32 $0x1, s2;
	s2 =	stileid.u32  }
0x8: {  	[smem:$0x7FF] =	sst s3;
	s4 =	sadd.s32 $0xBCC00, s9;
	s8 =	smul.u32 $0x140000, s10  }
0x9: {  	s5 =	sadd.s32 $0xE3E00, s9;
	s6 =	sadd.s32 $0x11A00, s9;
	s11 =	smul.u32 $0x14000, s2  }
0xa: {  	s7 =	sadd.s32 $0x7A00, s9;
	_ =	strace $0x80000050;
	s13 =	smul.u32 $0x50000, s2  }
0xb: {  	s12 =	ssub.s32 $0x2, s10;
	p0 =	seq.s32 s10, $0x1;
	s10 =	smul.u32 $0x5000, s2  }
.Ltmp0:
0xc: {  	s31 =	sshll.u32 s2, $0x6;
	s29 =	sshrl.u32 s12, $0x1;
	(pc) =	sbr.rel .LBB2_1-.Ltmp0, $4  }
0xd: {  	s8 =	sadd.s32 s11, s8;
	s12 =	ssub.s32 s12, s29;
	s30 =	sshrl.u32 s13, $0x2  }
0xe: {  	s11 =	sshrl.u32 s8, $0x3;
	s8 =	sadd.s32 $0x1BA00, s9;
	s14 =	sadd.s32 s30, s1  }
0xf: {  	s12 =	smax.u32 s12, $0x1;
	s11 =	sadd.s32 s11, s9;
	s9 =	sor.u32 $0x1C05, s31  }
0x10: {  	s13 =	sshrl.u32 s14, $0x3;
	s14 =	simm.s32 $0x5;
	s11 =	sadd.s32 $0x10B000, s11  }
.LBB2_8:
0x11: {  	s24 =	sadd.s32 $0x1, s24  }
0x12: {  	p1 =	sne.s32 s24, s12  }
.Ltmp1:
0x13: {  	[bflag:$0x0] =	sbarrier.arrive $0xFFFF;
	(pc) =	sbr.rel @!p1 .LBB2_9-.Ltmp1, $4  }
0x14: {  	[hbm:s11], [sflag:s9] =	dma.local [spmem:s13], $0x2800  }
0x15: {  	_ =	swait.ge [sflag:s14], $0x2800  }
0x16: {  	[sflag:s14] =	ssyncset.done $0x0  }
0x17: {  	[sflag:s14] =	ssyncadd.s32 $0xFFFFD800  }
.LBB2_1:
0x18: {  	[spmem:s13], [sflag:s9] =	dma.local [hbm:s8], $0x2800  }
.Ltmp2:
0x19: {  	_ =	swait.ge [sflag:s14], $0x2800;
	(pc) =	sbr.rel @!p0 .LBB2_2-.Ltmp2, $4  }
0x1a: {  	[sflag:s14] =	ssyncset.done $0x0  }
0x1b: {  	[sflag:s14] =	ssyncadd.s32 $0xFFFFD800  }
0x1c: {  	[bflag:$0x0] =	sbarrier.arrive $0xFFFF  }
0x1d: {  	s25 =	simm.s32 $0x0;
	s26 =	simm.s32 $0x0  }
.LBB2_5:
0x1e: {  	s25 =	sshll.u32 s26, $0xC  }
0x1f: {  	s25 =	sadd.s32 s10, s25  }
0x20: {  	s25 =	sshrl.u32 s25, $0x3  }
0x21: {  	s28 =	sadd.s32 s6, s25  }
0x22: {  	[tilespmem:s3], [sflag:$0x5] =	stream.linear.gather [hbm4b:s28+s3], $0x1000, $0x38;
	[tilespmem:$0x1E000] =	vst v63  }
0x23: {  	_ =	swait.ge [sflag:s14], $0x1000  }
0x24: {  	[sflag:s14] =	ssyncset.done $0x0  }
0x25: {  	s25 =	sadd.s32 s7, s25;
	[sflag:s14] =	ssyncadd.s32 $0xFFFFF000  }
0x26: {  	[tilespmem:s15], [sflag:$0x5] =	stream.linear.gather [hbm4b:s25+s3], $0x1000, $0x38;
	[tilespmem:$0x1E000] =	vst v63  }
0x27: {  	_ =	swait.ge [sflag:s14], $0x1000  }
0x28: {  	[sflag:s14] =	ssyncset.done $0x0  }
0x29: {  	[sflag:s14] =	ssyncadd.s32 $0xFFFFF000  }
0x2a: {  	[tilespmem:s17], [sflag:$0x1] =	stream.indirect.gather [hbm4b:s5+s16], $0x80, s3, s16, $0xb8;
	[tilespmem:$0x1E000] =	vst v63  }
0x2b: {  	_ = 	snop  }
0x2c: {  	[tilespmem:s18], [sflag:$0x2] =	stream.indirect.gather [hbm4b:s5+s16], $0x80, s16, s16, $0xb8;
	[tilespmem:$0x1E000] =	vst v63  }
0x2d: {  	_ =	swait.ge [sflag:s19], $0x4000  }
0x2e: {  	[sflag:s19] =	ssyncset.done $0x0  }
0x2f: {  	[sflag:s19] =	ssyncadd.s32 $0xFFFFC000  }
0x30: {  	[spmem:s1] =	stream.indirect.scatter.add.f32 [tilespmem:s17], [sflag:$0x3], $0x80, s15, s16, $0xb8;
	[tilespmem:$0x1E000] =	vst v63  }
0x31: {  	_ =	swait.ge [sflag:s20], $0x4000  }
0x32: {  	[sflag:s20] =	ssyncset.done $0x0  }
0x33: {  	[sflag:s20] =	ssyncadd.s32 $0xFFFFC000  }
0x34: {  	[spmem:s1] =	stream.indirect.scatter.add.f32 [tilespmem:s18], [sflag:$0x4], $0x80, s21, s16, $0xb8;
	[tilespmem:$0x1E000] =	vst v63  }
0x35: {  	_ =	swait.ge [sflag:s22], $0x4000  }
0x36: {  	[sflag:s22] =	ssyncset.done $0x0  }
0x37: {  	s29 =	simm.s32 $0x100;
	[sflag:s22] =	ssyncadd.s32 $0xFFFFC000  }
0x38: {  	[tilespmem:s17], [sflag:$0x1] =	stream.indirect.gather [hbm4b:s5+s16], $0x80, s29, s16, $0xb8;
	[tilespmem:$0x1E000] =	vst v63  }
0x39: {  	_ =	swait.ge [sflag:s19], $0x4000  }
0x3a: {  	[sflag:s19] =	ssyncset.done $0x0  }
0x3b: {  	s30 =	simm.s32 $0x1100;
	[sflag:s19] =	ssyncadd.s32 $0xFFFFC000  }
0x3c: {  	[spmem:s1] =	stream.indirect.scatter.add.f32 [tilespmem:s17], [sflag:$0x3], $0x80, s30, s16, $0xb8;
	[tilespmem:$0x1E000] =	vst v63  }
0x3d: {  	_ =	swait.ge [sflag:s23], $0x4000  }
0x3e: {  	[sflag:s23] =	ssyncset.done $0x0  }
0x3f: {  	s31 =	simm.s32 $0x180;
	[sflag:s23] =	ssyncadd.s32 $0xFFFFC000  }
0x40: {  	[tilespmem:s18], [sflag:$0x2] =	stream.indirect.gather [hbm4b:s5+s16], $0x80, s31, s16, $0xb8;
	[tilespmem:$0x1E000] =	vst v63  }
0x41: {  	_ =	swait.ge [sflag:s20], $0x4000  }
0x42: {  	[sflag:s20] =	ssyncset.done $0x0  }
0x43: {  	s28 =	simm.s32 $0x1180;
	s25 =	simm.s32 $0xFFFFC800;
	[sflag:s20] =	ssyncadd.s32 $0xFFFFC000  }
.LBB2_6:
0x44: {  	[spmem:s1] =	stream.indirect.scatter.add.f32 [tilespmem:s18], [sflag:$0x4], $0x80, s28, s16, $0xb8;
	[tilespmem:$0x1E000] =	vst v63  }
0x45: {  	s28 =	smov.u32 s25  }
0x46: {  	p1 =	sne.s32 s25, $0xFFFFFC00;
	s25 =	sadd.s32 $0x400, s25;
	_ =	swait.ge [sflag:s22], $0x4000  }
0x47: {  	s28 =	sshra.s32 s28, $0x2;
	[sflag:s22] =	ssyncset.done $0x0  }
0x48: {  	s29 =	sadd.s32 $0x1000, s28;
	[sflag:s22] =	ssyncadd.s32 $0xFFFFC000  }
0x49: {  	[tilespmem:s17], [sflag:$0x1] =	stream.indirect.gather [hbm4b:s5+s16], $0x80, s29, s16, $0xb8;
	[tilespmem:$0x1E000] =	vst v63  }
0x4a: {  	_ =	swait.ge [sflag:s19], $0x4000  }
0x4b: {  	[sflag:s19] =	ssyncset.done $0x0  }
0x4c: {  	s29 =	sadd.s32 $0x2000, s28;
	[sflag:s19] =	ssyncadd.s32 $0xFFFFC000  }
0x4d: {  	[spmem:s1] =	stream.indirect.scatter.add.f32 [tilespmem:s17], [sflag:$0x3], $0x80, s29, s16, $0xb8;
	[tilespmem:$0x1E000] =	vst v63  }
0x4e: {  	_ =	swait.ge [sflag:s23], $0x4000  }
0x4f: {  	[sflag:s23] =	ssyncset.done $0x0  }
.Ltmp3:
0x50: {  	s29 =	sadd.s32 $0x1080, s28;
	[sflag:s23] =	ssyncadd.s32 $0xFFFFC000;
	(pc) =	sbr.rel @p1 .LBB2_6-.Ltmp3, $4  }
0x51: {  	[tilespmem:s18], [sflag:$0x2] =	stream.indirect.gather [hbm4b:s5+s16], $0x80, s29, s16, $0xb8;
	[tilespmem:$0x1E000] =	vst v63  }
0x52: {  	_ =	swait.ge [sflag:s20], $0x4000  }
0x53: {  	[sflag:s20] =	ssyncset.done $0x0  }
0x54: {  	s28 =	sadd.s32 $0x2080, s28;
	[sflag:s20] =	ssyncadd.s32 $0xFFFFC000  }
0x55: {  	[spmem:s1] =	stream.indirect.scatter.add.f32 [tilespmem:s18], [sflag:$0x4], $0x80, s28, s16, $0xb8;
	[tilespmem:$0x1E000] =	vst v63  }
0x56: {  	s26 =	sadd.s32 $0x1, s26  }
0x57: {  	_ =	swait.ge [sflag:s22], $0x4000;
	p1 =	sne.s32 s26, $0x5  }
.Ltmp4:
0x58: {  	[sflag:s22] =	ssyncset.done $0x0;
	(pc) =	sbr.rel @p1 .LBB2_5-.Ltmp4, $4  }
.Ltmp5:
0x59: {  	[sflag:s22] =	ssyncadd.s32 $0xFFFFC000;
	(pc) =	sbr.rel @!p1 .LBB2_8-.Ltmp5, $4  }
0x5a: {  	_ =	swait.ge [sflag:s23], $0x4000  }
0x5b: {  	[sflag:s23] =	ssyncset.done $0x0  }
0x5c: {  	[sflag:s23] =	ssyncadd.s32 $0xFFFFC000  }
0x5d: {  	_ = 	snop  }
.LBB2_2:
0x5e: {  	s26 =	sshll.u32 s25, $0xC  }
0x5f: {  	s26 =	sadd.s32 s10, s26  }
0x60: {  	s26 =	sshrl.u32 s26, $0x3  }
0x61: {  	s28 =	sadd.s32 s6, s26  }
0x62: {  	[tilespmem:s3], [sflag:$0x5] =	stream.linear.gather [hbm4b:s28+s3], $0x1000, $0x38;
	[tilespmem:$0x1E000] =	vst v63  }
0x63: {  	_ =	swait.ge [sflag:s14], $0x1000  }
0x64: {  	[sflag:s14] =	ssyncset.done $0x0  }
0x65: {  	s26 =	sadd.s32 s7, s26;
	[sflag:s14] =	ssyncadd.s32 $0xFFFFF000  }
0x66: {  	[tilespmem:s15], [sflag:$0x5] =	stream.linear.gather [hbm4b:s26+s3], $0x1000, $0x38;
	[tilespmem:$0x1E000] =	vst v63  }
0x67: {  	_ =	swait.ge [sflag:s14], $0x1000  }
0x68: {  	[sflag:s14] =	ssyncset.done $0x0  }
0x69: {  	[sflag:s14] =	ssyncadd.s32 $0xFFFFF000  }
0x6a: {  	[tilespmem:s17], [sflag:$0x1] =	stream.indirect.gather [hbm4b:s4+s16], $0x80, s3, s16, $0xb8;
	[tilespmem:$0x1E000] =	vst v63  }
0x6b: {  	_ = 	snop  }
0x6c: {  	[tilespmem:s18], [sflag:$0x2] =	stream.indirect.gather [hbm4b:s4+s16], $0x80, s16, s16, $0xb8;
	[tilespmem:$0x1E000] =	vst v63  }
0x6d: {  	_ =	swait.ge [sflag:s19], $0x4000  }
0x6e: {  	[sflag:s19] =	ssyncset.done $0x0  }
0x6f: {  	[sflag:s19] =	ssyncadd.s32 $0xFFFFC000  }
0x70: {  	[spmem:s1] =	stream.indirect.scatter.add.f32 [tilespmem:s17], [sflag:$0x3], $0x80, s15, s16, $0xb8;
	[tilespmem:$0x1E000] =	vst v63  }
0x71: {  	_ =	swait.ge [sflag:s20], $0x4000  }
0x72: {  	[sflag:s20] =	ssyncset.done $0x0  }
0x73: {  	[sflag:s20] =	ssyncadd.s32 $0xFFFFC000  }
0x74: {  	[spmem:s1] =	stream.indirect.scatter.add.f32 [tilespmem:s18], [sflag:$0x4], $0x80, s21, s16, $0xb8;
	[tilespmem:$0x1E000] =	vst v63  }
0x75: {  	_ =	swait.ge [sflag:s22], $0x4000  }
0x76: {  	[sflag:s22] =	ssyncset.done $0x0  }
0x77: {  	s29 =	simm.s32 $0x100;
	[sflag:s22] =	ssyncadd.s32 $0xFFFFC000  }
0x78: {  	[tilespmem:s17], [sflag:$0x1] =	stream.indirect.gather [hbm4b:s4+s16], $0x80, s29, s16, $0xb8;
	[tilespmem:$0x1E000] =	vst v63  }
0x79: {  	_ =	swait.ge [sflag:s19], $0x4000  }
0x7a: {  	[sflag:s19] =	ssyncset.done $0x0  }
0x7b: {  	s30 =	simm.s32 $0x1100;
	[sflag:s19] =	ssyncadd.s32 $0xFFFFC000  }
0x7c: {  	[spmem:s1] =	stream.indirect.scatter.add.f32 [tilespmem:s17], [sflag:$0x3], $0x80, s30, s16, $0xb8;
	[tilespmem:$0x1E000] =	vst v63  }
0x7d: {  	_ =	swait.ge [sflag:s23], $0x4000  }
0x7e: {  	[sflag:s23] =	ssyncset.done $0x0  }
0x7f: {  	s31 =	simm.s32 $0x180;
	[sflag:s23] =	ssyncadd.s32 $0xFFFFC000  }
0x80: {  	[tilespmem:s18], [sflag:$0x2] =	stream.indirect.gather [hbm4b:s4+s16], $0x80, s31, s16, $0xb8;
	[tilespmem:$0x1E000] =	vst v63  }
0x81: {  	_ =	swait.ge [sflag:s20], $0x4000  }
0x82: {  	[sflag:s20] =	ssyncset.done $0x0  }
0x83: {  	s28 =	simm.s32 $0x1180;
	s26 =	simm.s32 $0xFFFFC800;
	[sflag:s20] =	ssyncadd.s32 $0xFFFFC000  }
.LBB2_3:
0x84: {  	[spmem:s1] =	stream.indirect.scatter.add.f32 [tilespmem:s18], [sflag:$0x4], $0x80, s28, s16, $0xb8;
	[tilespmem:$0x1E000] =	vst v63  }
0x85: {  	s28 =	smov.u32 s26  }
0x86: {  	p1 =	sne.s32 s26, $0xFFFFFC00;
	s26 =	sadd.s32 $0x400, s26;
	_ =	swait.ge [sflag:s22], $0x4000  }
0x87: {  	s28 =	sshra.s32 s28, $0x2;
	[sflag:s22] =	ssyncset.done $0x0  }
0x88: {  	s29 =	sadd.s32 $0x1000, s28;
	[sflag:s22] =	ssyncadd.s32 $0xFFFFC000  }
0x89: {  	[tilespmem:s17], [sflag:$0x1] =	stream.indirect.gather [hbm4b:s4+s16], $0x80, s29, s16, $0xb8;
	[tilespmem:$0x1E000] =	vst v63  }
0x8a: {  	_ =	swait.ge [sflag:s19], $0x4000  }
0x8b: {  	[sflag:s19] =	ssyncset.done $0x0  }
0x8c: {  	s29 =	sadd.s32 $0x2000, s28;
	[sflag:s19] =	ssyncadd.s32 $0xFFFFC000  }
0x8d: {  	[spmem:s1] =	stream.indirect.scatter.add.f32 [tilespmem:s17], [sflag:$0x3], $0x80, s29, s16, $0xb8;
	[tilespmem:$0x1E000] =	vst v63  }
0x8e: {  	_ =	swait.ge [sflag:s23], $0x4000  }
0x8f: {  	[sflag:s23] =	ssyncset.done $0x0  }
.Ltmp6:
0x90: {  	s29 =	sadd.s32 $0x1080, s28;
	[sflag:s23] =	ssyncadd.s32 $0xFFFFC000;
	(pc) =	sbr.rel @p1 .LBB2_3-.Ltmp6, $4  }
0x91: {  	[tilespmem:s18], [sflag:$0x2] =	stream.indirect.gather [hbm4b:s4+s16], $0x80, s29, s16, $0xb8;
	[tilespmem:$0x1E000] =	vst v63  }
0x92: {  	_ =	swait.ge [sflag:s20], $0x4000  }
0x93: {  	[sflag:s20] =	ssyncset.done $0x0  }
0x94: {  	s28 =	sadd.s32 $0x2080, s28;
	[sflag:s20] =	ssyncadd.s32 $0xFFFFC000  }
0x95: {  	[spmem:s1] =	stream.indirect.scatter.add.f32 [tilespmem:s18], [sflag:$0x4], $0x80, s28, s16, $0xb8;
	[tilespmem:$0x1E000] =	vst v63  }
0x96: {  	s25 =	sadd.s32 $0x1, s25  }
0x97: {  	_ =	swait.ge [sflag:s22], $0x4000;
	p1 =	seq.s32 s25, $0x5  }
.Ltmp7:
0x98: {  	[sflag:s22] =	ssyncset.done $0x0;
	(pc) =	sbr.rel @!p1 .LBB2_2-.Ltmp7, $4  }
.Ltmp8:
0x99: {  	[sflag:s22] =	ssyncadd.s32 $0xFFFFC000;
	(pc) =	sbr.rel @p1 .LBB2_8-.Ltmp8, $4  }
0x9a: {  	_ =	swait.ge [sflag:s23], $0x4000  }
0x9b: {  	[sflag:s23] =	ssyncset.done $0x0  }
0x9c: {  	[sflag:s23] =	ssyncadd.s32 $0xFFFFC000  }
0x9d: {  	_ = 	snop  }
.LBB2_9:
0x9e: {  	_ =	sfence.sel $0x180000  }
0x9f: {  	[bflag:$0x0] =	sbarrier.arrive $0xFFFF  }
0xa0: {  	p0 =	sne.s32 s2, $0x0;
	_ =	strace $0x90000050  }
0xa1: {  	s0 =	sadd.s32 @!p0 $0x100000, s0;
	[bflag:$0x2] =	sbarrier.arrive $0xFFFF  }
0xa2: {  	[sflag:s0] =	ssyncadd.tile.s32 @!p0 $0x1;
	_ =	shalt  }
.Lfunc_end2:
_tile_overlayer_lowered:
.L_overlay_start_2:
0xa3: {  	(tag) =	ssettag $0x2  }
0xa4: {  	s0 =	rddreg [dreg:$0x0];
	s2 =	stileid.u32  }
0xa5: {  	s1 =	rddreg [dreg:$0x1];
	p0 =	sne.s32 s2, $0x0  }
0xa6: {  	s3 =	rddreg [dreg:$0x2];
	[bflag:$0x3] =	sbarrier.arrive $0xFFFF;
	s2 =	simm.s32 @!p0 $0x1C05  }
0xa7: {  	[timem:s3], [sflag:s2] =	dma.local @!p0 [hbm:s0], s1  }
0xa8: {  	s0 =	simm.s32 @!p0 $0x5  }
0xa9: {  	_ =	swait.ge @!p0 [sflag:s0], s1  }
0xaa: {  	s1 =	ssub.s32 @!p0 $0x0, s1;
	[sflag:s0] =	ssyncset.done @!p0 $0x0  }
0xab: {  	[sflag:s0] =	ssyncadd.s32 @!p0 s1  }
0xac: {  	[bflag:$0x3] =	sbarrier.arrive $0xFFFF  }
0xad: {  	_ =	shalt  }

// kernel: kernel.32.cloned.1.call-start
scs
__scs_entry_jumppad:
0x0: {  	(pc) =	sbr.rel $0x88, $3  }
0x1: {  	(tag) =	ssettag $0x0;
	lr =	simm.s32 $0x1  }
0x2: {  	[smem:$0x3F89] =	sst lr;
	_ =	strace $0xD0000000  }
0x3: {  	_ = 	snop  }
0x4: {  	_ = 	snop  }
0x5: {  	_ = 	snop  }
0x6: {  	_ = 	snop  }
0x7: {  	_ = 	snop  }
__scs_overlays_trampoline_lowered:
0x8: {  	[smem:$0x3F98] =	sst s0  }
0x9: {  	[smem:$0x3F99] =	sst s1  }
0xa: {  	[smem:$0x3F9A] =	sst s2  }
0xb: {  	[smem:$0x3F9B] =	sst s3  }
0xc: {  	[smem:$0x3F9C] =	sst s4  }
0xd: {  	[smem:$0x3F9D] =	sst s5  }
0xe: {  	[smem:$0x3F9E] =	sst s6  }
0xf: {  	[smem:$0x3F9F] =	sst s7  }
0x10: {  	[smem:$0x3FA0] =	sst s8  }
0x11: {  	[smem:$0x3FA1] =	sst s9;
	s0 =	simm.s32 @!p0 $0x0  }
0x12: {  	s1 =	sld [smem:$0x3F87];
	s0 =	simm.s32 @p0 $0x1  }
0x13: {  	[smem:$0x3FA2] =	sst s0;
	s0 =	simm.s32 @!p1 $0x0  }
0x14: {  	s2 =	sld [smem:$0x3F86];
	s0 =	simm.s32 @p1 $0x1  }
0x15: {  	[smem:$0x3FA3] =	sst s0;
	s0 =	simm.s32 @!p2 $0x0  }
0x16: {  	s3 =	sld [smem:$0x3FDB];
	s0 =	simm.s32 @p2 $0x1  }
0x17: {  	s4 =	simm.s32 $0x1BF5;
	[smem:$0x3FA5] =	sst s0  }
0x18: {  	s0 =	sld [smem:$0x3F88];
	_ =	swait.ge [sflag:s4], $0x0  }
0x19: {  	s7 =	sld [smem:$0x3F89]  }
0x1a: {  	s8 =	sadd.s32 $0xFFFFE003, lr  }
0x1b: {  	s9 =	sadd.s32 $0xFFFFFEF7, lr;
	s5 =	simm.s32 $0xFFFFFFFF;
	p2 =	slt.u32 s8, $0xFFFFF086  }
0x1c: {  	p1 =	slt.u32 s9, $0xF7A;
	s5 =	simm.s32 @!p2 $0x0  }
0x1d: {  	s5 =	simm.s32 @p1 $0x1;
	p0 =	seq.s32 s7, s2  }
0x1e: {  	s7 =	smul.u32 @!p0 $0xF7A, s2;
	p2 =	seq.s32 @!p0 s5, $0x0  }
0x1f: {  	s9 =	smul.u32 $0xF7A, s1;
	s8 =	simm.s32 @!p0 $0x1BF5;
	p2 =	por !p2, p0  }
0x20: {  	[sflag:s8] =	ssyncset.s32 @!p0 $0xFFFFF086;
	s6 =	sadd.s32 @!p0 s3, s7;
	s7 =	simm.s32 @!p0 $0x108  }
0x21: {  	s3 =	sadd.s32 s3, s9;
	s6 =	sadd.s32 @!p0 $0x88, s6;
	s7 =	simm.s32 @p2 $0x1082  }
0x22: {  	[simem:s7], [sflag:s8] =	dma.local @!p0 [hbm:s6], $0xF7A  }
0x23: {  	s9 =	sor.u32 $0xD0000000, s2;
	s6 =	simm.s32 $0x108;
	_ =	swait.ge @!p0 [sflag:s8], $0x0  }
0x24: {  	s3 =	sadd.s32 $0x88, s3;
	s6 =	simm.s32 @!p1 $0x1082;
	[sflag:s4] =	ssyncset.s32 $0xFFFFF086  }
0x25: {  	[simem:s6], [sflag:s4] =	dma.local [hbm:s3], $0xF7A  }
0x26: {  	[smem:$0x3F89] =	sst s1;
	(tag) =	ssettag s2;
	_ =	strace s9  }
0x27: {  	s1 =	sld [smem:$0x3F99]  }
0x28: {  	s2 =	sld [smem:$0x3F9A]  }
0x29: {  	s4 =	sld [smem:$0x3F9C]  }
0x2a: {  	p0 =	seq.s32 s5, $0x0;
	s5 =	sld [smem:$0x3F9D]  }
0x2b: {  	s6 =	sld [smem:$0x3F9E]  }
0x2c: {  	s7 =	sld [smem:$0x3F9F]  }
0x2d: {  	s3 =	simm.s32 $0x108;
	s8 =	sld [smem:$0x3FA0]  }
0x2e: {  	s3 =	simm.s32 @!p0 $0x1082;
	s9 =	sld [smem:$0x3FA1]  }
0x2f: {  	lr =	sadd.s32 s0, s3;
	s0 =	sld [smem:$0x3F98]  }
0x30: {  	s3 =	sld [smem:$0x3F9B]  }
0x31: {  	[smem:$0x3FA4] =	sst s10  }
0x32: {  	s10 =	sld [smem:$0x3FA2];
	_ =	sdelay $0x3  }
0x33: {  	p0 =	seq.s32 s10, $0x1;
	s10 =	sld [smem:$0x3FA4];
	_ =	sdelay $0x3  }
0x34: {  	[smem:$0x3FA4] =	sst s10  }
0x35: {  	s10 =	sld [smem:$0x3FA3];
	_ =	sdelay $0x3  }
0x36: {  	p1 =	seq.s32 s10, $0x1;
	s10 =	sld [smem:$0x3FA4];
	_ =	sdelay $0x3  }
0x37: {  	[smem:$0x3FA4] =	sst s10  }
0x38: {  	s10 =	sld [smem:$0x3FA5]  }
0x39: {  	_ = 	snop;
	(pc) =	sbr.ind lr, $3  }
0x3a: {  	_ = 	snop  }
0x3b: {  	_ = 	snop  }
0x3c: {  	p2 =	seq.s32 s10, $0x1;
	s10 =	sld [smem:$0x3FA4]  }
0x3d: {  	_ =	shalt  }
0x3e: {  	_ =	shalt  }
0x3f: {  	_ =	shalt  }
0x40: {  	_ =	shalt  }
0x41: {  	_ =	shalt  }
0x42: {  	_ =	shalt  }
0x43: {  	_ =	shalt  }
0x44: {  	_ =	shalt  }
0x45: {  	_ =	shalt  }
0x46: {  	_ =	shalt  }
0x47: {  	_ =	shalt  }
0x48: {  	_ =	shalt  }
0x49: {  	_ =	shalt  }
0x4a: {  	_ =	shalt  }
0x4b: {  	_ =	shalt  }
0x4c: {  	_ =	shalt  }
0x4d: {  	_ =	shalt  }
0x4e: {  	_ =	shalt  }
0x4f: {  	_ =	shalt  }
0x50: {  	_ =	shalt  }
0x51: {  	_ =	shalt  }
0x52: {  	_ =	shalt  }
0x53: {  	_ =	shalt  }
0x54: {  	_ =	shalt  }
0x55: {  	_ =	shalt  }
0x56: {  	_ =	shalt  }
0x57: {  	_ =	shalt  }
0x58: {  	_ =	shalt  }
0x59: {  	_ =	shalt  }
0x5a: {  	_ =	shalt  }
0x5b: {  	_ =	shalt  }
0x5c: {  	_ =	shalt  }
0x5d: {  	_ =	shalt  }
0x5e: {  	_ =	shalt  }
0x5f: {  	_ =	shalt  }
0x60: {  	_ =	shalt  }
0x61: {  	_ =	shalt  }
0x62: {  	_ =	shalt  }
0x63: {  	_ =	shalt  }
0x64: {  	_ =	shalt  }
0x65: {  	_ =	shalt  }
0x66: {  	_ =	shalt  }
0x67: {  	_ =	shalt  }
0x68: {  	_ =	shalt  }
0x69: {  	_ =	shalt  }
0x6a: {  	_ =	shalt  }
0x6b: {  	_ =	shalt  }
0x6c: {  	_ =	shalt  }
0x6d: {  	_ =	shalt  }
0x6e: {  	_ =	shalt  }
0x6f: {  	_ =	shalt  }
0x70: {  	_ =	shalt  }
0x71: {  	_ =	shalt  }
0x72: {  	_ =	shalt  }
0x73: {  	_ =	shalt  }
0x74: {  	_ =	shalt  }
0x75: {  	_ =	shalt  }
0x76: {  	_ =	shalt  }
0x77: {  	_ =	shalt  }
0x78: {  	_ =	shalt  }
0x79: {  	_ =	shalt  }
0x7a: {  	_ =	shalt  }
0x7b: {  	_ =	shalt  }
0x7c: {  	_ =	shalt  }
0x7d: {  	_ =	shalt  }
0x7e: {  	_ =	shalt  }
0x7f: {  	_ =	shalt  }
0x80: {  	_ =	shalt  }
0x81: {  	_ =	shalt  }
0x82: {  	_ =	shalt  }
0x83: {  	_ =	shalt  }
0x84: {  	_ =	shalt  }
0x85: {  	_ =	shalt  }
0x86: {  	_ =	shalt  }
0x87: {  	_ =	shalt  }
.Lfunc_end0:
.L_simem_size_0:
called_computation.4_lowered:
.L_overlay_start_0:
0x88: {  	s2 =	sld [smem:$0x3FD9]  }
0x89: {  	s3 =	sld [smem:$0x3FFE];
	_ =	sdelay $0x1  }
0x8a: {  	s1 =	srdreg.scid  }
0x8b: {  	s0 =	sand.u32 $0x1, s1  }
0x8c: {  	s16 =	sshll.u32 s0, $0xA;
	s2 =	sadd.s32 s3, s2  }
0x8d: {  	s2 =	sadd.s32 s2, s16  }
0x8e: {  	[smem:$0x3FB0] =	sst s2  }
0x8f: {  	_ = 	snop  }
0x90: {  	(tm) =	ssettm $0x1  }
0x91: {  	s17 =	sld [smem:$0x3FFB];
	_ =	sdelay $0x3  }
0x92: {  	_ =	strace s17  }
0x93: {  	s2 =	sld [smem:$0x3FFC];
	_ =	sdelay $0x3  }
0x94: {  	_ =	strace s2  }
0x95: {  	s2 =	sld [smem:$0x3FFD];
	_ =	sdelay $0x3  }
0x96: {  	_ =	strace s2  }
0x97: {  	_ =	strace $0x8FFFFFFF  }
0x98: {  	s18 =	sld [smem:$0x3FDB];
	_ =	sdelay $0x1  }
0x99: {  	s19 =	simm.s32 $_scs_section_size  }
0x9a: {  	s4 =	simm.s32 $_size__tile_overlayer_lowered;
	s5 =	simm.s32 $_tile_overlayer_lowered  }
0x9b: {  	s22 =	simm.s32 $0x1BFF;
	s21 =	sshll.u32 s5, $0x1;
	s2 =	sadd.s32 s19, s18  }
0x9c: {  	s6 =	simm.s32 $0x0;
	s20 =	sshll.u32 s4, $0x1;
	s4 =	sadd.s32 s21, s2  }
0x9d: {  	[timem:s6], [sflag:s22] =	dma.local [hbm:s4], s20  }
0x9e: {  	_ =	swait.ge [sflag:s22], s20  }
0x9f: {  	s3 =	ssub.s32 $0x0, s20;
	[sflag:s22] =	ssyncset.done $0x0  }
0xa0: {  	[sflag:s22] =	ssyncadd.s32 s3;
	_ =	sdelay $0x1  }
0xa1: {  	s23 =	simm.s32 $0x1B8B  }
0xa2: {  	_ =	swait.ge [sflag:s23], $0x1  }
0xa3: {  	[sflag:s23] =	ssyncset.done $0x0  }
0xa4: {  	s25 =	simm.s32 $0x1B8E;
	s24 =	sld [smem:$0x3FFE];
	[sflag:s23] =	ssyncadd.s32 $0xFFFFFFFF  }
0xa5: {  	s26 =	simm.s32 $execute0_lowered;
	[smem:$0x3FD2] =	sst s25  }
0xa6: {  	s4 =	sshll.u32 s26, $0x1;
	_ =	strace $0x80000052;
	[dreg:$0x1] =	wrdreg $0xFFFFFFFF  }
0xa7: {  	s28 =	simm.s32 $_size_execute0_lowered;
	s2 =	sadd.s32 s2, s4;
	[dreg:$0x0] =	wrdreg $0x0  }
0xa8: {  	s4 =	sshll.u32 s28, $0x1;
	[dreg:$0x2] =	wrdreg s2  }
0xa9: {  	[dreg:$0x3] =	wrdreg s4  }
0xaa: {  	[dreg:$0x4] =	wrdreg $0xC0  }
0xab: {  	_ =	task [dreg:s6], $0x5FFFF  }
0xac: {  	[dreg:$0x1] =	wrdreg $0xFFFFFFFF  }
0xad: {  	[dreg:$0x0] =	wrdreg $0x60  }
0xae: {  	[dreg:$0x2] =	wrdreg s24  }
0xaf: {  	[dreg:$0x3] =	wrdreg $0xA0000  }
0xb0: {  	[dreg:$0x4] =	wrdreg $0x9  }
0xb1: {  	_ =	task.clear_ibuf [dreg:s6], $0x5FFFF;
	_ =	strace $0x90000052  }
0xb2: {  	s29 =	simm.s32 $0x9;
	_ =	strace $0x80000054  }
0xb3: {  	_ =	swait.ge [sflag:s29], $0x1  }
0xb4: {  	[sflag:s29] =	ssyncadd.s32 $0xFFFFFFFF  }
0xb5: {  	_ =	strace $0x90000054  }
0xb6: {  	_ =	sfence  }
0xb7: {  	s30 =	sld [smem:$0x0];
	_ =	sdelay $0x2  }
0xb8: {  	s31 =	sshll.u32 s1, $0xD;
	s1 =	sshrl.u32 s1, $0x2  }
0xb9: {  	s3 =	sand.u32 $0x4000, s31;
	s1 =	sadd.s32 s1, s30  }
0xba: {  	s0 =	sor.u32 s3, s0;
	s1 =	sshll.u32 s1, $0x11  }
0xbb: {  	s0 =	sor.u32 s1, s0  }
0xbc: {  	s0 =	sadd.s32 $0x8F2B, s0  }
0xbd: {  	[sflag:s0] =	ssyncadd.remote.s32 $0x1  }
0xbe: {  	_ =	sfence.sel $0xFFFF  }
0xbf: {  	[dreg:$0x0] =	wrdreg $0xFFFFFFFF;
	(pc) =	sbr.abs _section_cstart, $3  }
0xc0: {  	[dreg:$0x1] =	wrdreg $0xFFFFFFFF  }
0xc1: {  	_ =	task.clear_ibuf [dreg:s6], $0x2FFFF;
	_ =	strace $0x9FFFFFFF  }
0xc2: {  	(tm) =	ssettm $0x7FFFFFFF  }
0xc3: {  	_ =	shalt  }
tec
execute0_lowered:
.L_overlay_start_1:
0x0: {  	(tag) =	ssettag $0x1  }
0x1: {  	s9 =	rddreg [dreg:$0x0]  }
0x2: {  	s1 =	rddreg [dreg:$0x1]  }
0x3: {  	s2 =	srdreg.scid;
	s0 =	rddreg [dreg:$0x2];
	s3 =	simm.s32 $0x0  }
0x4: {  	s15 =	simm.s32 $0x1000;
	s16 =	simm.s32 $0x80;
	s17 =	simm.s32 $0x2000  }
0x5: {  	s18 =	simm.s32 $0x6000;
	s19 =	simm.s32 $0x1;
	s20 =	simm.s32 $0x2  }
0x6: {  	s21 =	simm.s32 $0x1080;
	s22 =	simm.s32 $0x3;
	s23 =	simm.s32 $0x4  }
0x7: {  	s24 =	simm.s32 $0x0;
	s10 =	sand.u32 $0x1, s2;
	s2 =	stileid.u32  }
0x8: {  	[smem:$0x7FF] =	sst s3;
	s4 =	sadd.s32 $0xBCC00, s9;
	s8 =	smul.u32 $0x140000, s10  }
0x9: {  	s5 =	sadd.s32 $0xE3E00, s9;
	s6 =	sadd.s32 $0x11A00, s9;
	s11 =	smul.u32 $0x14000, s2  }
0xa: {  	s7 =	sadd.s32 $0x7A00, s9;
	_ =	strace $0x80000053;
	s13 =	smul.u32 $0x50000, s2  }
0xb: {  	s12 =	ssub.s32 $0x2, s10;
	p0 =	seq.s32 s10, $0x1;
	s10 =	smul.u32 $0x5000, s2  }
.Ltmp0:
0xc: {  	s31 =	sshll.u32 s2, $0x6;
	s29 =	sshrl.u32 s12, $0x1;
	(pc) =	sbr.rel .LBB2_1-.Ltmp0, $4  }
0xd: {  	s8 =	sadd.s32 s11, s8;
	s12 =	ssub.s32 s12, s29;
	s30 =	sshrl.u32 s13, $0x2  }
0xe: {  	s11 =	sshrl.u32 s8, $0x3;
	s8 =	sadd.s32 $0x1BA00, s9;
	s14 =	sadd.s32 s30, s1  }
0xf: {  	s12 =	smax.u32 s12, $0x1;
	s11 =	sadd.s32 s11, s9;
	s9 =	sor.u32 $0x1C05, s31  }
0x10: {  	s13 =	sshrl.u32 s14, $0x3;
	s14 =	simm.s32 $0x5;
	s11 =	sadd.s32 $0x10B000, s11  }
.LBB2_8:
0x11: {  	s24 =	sadd.s32 $0x1, s24  }
0x12: {  	p1 =	sne.s32 s24, s12  }
.Ltmp1:
0x13: {  	[bflag:$0x0] =	sbarrier.arrive $0xFFFF;
	(pc) =	sbr.rel @!p1 .LBB2_9-.Ltmp1, $4  }
0x14: {  	[hbm:s11], [sflag:s9] =	dma.local [spmem:s13], $0x2800  }
0x15: {  	_ =	swait.ge [sflag:s14], $0x2800  }
0x16: {  	[sflag:s14] =	ssyncset.done $0x0  }
0x17: {  	[sflag:s14] =	ssyncadd.s32 $0xFFFFD800  }
.LBB2_1:
0x18: {  	[spmem:s13], [sflag:s9] =	dma.local [hbm:s8], $0x2800  }
.Ltmp2:
0x19: {  	_ =	swait.ge [sflag:s14], $0x2800;
	(pc) =	sbr.rel @!p0 .LBB2_2-.Ltmp2, $4  }
0x1a: {  	[sflag:s14] =	ssyncset.done $0x0  }
0x1b: {  	[sflag:s14] =	ssyncadd.s32 $0xFFFFD800  }
0x1c: {  	[bflag:$0x0] =	sbarrier.arrive $0xFFFF  }
0x1d: {  	s25 =	simm.s32 $0x0;
	s26 =	simm.s32 $0x0  }
.LBB2_5:
0x1e: {  	s25 =	sshll.u32 s26, $0xC  }
0x1f: {  	s25 =	sadd.s32 s10, s25  }
0x20: {  	s25 =	sshrl.u32 s25, $0x3  }
0x21: {  	s28 =	sadd.s32 s6, s25  }
0x22: {  	[tilespmem:s3], [sflag:$0x5] =	stream.linear.gather [hbm4b:s28+s3], $0x1000, $0x38;
	[tilespmem:$0x1E000] =	vst v63  }
0x23: {  	_ =	swait.ge [sflag:s14], $0x1000  }
0x24: {  	[sflag:s14] =	ssyncset.done $0x0  }
0x25: {  	s25 =	sadd.s32 s7, s25;
	[sflag:s14] =	ssyncadd.s32 $0xFFFFF000  }
0x26: {  	[tilespmem:s15], [sflag:$0x5] =	stream.linear.gather [hbm4b:s25+s3], $0x1000, $0x38;
	[tilespmem:$0x1E000] =	vst v63  }
0x27: {  	_ =	swait.ge [sflag:s14], $0x1000  }
0x28: {  	[sflag:s14] =	ssyncset.done $0x0  }
0x29: {  	[sflag:s14] =	ssyncadd.s32 $0xFFFFF000  }
0x2a: {  	[tilespmem:s17], [sflag:$0x1] =	stream.indirect.gather [hbm4b:s5+s16], $0x80, s3, s16, $0xb8;
	[tilespmem:$0x1E000] =	vst v63  }
0x2b: {  	_ = 	snop  }
0x2c: {  	[tilespmem:s18], [sflag:$0x2] =	stream.indirect.gather [hbm4b:s5+s16], $0x80, s16, s16, $0xb8;
	[tilespmem:$0x1E000] =	vst v63  }
0x2d: {  	_ =	swait.ge [sflag:s19], $0x4000  }
0x2e: {  	[sflag:s19] =	ssyncset.done $0x0  }
0x2f: {  	[sflag:s19] =	ssyncadd.s32 $0xFFFFC000  }
0x30: {  	[spmem:s1] =	stream.indirect.scatter.add.f32 [tilespmem:s17], [sflag:$0x3], $0x80, s15, s16, $0xb8;
	[tilespmem:$0x1E000] =	vst v63  }
0x31: {  	_ =	swait.ge [sflag:s20], $0x4000  }
0x32: {  	[sflag:s20] =	ssyncset.done $0x0  }
0x33: {  	[sflag:s20] =	ssyncadd.s32 $0xFFFFC000  }
0x34: {  	[spmem:s1] =	stream.indirect.scatter.add.f32 [tilespmem:s18], [sflag:$0x4], $0x80, s21, s16, $0xb8;
	[tilespmem:$0x1E000] =	vst v63  }
0x35: {  	_ =	swait.ge [sflag:s22], $0x4000  }
0x36: {  	[sflag:s22] =	ssyncset.done $0x0  }
0x37: {  	s29 =	simm.s32 $0x100;
	[sflag:s22] =	ssyncadd.s32 $0xFFFFC000  }
0x38: {  	[tilespmem:s17], [sflag:$0x1] =	stream.indirect.gather [hbm4b:s5+s16], $0x80, s29, s16, $0xb8;
	[tilespmem:$0x1E000] =	vst v63  }
0x39: {  	_ =	swait.ge [sflag:s19], $0x4000  }
0x3a: {  	[sflag:s19] =	ssyncset.done $0x0  }
0x3b: {  	s30 =	simm.s32 $0x1100;
	[sflag:s19] =	ssyncadd.s32 $0xFFFFC000  }
0x3c: {  	[spmem:s1] =	stream.indirect.scatter.add.f32 [tilespmem:s17], [sflag:$0x3], $0x80, s30, s16, $0xb8;
	[tilespmem:$0x1E000] =	vst v63  }
0x3d: {  	_ =	swait.ge [sflag:s23], $0x4000  }
0x3e: {  	[sflag:s23] =	ssyncset.done $0x0  }
0x3f: {  	s31 =	simm.s32 $0x180;
	[sflag:s23] =	ssyncadd.s32 $0xFFFFC000  }
0x40: {  	[tilespmem:s18], [sflag:$0x2] =	stream.indirect.gather [hbm4b:s5+s16], $0x80, s31, s16, $0xb8;
	[tilespmem:$0x1E000] =	vst v63  }
0x41: {  	_ =	swait.ge [sflag:s20], $0x4000  }
0x42: {  	[sflag:s20] =	ssyncset.done $0x0  }
0x43: {  	s28 =	simm.s32 $0x1180;
	s25 =	simm.s32 $0xFFFFC800;
	[sflag:s20] =	ssyncadd.s32 $0xFFFFC000  }
.LBB2_6:
0x44: {  	[spmem:s1] =	stream.indirect.scatter.add.f32 [tilespmem:s18], [sflag:$0x4], $0x80, s28, s16, $0xb8;
	[tilespmem:$0x1E000] =	vst v63  }
0x45: {  	s28 =	smov.u32 s25  }
0x46: {  	p1 =	sne.s32 s25, $0xFFFFFC00;
	s25 =	sadd.s32 $0x400, s25;
	_ =	swait.ge [sflag:s22], $0x4000  }
0x47: {  	s28 =	sshra.s32 s28, $0x2;
	[sflag:s22] =	ssyncset.done $0x0  }
0x48: {  	s29 =	sadd.s32 $0x1000, s28;
	[sflag:s22] =	ssyncadd.s32 $0xFFFFC000  }
0x49: {  	[tilespmem:s17], [sflag:$0x1] =	stream.indirect.gather [hbm4b:s5+s16], $0x80, s29, s16, $0xb8;
	[tilespmem:$0x1E000] =	vst v63  }
0x4a: {  	_ =	swait.ge [sflag:s19], $0x4000  }
0x4b: {  	[sflag:s19] =	ssyncset.done $0x0  }
0x4c: {  	s29 =	sadd.s32 $0x2000, s28;
	[sflag:s19] =	ssyncadd.s32 $0xFFFFC000  }
0x4d: {  	[spmem:s1] =	stream.indirect.scatter.add.f32 [tilespmem:s17], [sflag:$0x3], $0x80, s29, s16, $0xb8;
	[tilespmem:$0x1E000] =	vst v63  }
0x4e: {  	_ =	swait.ge [sflag:s23], $0x4000  }
0x4f: {  	[sflag:s23] =	ssyncset.done $0x0  }
.Ltmp3:
0x50: {  	s29 =	sadd.s32 $0x1080, s28;
	[sflag:s23] =	ssyncadd.s32 $0xFFFFC000;
	(pc) =	sbr.rel @p1 .LBB2_6-.Ltmp3, $4  }
0x51: {  	[tilespmem:s18], [sflag:$0x2] =	stream.indirect.gather [hbm4b:s5+s16], $0x80, s29, s16, $0xb8;
	[tilespmem:$0x1E000] =	vst v63  }
0x52: {  	_ =	swait.ge [sflag:s20], $0x4000  }
0x53: {  	[sflag:s20] =	ssyncset.done $0x0  }
0x54: {  	s28 =	sadd.s32 $0x2080, s28;
	[sflag:s20] =	ssyncadd.s32 $0xFFFFC000  }
0x55: {  	[spmem:s1] =	stream.indirect.scatter.add.f32 [tilespmem:s18], [sflag:$0x4], $0x80, s28, s16, $0xb8;
	[tilespmem:$0x1E000] =	vst v63  }
0x56: {  	s26 =	sadd.s32 $0x1, s26  }
0x57: {  	_ =	swait.ge [sflag:s22], $0x4000;
	p1 =	sne.s32 s26, $0x5  }
.Ltmp4:
0x58: {  	[sflag:s22] =	ssyncset.done $0x0;
	(pc) =	sbr.rel @p1 .LBB2_5-.Ltmp4, $4  }
.Ltmp5:
0x59: {  	[sflag:s22] =	ssyncadd.s32 $0xFFFFC000;
	(pc) =	sbr.rel @!p1 .LBB2_8-.Ltmp5, $4  }
0x5a: {  	_ =	swait.ge [sflag:s23], $0x4000  }
0x5b: {  	[sflag:s23] =	ssyncset.done $0x0  }
0x5c: {  	[sflag:s23] =	ssyncadd.s32 $0xFFFFC000  }
0x5d: {  	_ = 	snop  }
.LBB2_2:
0x5e: {  	s26 =	sshll.u32 s25, $0xC  }
0x5f: {  	s26 =	sadd.s32 s10, s26  }
0x60: {  	s26 =	sshrl.u32 s26, $0x3  }
0x61: {  	s28 =	sadd.s32 s6, s26  }
0x62: {  	[tilespmem:s3], [sflag:$0x5] =	stream.linear.gather [hbm4b:s28+s3], $0x1000, $0x38;
	[tilespmem:$0x1E000] =	vst v63  }
0x63: {  	_ =	swait.ge [sflag:s14], $0x1000  }
0x64: {  	[sflag:s14] =	ssyncset.done $0x0  }
0x65: {  	s26 =	sadd.s32 s7, s26;
	[sflag:s14] =	ssyncadd.s32 $0xFFFFF000  }
0x66: {  	[tilespmem:s15], [sflag:$0x5] =	stream.linear.gather [hbm4b:s26+s3], $0x1000, $0x38;
	[tilespmem:$0x1E000] =	vst v63  }
0x67: {  	_ =	swait.ge [sflag:s14], $0x1000  }
0x68: {  	[sflag:s14] =	ssyncset.done $0x0  }
0x69: {  	[sflag:s14] =	ssyncadd.s32 $0xFFFFF000  }
0x6a: {  	[tilespmem:s17], [sflag:$0x1] =	stream.indirect.gather [hbm4b:s4+s16], $0x80, s3, s16, $0xb8;
	[tilespmem:$0x1E000] =	vst v63  }
0x6b: {  	_ = 	snop  }
0x6c: {  	[tilespmem:s18], [sflag:$0x2] =	stream.indirect.gather [hbm4b:s4+s16], $0x80, s16, s16, $0xb8;
	[tilespmem:$0x1E000] =	vst v63  }
0x6d: {  	_ =	swait.ge [sflag:s19], $0x4000  }
0x6e: {  	[sflag:s19] =	ssyncset.done $0x0  }
0x6f: {  	[sflag:s19] =	ssyncadd.s32 $0xFFFFC000  }
0x70: {  	[spmem:s1] =	stream.indirect.scatter.add.f32 [tilespmem:s17], [sflag:$0x3], $0x80, s15, s16, $0xb8;
	[tilespmem:$0x1E000] =	vst v63  }
0x71: {  	_ =	swait.ge [sflag:s20], $0x4000  }
0x72: {  	[sflag:s20] =	ssyncset.done $0x0  }
0x73: {  	[sflag:s20] =	ssyncadd.s32 $0xFFFFC000  }
0x74: {  	[spmem:s1] =	stream.indirect.scatter.add.f32 [tilespmem:s18], [sflag:$0x4], $0x80, s21, s16, $0xb8;
	[tilespmem:$0x1E000] =	vst v63  }
0x75: {  	_ =	swait.ge [sflag:s22], $0x4000  }
0x76: {  	[sflag:s22] =	ssyncset.done $0x0  }
0x77: {  	s29 =	simm.s32 $0x100;
	[sflag:s22] =	ssyncadd.s32 $0xFFFFC000  }
0x78: {  	[tilespmem:s17], [sflag:$0x1] =	stream.indirect.gather [hbm4b:s4+s16], $0x80, s29, s16, $0xb8;
	[tilespmem:$0x1E000] =	vst v63  }
0x79: {  	_ =	swait.ge [sflag:s19], $0x4000  }
0x7a: {  	[sflag:s19] =	ssyncset.done $0x0  }
0x7b: {  	s30 =	simm.s32 $0x1100;
	[sflag:s19] =	ssyncadd.s32 $0xFFFFC000  }
0x7c: {  	[spmem:s1] =	stream.indirect.scatter.add.f32 [tilespmem:s17], [sflag:$0x3], $0x80, s30, s16, $0xb8;
	[tilespmem:$0x1E000] =	vst v63  }
0x7d: {  	_ =	swait.ge [sflag:s23], $0x4000  }
0x7e: {  	[sflag:s23] =	ssyncset.done $0x0  }
0x7f: {  	s31 =	simm.s32 $0x180;
	[sflag:s23] =	ssyncadd.s32 $0xFFFFC000  }
0x80: {  	[tilespmem:s18], [sflag:$0x2] =	stream.indirect.gather [hbm4b:s4+s16], $0x80, s31, s16, $0xb8;
	[tilespmem:$0x1E000] =	vst v63  }
0x81: {  	_ =	swait.ge [sflag:s20], $0x4000  }
0x82: {  	[sflag:s20] =	ssyncset.done $0x0  }
0x83: {  	s28 =	simm.s32 $0x1180;
	s26 =	simm.s32 $0xFFFFC800;
	[sflag:s20] =	ssyncadd.s32 $0xFFFFC000  }
.LBB2_3:
0x84: {  	[spmem:s1] =	stream.indirect.scatter.add.f32 [tilespmem:s18], [sflag:$0x4], $0x80, s28, s16, $0xb8;
	[tilespmem:$0x1E000] =	vst v63  }
0x85: {  	s28 =	smov.u32 s26  }
0x86: {  	p1 =	sne.s32 s26, $0xFFFFFC00;
	s26 =	sadd.s32 $0x400, s26;
	_ =	swait.ge [sflag:s22], $0x4000  }
0x87: {  	s28 =	sshra.s32 s28, $0x2;
	[sflag:s22] =	ssyncset.done $0x0  }
0x88: {  	s29 =	sadd.s32 $0x1000, s28;
	[sflag:s22] =	ssyncadd.s32 $0xFFFFC000  }
0x89: {  	[tilespmem:s17], [sflag:$0x1] =	stream.indirect.gather [hbm4b:s4+s16], $0x80, s29, s16, $0xb8;
	[tilespmem:$0x1E000] =	vst v63  }
0x8a: {  	_ =	swait.ge [sflag:s19], $0x4000  }
0x8b: {  	[sflag:s19] =	ssyncset.done $0x0  }
0x8c: {  	s29 =	sadd.s32 $0x2000, s28;
	[sflag:s19] =	ssyncadd.s32 $0xFFFFC000  }
0x8d: {  	[spmem:s1] =	stream.indirect.scatter.add.f32 [tilespmem:s17], [sflag:$0x3], $0x80, s29, s16, $0xb8;
	[tilespmem:$0x1E000] =	vst v63  }
0x8e: {  	_ =	swait.ge [sflag:s23], $0x4000  }
0x8f: {  	[sflag:s23] =	ssyncset.done $0x0  }
.Ltmp6:
0x90: {  	s29 =	sadd.s32 $0x1080, s28;
	[sflag:s23] =	ssyncadd.s32 $0xFFFFC000;
	(pc) =	sbr.rel @p1 .LBB2_3-.Ltmp6, $4  }
0x91: {  	[tilespmem:s18], [sflag:$0x2] =	stream.indirect.gather [hbm4b:s4+s16], $0x80, s29, s16, $0xb8;
	[tilespmem:$0x1E000] =	vst v63  }
0x92: {  	_ =	swait.ge [sflag:s20], $0x4000  }
0x93: {  	[sflag:s20] =	ssyncset.done $0x0  }
0x94: {  	s28 =	sadd.s32 $0x2080, s28;
	[sflag:s20] =	ssyncadd.s32 $0xFFFFC000  }
0x95: {  	[spmem:s1] =	stream.indirect.scatter.add.f32 [tilespmem:s18], [sflag:$0x4], $0x80, s28, s16, $0xb8;
	[tilespmem:$0x1E000] =	vst v63  }
0x96: {  	s25 =	sadd.s32 $0x1, s25  }
0x97: {  	_ =	swait.ge [sflag:s22], $0x4000;
	p1 =	seq.s32 s25, $0x5  }
.Ltmp7:
0x98: {  	[sflag:s22] =	ssyncset.done $0x0;
	(pc) =	sbr.rel @!p1 .LBB2_2-.Ltmp7, $4  }
.Ltmp8:
0x99: {  	[sflag:s22] =	ssyncadd.s32 $0xFFFFC000;
	(pc) =	sbr.rel @p1 .LBB2_8-.Ltmp8, $4  }
0x9a: {  	_ =	swait.ge [sflag:s23], $0x4000  }
0x9b: {  	[sflag:s23] =	ssyncset.done $0x0  }
0x9c: {  	[sflag:s23] =	ssyncadd.s32 $0xFFFFC000  }
0x9d: {  	_ = 	snop  }
.LBB2_9:
0x9e: {  	_ =	sfence.sel $0x180000  }
0x9f: {  	[bflag:$0x0] =	sbarrier.arrive $0xFFFF  }
0xa0: {  	p0 =	sne.s32 s2, $0x0;
	_ =	strace $0x90000053  }
0xa1: {  	s0 =	sadd.s32 @!p0 $0x100000, s0;
	[bflag:$0x2] =	sbarrier.arrive $0xFFFF  }
0xa2: {  	[sflag:s0] =	ssyncadd.tile.s32 @!p0 $0x1;
	_ =	shalt  }
.Lfunc_end2:
_tile_overlayer_lowered:
.L_overlay_start_2:
0xa3: {  	(tag) =	ssettag $0x2  }
0xa4: {  	s0 =	rddreg [dreg:$0x0];
	s2 =	stileid.u32  }
0xa5: {  	s1 =	rddreg [dreg:$0x1];
	p0 =	sne.s32 s2, $0x0  }
0xa6: {  	s3 =	rddreg [dreg:$0x2];
	[bflag:$0x3] =	sbarrier.arrive $0xFFFF;
	s2 =	simm.s32 @!p0 $0x1C05  }
0xa7: {  	[timem:s3], [sflag:s2] =	dma.local @!p0 [hbm:s0], s1  }
0xa8: {  	s0 =	simm.s32 @!p0 $0x5  }
0xa9: {  	_ =	swait.ge @!p0 [sflag:s0], s1  }
0xaa: {  	s1 =	ssub.s32 @!p0 $0x0, s1;
	[sflag:s0] =	ssyncset.done @!p0 $0x0  }
0xab: {  	[sflag:s0] =	ssyncadd.s32 @!p0 s1  }
0xac: {  	[bflag:$0x3] =	sbarrier.arrive $0xFFFF  }
0xad: {  	_ =	shalt  }

// kernel: kernel.35.cloned.1.call-start
scs
__scs_entry_jumppad:
0x0: {  	(pc) =	sbr.rel $0x88, $3  }
0x1: {  	(tag) =	ssettag $0x0;
	lr =	simm.s32 $0x1  }
0x2: {  	[smem:$0x3F89] =	sst lr;
	_ =	strace $0xD0000000  }
0x3: {  	_ = 	snop  }
0x4: {  	_ = 	snop  }
0x5: {  	_ = 	snop  }
0x6: {  	_ = 	snop  }
0x7: {  	_ = 	snop  }
__scs_overlays_trampoline_lowered:
0x8: {  	[smem:$0x3F98] =	sst s0  }
0x9: {  	[smem:$0x3F99] =	sst s1  }
0xa: {  	[smem:$0x3F9A] =	sst s2  }
0xb: {  	[smem:$0x3F9B] =	sst s3  }
0xc: {  	[smem:$0x3F9C] =	sst s4  }
0xd: {  	[smem:$0x3F9D] =	sst s5  }
0xe: {  	[smem:$0x3F9E] =	sst s6  }
0xf: {  	[smem:$0x3F9F] =	sst s7  }
0x10: {  	[smem:$0x3FA0] =	sst s8  }
0x11: {  	[smem:$0x3FA1] =	sst s9;
	s0 =	simm.s32 @!p0 $0x0  }
0x12: {  	s1 =	sld [smem:$0x3F87];
	s0 =	simm.s32 @p0 $0x1  }
0x13: {  	[smem:$0x3FA2] =	sst s0;
	s0 =	simm.s32 @!p1 $0x0  }
0x14: {  	s2 =	sld [smem:$0x3F86];
	s0 =	simm.s32 @p1 $0x1  }
0x15: {  	[smem:$0x3FA3] =	sst s0;
	s0 =	simm.s32 @!p2 $0x0  }
0x16: {  	s3 =	sld [smem:$0x3FDB];
	s0 =	simm.s32 @p2 $0x1  }
0x17: {  	s4 =	simm.s32 $0x1BF5;
	[smem:$0x3FA5] =	sst s0  }
0x18: {  	s0 =	sld [smem:$0x3F88];
	_ =	swait.ge [sflag:s4], $0x0  }
0x19: {  	s7 =	sld [smem:$0x3F89]  }
0x1a: {  	s8 =	sadd.s32 $0xFFFFE003, lr  }
0x1b: {  	s9 =	sadd.s32 $0xFFFFFEF7, lr;
	s5 =	simm.s32 $0xFFFFFFFF;
	p2 =	slt.u32 s8, $0xFFFFF086  }
0x1c: {  	p1 =	slt.u32 s9, $0xF7A;
	s5 =	simm.s32 @!p2 $0x0  }
0x1d: {  	s5 =	simm.s32 @p1 $0x1;
	p0 =	seq.s32 s7, s2  }
0x1e: {  	s7 =	smul.u32 @!p0 $0xF7A, s2;
	p2 =	seq.s32 @!p0 s5, $0x0  }
0x1f: {  	s9 =	smul.u32 $0xF7A, s1;
	s8 =	simm.s32 @!p0 $0x1BF5;
	p2 =	por !p2, p0  }
0x20: {  	[sflag:s8] =	ssyncset.s32 @!p0 $0xFFFFF086;
	s6 =	sadd.s32 @!p0 s3, s7;
	s7 =	simm.s32 @!p0 $0x108  }
0x21: {  	s3 =	sadd.s32 s3, s9;
	s6 =	sadd.s32 @!p0 $0x88, s6;
	s7 =	simm.s32 @p2 $0x1082  }
0x22: {  	[simem:s7], [sflag:s8] =	dma.local @!p0 [hbm:s6], $0xF7A  }
0x23: {  	s9 =	sor.u32 $0xD0000000, s2;
	s6 =	simm.s32 $0x108;
	_ =	swait.ge @!p0 [sflag:s8], $0x0  }
0x24: {  	s3 =	sadd.s32 $0x88, s3;
	s6 =	simm.s32 @!p1 $0x1082;
	[sflag:s4] =	ssyncset.s32 $0xFFFFF086  }
0x25: {  	[simem:s6], [sflag:s4] =	dma.local [hbm:s3], $0xF7A  }
0x26: {  	[smem:$0x3F89] =	sst s1;
	(tag) =	ssettag s2;
	_ =	strace s9  }
0x27: {  	s1 =	sld [smem:$0x3F99]  }
0x28: {  	s2 =	sld [smem:$0x3F9A]  }
0x29: {  	s4 =	sld [smem:$0x3F9C]  }
0x2a: {  	p0 =	seq.s32 s5, $0x0;
	s5 =	sld [smem:$0x3F9D]  }
0x2b: {  	s6 =	sld [smem:$0x3F9E]  }
0x2c: {  	s7 =	sld [smem:$0x3F9F]  }
0x2d: {  	s3 =	simm.s32 $0x108;
	s8 =	sld [smem:$0x3FA0]  }
0x2e: {  	s3 =	simm.s32 @!p0 $0x1082;
	s9 =	sld [smem:$0x3FA1]  }
0x2f: {  	lr =	sadd.s32 s0, s3;
	s0 =	sld [smem:$0x3F98]  }
0x30: {  	s3 =	sld [smem:$0x3F9B]  }
0x31: {  	[smem:$0x3FA4] =	sst s10  }
0x32: {  	s10 =	sld [smem:$0x3FA2];
	_ =	sdelay $0x3  }
0x33: {  	p0 =	seq.s32 s10, $0x1;
	s10 =	sld [smem:$0x3FA4];
	_ =	sdelay $0x3  }
0x34: {  	[smem:$0x3FA4] =	sst s10  }
0x35: {  	s10 =	sld [smem:$0x3FA3];
	_ =	sdelay $0x3  }
0x36: {  	p1 =	seq.s32 s10, $0x1;
	s10 =	sld [smem:$0x3FA4];
	_ =	sdelay $0x3  }
0x37: {  	[smem:$0x3FA4] =	sst s10  }
0x38: {  	s10 =	sld [smem:$0x3FA5]  }
0x39: {  	_ = 	snop;
	(pc) =	sbr.ind lr, $3  }
0x3a: {  	_ = 	snop  }
0x3b: {  	_ = 	snop  }
0x3c: {  	p2 =	seq.s32 s10, $0x1;
	s10 =	sld [smem:$0x3FA4]  }
0x3d: {  	_ =	shalt  }
0x3e: {  	_ =	shalt  }
0x3f: {  	_ =	shalt  }
0x40: {  	_ =	shalt  }
0x41: {  	_ =	shalt  }
0x42: {  	_ =	shalt  }
0x43: {  	_ =	shalt  }
0x44: {  	_ =	shalt  }
0x45: {  	_ =	shalt  }
0x46: {  	_ =	shalt  }
0x47: {  	_ =	shalt  }
0x48: {  	_ =	shalt  }
0x49: {  	_ =	shalt  }
0x4a: {  	_ =	shalt  }
0x4b: {  	_ =	shalt  }
0x4c: {  	_ =	shalt  }
0x4d: {  	_ =	shalt  }
0x4e: {  	_ =	shalt  }
0x4f: {  	_ =	shalt  }
0x50: {  	_ =	shalt  }
0x51: {  	_ =	shalt  }
0x52: {  	_ =	shalt  }
0x53: {  	_ =	shalt  }
0x54: {  	_ =	shalt  }
0x55: {  	_ =	shalt  }
0x56: {  	_ =	shalt  }
0x57: {  	_ =	shalt  }
0x58: {  	_ =	shalt  }
0x59: {  	_ =	shalt  }
0x5a: {  	_ =	shalt  }
0x5b: {  	_ =	shalt  }
0x5c: {  	_ =	shalt  }
0x5d: {  	_ =	shalt  }
0x5e: {  	_ =	shalt  }
0x5f: {  	_ =	shalt  }
0x60: {  	_ =	shalt  }
0x61: {  	_ =	shalt  }
0x62: {  	_ =	shalt  }
0x63: {  	_ =	shalt  }
0x64: {  	_ =	shalt  }
0x65: {  	_ =	shalt  }
0x66: {  	_ =	shalt  }
0x67: {  	_ =	shalt  }
0x68: {  	_ =	shalt  }
0x69: {  	_ =	shalt  }
0x6a: {  	_ =	shalt  }
0x6b: {  	_ =	shalt  }
0x6c: {  	_ =	shalt  }
0x6d: {  	_ =	shalt  }
0x6e: {  	_ =	shalt  }
0x6f: {  	_ =	shalt  }
0x70: {  	_ =	shalt  }
0x71: {  	_ =	shalt  }
0x72: {  	_ =	shalt  }
0x73: {  	_ =	shalt  }
0x74: {  	_ =	shalt  }
0x75: {  	_ =	shalt  }
0x76: {  	_ =	shalt  }
0x77: {  	_ =	shalt  }
0x78: {  	_ =	shalt  }
0x79: {  	_ =	shalt  }
0x7a: {  	_ =	shalt  }
0x7b: {  	_ =	shalt  }
0x7c: {  	_ =	shalt  }
0x7d: {  	_ =	shalt  }
0x7e: {  	_ =	shalt  }
0x7f: {  	_ =	shalt  }
0x80: {  	_ =	shalt  }
0x81: {  	_ =	shalt  }
0x82: {  	_ =	shalt  }
0x83: {  	_ =	shalt  }
0x84: {  	_ =	shalt  }
0x85: {  	_ =	shalt  }
0x86: {  	_ =	shalt  }
0x87: {  	_ =	shalt  }
.Lfunc_end0:
.L_simem_size_0:
called_computation.5_lowered:
.L_overlay_start_0:
0x88: {  	s2 =	sld [smem:$0x3FD9]  }
0x89: {  	s3 =	sld [smem:$0x3FFE];
	_ =	sdelay $0x1  }
0x8a: {  	s1 =	srdreg.scid  }
0x8b: {  	s0 =	sand.u32 $0x1, s1  }
0x8c: {  	s16 =	sshll.u32 s0, $0xA;
	s2 =	sadd.s32 s3, s2  }
0x8d: {  	s2 =	sadd.s32 s2, s16  }
0x8e: {  	[smem:$0x3FB0] =	sst s2  }
0x8f: {  	_ = 	snop  }
0x90: {  	(tm) =	ssettm $0x1  }
0x91: {  	s17 =	sld [smem:$0x3FFB];
	_ =	sdelay $0x3  }
0x92: {  	_ =	strace s17  }
0x93: {  	s2 =	sld [smem:$0x3FFC];
	_ =	sdelay $0x3  }
0x94: {  	_ =	strace s2  }
0x95: {  	s2 =	sld [smem:$0x3FFD];
	_ =	sdelay $0x3  }
0x96: {  	_ =	strace s2  }
0x97: {  	_ =	strace $0x8FFFFFFF  }
0x98: {  	s18 =	sld [smem:$0x3FDB];
	_ =	sdelay $0x1  }
0x99: {  	s19 =	simm.s32 $_scs_section_size  }
0x9a: {  	s4 =	simm.s32 $_size__tile_overlayer_lowered;
	s5 =	simm.s32 $_tile_overlayer_lowered  }
0x9b: {  	s22 =	simm.s32 $0x1BFF;
	s21 =	sshll.u32 s5, $0x1;
	s2 =	sadd.s32 s19, s18  }
0x9c: {  	s6 =	simm.s32 $0x0;
	s20 =	sshll.u32 s4, $0x1;
	s4 =	sadd.s32 s21, s2  }
0x9d: {  	[timem:s6], [sflag:s22] =	dma.local [hbm:s4], s20  }
0x9e: {  	_ =	swait.ge [sflag:s22], s20  }
0x9f: {  	s3 =	ssub.s32 $0x0, s20;
	[sflag:s22] =	ssyncset.done $0x0  }
0xa0: {  	[sflag:s22] =	ssyncadd.s32 s3;
	_ =	sdelay $0x1  }
0xa1: {  	s23 =	simm.s32 $0x1B8B  }
0xa2: {  	_ =	swait.ge [sflag:s23], $0x1  }
0xa3: {  	[sflag:s23] =	ssyncset.done $0x0  }
0xa4: {  	s25 =	simm.s32 $0x1B8E;
	s24 =	sld [smem:$0x3FFE];
	[sflag:s23] =	ssyncadd.s32 $0xFFFFFFFF  }
0xa5: {  	s26 =	simm.s32 $execute0_lowered;
	[smem:$0x3FD2] =	sst s25  }
0xa6: {  	s4 =	sshll.u32 s26, $0x1;
	_ =	strace $0x80000055;
	[dreg:$0x1] =	wrdreg $0xFFFFFFFF  }
0xa7: {  	s28 =	simm.s32 $_size_execute0_lowered;
	s2 =	sadd.s32 s2, s4;
	[dreg:$0x0] =	wrdreg $0x0  }
0xa8: {  	s4 =	sshll.u32 s28, $0x1;
	[dreg:$0x2] =	wrdreg s2  }
0xa9: {  	[dreg:$0x3] =	wrdreg s4  }
0xaa: {  	[dreg:$0x4] =	wrdreg $0xC0  }
0xab: {  	_ =	task [dreg:s6], $0x5FFFF  }
0xac: {  	[dreg:$0x1] =	wrdreg $0xFFFFFFFF  }
0xad: {  	[dreg:$0x0] =	wrdreg $0x60  }
0xae: {  	[dreg:$0x2] =	wrdreg s24  }
0xaf: {  	[dreg:$0x3] =	wrdreg $0xA0000  }
0xb0: {  	[dreg:$0x4] =	wrdreg $0x9  }
0xb1: {  	_ =	task.clear_ibuf [dreg:s6], $0x5FFFF;
	_ =	strace $0x90000055  }
0xb2: {  	s29 =	simm.s32 $0x9;
	_ =	strace $0x80000057  }
0xb3: {  	_ =	swait.ge [sflag:s29], $0x1  }
0xb4: {  	[sflag:s29] =	ssyncadd.s32 $0xFFFFFFFF  }
0xb5: {  	_ =	strace $0x90000057  }
0xb6: {  	_ =	sfence  }
0xb7: {  	s30 =	sld [smem:$0x0];
	_ =	sdelay $0x2  }
0xb8: {  	s31 =	sshll.u32 s1, $0xD;
	s1 =	sshrl.u32 s1, $0x2  }
0xb9: {  	s3 =	sand.u32 $0x4000, s31;
	s1 =	sadd.s32 s1, s30  }
0xba: {  	s0 =	sor.u32 s3, s0;
	s1 =	sshll.u32 s1, $0x11  }
0xbb: {  	s0 =	sor.u32 s1, s0  }
0xbc: {  	s0 =	sadd.s32 $0x8F2B, s0  }
0xbd: {  	[sflag:s0] =	ssyncadd.remote.s32 $0x1  }
0xbe: {  	_ =	sfence.sel $0xFFFF  }
0xbf: {  	[dreg:$0x0] =	wrdreg $0xFFFFFFFF;
	(pc) =	sbr.abs _section_cstart, $3  }
0xc0: {  	[dreg:$0x1] =	wrdreg $0xFFFFFFFF  }
0xc1: {  	_ =	task.clear_ibuf [dreg:s6], $0x2FFFF;
	_ =	strace $0x9FFFFFFF  }
0xc2: {  	(tm) =	ssettm $0x7FFFFFFF  }
0xc3: {  	_ =	shalt  }
tec
execute0_lowered:
.L_overlay_start_1:
0x0: {  	(tag) =	ssettag $0x1  }
0x1: {  	s9 =	rddreg [dreg:$0x0]  }
0x2: {  	s1 =	rddreg [dreg:$0x1]  }
0x3: {  	s2 =	srdreg.scid;
	s0 =	rddreg [dreg:$0x2];
	s3 =	simm.s32 $0x0  }
0x4: {  	s15 =	simm.s32 $0x1000;
	s16 =	simm.s32 $0x80;
	s17 =	simm.s32 $0x2000  }
0x5: {  	s18 =	simm.s32 $0x6000;
	s19 =	simm.s32 $0x1;
	s20 =	simm.s32 $0x2  }
0x6: {  	s21 =	simm.s32 $0x1080;
	s22 =	simm.s32 $0x3;
	s23 =	simm.s32 $0x4  }
0x7: {  	s24 =	simm.s32 $0x0;
	s10 =	sand.u32 $0x1, s2;
	s2 =	stileid.u32  }
0x8: {  	[smem:$0x7FF] =	sst s3;
	s4 =	sadd.s32 $0xBCC00, s9;
	s8 =	smul.u32 $0x140000, s10  }
0x9: {  	s5 =	sadd.s32 $0xE3E00, s9;
	s6 =	sadd.s32 $0x11A00, s9;
	s11 =	smul.u32 $0x14000, s2  }
0xa: {  	s7 =	sadd.s32 $0x7A00, s9;
	_ =	strace $0x80000056;
	s13 =	smul.u32 $0x50000, s2  }
0xb: {  	s12 =	ssub.s32 $0x2, s10;
	p0 =	seq.s32 s10, $0x1;
	s10 =	smul.u32 $0x5000, s2  }
.Ltmp0:
0xc: {  	s31 =	sshll.u32 s2, $0x6;
	s29 =	sshrl.u32 s12, $0x1;
	(pc) =	sbr.rel .LBB2_1-.Ltmp0, $4  }
0xd: {  	s8 =	sadd.s32 s11, s8;
	s12 =	ssub.s32 s12, s29;
	s30 =	sshrl.u32 s13, $0x2  }
0xe: {  	s11 =	sshrl.u32 s8, $0x3;
	s8 =	sadd.s32 $0x1BA00, s9;
	s14 =	sadd.s32 s30, s1  }
0xf: {  	s12 =	smax.u32 s12, $0x1;
	s11 =	sadd.s32 s11, s9;
	s9 =	sor.u32 $0x1C05, s31  }
0x10: {  	s13 =	sshrl.u32 s14, $0x3;
	s14 =	simm.s32 $0x5;
	s11 =	sadd.s32 $0x10B000, s11  }
.LBB2_8:
0x11: {  	s24 =	sadd.s32 $0x1, s24  }
0x12: {  	p1 =	sne.s32 s24, s12  }
.Ltmp1:
0x13: {  	[bflag:$0x0] =	sbarrier.arrive $0xFFFF;
	(pc) =	sbr.rel @!p1 .LBB2_9-.Ltmp1, $4  }
0x14: {  	[hbm:s11], [sflag:s9] =	dma.local [spmem:s13], $0x2800  }
0x15: {  	_ =	swait.ge [sflag:s14], $0x2800  }
0x16: {  	[sflag:s14] =	ssyncset.done $0x0  }
0x17: {  	[sflag:s14] =	ssyncadd.s32 $0xFFFFD800  }
.LBB2_1:
0x18: {  	[spmem:s13], [sflag:s9] =	dma.local [hbm:s8], $0x2800  }
.Ltmp2:
0x19: {  	_ =	swait.ge [sflag:s14], $0x2800;
	(pc) =	sbr.rel @!p0 .LBB2_2-.Ltmp2, $4  }
0x1a: {  	[sflag:s14] =	ssyncset.done $0x0  }
0x1b: {  	[sflag:s14] =	ssyncadd.s32 $0xFFFFD800  }
0x1c: {  	[bflag:$0x0] =	sbarrier.arrive $0xFFFF  }
0x1d: {  	s25 =	simm.s32 $0x0;
	s26 =	simm.s32 $0x0  }
.LBB2_5:
0x1e: {  	s25 =	sshll.u32 s26, $0xC  }
0x1f: {  	s25 =	sadd.s32 s10, s25  }
0x20: {  	s25 =	sshrl.u32 s25, $0x3  }
0x21: {  	s28 =	sadd.s32 s6, s25  }
0x22: {  	[tilespmem:s3], [sflag:$0x5] =	stream.linear.gather [hbm4b:s28+s3], $0x1000, $0x38;
	[tilespmem:$0x1E000] =	vst v63  }
0x23: {  	_ =	swait.ge [sflag:s14], $0x1000  }
0x24: {  	[sflag:s14] =	ssyncset.done $0x0  }
0x25: {  	s25 =	sadd.s32 s7, s25;
	[sflag:s14] =	ssyncadd.s32 $0xFFFFF000  }
0x26: {  	[tilespmem:s15], [sflag:$0x5] =	stream.linear.gather [hbm4b:s25+s3], $0x1000, $0x38;
	[tilespmem:$0x1E000] =	vst v63  }
0x27: {  	_ =	swait.ge [sflag:s14], $0x1000  }
0x28: {  	[sflag:s14] =	ssyncset.done $0x0  }
0x29: {  	[sflag:s14] =	ssyncadd.s32 $0xFFFFF000  }
0x2a: {  	[tilespmem:s17], [sflag:$0x1] =	stream.indirect.gather [hbm4b:s5+s16], $0x80, s3, s16, $0xb8;
	[tilespmem:$0x1E000] =	vst v63  }
0x2b: {  	_ = 	snop  }
0x2c: {  	[tilespmem:s18], [sflag:$0x2] =	stream.indirect.gather [hbm4b:s5+s16], $0x80, s16, s16, $0xb8;
	[tilespmem:$0x1E000] =	vst v63  }
0x2d: {  	_ =	swait.ge [sflag:s19], $0x4000  }
0x2e: {  	[sflag:s19] =	ssyncset.done $0x0  }
0x2f: {  	[sflag:s19] =	ssyncadd.s32 $0xFFFFC000  }
0x30: {  	[spmem:s1] =	stream.indirect.scatter.add.f32 [tilespmem:s17], [sflag:$0x3], $0x80, s15, s16, $0xb8;
	[tilespmem:$0x1E000] =	vst v63  }
0x31: {  	_ =	swait.ge [sflag:s20], $0x4000  }
0x32: {  	[sflag:s20] =	ssyncset.done $0x0  }
0x33: {  	[sflag:s20] =	ssyncadd.s32 $0xFFFFC000  }
0x34: {  	[spmem:s1] =	stream.indirect.scatter.add.f32 [tilespmem:s18], [sflag:$0x4], $0x80, s21, s16, $0xb8;
	[tilespmem:$0x1E000] =	vst v63  }
0x35: {  	_ =	swait.ge [sflag:s22], $0x4000  }
0x36: {  	[sflag:s22] =	ssyncset.done $0x0  }
0x37: {  	s29 =	simm.s32 $0x100;
	[sflag:s22] =	ssyncadd.s32 $0xFFFFC000  }
0x38: {  	[tilespmem:s17], [sflag:$0x1] =	stream.indirect.gather [hbm4b:s5+s16], $0x80, s29, s16, $0xb8;
	[tilespmem:$0x1E000] =	vst v63  }
0x39: {  	_ =	swait.ge [sflag:s19], $0x4000  }
0x3a: {  	[sflag:s19] =	ssyncset.done $0x0  }
0x3b: {  	s30 =	simm.s32 $0x1100;
	[sflag:s19] =	ssyncadd.s32 $0xFFFFC000  }
0x3c: {  	[spmem:s1] =	stream.indirect.scatter.add.f32 [tilespmem:s17], [sflag:$0x3], $0x80, s30, s16, $0xb8;
	[tilespmem:$0x1E000] =	vst v63  }
0x3d: {  	_ =	swait.ge [sflag:s23], $0x4000  }
0x3e: {  	[sflag:s23] =	ssyncset.done $0x0  }
0x3f: {  	s31 =	simm.s32 $0x180;
	[sflag:s23] =	ssyncadd.s32 $0xFFFFC000  }
0x40: {  	[tilespmem:s18], [sflag:$0x2] =	stream.indirect.gather [hbm4b:s5+s16], $0x80, s31, s16, $0xb8;
	[tilespmem:$0x1E000] =	vst v63  }
0x41: {  	_ =	swait.ge [sflag:s20], $0x4000  }
0x42: {  	[sflag:s20] =	ssyncset.done $0x0  }
0x43: {  	s28 =	simm.s32 $0x1180;
	s25 =	simm.s32 $0xFFFFC800;
	[sflag:s20] =	ssyncadd.s32 $0xFFFFC000  }
.LBB2_6:
0x44: {  	[spmem:s1] =	stream.indirect.scatter.add.f32 [tilespmem:s18], [sflag:$0x4], $0x80, s28, s16, $0xb8;
	[tilespmem:$0x1E000] =	vst v63  }
0x45: {  	s28 =	smov.u32 s25  }
0x46: {  	p1 =	sne.s32 s25, $0xFFFFFC00;
	s25 =	sadd.s32 $0x400, s25;
	_ =	swait.ge [sflag:s22], $0x4000  }
0x47: {  	s28 =	sshra.s32 s28, $0x2;
	[sflag:s22] =	ssyncset.done $0x0  }
0x48: {  	s29 =	sadd.s32 $0x1000, s28;
	[sflag:s22] =	ssyncadd.s32 $0xFFFFC000  }
0x49: {  	[tilespmem:s17], [sflag:$0x1] =	stream.indirect.gather [hbm4b:s5+s16], $0x80, s29, s16, $0xb8;
	[tilespmem:$0x1E000] =	vst v63  }
0x4a: {  	_ =	swait.ge [sflag:s19], $0x4000  }
0x4b: {  	[sflag:s19] =	ssyncset.done $0x0  }
0x4c: {  	s29 =	sadd.s32 $0x2000, s28;
	[sflag:s19] =	ssyncadd.s32 $0xFFFFC000  }
0x4d: {  	[spmem:s1] =	stream.indirect.scatter.add.f32 [tilespmem:s17], [sflag:$0x3], $0x80, s29, s16, $0xb8;
	[tilespmem:$0x1E000] =	vst v63  }
0x4e: {  	_ =	swait.ge [sflag:s23], $0x4000  }
0x4f: {  	[sflag:s23] =	ssyncset.done $0x0  }
.Ltmp3:
0x50: {  	s29 =	sadd.s32 $0x1080, s28;
	[sflag:s23] =	ssyncadd.s32 $0xFFFFC000;
	(pc) =	sbr.rel @p1 .LBB2_6-.Ltmp3, $4  }
0x51: {  	[tilespmem:s18], [sflag:$0x2] =	stream.indirect.gather [hbm4b:s5+s16], $0x80, s29, s16, $0xb8;
	[tilespmem:$0x1E000] =	vst v63  }
0x52: {  	_ =	swait.ge [sflag:s20], $0x4000  }
0x53: {  	[sflag:s20] =	ssyncset.done $0x0  }
0x54: {  	s28 =	sadd.s32 $0x2080, s28;
	[sflag:s20] =	ssyncadd.s32 $0xFFFFC000  }
0x55: {  	[spmem:s1] =	stream.indirect.scatter.add.f32 [tilespmem:s18], [sflag:$0x4], $0x80, s28, s16, $0xb8;
	[tilespmem:$0x1E000] =	vst v63  }
0x56: {  	s26 =	sadd.s32 $0x1, s26  }
0x57: {  	_ =	swait.ge [sflag:s22], $0x4000;
	p1 =	sne.s32 s26, $0x5  }
.Ltmp4:
0x58: {  	[sflag:s22] =	ssyncset.done $0x0;
	(pc) =	sbr.rel @p1 .LBB2_5-.Ltmp4, $4  }
.Ltmp5:
0x59: {  	[sflag:s22] =	ssyncadd.s32 $0xFFFFC000;
	(pc) =	sbr.rel @!p1 .LBB2_8-.Ltmp5, $4  }
0x5a: {  	_ =	swait.ge [sflag:s23], $0x4000  }
0x5b: {  	[sflag:s23] =	ssyncset.done $0x0  }
0x5c: {  	[sflag:s23] =	ssyncadd.s32 $0xFFFFC000  }
0x5d: {  	_ = 	snop  }
.LBB2_2:
0x5e: {  	s26 =	sshll.u32 s25, $0xC  }
0x5f: {  	s26 =	sadd.s32 s10, s26  }
0x60: {  	s26 =	sshrl.u32 s26, $0x3  }
0x61: {  	s28 =	sadd.s32 s6, s26  }
0x62: {  	[tilespmem:s3], [sflag:$0x5] =	stream.linear.gather [hbm4b:s28+s3], $0x1000, $0x38;
	[tilespmem:$0x1E000] =	vst v63  }
0x63: {  	_ =	swait.ge [sflag:s14], $0x1000  }
0x64: {  	[sflag:s14] =	ssyncset.done $0x0  }
0x65: {  	s26 =	sadd.s32 s7, s26;
	[sflag:s14] =	ssyncadd.s32 $0xFFFFF000  }
0x66: {  	[tilespmem:s15], [sflag:$0x5] =	stream.linear.gather [hbm4b:s26+s3], $0x1000, $0x38;
	[tilespmem:$0x1E000] =	vst v63  }
0x67: {  	_ =	swait.ge [sflag:s14], $0x1000  }
0x68: {  	[sflag:s14] =	ssyncset.done $0x0  }
0x69: {  	[sflag:s14] =	ssyncadd.s32 $0xFFFFF000  }
0x6a: {  	[tilespmem:s17], [sflag:$0x1] =	stream.indirect.gather [hbm4b:s4+s16], $0x80, s3, s16, $0xb8;
	[tilespmem:$0x1E000] =	vst v63  }
0x6b: {  	_ = 	snop  }
0x6c: {  	[tilespmem:s18], [sflag:$0x2] =	stream.indirect.gather [hbm4b:s4+s16], $0x80, s16, s16, $0xb8;
	[tilespmem:$0x1E000] =	vst v63  }
0x6d: {  	_ =	swait.ge [sflag:s19], $0x4000  }
0x6e: {  	[sflag:s19] =	ssyncset.done $0x0  }
0x6f: {  	[sflag:s19] =	ssyncadd.s32 $0xFFFFC000  }
0x70: {  	[spmem:s1] =	stream.indirect.scatter.add.f32 [tilespmem:s17], [sflag:$0x3], $0x80, s15, s16, $0xb8;
	[tilespmem:$0x1E000] =	vst v63  }
0x71: {  	_ =	swait.ge [sflag:s20], $0x4000  }
0x72: {  	[sflag:s20] =	ssyncset.done $0x0  }
0x73: {  	[sflag:s20] =	ssyncadd.s32 $0xFFFFC000  }
0x74: {  	[spmem:s1] =	stream.indirect.scatter.add.f32 [tilespmem:s18], [sflag:$0x4], $0x80, s21, s16, $0xb8;
	[tilespmem:$0x1E000] =	vst v63  }
0x75: {  	_ =	swait.ge [sflag:s22], $0x4000  }
0x76: {  	[sflag:s22] =	ssyncset.done $0x0  }
0x77: {  	s29 =	simm.s32 $0x100;
	[sflag:s22] =	ssyncadd.s32 $0xFFFFC000  }
0x78: {  	[tilespmem:s17], [sflag:$0x1] =	stream.indirect.gather [hbm4b:s4+s16], $0x80, s29, s16, $0xb8;
	[tilespmem:$0x1E000] =	vst v63  }
0x79: {  	_ =	swait.ge [sflag:s19], $0x4000  }
0x7a: {  	[sflag:s19] =	ssyncset.done $0x0  }
0x7b: {  	s30 =	simm.s32 $0x1100;
	[sflag:s19] =	ssyncadd.s32 $0xFFFFC000  }
0x7c: {  	[spmem:s1] =	stream.indirect.scatter.add.f32 [tilespmem:s17], [sflag:$0x3], $0x80, s30, s16, $0xb8;
	[tilespmem:$0x1E000] =	vst v63  }
0x7d: {  	_ =	swait.ge [sflag:s23], $0x4000  }
0x7e: {  	[sflag:s23] =	ssyncset.done $0x0  }
0x7f: {  	s31 =	simm.s32 $0x180;
	[sflag:s23] =	ssyncadd.s32 $0xFFFFC000  }
0x80: {  	[tilespmem:s18], [sflag:$0x2] =	stream.indirect.gather [hbm4b:s4+s16], $0x80, s31, s16, $0xb8;
	[tilespmem:$0x1E000] =	vst v63  }
0x81: {  	_ =	swait.ge [sflag:s20], $0x4000  }
0x82: {  	[sflag:s20] =	ssyncset.done $0x0  }
0x83: {  	s28 =	simm.s32 $0x1180;
	s26 =	simm.s32 $0xFFFFC800;
	[sflag:s20] =	ssyncadd.s32 $0xFFFFC000  }
.LBB2_3:
0x84: {  	[spmem:s1] =	stream.indirect.scatter.add.f32 [tilespmem:s18], [sflag:$0x4], $0x80, s28, s16, $0xb8;
	[tilespmem:$0x1E000] =	vst v63  }
0x85: {  	s28 =	smov.u32 s26  }
0x86: {  	p1 =	sne.s32 s26, $0xFFFFFC00;
	s26 =	sadd.s32 $0x400, s26;
	_ =	swait.ge [sflag:s22], $0x4000  }
0x87: {  	s28 =	sshra.s32 s28, $0x2;
	[sflag:s22] =	ssyncset.done $0x0  }
0x88: {  	s29 =	sadd.s32 $0x1000, s28;
	[sflag:s22] =	ssyncadd.s32 $0xFFFFC000  }
0x89: {  	[tilespmem:s17], [sflag:$0x1] =	stream.indirect.gather [hbm4b:s4+s16], $0x80, s29, s16, $0xb8;
	[tilespmem:$0x1E000] =	vst v63  }
0x8a: {  	_ =	swait.ge [sflag:s19], $0x4000  }
0x8b: {  	[sflag:s19] =	ssyncset.done $0x0  }
0x8c: {  	s29 =	sadd.s32 $0x2000, s28;
	[sflag:s19] =	ssyncadd.s32 $0xFFFFC000  }
0x8d: {  	[spmem:s1] =	stream.indirect.scatter.add.f32 [tilespmem:s17], [sflag:$0x3], $0x80, s29, s16, $0xb8;
	[tilespmem:$0x1E000] =	vst v63  }
0x8e: {  	_ =	swait.ge [sflag:s23], $0x4000  }
0x8f: {  	[sflag:s23] =	ssyncset.done $0x0  }
.Ltmp6:
0x90: {  	s29 =	sadd.s32 $0x1080, s28;
	[sflag:s23] =	ssyncadd.s32 $0xFFFFC000;
	(pc) =	sbr.rel @p1 .LBB2_3-.Ltmp6, $4  }
0x91: {  	[tilespmem:s18], [sflag:$0x2] =	stream.indirect.gather [hbm4b:s4+s16], $0x80, s29, s16, $0xb8;
	[tilespmem:$0x1E000] =	vst v63  }
0x92: {  	_ =	swait.ge [sflag:s20], $0x4000  }
0x93: {  	[sflag:s20] =	ssyncset.done $0x0  }
0x94: {  	s28 =	sadd.s32 $0x2080, s28;
	[sflag:s20] =	ssyncadd.s32 $0xFFFFC000  }
0x95: {  	[spmem:s1] =	stream.indirect.scatter.add.f32 [tilespmem:s18], [sflag:$0x4], $0x80, s28, s16, $0xb8;
	[tilespmem:$0x1E000] =	vst v63  }
0x96: {  	s25 =	sadd.s32 $0x1, s25  }
0x97: {  	_ =	swait.ge [sflag:s22], $0x4000;
	p1 =	seq.s32 s25, $0x5  }
.Ltmp7:
0x98: {  	[sflag:s22] =	ssyncset.done $0x0;
	(pc) =	sbr.rel @!p1 .LBB2_2-.Ltmp7, $4  }
.Ltmp8:
0x99: {  	[sflag:s22] =	ssyncadd.s32 $0xFFFFC000;
	(pc) =	sbr.rel @p1 .LBB2_8-.Ltmp8, $4  }
0x9a: {  	_ =	swait.ge [sflag:s23], $0x4000  }
0x9b: {  	[sflag:s23] =	ssyncset.done $0x0  }
0x9c: {  	[sflag:s23] =	ssyncadd.s32 $0xFFFFC000  }
0x9d: {  	_ = 	snop  }
.LBB2_9:
0x9e: {  	_ =	sfence.sel $0x180000  }
0x9f: {  	[bflag:$0x0] =	sbarrier.arrive $0xFFFF  }
0xa0: {  	p0 =	sne.s32 s2, $0x0;
	_ =	strace $0x90000056  }
0xa1: {  	s0 =	sadd.s32 @!p0 $0x100000, s0;
	[bflag:$0x2] =	sbarrier.arrive $0xFFFF  }
0xa2: {  	[sflag:s0] =	ssyncadd.tile.s32 @!p0 $0x1;
	_ =	shalt  }
.Lfunc_end2:
_tile_overlayer_lowered:
.L_overlay_start_2:
0xa3: {  	(tag) =	ssettag $0x2  }
0xa4: {  	s0 =	rddreg [dreg:$0x0];
	s2 =	stileid.u32  }
0xa5: {  	s1 =	rddreg [dreg:$0x1];
	p0 =	sne.s32 s2, $0x0  }
0xa6: {  	s3 =	rddreg [dreg:$0x2];
	[bflag:$0x3] =	sbarrier.arrive $0xFFFF;
	s2 =	simm.s32 @!p0 $0x1C05  }
0xa7: {  	[timem:s3], [sflag:s2] =	dma.local @!p0 [hbm:s0], s1  }
0xa8: {  	s0 =	simm.s32 @!p0 $0x5  }
0xa9: {  	_ =	swait.ge @!p0 [sflag:s0], s1  }
0xaa: {  	s1 =	ssub.s32 @!p0 $0x0, s1;
	[sflag:s0] =	ssyncset.done @!p0 $0x0  }
0xab: {  	[sflag:s0] =	ssyncadd.s32 @!p0 s1  }
0xac: {  	[bflag:$0x3] =	sbarrier.arrive $0xFFFF  }
0xad: {  	_ =	shalt  }

</sc_bundles>
